<compile_context>
chip_gen: v7x
topology: tpu7x:2x2x1
jax: 0.10.2.dev20260603
libtpu: 0.0.44.dev20260713+nightly
codegen_flags: <defaults>
</compile_context>

<pallas_src>
import functools

import jax
import jax.numpy as jnp
from jax import lax
from jax.experimental import pallas as pl
from jax.experimental.pallas import tpu as pltpu
from jax.experimental.pallas import tpu_sc as plsc

_NUM_CORES = 2
_NUM_SUBCORES = 16
_NUM_WORKERS = _NUM_CORES * _NUM_SUBCORES
_CHUNK = 128
_NSLOT = 8
_AHEAD = 6


def kernel(token_ids, weight):
    batch, seq = token_ids.shape
    dim = weight.shape[1]
    total = batch * seq

    per_worker = total // _NUM_WORKERS
    chunks = per_worker // _CHUNK

    mesh = plsc.VectorSubcoreMesh(core_axis_name="c", subcore_axis_name="s")

    @functools.partial(
        pl.kernel,
        mesh=mesh,
        out_type=jax.ShapeDtypeStruct((total, dim), weight.dtype),
        scratch_types=[
            pltpu.VMEM((per_worker,), jnp.int32),
            pltpu.VMEM((_NSLOT, _CHUNK, dim), jnp.float32),
            pltpu.SemaphoreType.DMA((_NSLOT,)),
            pltpu.SemaphoreType.DMA((_NSLOT,)),
        ],
        compiler_params=pltpu.CompilerParams(use_tc_tiling_on_sc=False),
    )
    def gather_kernel(table_hbm, idx_hbm, out_hbm, idx_v, rows_v, gsem, osem):
        wid = lax.axis_index("s") * _NUM_CORES + lax.axis_index("c")
        base = wid * per_worker
        pltpu.sync_copy(idx_hbm.at[pl.ds(base, per_worker)], idx_v)

        gather_d = {}
        out_d = {}

        def start_gather(c):
            slot = c % _NSLOT
            gather_d[c] = pltpu.async_copy(
                table_hbm.at[idx_v.at[pl.ds(c * _CHUNK, _CHUNK)]],
                rows_v.at[slot],
                gsem.at[slot],
            )

        def start_out(c):
            slot = c % _NSLOT
            out_d[c] = pltpu.async_copy(
                rows_v.at[slot],
                out_hbm.at[pl.ds(base + c * _CHUNK, _CHUNK)],
                osem.at[slot],
            )

        for j in range(_AHEAD):
            start_gather(j)
        for c in range(chunks):
            j = c + _AHEAD
            if j < chunks:
                if j >= _NSLOT:
                    out_d[j - _NSLOT].wait()
                start_gather(j)
            gather_d[c].wait()
            start_out(c)
        for c in range(max(0, chunks - _NSLOT), chunks):
            out_d[c].wait()

    flat_ids = token_ids.astype(jnp.int32).reshape(total)
    out = gather_kernel(weight, flat_ids)
    return out.reshape(batch, seq, dim)

# --- scband reference (transcript-rebuilt; emitter-appended) ---
"""Pipeline reference for scband-embedding-11656541241814 (READ-ONLY COPY).

The authoritative reference and input builder live on the scoring server;
editing this copy changes nothing except your own understanding.
"""

import jax, jax.numpy as jnp
import numpy as np

NUM_EMBEDDINGS = 1000000
EMBEDDING_DIM = 64

def setup_inputs(seed: int = 0) -> dict:
    key = jax.random.key(seed)
    k1, k2 = jax.random.split(key)
    token_ids = jax.random.randint(k1, (4096, 50), 0, NUM_EMBEDDINGS, dtype=jnp.int64 if jax.config.jax_enable_x64 else jnp.int32)
    # trunc_normal(mean=0, std=1, a=-3, b=3) approximated by clipped normal
    weight = jnp.clip(jax.random.normal(k2, (NUM_EMBEDDINGS, EMBEDDING_DIM), dtype=jnp.float32), -3.0, 3.0)
    return {"token_ids": token_ids, "weight": weight}

def reference(token_ids, weight):
    # Faithful translation of: return self.weight[token_ids]
    return jnp.take(weight, token_ids, axis=0)

if __name__ == "__main__":
    import jax
    _d = setup_inputs()
    print(jax.jit(kernel)(*tuple(_d.values())))

</pallas_src>

<mosaic_0001>
#map = affine_map<(d0, d1) -> (0, 0)>
#map1 = affine_map<(d0, d1) -> (0)>
module attributes {stable_mosaic.version = 14 : i64} {
  func.func @gather_kernel(%arg0: i32, %arg1: i32, %arg2: memref<1000000x64xf32, #tpu.memory_space<hbm>>, %arg3: memref<204800xi32, #tpu.memory_space<hbm>>, %arg4: memref<204800x64xf32, #tpu.memory_space<hbm>>, %arg5: memref<6400xi32, #tpu.memory_space<vmem>>, %arg6: memref<8x128x64xf32, #tpu.memory_space<vmem>>, %arg7: memref<8x!tpu.dma_semaphore, #tpu.memory_space<semaphore_mem>>, %arg8: memref<8x!tpu.dma_semaphore, #tpu.memory_space<semaphore_mem>>) attributes {dimension_semantics = [#tpu.dimension_semantics<core_parallel>, #tpu.dimension_semantics<subcore_parallel>], iteration_bounds = array<i64: 2, 16>, scalar_prefetch = 0 : i64, scratch_operands = 4 : i64, tpu.core_type = #tpu.core_type<sc_vector_subcore>, window_params = [{transform_indices = #map}, {transform_indices = #map1}, {transform_indices = #map}]} {
    %mul3A = arith.constant 2 : i32
    %mul3A_0 = arith.muli %arg1, %mul3A : i32
    %add3A = arith.addi %mul3A_0, %arg0 : i32
    %mul3A_1 = arith.constant 6400 : i32
    %mul3A_2 = arith.muli %add3A, %mul3A_1 : i32
    "tpu.region"() ({
      %run_scoped3A = tpu.sem_alloc : memref<!tpu.dma_semaphore, #tpu.memory_space<semaphore_mem>>
      %dma_start3A_3001 = tpu.memref_slice %arg3[%mul3A_2] : memref<204800xi32, #tpu.memory_space<hbm>> -> memref<6400xi32, #tpu.memory_space<hbm>>
      %dma_start3A_3002 = tpu.memref_slice %arg3[%mul3A_2] : memref<204800xi32, #tpu.memory_space<hbm>> -> memref<6400xi32, #tpu.memory_space<hbm>>
      tpu.enqueue_dma source(%dma_start3A_3002 : memref<6400xi32, #tpu.memory_space<hbm>>) target(%arg5 : memref<6400xi32, #tpu.memory_space<vmem>>) target_semaphore(%run_scoped3A : memref<!tpu.dma_semaphore, #tpu.memory_space<semaphore_mem>>)
      %dma_wait3A_3003 = tpu.memref_slice %arg3[%mul3A_2] : memref<204800xi32, #tpu.memory_space<hbm>> -> memref<6400xi32, #tpu.memory_space<hbm>>
      %dma_wait3A_3004 = tpu.memref_slice %arg3[%mul3A_2] : memref<204800xi32, #tpu.memory_space<hbm>> -> memref<6400xi32, #tpu.memory_space<hbm>>
      tpu.wait_dma2 semaphore(%run_scoped3A : memref<!tpu.dma_semaphore, #tpu.memory_space<semaphore_mem>>) src(%dma_wait3A_3004 : memref<6400xi32, #tpu.memory_space<hbm>>) dst(%arg5 : memref<6400xi32, #tpu.memory_space<vmem>>)
      tpu.yield
    }) : () -> ()
    %dma_start3A = arith.constant 0 : i32
    %dma_start3A_3 = arith.constant 0 : i32
    %dma_start3A_4 = arith.constant 0 : i32
    %dma_start3A_5 = arith.constant 0 : i32
    %dma_start3A_6 = tpu.memref_slice %arg6[%dma_start3A, %dma_start3A_4, %dma_start3A_5] : memref<8x128x64xf32, #tpu.memory_space<vmem>> -> memref<1x128x64xf32, #tpu.memory_space<vmem>>
    %dma_start3A_7 = tpu.memref_squeeze %dma_start3A_6 : memref<1x128x64xf32, #tpu.memory_space<vmem>> -> memref<128x64xf32, #tpu.memory_space<vmem>>
    %dma_start3A_8 = arith.constant 0 : i32
    %dma_start3A_9 = tpu.memref_slice %arg5[%dma_start3A_8] : memref<6400xi32, #tpu.memory_space<vmem>> -> memref<128xi32, #tpu.memory_space<vmem>>
    %dma_start3A_10 = arith.constant 0 : i32
    %dma_start3A_11 = arith.constant 0 : i32
    %dma_start3A_12 = tpu.memref_slice %arg2[%dma_start3A_10, %dma_start3A_11] : memref<1000000x64xf32, #tpu.memory_space<hbm>> -> memref<1000000x64xf32, #tpu.memory_space<hbm>>
    %dma_start3A_13 = tpu.memref_slice %arg7[%dma_start3A_3] : memref<8x!tpu.dma_semaphore, #tpu.memory_space<semaphore_mem>> -> memref<1x!tpu.dma_semaphore, #tpu.memory_space<semaphore_mem>>
    %dma_start3A_14 = tpu.memref_squeeze %dma_start3A_13 : memref<1x!tpu.dma_semaphore, #tpu.memory_space<semaphore_mem>> -> memref<!tpu.dma_semaphore, #tpu.memory_space<semaphore_mem>>
    tpu.enqueue_indirect_dma source(%dma_start3A_12 : memref<1000000x64xf32, #tpu.memory_space<hbm>>) target(%dma_start3A_7 : memref<128x64xf32, #tpu.memory_space<vmem>>) offsets(%dma_start3A_9 : memref<128xi32, #tpu.memory_space<vmem>>) semaphore(%dma_start3A_14 : memref<!tpu.dma_semaphore, #tpu.memory_space<semaphore_mem>>)
    %dma_start3A_15 = arith.constant 1 : i32
    %dma_start3A_16 = arith.constant 1 : i32
    %dma_start3A_17 = arith.constant 0 : i32
    %dma_start3A_18 = arith.constant 0 : i32
    %dma_start3A_19 = tpu.memref_slice %arg6[%dma_start3A_15, %dma_start3A_17, %dma_start3A_18] : memref<8x128x64xf32, #tpu.memory_space<vmem>> -> memref<1x128x64xf32, #tpu.memory_space<vmem>>
    %dma_start3A_20 = tpu.memref_squeeze %dma_start3A_19 : memref<1x128x64xf32, #tpu.memory_space<vmem>> -> memref<128x64xf32, #tpu.memory_space<vmem>>
    %dma_start3A_21 = arith.constant 128 : i32
    %dma_start3A_22 = tpu.memref_slice %arg5[%dma_start3A_21] : memref<6400xi32, #tpu.memory_space<vmem>> -> memref<128xi32, #tpu.memory_space<vmem>>
    %dma_start3A_23 = arith.constant 0 : i32
    %dma_start3A_24 = arith.constant 0 : i32
    %dma_start3A_25 = tpu.memref_slice %arg2[%dma_start3A_23, %dma_start3A_24] : memref<1000000x64xf32, #tpu.memory_space<hbm>> -> memref<1000000x64xf32, #tpu.memory_space<hbm>>
    %dma_start3A_26 = tpu.memref_slice %arg7[%dma_start3A_16] : memref<8x!tpu.dma_semaphore, #tpu.memory_space<semaphore_mem>> -> memref<1x!tpu.dma_semaphore, #tpu.memory_space<semaphore_mem>>
    %dma_start3A_27 = tpu.memref_squeeze %dma_start3A_26 : memref<1x!tpu.dma_semaphore, #tpu.memory_space<semaphore_mem>> -> memref<!tpu.dma_semaphore, #tpu.memory_space<semaphore_mem>>
    tpu.enqueue_indirect_dma source(%dma_start3A_25 : memref<1000000x64xf32, #tpu.memory_space<hbm>>) target(%dma_start3A_20 : memref<128x64xf32, #tpu.memory_space<vmem>>) offsets(%dma_start3A_22 : memref<128xi32, #tpu.memory_space<vmem>>) semaphore(%dma_start3A_27 : memref<!tpu.dma_semaphore, #tpu.memory_space<semaphore_mem>>)
    %dma_start3A_28 = arith.constant 2 : i32
    %dma_start3A_29 = arith.constant 2 : i32
    %dma_start3A_30 = arith.constant 0 : i32
    %dma_start3A_31 = arith.constant 0 : i32
    %dma_start3A_32 = tpu.memref_slice %arg6[%dma_start3A_28, %dma_start3A_30, %dma_start3A_31] : memref<8x128x64xf32, #tpu.memory_space<vmem>> -> memref<1x128x64xf32, #tpu.memory_space<vmem>>
    %dma_start3A_33 = tpu.memref_squeeze %dma_start3A_32 : memref<1x128x64xf32, #tpu.memory_space<vmem>> -> memref<128x64xf32, #tpu.memory_space<vmem>>
    %dma_start3A_34 = arith.constant 256 : i32
    %dma_start3A_35 = tpu.memref_slice %arg5[%dma_start3A_34] : memref<6400xi32, #tpu.memory_space<vmem>> -> memref<128xi32, #tpu.memory_space<vmem>>
    %dma_start3A_36 = arith.constant 0 : i32
    %dma_start3A_37 = arith.constant 0 : i32
    %dma_start3A_38 = tpu.memref_slice %arg2[%dma_start3A_36, %dma_start3A_37] : memref<1000000x64xf32, #tpu.memory_space<hbm>> -> memref<1000000x64xf32, #tpu.memory_space<hbm>>
    %dma_start3A_39 = tpu.memref_slice %arg7[%dma_start3A_29] : memref<8x!tpu.dma_semaphore, #tpu.memory_space<semaphore_mem>> -> memref<1x!tpu.dma_semaphore, #tpu.memory_space<semaphore_mem>>
    %dma_start3A_40 = tpu.memref_squeeze %dma_start3A_39 : memref<1x!tpu.dma_semaphore, #tpu.memory_space<semaphore_mem>> -> memref<!tpu.dma_semaphore, #tpu.memory_space<semaphore_mem>>
    tpu.enqueue_indirect_dma source(%dma_start3A_38 : memref<1000000x64xf32, #tpu.memory_space<hbm>>) target(%dma_start3A_33 : memref<128x64xf32, #tpu.memory_space<vmem>>) offsets(%dma_start3A_35 : memref<128xi32, #tpu.memory_space<vmem>>) semaphore(%dma_start3A_40 : memref<!tpu.dma_semaphore, #tpu.memory_space<semaphore_mem>>)
    %dma_start3A_41 = arith.constant 3 : i32
    %dma_start3A_42 = arith.constant 3 : i32
    %dma_start3A_43 = arith.constant 0 : i32
    %dma_start3A_44 = arith.constant 0 : i32
    %dma_start3A_45 = tpu.memref_slice %arg6[%dma_start3A_41, %dma_start3A_43, %dma_start3A_44] : memref<8x128x64xf32, #tpu.memory_space<vmem>> -> memref<1x128x64xf32, #tpu.memory_space<vmem>>
    %dma_start3A_46 = tpu.memref_squeeze %dma_start3A_45 : memref<1x128x64xf32, #tpu.memory_space<vmem>> -> memref<128x64xf32, #tpu.memory_space<vmem>>
    %dma_start3A_47 = arith.constant 384 : i32
    %dma_start3A_48 = tpu.memref_slice %arg5[%dma_start3A_47] : memref<6400xi32, #tpu.memory_space<vmem>> -> memref<128xi32, #tpu.memory_space<vmem>>
    %dma_start3A_49 = arith.constant 0 : i32
    %dma_start3A_50 = arith.constant 0 : i32
    %dma_start3A_51 = tpu.memref_slice %arg2[%dma_start3A_49, %dma_start3A_50] : memref<1000000x64xf32, #tpu.memory_space<hbm>> -> memref<1000000x64xf32, #tpu.memory_space<hbm>>
    %dma_start3A_52 = tpu.memref_slice %arg7[%dma_start3A_42] : memref<8x!tpu.dma_semaphore, #tpu.memory_space<semaphore_mem>> -> memref<1x!tpu.dma_semaphore, #tpu.memory_space<semaphore_mem>>
    %dma_start3A_53 = tpu.memref_squeeze %dma_start3A_52 : memref<1x!tpu.dma_semaphore, #tpu.memory_space<semaphore_mem>> -> memref<!tpu.dma_semaphore, #tpu.memory_space<semaphore_mem>>
    tpu.enqueue_indirect_dma source(%dma_start3A_51 : memref<1000000x64xf32, #tpu.memory_space<hbm>>) target(%dma_start3A_46 : memref<128x64xf32, #tpu.memory_space<vmem>>) offsets(%dma_start3A_48 : memref<128xi32, #tpu.memory_space<vmem>>) semaphore(%dma_start3A_53 : memref<!tpu.dma_semaphore, #tpu.memory_space<semaphore_mem>>)
    %dma_start3A_54 = arith.constant 4 : i32
    %dma_start3A_55 = arith.constant 4 : i32
    %dma_start3A_56 = arith.constant 0 : i32
    %dma_start3A_57 = arith.constant 0 : i32
    %dma_start3A_58 = tpu.memref_slice %arg6[%dma_start3A_54, %dma_start3A_56, %dma_start3A_57] : memref<8x128x64xf32, #tpu.memory_space<vmem>> -> memref<1x128x64xf32, #tpu.memory_space<vmem>>
    %dma_start3A_59 = tpu.memref_squeeze %dma_start3A_58 : memref<1x128x64xf32, #tpu.memory_space<vmem>> -> memref<128x64xf32, #tpu.memory_space<vmem>>
    %dma_start3A_60 = arith.constant 512 : i32
    %dma_start3A_61 = tpu.memref_slice %arg5[%dma_start3A_60] : memref<6400xi32, #tpu.memory_space<vmem>> -> memref<128xi32, #tpu.memory_space<vmem>>
    %dma_start3A_62 = arith.constant 0 : i32
    %dma_start3A_63 = arith.constant 0 : i32
    %dma_start3A_64 = tpu.memref_slice %arg2[%dma_start3A_62, %dma_start3A_63] : memref<1000000x64xf32, #tpu.memory_space<hbm>> -> memref<1000000x64xf32, #tpu.memory_space<hbm>>
    %dma_start3A_65 = tpu.memref_slice %arg7[%dma_start3A_55] : memref<8x!tpu.dma_semaphore, #tpu.memory_space<semaphore_mem>> -> memref<1x!tpu.dma_semaphore, #tpu.memory_space<semaphore_mem>>
    %dma_start3A_66 = tpu.memref_squeeze %dma_start3A_65 : memref<1x!tpu.dma_semaphore, #tpu.memory_space<semaphore_mem>> -> memref<!tpu.dma_semaphore, #tpu.memory_space<semaphore_mem>>
    tpu.enqueue_indirect_dma source(%dma_start3A_64 : memref<1000000x64xf32, #tpu.memory_space<hbm>>) target(%dma_start3A_59 : memref<128x64xf32, #tpu.memory_space<vmem>>) offsets(%dma_start3A_61 : memref<128xi32, #tpu.memory_space<vmem>>) semaphore(%dma_start3A_66 : memref<!tpu.dma_semaphore, #tpu.memory_space<semaphore_mem>>)
    %dma_start3A_67 = arith.constant 5 : i32
    %dma_start3A_68 = arith.constant 5 : i32
    %dma_start3A_69 = arith.constant 0 : i32
    %dma_start3A_70 = arith.constant 0 : i32
    %dma_start3A_71 = tpu.memref_slice %arg6[%dma_start3A_67, %dma_start3A_69, %dma_start3A_70] : memref<8x128x64xf32, #tpu.memory_space<vmem>> -> memref<1x128x64xf32, #tpu.memory_space<vmem>>
    %dma_start3A_72 = tpu.memref_squeeze %dma_start3A_71 : memref<1x128x64xf32, #tpu.memory_space<vmem>> -> memref<128x64xf32, #tpu.memory_space<vmem>>
    %dma_start3A_73 = arith.constant 640 : i32
    %dma_start3A_74 = tpu.memref_slice %arg5[%dma_start3A_73] : memref<6400xi32, #tpu.memory_space<vmem>> -> memref<128xi32, #tpu.memory_space<vmem>>
    %dma_start3A_75 = arith.constant 0 : i32
    %dma_start3A_76 = arith.constant 0 : i32
    %dma_start3A_77 = tpu.memref_slice %arg2[%dma_start3A_75, %dma_start3A_76] : memref<1000000x64xf32, #tpu.memory_space<hbm>> -> memref<1000000x64xf32, #tpu.memory_space<hbm>>
    %dma_start3A_78 = tpu.memref_slice %arg7[%dma_start3A_68] : memref<8x!tpu.dma_semaphore, #tpu.memory_space<semaphore_mem>> -> memref<1x!tpu.dma_semaphore, #tpu.memory_space<semaphore_mem>>
    %dma_start3A_79 = tpu.memref_squeeze %dma_start3A_78 : memref<1x!tpu.dma_semaphore, #tpu.memory_space<semaphore_mem>> -> memref<!tpu.dma_semaphore, #tpu.memory_space<semaphore_mem>>
    tpu.enqueue_indirect_dma source(%dma_start3A_77 : memref<1000000x64xf32, #tpu.memory_space<hbm>>) target(%dma_start3A_72 : memref<128x64xf32, #tpu.memory_space<vmem>>) offsets(%dma_start3A_74 : memref<128xi32, #tpu.memory_space<vmem>>) semaphore(%dma_start3A_79 : memref<!tpu.dma_semaphore, #tpu.memory_space<semaphore_mem>>)
    %dma_start3A_80 = arith.constant 6 : i32
    %dma_start3A_81 = arith.constant 6 : i32
    %dma_start3A_82 = arith.constant 0 : i32
    %dma_start3A_83 = arith.constant 0 : i32
    %dma_start3A_84 = tpu.memref_slice %arg6[%dma_start3A_80, %dma_start3A_82, %dma_start3A_83] : memref<8x128x64xf32, #tpu.memory_space<vmem>> -> memref<1x128x64xf32, #tpu.memory_space<vmem>>
    %dma_start3A_85 = tpu.memref_squeeze %dma_start3A_84 : memref<1x128x64xf32, #tpu.memory_space<vmem>> -> memref<128x64xf32, #tpu.memory_space<vmem>>
    %dma_start3A_86 = arith.constant 768 : i32
    %dma_start3A_87 = tpu.memref_slice %arg5[%dma_start3A_86] : memref<6400xi32, #tpu.memory_space<vmem>> -> memref<128xi32, #tpu.memory_space<vmem>>
    %dma_start3A_88 = arith.constant 0 : i32
    %dma_start3A_89 = arith.constant 0 : i32
    %dma_start3A_90 = tpu.memref_slice %arg2[%dma_start3A_88, %dma_start3A_89] : memref<1000000x64xf32, #tpu.memory_space<hbm>> -> memref<1000000x64xf32, #tpu.memory_space<hbm>>
    %dma_start3A_91 = tpu.memref_slice %arg7[%dma_start3A_81] : memref<8x!tpu.dma_semaphore, #tpu.memory_space<semaphore_mem>> -> memref<1x!tpu.dma_semaphore, #tpu.memory_space<semaphore_mem>>
    %dma_start3A_92 = tpu.memref_squeeze %dma_start3A_91 : memref<1x!tpu.dma_semaphore, #tpu.memory_space<semaphore_mem>> -> memref<!tpu.dma_semaphore, #tpu.memory_space<semaphore_mem>>
    tpu.enqueue_indirect_dma source(%dma_start3A_90 : memref<1000000x64xf32, #tpu.memory_space<hbm>>) target(%dma_start3A_85 : memref<128x64xf32, #tpu.memory_space<vmem>>) offsets(%dma_start3A_87 : memref<128xi32, #tpu.memory_space<vmem>>) semaphore(%dma_start3A_92 : memref<!tpu.dma_semaphore, #tpu.memory_space<semaphore_mem>>)
    %dma_wait3A = arith.constant 0 : i32
    %dma_wait3A_93 = arith.constant 0 : i32
    %dma_wait3A_94 = arith.constant 0 : i32
    %dma_wait3A_95 = arith.constant 0 : i32
    %dma_wait3A_96 = tpu.memref_slice %arg6[%dma_wait3A, %dma_wait3A_94, %dma_wait3A_95] : memref<8x128x64xf32, #tpu.memory_space<vmem>> -> memref<1x128x64xf32, #tpu.memory_space<vmem>>
    %dma_wait3A_97 = tpu.memref_squeeze %dma_wait3A_96 : memref<1x128x64xf32, #tpu.memory_space<vmem>> -> memref<128x64xf32, #tpu.memory_space<vmem>>
    %dma_wait3A_98 = arith.constant 0 : i32
    %dma_wait3A_99 = tpu.memref_slice %arg5[%dma_wait3A_98] : memref<6400xi32, #tpu.memory_space<vmem>> -> memref<128xi32, #tpu.memory_space<vmem>>
    %dma_wait3A_100 = arith.constant 0 : i32
    %dma_wait3A_101 = arith.constant 0 : i32
    %dma_wait3A_102 = tpu.memref_slice %arg2[%dma_wait3A_100, %dma_wait3A_101] : memref<1000000x64xf32, #tpu.memory_space<hbm>> -> memref<1000000x64xf32, #tpu.memory_space<hbm>>
    %dma_wait3A_103 = tpu.memref_slice %arg7[%dma_wait3A_93] : memref<8x!tpu.dma_semaphore, #tpu.memory_space<semaphore_mem>> -> memref<1x!tpu.dma_semaphore, #tpu.memory_space<semaphore_mem>>
    %dma_wait3A_104 = tpu.memref_squeeze %dma_wait3A_103 : memref<1x!tpu.dma_semaphore, #tpu.memory_space<semaphore_mem>> -> memref<!tpu.dma_semaphore, #tpu.memory_space<semaphore_mem>>
    tpu.wait_indirect_dma semaphore(%dma_wait3A_104 : memref<!tpu.dma_semaphore, #tpu.memory_space<semaphore_mem>>) src(%dma_wait3A_102 : memref<1000000x64xf32, #tpu.memory_space<hbm>>) dst(%dma_wait3A_97 : memref<128x64xf32, #tpu.memory_space<vmem>>)
    %add3A_105 = arith.constant 0 : i32
    %add3A_106 = arith.addi %mul3A_2, %add3A_105 : i32
    %dma_start3A_107 = arith.constant 0 : i32
    %dma_start3A_108 = arith.constant 0 : i32
    %dma_start3A_109 = arith.constant 0 : i32
    %dma_start3A_110 = arith.constant 0 : i32
    %dma_start3A_111 = tpu.memref_slice %arg6[%dma_start3A_107, %dma_start3A_109, %dma_start3A_110] : memref<8x128x64xf32, #tpu.memory_space<vmem>> -> memref<1x128x64xf32, #tpu.memory_space<vmem>>
    %dma_start3A_112 = tpu.memref_squeeze %dma_start3A_111 : memref<1x128x64xf32, #tpu.memory_space<vmem>> -> memref<128x64xf32, #tpu.memory_space<vmem>>
    %dma_start3A_113 = arith.constant 0 : i32
    %dma_start3A_114 = tpu.memref_slice %arg4[%add3A_106, %dma_start3A_113] : memref<204800x64xf32, #tpu.memory_space<hbm>> -> memref<128x64xf32, #tpu.memory_space<hbm>>
    %dma_start3A_115 = tpu.memref_slice %arg8[%dma_start3A_108] : memref<8x!tpu.dma_semaphore, #tpu.memory_space<semaphore_mem>> -> memref<1x!tpu.dma_semaphore, #tpu.memory_space<semaphore_mem>>
    %dma_start3A_116 = tpu.memref_squeeze %dma_start3A_115 : memref<1x!tpu.dma_semaphore, #tpu.memory_space<semaphore_mem>> -> memref<!tpu.dma_semaphore, #tpu.memory_space<semaphore_mem>>
    %dma_start3A_117 = arith.constant 0 : i32
    %dma_start3A_118 = tpu.memref_slice %arg4[%add3A_106, %dma_start3A_117] : memref<204800x64xf32, #tpu.memory_space<hbm>> -> memref<128x64xf32, #tpu.memory_space<hbm>>
    %dma_start3A_119 = arith.constant 0 : i32
    %dma_start3A_120 = arith.constant 0 : i32
    %dma_start3A_121 = tpu.memref_slice %arg6[%dma_start3A_107, %dma_start3A_119, %dma_start3A_120] : memref<8x128x64xf32, #tpu.memory_space<vmem>> -> memref<1x128x64xf32, #tpu.memory_space<vmem>>
    %dma_start3A_122 = tpu.memref_squeeze %dma_start3A_121 : memref<1x128x64xf32, #tpu.memory_space<vmem>> -> memref<128x64xf32, #tpu.memory_space<vmem>>
    tpu.enqueue_dma source(%dma_start3A_122 : memref<128x64xf32, #tpu.memory_space<vmem>>) target(%dma_start3A_118 : memref<128x64xf32, #tpu.memory_space<hbm>>) target_semaphore(%dma_start3A_116 : memref<!tpu.dma_semaphore, #tpu.memory_space<semaphore_mem>>)
    %dma_start3A_123 = arith.constant 7 : i32
    %dma_start3A_124 = arith.constant 7 : i32
    %dma_start3A_125 = arith.constant 0 : i32
    %dma_start3A_126 = arith.constant 0 : i32
    %dma_start3A_127 = tpu.memref_slice %arg6[%dma_start3A_123, %dma_start3A_125, %dma_start3A_126] : memref<8x128x64xf32, #tpu.memory_space<vmem>> -> memref<1x128x64xf32, #tpu.memory_space<vmem>>
    %dma_start3A_128 = tpu.memref_squeeze %dma_start3A_127 : memref<1x128x64xf32, #tpu.memory_space<vmem>> -> memref<128x64xf32, #tpu.memory_space<vmem>>
    %dma_start3A_129 = arith.constant 896 : i32
    %dma_start3A_130 = tpu.memref_slice %arg5[%dma_start3A_129] : memref<6400xi32, #tpu.memory_space<vmem>> -> memref<128xi32, #tpu.memory_space<vmem>>
    %dma_start3A_131 = arith.constant 0 : i32
    %dma_start3A_132 = arith.constant 0 : i32
    %dma_start3A_133 = tpu.memref_slice %arg2[%dma_start3A_131, %dma_start3A_132] : memref<1000000x64xf32, #tpu.memory_space<hbm>> -> memref<1000000x64xf32, #tpu.memory_space<hbm>>
    %dma_start3A_134 = tpu.memref_slice %arg7[%dma_start3A_124] : memref<8x!tpu.dma_semaphore, #tpu.memory_space<semaphore_mem>> -> memref<1x!tpu.dma_semaphore, #tpu.memory_space<semaphore_mem>>
    %dma_start3A_135 = tpu.memref_squeeze %dma_start3A_134 : memref<1x!tpu.dma_semaphore, #tpu.memory_space<semaphore_mem>> -> memref<!tpu.dma_semaphore, #tpu.memory_space<semaphore_mem>>
    tpu.enqueue_indirect_dma source(%dma_start3A_133 : memref<1000000x64xf32, #tpu.memory_space<hbm>>) target(%dma_start3A_128 : memref<128x64xf32, #tpu.memory_space<vmem>>) offsets(%dma_start3A_130 : memref<128xi32, #tpu.memory_space<vmem>>) semaphore(%dma_start3A_135 : memref<!tpu.dma_semaphore, #tpu.memory_space<semaphore_mem>>)
    %dma_wait3A_136 = arith.constant 1 : i32
    %dma_wait3A_137 = arith.constant 1 : i32
    %dma_wait3A_138 = arith.constant 0 : i32
    %dma_wait3A_139 = arith.constant 0 : i32
    %dma_wait3A_140 = tpu.memref_slice %arg6[%dma_wait3A_136, %dma_wait3A_138, %dma_wait3A_139] : memref<8x128x64xf32, #tpu.memory_space<vmem>> -> memref<1x128x64xf32, #tpu.memory_space<vmem>>
    %dma_wait3A_141 = tpu.memref_squeeze %dma_wait3A_140 : memref<1x128x64xf32, #tpu.memory_space<vmem>> -> memref<128x64xf32, #tpu.memory_space<vmem>>
    %dma_wait3A_142 = arith.constant 128 : i32
    %dma_wait3A_143 = tpu.memref_slice %arg5[%dma_wait3A_142] : memref<6400xi32, #tpu.memory_space<vmem>> -> memref<128xi32, #tpu.memory_space<vmem>>
    %dma_wait3A_144 = arith.constant 0 : i32
    %dma_wait3A_145 = arith.constant 0 : i32
    %dma_wait3A_146 = tpu.memref_slice %arg2[%dma_wait3A_144, %dma_wait3A_145] : memref<1000000x64xf32, #tpu.memory_space<hbm>> -> memref<1000000x64xf32, #tpu.memory_space<hbm>>
    %dma_wait3A_147 = tpu.memref_slice %arg7[%dma_wait3A_137] : memref<8x!tpu.dma_semaphore, #tpu.memory_space<semaphore_mem>> -> memref<1x!tpu.dma_semaphore, #tpu.memory_space<semaphore_mem>>
    %dma_wait3A_148 = tpu.memref_squeeze %dma_wait3A_147 : memref<1x!tpu.dma_semaphore, #tpu.memory_space<semaphore_mem>> -> memref<!tpu.dma_semaphore, #tpu.memory_space<semaphore_mem>>
    tpu.wait_indirect_dma semaphore(%dma_wait3A_148 : memref<!tpu.dma_semaphore, #tpu.memory_space<semaphore_mem>>) src(%dma_wait3A_146 : memref<1000000x64xf32, #tpu.memory_space<hbm>>) dst(%dma_wait3A_141 : memref<128x64xf32, #tpu.memory_space<vmem>>)
    %add3A_149 = arith.constant 128 : i32
    %add3A_150 = arith.addi %mul3A_2, %add3A_149 : i32
    %dma_start3A_151 = arith.constant 1 : i32
    %dma_start3A_152 = arith.constant 1 : i32
    %dma_start3A_153 = arith.constant 0 : i32
    %dma_start3A_154 = arith.constant 0 : i32
    %dma_start3A_155 = tpu.memref_slice %arg6[%dma_start3A_151, %dma_start3A_153, %dma_start3A_154] : memref<8x128x64xf32, #tpu.memory_space<vmem>> -> memref<1x128x64xf32, #tpu.memory_space<vmem>>
    %dma_start3A_156 = tpu.memref_squeeze %dma_start3A_155 : memref<1x128x64xf32, #tpu.memory_space<vmem>> -> memref<128x64xf32, #tpu.memory_space<vmem>>
    %dma_start3A_157 = arith.constant 0 : i32
    %dma_start3A_158 = tpu.memref_slice %arg4[%add3A_150, %dma_start3A_157] : memref<204800x64xf32, #tpu.memory_space<hbm>> -> memref<128x64xf32, #tpu.memory_space<hbm>>
    %dma_start3A_159 = tpu.memref_slice %arg8[%dma_start3A_152] : memref<8x!tpu.dma_semaphore, #tpu.memory_space<semaphore_mem>> -> memref<1x!tpu.dma_semaphore, #tpu.memory_space<semaphore_mem>>
    %dma_start3A_160 = tpu.memref_squeeze %dma_start3A_159 : memref<1x!tpu.dma_semaphore, #tpu.memory_space<semaphore_mem>> -> memref<!tpu.dma_semaphore, #tpu.memory_space<semaphore_mem>>
    %dma_start3A_161 = arith.constant 0 : i32
    %dma_start3A_162 = tpu.memref_slice %arg4[%add3A_150, %dma_start3A_161] : memref<204800x64xf32, #tpu.memory_space<hbm>> -> memref<128x64xf32, #tpu.memory_space<hbm>>
    %dma_start3A_163 = arith.constant 0 : i32
    %dma_start3A_164 = arith.constant 0 : i32
    %dma_start3A_165 = tpu.memref_slice %arg6[%dma_start3A_151, %dma_start3A_163, %dma_start3A_164] : memref<8x128x64xf32, #tpu.memory_space<vmem>> -> memref<1x128x64xf32, #tpu.memory_space<vmem>>
    %dma_start3A_166 = tpu.memref_squeeze %dma_start3A_165 : memref<1x128x64xf32, #tpu.memory_space<vmem>> -> memref<128x64xf32, #tpu.memory_space<vmem>>
    tpu.enqueue_dma source(%dma_start3A_166 : memref<128x64xf32, #tpu.memory_space<vmem>>) target(%dma_start3A_162 : memref<128x64xf32, #tpu.memory_space<hbm>>) target_semaphore(%dma_start3A_160 : memref<!tpu.dma_semaphore, #tpu.memory_space<semaphore_mem>>)
    %dma_wait3A_167 = arith.constant 0 : i32
    %dma_wait3A_168 = arith.constant 0 : i32
    %dma_wait3A_169 = arith.constant 0 : i32
    %dma_wait3A_170 = arith.constant 0 : i32
    %dma_wait3A_171 = tpu.memref_slice %arg6[%dma_wait3A_167, %dma_wait3A_169, %dma_wait3A_170] : memref<8x128x64xf32, #tpu.memory_space<vmem>> -> memref<1x128x64xf32, #tpu.memory_space<vmem>>
    %dma_wait3A_172 = tpu.memref_squeeze %dma_wait3A_171 : memref<1x128x64xf32, #tpu.memory_space<vmem>> -> memref<128x64xf32, #tpu.memory_space<vmem>>
    %dma_wait3A_173 = arith.constant 0 : i32
    %dma_wait3A_174 = tpu.memref_slice %arg4[%add3A_106, %dma_wait3A_173] : memref<204800x64xf32, #tpu.memory_space<hbm>> -> memref<128x64xf32, #tpu.memory_space<hbm>>
    %dma_wait3A_175 = tpu.memref_slice %arg8[%dma_wait3A_168] : memref<8x!tpu.dma_semaphore, #tpu.memory_space<semaphore_mem>> -> memref<1x!tpu.dma_semaphore, #tpu.memory_space<semaphore_mem>>
    %dma_wait3A_176 = tpu.memref_squeeze %dma_wait3A_175 : memref<1x!tpu.dma_semaphore, #tpu.memory_space<semaphore_mem>> -> memref<!tpu.dma_semaphore, #tpu.memory_space<semaphore_mem>>
    %dma_wait3A_177 = arith.constant 0 : i32
    %dma_wait3A_178 = tpu.memref_slice %arg4[%add3A_106, %dma_wait3A_177] : memref<204800x64xf32, #tpu.memory_space<hbm>> -> memref<128x64xf32, #tpu.memory_space<hbm>>
    %dma_wait3A_179 = arith.constant 0 : i32
    %dma_wait3A_180 = arith.constant 0 : i32
    %dma_wait3A_181 = tpu.memref_slice %arg6[%dma_wait3A_167, %dma_wait3A_179, %dma_wait3A_180] : memref<8x128x64xf32, #tpu.memory_space<vmem>> -> memref<1x128x64xf32, #tpu.memory_space<vmem>>
    %dma_wait3A_182 = tpu.memref_squeeze %dma_wait3A_181 : memref<1x128x64xf32, #tpu.memory_space<vmem>> -> memref<128x64xf32, #tpu.memory_space<vmem>>
    tpu.wait_dma2 semaphore(%dma_wait3A_176 : memref<!tpu.dma_semaphore, #tpu.memory_space<semaphore_mem>>) src(%dma_wait3A_182 : memref<128x64xf32, #tpu.memory_space<vmem>>) dst(%dma_wait3A_178 : memref<128x64xf32, #tpu.memory_space<hbm>>)
    %dma_start3A_183 = arith.constant 0 : i32
    %dma_start3A_184 = arith.constant 0 : i32
    %dma_start3A_185 = arith.constant 0 : i32
    %dma_start3A_186 = arith.constant 0 : i32
    %dma_start3A_187 = tpu.memref_slice %arg6[%dma_start3A_183, %dma_start3A_185, %dma_start3A_186] : memref<8x128x64xf32, #tpu.memory_space<vmem>> -> memref<1x128x64xf32, #tpu.memory_space<vmem>>
    %dma_start3A_188 = tpu.memref_squeeze %dma_start3A_187 : memref<1x128x64xf32, #tpu.memory_space<vmem>> -> memref<128x64xf32, #tpu.memory_space<vmem>>
    %dma_start3A_189 = arith.constant 1024 : i32
    %dma_start3A_190 = tpu.memref_slice %arg5[%dma_start3A_189] : memref<6400xi32, #tpu.memory_space<vmem>> -> memref<128xi32, #tpu.memory_space<vmem>>
    %dma_start3A_191 = arith.constant 0 : i32
    %dma_start3A_192 = arith.constant 0 : i32
    %dma_start3A_193 = tpu.memref_slice %arg2[%dma_start3A_191, %dma_start3A_192] : memref<1000000x64xf32, #tpu.memory_space<hbm>> -> memref<1000000x64xf32, #tpu.memory_space<hbm>>
    %dma_start3A_194 = tpu.memref_slice %arg7[%dma_start3A_184] : memref<8x!tpu.dma_semaphore, #tpu.memory_space<semaphore_mem>> -> memref<1x!tpu.dma_semaphore, #tpu.memory_space<semaphore_mem>>
    %dma_start3A_195 = tpu.memref_squeeze %dma_start3A_194 : memref<1x!tpu.dma_semaphore, #tpu.memory_space<semaphore_mem>> -> memref<!tpu.dma_semaphore, #tpu.memory_space<semaphore_mem>>
    tpu.enqueue_indirect_dma source(%dma_start3A_193 : memref<1000000x64xf32, #tpu.memory_space<hbm>>) target(%dma_start3A_188 : memref<128x64xf32, #tpu.memory_space<vmem>>) offsets(%dma_start3A_190 : memref<128xi32, #tpu.memory_space<vmem>>) semaphore(%dma_start3A_195 : memref<!tpu.dma_semaphore, #tpu.memory_space<semaphore_mem>>)
    %dma_wait3A_196 = arith.constant 2 : i32
    %dma_wait3A_197 = arith.constant 2 : i32
    %dma_wait3A_198 = arith.constant 0 : i32
    %dma_wait3A_199 = arith.constant 0 : i32
    %dma_wait3A_200 = tpu.memref_slice %arg6[%dma_wait3A_196, %dma_wait3A_198, %dma_wait3A_199] : memref<8x128x64xf32, #tpu.memory_space<vmem>> -> memref<1x128x64xf32, #tpu.memory_space<vmem>>
    %dma_wait3A_201 = tpu.memref_squeeze %dma_wait3A_200 : memref<1x128x64xf32, #tpu.memory_space<vmem>> -> memref<128x64xf32, #tpu.memory_space<vmem>>
    %dma_wait3A_202 = arith.constant 256 : i32
    %dma_wait3A_203 = tpu.memref_slice %arg5[%dma_wait3A_202] : memref<6400xi32, #tpu.memory_space<vmem>> -> memref<128xi32, #tpu.memory_space<vmem>>
    %dma_wait3A_204 = arith.constant 0 : i32
    %dma_wait3A_205 = arith.constant 0 : i32
    %dma_wait3A_206 = tpu.memref_slice %arg2[%dma_wait3A_204, %dma_wait3A_205] : memref<1000000x64xf32, #tpu.memory_space<hbm>> -> memref<1000000x64xf32, #tpu.memory_space<hbm>>
    %dma_wait3A_207 = tpu.memref_slice %arg7[%dma_wait3A_197] : memref<8x!tpu.dma_semaphore, #tpu.memory_space<semaphore_mem>> -> memref<1x!tpu.dma_semaphore, #tpu.memory_space<semaphore_mem>>
    %dma_wait3A_208 = tpu.memref_squeeze %dma_wait3A_207 : memref<1x!tpu.dma_semaphore, #tpu.memory_space<semaphore_mem>> -> memref<!tpu.dma_semaphore, #tpu.memory_space<semaphore_mem>>
    tpu.wait_indirect_dma semaphore(%dma_wait3A_208 : memref<!tpu.dma_semaphore, #tpu.memory_space<semaphore_mem>>) src(%dma_wait3A_206 : memref<1000000x64xf32, #tpu.memory_space<hbm>>) dst(%dma_wait3A_201 : memref<128x64xf32, #tpu.memory_space<vmem>>)
    %add3A_209 = arith.constant 256 : i32
    %add3A_210 = arith.addi %mul3A_2, %add3A_209 : i32
    %dma_start3A_211 = arith.constant 2 : i32
    %dma_start3A_212 = arith.constant 2 : i32
    %dma_start3A_213 = arith.constant 0 : i32
    %dma_start3A_214 = arith.constant 0 : i32
    %dma_start3A_215 = tpu.memref_slice %arg6[%dma_start3A_211, %dma_start3A_213, %dma_start3A_214] : memref<8x128x64xf32, #tpu.memory_space<vmem>> -> memref<1x128x64xf32, #tpu.memory_space<vmem>>
    %dma_start3A_216 = tpu.memref_squeeze %dma_start3A_215 : memref<1x128x64xf32, #tpu.memory_space<vmem>> -> memref<128x64xf32, #tpu.memory_space<vmem>>
    %dma_start3A_217 = arith.constant 0 : i32
    %dma_start3A_218 = tpu.memref_slice %arg4[%add3A_210, %dma_start3A_217] : memref<204800x64xf32, #tpu.memory_space<hbm>> -> memref<128x64xf32, #tpu.memory_space<hbm>>
    %dma_start3A_219 = tpu.memref_slice %arg8[%dma_start3A_212] : memref<8x!tpu.dma_semaphore, #tpu.memory_space<semaphore_mem>> -> memref<1x!tpu.dma_semaphore, #tpu.memory_space<semaphore_mem>>
    %dma_start3A_220 = tpu.memref_squeeze %dma_start3A_219 : memref<1x!tpu.dma_semaphore, #tpu.memory_space<semaphore_mem>> -> memref<!tpu.dma_semaphore, #tpu.memory_space<semaphore_mem>>
    %dma_start3A_221 = arith.constant 0 : i32
    %dma_start3A_222 = tpu.memref_slice %arg4[%add3A_210, %dma_start3A_221] : memref<204800x64xf32, #tpu.memory_space<hbm>> -> memref<128x64xf32, #tpu.memory_space<hbm>>
    %dma_start3A_223 = arith.constant 0 : i32
    %dma_start3A_224 = arith.constant 0 : i32
    %dma_start3A_225 = tpu.memref_slice %arg6[%dma_start3A_211, %dma_start3A_223, %dma_start3A_224] : memref<8x128x64xf32, #tpu.memory_space<vmem>> -> memref<1x128x64xf32, #tpu.memory_space<vmem>>
    %dma_start3A_226 = tpu.memref_squeeze %dma_start3A_225 : memref<1x128x64xf32, #tpu.memory_space<vmem>> -> memref<128x64xf32, #tpu.memory_space<vmem>>
    tpu.enqueue_dma source(%dma_start3A_226 : memref<128x64xf32, #tpu.memory_space<vmem>>) target(%dma_start3A_222 : memref<128x64xf32, #tpu.memory_space<hbm>>) target_semaphore(%dma_start3A_220 : memref<!tpu.dma_semaphore, #tpu.memory_space<semaphore_mem>>)
    %dma_wait3A_227 = arith.constant 1 : i32
    %dma_wait3A_228 = arith.constant 1 : i32
    %dma_wait3A_229 = arith.constant 0 : i32
    %dma_wait3A_230 = arith.constant 0 : i32
    %dma_wait3A_231 = tpu.memref_slice %arg6[%dma_wait3A_227, %dma_wait3A_229, %dma_wait3A_230] : memref<8x128x64xf32, #tpu.memory_space<vmem>> -> memref<1x128x64xf32, #tpu.memory_space<vmem>>
    %dma_wait3A_232 = tpu.memref_squeeze %dma_wait3A_231 : memref<1x128x64xf32, #tpu.memory_space<vmem>> -> memref<128x64xf32, #tpu.memory_space<vmem>>
    %dma_wait3A_233 = arith.constant 0 : i32
    %dma_wait3A_234 = tpu.memref_slice %arg4[%add3A_150, %dma_wait3A_233] : memref<204800x64xf32, #tpu.memory_space<hbm>> -> memref<128x64xf32, #tpu.memory_space<hbm>>
    %dma_wait3A_235 = tpu.memref_slice %arg8[%dma_wait3A_228] : memref<8x!tpu.dma_semaphore, #tpu.memory_space<semaphore_mem>> -> memref<1x!tpu.dma_semaphore, #tpu.memory_space<semaphore_mem>>
    %dma_wait3A_236 = tpu.memref_squeeze %dma_wait3A_235 : memref<1x!tpu.dma_semaphore, #tpu.memory_space<semaphore_mem>> -> memref<!tpu.dma_semaphore, #tpu.memory_space<semaphore_mem>>
    %dma_wait3A_237 = arith.constant 0 : i32
    %dma_wait3A_238 = tpu.memref_slice %arg4[%add3A_150, %dma_wait3A_237] : memref<204800x64xf32, #tpu.memory_space<hbm>> -> memref<128x64xf32, #tpu.memory_space<hbm>>
    %dma_wait3A_239 = arith.constant 0 : i32
    %dma_wait3A_240 = arith.constant 0 : i32
    %dma_wait3A_241 = tpu.memref_slice %arg6[%dma_wait3A_227, %dma_wait3A_239, %dma_wait3A_240] : memref<8x128x64xf32, #tpu.memory_space<vmem>> -> memref<1x128x64xf32, #tpu.memory_space<vmem>>
    %dma_wait3A_242 = tpu.memref_squeeze %dma_wait3A_241 : memref<1x128x64xf32, #tpu.memory_space<vmem>> -> memref<128x64xf32, #tpu.memory_space<vmem>>
    tpu.wait_dma2 semaphore(%dma_wait3A_236 : memref<!tpu.dma_semaphore, #tpu.memory_space<semaphore_mem>>) src(%dma_wait3A_242 : memref<128x64xf32, #tpu.memory_space<vmem>>) dst(%dma_wait3A_238 : memref<128x64xf32, #tpu.memory_space<hbm>>)
    %dma_start3A_243 = arith.constant 1 : i32
    %dma_start3A_244 = arith.constant 1 : i32
    %dma_start3A_245 = arith.constant 0 : i32
    %dma_start3A_246 = arith.constant 0 : i32
    %dma_start3A_247 = tpu.memref_slice %arg6[%dma_start3A_243, %dma_start3A_245, %dma_start3A_246] : memref<8x128x64xf32, #tpu.memory_space<vmem>> -> memref<1x128x64xf32, #tpu.memory_space<vmem>>
    %dma_start3A_248 = tpu.memref_squeeze %dma_start3A_247 : memref<1x128x64xf32, #tpu.memory_space<vmem>> -> memref<128x64xf32, #tpu.memory_space<vmem>>
    %dma_start3A_249 = arith.constant 1152 : i32
    %dma_start3A_250 = tpu.memref_slice %arg5[%dma_start3A_249] : memref<6400xi32, #tpu.memory_space<vmem>> -> memref<128xi32, #tpu.memory_space<vmem>>
    %dma_start3A_251 = arith.constant 0 : i32
    %dma_start3A_252 = arith.constant 0 : i32
    %dma_start3A_253 = tpu.memref_slice %arg2[%dma_start3A_251, %dma_start3A_252] : memref<1000000x64xf32, #tpu.memory_space<hbm>> -> memref<1000000x64xf32, #tpu.memory_space<hbm>>
    %dma_start3A_254 = tpu.memref_slice %arg7[%dma_start3A_244] : memref<8x!tpu.dma_semaphore, #tpu.memory_space<semaphore_mem>> -> memref<1x!tpu.dma_semaphore, #tpu.memory_space<semaphore_mem>>
    %dma_start3A_255 = tpu.memref_squeeze %dma_start3A_254 : memref<1x!tpu.dma_semaphore, #tpu.memory_space<semaphore_mem>> -> memref<!tpu.dma_semaphore, #tpu.memory_space<semaphore_mem>>
    tpu.enqueue_indirect_dma source(%dma_start3A_253 : memref<1000000x64xf32, #tpu.memory_space<hbm>>) target(%dma_start3A_248 : memref<128x64xf32, #tpu.memory_space<vmem>>) offsets(%dma_start3A_250 : memref<128xi32, #tpu.memory_space<vmem>>) semaphore(%dma_start3A_255 : memref<!tpu.dma_semaphore, #tpu.memory_space<semaphore_mem>>)
    %dma_wait3A_256 = arith.constant 3 : i32
    %dma_wait3A_257 = arith.constant 3 : i32
    %dma_wait3A_258 = arith.constant 0 : i32
    %dma_wait3A_259 = arith.constant 0 : i32
    %dma_wait3A_260 = tpu.memref_slice %arg6[%dma_wait3A_256, %dma_wait3A_258, %dma_wait3A_259] : memref<8x128x64xf32, #tpu.memory_space<vmem>> -> memref<1x128x64xf32, #tpu.memory_space<vmem>>
    %dma_wait3A_261 = tpu.memref_squeeze %dma_wait3A_260 : memref<1x128x64xf32, #tpu.memory_space<vmem>> -> memref<128x64xf32, #tpu.memory_space<vmem>>
    %dma_wait3A_262 = arith.constant 384 : i32
    %dma_wait3A_263 = tpu.memref_slice %arg5[%dma_wait3A_262] : memref<6400xi32, #tpu.memory_space<vmem>> -> memref<128xi32, #tpu.memory_space<vmem>>
    %dma_wait3A_264 = arith.constant 0 : i32
    %dma_wait3A_265 = arith.constant 0 : i32
    %dma_wait3A_266 = tpu.memref_slice %arg2[%dma_wait3A_264, %dma_wait3A_265] : memref<1000000x64xf32, #tpu.memory_space<hbm>> -> memref<1000000x64xf32, #tpu.memory_space<hbm>>
    %dma_wait3A_267 = tpu.memref_slice %arg7[%dma_wait3A_257] : memref<8x!tpu.dma_semaphore, #tpu.memory_space<semaphore_mem>> -> memref<1x!tpu.dma_semaphore, #tpu.memory_space<semaphore_mem>>
    %dma_wait3A_268 = tpu.memref_squeeze %dma_wait3A_267 : memref<1x!tpu.dma_semaphore, #tpu.memory_space<semaphore_mem>> -> memref<!tpu.dma_semaphore, #tpu.memory_space<semaphore_mem>>
    tpu.wait_indirect_dma semaphore(%dma_wait3A_268 : memref<!tpu.dma_semaphore, #tpu.memory_space<semaphore_mem>>) src(%dma_wait3A_266 : memref<1000000x64xf32, #tpu.memory_space<hbm>>) dst(%dma_wait3A_261 : memref<128x64xf32, #tpu.memory_space<vmem>>)
    %add3A_269 = arith.constant 384 : i32
    %add3A_270 = arith.addi %mul3A_2, %add3A_269 : i32
    %dma_start3A_271 = arith.constant 3 : i32
    %dma_start3A_272 = arith.constant 3 : i32
    %dma_start3A_273 = arith.constant 0 : i32
    %dma_start3A_274 = arith.constant 0 : i32
    %dma_start3A_275 = tpu.memref_slice %arg6[%dma_start3A_271, %dma_start3A_273, %dma_start3A_274] : memref<8x128x64xf32, #tpu.memory_space<vmem>> -> memref<1x128x64xf32, #tpu.memory_space<vmem>>
    %dma_start3A_276 = tpu.memref_squeeze %dma_start3A_275 : memref<1x128x64xf32, #tpu.memory_space<vmem>> -> memref<128x64xf32, #tpu.memory_space<vmem>>
    %dma_start3A_277 = arith.constant 0 : i32
    %dma_start3A_278 = tpu.memref_slice %arg4[%add3A_270, %dma_start3A_277] : memref<204800x64xf32, #tpu.memory_space<hbm>> -> memref<128x64xf32, #tpu.memory_space<hbm>>
    %dma_start3A_279 = tpu.memref_slice %arg8[%dma_start3A_272] : memref<8x!tpu.dma_semaphore, #tpu.memory_space<semaphore_mem>> -> memref<1x!tpu.dma_semaphore, #tpu.memory_space<semaphore_mem>>
    %dma_start3A_280 = tpu.memref_squeeze %dma_start3A_279 : memref<1x!tpu.dma_semaphore, #tpu.memory_space<semaphore_mem>> -> memref<!tpu.dma_semaphore, #tpu.memory_space<semaphore_mem>>
    %dma_start3A_281 = arith.constant 0 : i32
    %dma_start3A_282 = tpu.memref_slice %arg4[%add3A_270, %dma_start3A_281] : memref<204800x64xf32, #tpu.memory_space<hbm>> -> memref<128x64xf32, #tpu.memory_space<hbm>>
    %dma_start3A_283 = arith.constant 0 : i32
    %dma_start3A_284 = arith.constant 0 : i32
    %dma_start3A_285 = tpu.memref_slice %arg6[%dma_start3A_271, %dma_start3A_283, %dma_start3A_284] : memref<8x128x64xf32, #tpu.memory_space<vmem>> -> memref<1x128x64xf32, #tpu.memory_space<vmem>>
    %dma_start3A_286 = tpu.memref_squeeze %dma_start3A_285 : memref<1x128x64xf32, #tpu.memory_space<vmem>> -> memref<128x64xf32, #tpu.memory_space<vmem>>
    tpu.enqueue_dma source(%dma_start3A_286 : memref<128x64xf32, #tpu.memory_space<vmem>>) target(%dma_start3A_282 : memref<128x64xf32, #tpu.memory_space<hbm>>) target_semaphore(%dma_start3A_280 : memref<!tpu.dma_semaphore, #tpu.memory_space<semaphore_mem>>)
    %dma_wait3A_287 = arith.constant 2 : i32
    %dma_wait3A_288 = arith.constant 2 : i32
    %dma_wait3A_289 = arith.constant 0 : i32
    %dma_wait3A_290 = arith.constant 0 : i32
    %dma_wait3A_291 = tpu.memref_slice %arg6[%dma_wait3A_287, %dma_wait3A_289, %dma_wait3A_290] : memref<8x128x64xf32, #tpu.memory_space<vmem>> -> memref<1x128x64xf32, #tpu.memory_space<vmem>>
    %dma_wait3A_292 = tpu.memref_squeeze %dma_wait3A_291 : memref<1x128x64xf32, #tpu.memory_space<vmem>> -> memref<128x64xf32, #tpu.memory_space<vmem>>
    %dma_wait3A_293 = arith.constant 0 : i32
    %dma_wait3A_294 = tpu.memref_slice %arg4[%add3A_210, %dma_wait3A_293] : memref<204800x64xf32, #tpu.memory_space<hbm>> -> memref<128x64xf32, #tpu.memory_space<hbm>>
    %dma_wait3A_295 = tpu.memref_slice %arg8[%dma_wait3A_288] : memref<8x!tpu.dma_semaphore, #tpu.memory_space<semaphore_mem>> -> memref<1x!tpu.dma_semaphore, #tpu.memory_space<semaphore_mem>>
    %dma_wait3A_296 = tpu.memref_squeeze %dma_wait3A_295 : memref<1x!tpu.dma_semaphore, #tpu.memory_space<semaphore_mem>> -> memref<!tpu.dma_semaphore, #tpu.memory_space<semaphore_mem>>
    %dma_wait3A_297 = arith.constant 0 : i32
    %dma_wait3A_298 = tpu.memref_slice %arg4[%add3A_210, %dma_wait3A_297] : memref<204800x64xf32, #tpu.memory_space<hbm>> -> memref<128x64xf32, #tpu.memory_space<hbm>>
    %dma_wait3A_299 = arith.constant 0 : i32
    %dma_wait3A_300 = arith.constant 0 : i32
    %dma_wait3A_301 = tpu.memref_slice %arg6[%dma_wait3A_287, %dma_wait3A_299, %dma_wait3A_300] : memref<8x128x64xf32, #tpu.memory_space<vmem>> -> memref<1x128x64xf32, #tpu.memory_space<vmem>>
    %dma_wait3A_302 = tpu.memref_squeeze %dma_wait3A_301 : memref<1x128x64xf32, #tpu.memory_space<vmem>> -> memref<128x64xf32, #tpu.memory_space<vmem>>
    tpu.wait_dma2 semaphore(%dma_wait3A_296 : memref<!tpu.dma_semaphore, #tpu.memory_space<semaphore_mem>>) src(%dma_wait3A_302 : memref<128x64xf32, #tpu.memory_space<vmem>>) dst(%dma_wait3A_298 : memref<128x64xf32, #tpu.memory_space<hbm>>)
    %dma_start3A_303 = arith.constant 2 : i32
    %dma_start3A_304 = arith.constant 2 : i32
    %dma_start3A_305 = arith.constant 0 : i32
    %dma_start3A_306 = arith.constant 0 : i32
    %dma_start3A_307 = tpu.memref_slice %arg6[%dma_start3A_303, %dma_start3A_305, %dma_start3A_306] : memref<8x128x64xf32, #tpu.memory_space<vmem>> -> memref<1x128x64xf32, #tpu.memory_space<vmem>>
    %dma_start3A_308 = tpu.memref_squeeze %dma_start3A_307 : memref<1x128x64xf32, #tpu.memory_space<vmem>> -> memref<128x64xf32, #tpu.memory_space<vmem>>
    %dma_start3A_309 = arith.constant 1280 : i32
    %dma_start3A_310 = tpu.memref_slice %arg5[%dma_start3A_309] : memref<6400xi32, #tpu.memory_space<vmem>> -> memref<128xi32, #tpu.memory_space<vmem>>
    %dma_start3A_311 = arith.constant 0 : i32
    %dma_start3A_312 = arith.constant 0 : i32
    %dma_start3A_313 = tpu.memref_slice %arg2[%dma_start3A_311, %dma_start3A_312] : memref<1000000x64xf32, #tpu.memory_space<hbm>> -> memref<1000000x64xf32, #tpu.memory_space<hbm>>
    %dma_start3A_314 = tpu.memref_slice %arg7[%dma_start3A_304] : memref<8x!tpu.dma_semaphore, #tpu.memory_space<semaphore_mem>> -> memref<1x!tpu.dma_semaphore, #tpu.memory_space<semaphore_mem>>
    %dma_start3A_315 = tpu.memref_squeeze %dma_start3A_314 : memref<1x!tpu.dma_semaphore, #tpu.memory_space<semaphore_mem>> -> memref<!tpu.dma_semaphore, #tpu.memory_space<semaphore_mem>>
    tpu.enqueue_indirect_dma source(%dma_start3A_313 : memref<1000000x64xf32, #tpu.memory_space<hbm>>) target(%dma_start3A_308 : memref<128x64xf32, #tpu.memory_space<vmem>>) offsets(%dma_start3A_310 : memref<128xi32, #tpu.memory_space<vmem>>) semaphore(%dma_start3A_315 : memref<!tpu.dma_semaphore, #tpu.memory_space<semaphore_mem>>)
    %dma_wait3A_316 = arith.constant 4 : i32
    %dma_wait3A_317 = arith.constant 4 : i32
    %dma_wait3A_318 = arith.constant 0 : i32
    %dma_wait3A_319 = arith.constant 0 : i32
    %dma_wait3A_320 = tpu.memref_slice %arg6[%dma_wait3A_316, %dma_wait3A_318, %dma_wait3A_319] : memref<8x128x64xf32, #tpu.memory_space<vmem>> -> memref<1x128x64xf32, #tpu.memory_space<vmem>>
    %dma_wait3A_321 = tpu.memref_squeeze %dma_wait3A_320 : memref<1x128x64xf32, #tpu.memory_space<vmem>> -> memref<128x64xf32, #tpu.memory_space<vmem>>
    %dma_wait3A_322 = arith.constant 512 : i32
    %dma_wait3A_323 = tpu.memref_slice %arg5[%dma_wait3A_322] : memref<6400xi32, #tpu.memory_space<vmem>> -> memref<128xi32, #tpu.memory_space<vmem>>
    %dma_wait3A_324 = arith.constant 0 : i32
    %dma_wait3A_325 = arith.constant 0 : i32
    %dma_wait3A_326 = tpu.memref_slice %arg2[%dma_wait3A_324, %dma_wait3A_325] : memref<1000000x64xf32, #tpu.memory_space<hbm>> -> memref<1000000x64xf32, #tpu.memory_space<hbm>>
    %dma_wait3A_327 = tpu.memref_slice %arg7[%dma_wait3A_317] : memref<8x!tpu.dma_semaphore, #tpu.memory_space<semaphore_mem>> -> memref<1x!tpu.dma_semaphore, #tpu.memory_space<semaphore_mem>>
    %dma_wait3A_328 = tpu.memref_squeeze %dma_wait3A_327 : memref<1x!tpu.dma_semaphore, #tpu.memory_space<semaphore_mem>> -> memref<!tpu.dma_semaphore, #tpu.memory_space<semaphore_mem>>
    tpu.wait_indirect_dma semaphore(%dma_wait3A_328 : memref<!tpu.dma_semaphore, #tpu.memory_space<semaphore_mem>>) src(%dma_wait3A_326 : memref<1000000x64xf32, #tpu.memory_space<hbm>>) dst(%dma_wait3A_321 : memref<128x64xf32, #tpu.memory_space<vmem>>)
    %add3A_329 = arith.constant 512 : i32
    %add3A_330 = arith.addi %mul3A_2, %add3A_329 : i32
    %dma_start3A_331 = arith.constant 4 : i32
    %dma_start3A_332 = arith.constant 4 : i32
    %dma_start3A_333 = arith.constant 0 : i32
    %dma_start3A_334 = arith.constant 0 : i32
    %dma_start3A_335 = tpu.memref_slice %arg6[%dma_start3A_331, %dma_start3A_333, %dma_start3A_334] : memref<8x128x64xf32, #tpu.memory_space<vmem>> -> memref<1x128x64xf32, #tpu.memory_space<vmem>>
    %dma_start3A_336 = tpu.memref_squeeze %dma_start3A_335 : memref<1x128x64xf32, #tpu.memory_space<vmem>> -> memref<128x64xf32, #tpu.memory_space<vmem>>
    %dma_start3A_337 = arith.constant 0 : i32
    %dma_start3A_338 = tpu.memref_slice %arg4[%add3A_330, %dma_start3A_337] : memref<204800x64xf32, #tpu.memory_space<hbm>> -> memref<128x64xf32, #tpu.memory_space<hbm>>
    %dma_start3A_339 = tpu.memref_slice %arg8[%dma_start3A_332] : memref<8x!tpu.dma_semaphore, #tpu.memory_space<semaphore_mem>> -> memref<1x!tpu.dma_semaphore, #tpu.memory_space<semaphore_mem>>
    %dma_start3A_340 = tpu.memref_squeeze %dma_start3A_339 : memref<1x!tpu.dma_semaphore, #tpu.memory_space<semaphore_mem>> -> memref<!tpu.dma_semaphore, #tpu.memory_space<semaphore_mem>>
    %dma_start3A_341 = arith.constant 0 : i32
    %dma_start3A_342 = tpu.memref_slice %arg4[%add3A_330, %dma_start3A_341] : memref<204800x64xf32, #tpu.memory_space<hbm>> -> memref<128x64xf32, #tpu.memory_space<hbm>>
    %dma_start3A_343 = arith.constant 0 : i32
    %dma_start3A_344 = arith.constant 0 : i32
    %dma_start3A_345 = tpu.memref_slice %arg6[%dma_start3A_331, %dma_start3A_343, %dma_start3A_344] : memref<8x128x64xf32, #tpu.memory_space<vmem>> -> memref<1x128x64xf32, #tpu.memory_space<vmem>>
    %dma_start3A_346 = tpu.memref_squeeze %dma_start3A_345 : memref<1x128x64xf32, #tpu.memory_space<vmem>> -> memref<128x64xf32, #tpu.memory_space<vmem>>
    tpu.enqueue_dma source(%dma_start3A_346 : memref<128x64xf32, #tpu.memory_space<vmem>>) target(%dma_start3A_342 : memref<128x64xf32, #tpu.memory_space<hbm>>) target_semaphore(%dma_start3A_340 : memref<!tpu.dma_semaphore, #tpu.memory_space<semaphore_mem>>)
    %dma_wait3A_347 = arith.constant 3 : i32
    %dma_wait3A_348 = arith.constant 3 : i32
    %dma_wait3A_349 = arith.constant 0 : i32
    %dma_wait3A_350 = arith.constant 0 : i32
    %dma_wait3A_351 = tpu.memref_slice %arg6[%dma_wait3A_347, %dma_wait3A_349, %dma_wait3A_350] : memref<8x128x64xf32, #tpu.memory_space<vmem>> -> memref<1x128x64xf32, #tpu.memory_space<vmem>>
    %dma_wait3A_352 = tpu.memref_squeeze %dma_wait3A_351 : memref<1x128x64xf32, #tpu.memory_space<vmem>> -> memref<128x64xf32, #tpu.memory_space<vmem>>
    %dma_wait3A_353 = arith.constant 0 : i32
    %dma_wait3A_354 = tpu.memref_slice %arg4[%add3A_270, %dma_wait3A_353] : memref<204800x64xf32, #tpu.memory_space<hbm>> -> memref<128x64xf32, #tpu.memory_space<hbm>>
    %dma_wait3A_355 = tpu.memref_slice %arg8[%dma_wait3A_348] : memref<8x!tpu.dma_semaphore, #tpu.memory_space<semaphore_mem>> -> memref<1x!tpu.dma_semaphore, #tpu.memory_space<semaphore_mem>>
    %dma_wait3A_356 = tpu.memref_squeeze %dma_wait3A_355 : memref<1x!tpu.dma_semaphore, #tpu.memory_space<semaphore_mem>> -> memref<!tpu.dma_semaphore, #tpu.memory_space<semaphore_mem>>
    %dma_wait3A_357 = arith.constant 0 : i32
    %dma_wait3A_358 = tpu.memref_slice %arg4[%add3A_270, %dma_wait3A_357] : memref<204800x64xf32, #tpu.memory_space<hbm>> -> memref<128x64xf32, #tpu.memory_space<hbm>>
    %dma_wait3A_359 = arith.constant 0 : i32
    %dma_wait3A_360 = arith.constant 0 : i32
    %dma_wait3A_361 = tpu.memref_slice %arg6[%dma_wait3A_347, %dma_wait3A_359, %dma_wait3A_360] : memref<8x128x64xf32, #tpu.memory_space<vmem>> -> memref<1x128x64xf32, #tpu.memory_space<vmem>>
    %dma_wait3A_362 = tpu.memref_squeeze %dma_wait3A_361 : memref<1x128x64xf32, #tpu.memory_space<vmem>> -> memref<128x64xf32, #tpu.memory_space<vmem>>
    tpu.wait_dma2 semaphore(%dma_wait3A_356 : memref<!tpu.dma_semaphore, #tpu.memory_space<semaphore_mem>>) src(%dma_wait3A_362 : memref<128x64xf32, #tpu.memory_space<vmem>>) dst(%dma_wait3A_358 : memref<128x64xf32, #tpu.memory_space<hbm>>)
    %dma_start3A_363 = arith.constant 3 : i32
    %dma_start3A_364 = arith.constant 3 : i32
    %dma_start3A_365 = arith.constant 0 : i32
    %dma_start3A_366 = arith.constant 0 : i32
    %dma_start3A_367 = tpu.memref_slice %arg6[%dma_start3A_363, %dma_start3A_365, %dma_start3A_366] : memref<8x128x64xf32, #tpu.memory_space<vmem>> -> memref<1x128x64xf32, #tpu.memory_space<vmem>>
    %dma_start3A_368 = tpu.memref_squeeze %dma_start3A_367 : memref<1x128x64xf32, #tpu.memory_space<vmem>> -> memref<128x64xf32, #tpu.memory_space<vmem>>
    %dma_start3A_369 = arith.constant 1408 : i32
    %dma_start3A_370 = tpu.memref_slice %arg5[%dma_start3A_369] : memref<6400xi32, #tpu.memory_space<vmem>> -> memref<128xi32, #tpu.memory_space<vmem>>
    %dma_start3A_371 = arith.constant 0 : i32
    %dma_start3A_372 = arith.constant 0 : i32
    %dma_start3A_373 = tpu.memref_slice %arg2[%dma_start3A_371, %dma_start3A_372] : memref<1000000x64xf32, #tpu.memory_space<hbm>> -> memref<1000000x64xf32, #tpu.memory_space<hbm>>
    %dma_start3A_374 = tpu.memref_slice %arg7[%dma_start3A_364] : memref<8x!tpu.dma_semaphore, #tpu.memory_space<semaphore_mem>> -> memref<1x!tpu.dma_semaphore, #tpu.memory_space<semaphore_mem>>
    %dma_start3A_375 = tpu.memref_squeeze %dma_start3A_374 : memref<1x!tpu.dma_semaphore, #tpu.memory_space<semaphore_mem>> -> memref<!tpu.dma_semaphore, #tpu.memory_space<semaphore_mem>>
    tpu.enqueue_indirect_dma source(%dma_start3A_373 : memref<1000000x64xf32, #tpu.memory_space<hbm>>) target(%dma_start3A_368 : memref<128x64xf32, #tpu.memory_space<vmem>>) offsets(%dma_start3A_370 : memref<128xi32, #tpu.memory_space<vmem>>) semaphore(%dma_start3A_375 : memref<!tpu.dma_semaphore, #tpu.memory_space<semaphore_mem>>)
    %dma_wait3A_376 = arith.constant 5 : i32
    %dma_wait3A_377 = arith.constant 5 : i32
    %dma_wait3A_378 = arith.constant 0 : i32
    %dma_wait3A_379 = arith.constant 0 : i32
    %dma_wait3A_380 = tpu.memref_slice %arg6[%dma_wait3A_376, %dma_wait3A_378, %dma_wait3A_379] : memref<8x128x64xf32, #tpu.memory_space<vmem>> -> memref<1x128x64xf32, #tpu.memory_space<vmem>>
    %dma_wait3A_381 = tpu.memref_squeeze %dma_wait3A_380 : memref<1x128x64xf32, #tpu.memory_space<vmem>> -> memref<128x64xf32, #tpu.memory_space<vmem>>
    %dma_wait3A_382 = arith.constant 640 : i32
    %dma_wait3A_383 = tpu.memref_slice %arg5[%dma_wait3A_382] : memref<6400xi32, #tpu.memory_space<vmem>> -> memref<128xi32, #tpu.memory_space<vmem>>
    %dma_wait3A_384 = arith.constant 0 : i32
    %dma_wait3A_385 = arith.constant 0 : i32
    %dma_wait3A_386 = tpu.memref_slice %arg2[%dma_wait3A_384, %dma_wait3A_385] : memref<1000000x64xf32, #tpu.memory_space<hbm>> -> memref<1000000x64xf32, #tpu.memory_space<hbm>>
    %dma_wait3A_387 = tpu.memref_slice %arg7[%dma_wait3A_377] : memref<8x!tpu.dma_semaphore, #tpu.memory_space<semaphore_mem>> -> memref<1x!tpu.dma_semaphore, #tpu.memory_space<semaphore_mem>>
    %dma_wait3A_388 = tpu.memref_squeeze %dma_wait3A_387 : memref<1x!tpu.dma_semaphore, #tpu.memory_space<semaphore_mem>> -> memref<!tpu.dma_semaphore, #tpu.memory_space<semaphore_mem>>
    tpu.wait_indirect_dma semaphore(%dma_wait3A_388 : memref<!tpu.dma_semaphore, #tpu.memory_space<semaphore_mem>>) src(%dma_wait3A_386 : memref<1000000x64xf32, #tpu.memory_space<hbm>>) dst(%dma_wait3A_381 : memref<128x64xf32, #tpu.memory_space<vmem>>)
    %add3A_389 = arith.constant 640 : i32
    %add3A_390 = arith.addi %mul3A_2, %add3A_389 : i32
    %dma_start3A_391 = arith.constant 5 : i32
    %dma_start3A_392 = arith.constant 5 : i32
    %dma_start3A_393 = arith.constant 0 : i32
    %dma_start3A_394 = arith.constant 0 : i32
    %dma_start3A_395 = tpu.memref_slice %arg6[%dma_start3A_391, %dma_start3A_393, %dma_start3A_394] : memref<8x128x64xf32, #tpu.memory_space<vmem>> -> memref<1x128x64xf32, #tpu.memory_space<vmem>>
    %dma_start3A_396 = tpu.memref_squeeze %dma_start3A_395 : memref<1x128x64xf32, #tpu.memory_space<vmem>> -> memref<128x64xf32, #tpu.memory_space<vmem>>
    %dma_start3A_397 = arith.constant 0 : i32
    %dma_start3A_398 = tpu.memref_slice %arg4[%add3A_390, %dma_start3A_397] : memref<204800x64xf32, #tpu.memory_space<hbm>> -> memref<128x64xf32, #tpu.memory_space<hbm>>
    %dma_start3A_399 = tpu.memref_slice %arg8[%dma_start3A_392] : memref<8x!tpu.dma_semaphore, #tpu.memory_space<semaphore_mem>> -> memref<1x!tpu.dma_semaphore, #tpu.memory_space<semaphore_mem>>
    %dma_start3A_400 = tpu.memref_squeeze %dma_start3A_399 : memref<1x!tpu.dma_semaphore, #tpu.memory_space<semaphore_mem>> -> memref<!tpu.dma_semaphore, #tpu.memory_space<semaphore_mem>>
    %dma_start3A_401 = arith.constant 0 : i32
    %dma_start3A_402 = tpu.memref_slice %arg4[%add3A_390, %dma_start3A_401] : memref<204800x64xf32, #tpu.memory_space<hbm>> -> memref<128x64xf32, #tpu.memory_space<hbm>>
    %dma_start3A_403 = arith.constant 0 : i32
    %dma_start3A_404 = arith.constant 0 : i32
    %dma_start3A_405 = tpu.memref_slice %arg6[%dma_start3A_391, %dma_start3A_403, %dma_start3A_404] : memref<8x128x64xf32, #tpu.memory_space<vmem>> -> memref<1x128x64xf32, #tpu.memory_space<vmem>>
    %dma_start3A_406 = tpu.memref_squeeze %dma_start3A_405 : memref<1x128x64xf32, #tpu.memory_space<vmem>> -> memref<128x64xf32, #tpu.memory_space<vmem>>
    tpu.enqueue_dma source(%dma_start3A_406 : memref<128x64xf32, #tpu.memory_space<vmem>>) target(%dma_start3A_402 : memref<128x64xf32, #tpu.memory_space<hbm>>) target_semaphore(%dma_start3A_400 : memref<!tpu.dma_semaphore, #tpu.memory_space<semaphore_mem>>)
    %dma_wait3A_407 = arith.constant 4 : i32
    %dma_wait3A_408 = arith.constant 4 : i32
    %dma_wait3A_409 = arith.constant 0 : i32
    %dma_wait3A_410 = arith.constant 0 : i32
    %dma_wait3A_411 = tpu.memref_slice %arg6[%dma_wait3A_407, %dma_wait3A_409, %dma_wait3A_410] : memref<8x128x64xf32, #tpu.memory_space<vmem>> -> memref<1x128x64xf32, #tpu.memory_space<vmem>>
    %dma_wait3A_412 = tpu.memref_squeeze %dma_wait3A_411 : memref<1x128x64xf32, #tpu.memory_space<vmem>> -> memref<128x64xf32, #tpu.memory_space<vmem>>
    %dma_wait3A_413 = arith.constant 0 : i32
    %dma_wait3A_414 = tpu.memref_slice %arg4[%add3A_330, %dma_wait3A_413] : memref<204800x64xf32, #tpu.memory_space<hbm>> -> memref<128x64xf32, #tpu.memory_space<hbm>>
    %dma_wait3A_415 = tpu.memref_slice %arg8[%dma_wait3A_408] : memref<8x!tpu.dma_semaphore, #tpu.memory_space<semaphore_mem>> -> memref<1x!tpu.dma_semaphore, #tpu.memory_space<semaphore_mem>>
    %dma_wait3A_416 = tpu.memref_squeeze %dma_wait3A_415 : memref<1x!tpu.dma_semaphore, #tpu.memory_space<semaphore_mem>> -> memref<!tpu.dma_semaphore, #tpu.memory_space<semaphore_mem>>
    %dma_wait3A_417 = arith.constant 0 : i32
    %dma_wait3A_418 = tpu.memref_slice %arg4[%add3A_330, %dma_wait3A_417] : memref<204800x64xf32, #tpu.memory_space<hbm>> -> memref<128x64xf32, #tpu.memory_space<hbm>>
    %dma_wait3A_419 = arith.constant 0 : i32
    %dma_wait3A_420 = arith.constant 0 : i32
    %dma_wait3A_421 = tpu.memref_slice %arg6[%dma_wait3A_407, %dma_wait3A_419, %dma_wait3A_420] : memref<8x128x64xf32, #tpu.memory_space<vmem>> -> memref<1x128x64xf32, #tpu.memory_space<vmem>>
    %dma_wait3A_422 = tpu.memref_squeeze %dma_wait3A_421 : memref<1x128x64xf32, #tpu.memory_space<vmem>> -> memref<128x64xf32, #tpu.memory_space<vmem>>
    tpu.wait_dma2 semaphore(%dma_wait3A_416 : memref<!tpu.dma_semaphore, #tpu.memory_space<semaphore_mem>>) src(%dma_wait3A_422 : memref<128x64xf32, #tpu.memory_space<vmem>>) dst(%dma_wait3A_418 : memref<128x64xf32, #tpu.memory_space<hbm>>)
    %dma_start3A_423 = arith.constant 4 : i32
    %dma_start3A_424 = arith.constant 4 : i32
    %dma_start3A_425 = arith.constant 0 : i32
    %dma_start3A_426 = arith.constant 0 : i32
    %dma_start3A_427 = tpu.memref_slice %arg6[%dma_start3A_423, %dma_start3A_425, %dma_start3A_426] : memref<8x128x64xf32, #tpu.memory_space<vmem>> -> memref<1x128x64xf32, #tpu.memory_space<vmem>>
    %dma_start3A_428 = tpu.memref_squeeze %dma_start3A_427 : memref<1x128x64xf32, #tpu.memory_space<vmem>> -> memref<128x64xf32, #tpu.memory_space<vmem>>
    %dma_start3A_429 = arith.constant 1536 : i32
    %dma_start3A_430 = tpu.memref_slice %arg5[%dma_start3A_429] : memref<6400xi32, #tpu.memory_space<vmem>> -> memref<128xi32, #tpu.memory_space<vmem>>
    %dma_start3A_431 = arith.constant 0 : i32
    %dma_start3A_432 = arith.constant 0 : i32
    %dma_start3A_433 = tpu.memref_slice %arg2[%dma_start3A_431, %dma_start3A_432] : memref<1000000x64xf32, #tpu.memory_space<hbm>> -> memref<1000000x64xf32, #tpu.memory_space<hbm>>
    %dma_start3A_434 = tpu.memref_slice %arg7[%dma_start3A_424] : memref<8x!tpu.dma_semaphore, #tpu.memory_space<semaphore_mem>> -> memref<1x!tpu.dma_semaphore, #tpu.memory_space<semaphore_mem>>
    %dma_start3A_435 = tpu.memref_squeeze %dma_start3A_434 : memref<1x!tpu.dma_semaphore, #tpu.memory_space<semaphore_mem>> -> memref<!tpu.dma_semaphore, #tpu.memory_space<semaphore_mem>>
    tpu.enqueue_indirect_dma source(%dma_start3A_433 : memref<1000000x64xf32, #tpu.memory_space<hbm>>) target(%dma_start3A_428 : memref<128x64xf32, #tpu.memory_space<vmem>>) offsets(%dma_start3A_430 : memref<128xi32, #tpu.memory_space<vmem>>) semaphore(%dma_start3A_435 : memref<!tpu.dma_semaphore, #tpu.memory_space<semaphore_mem>>)
    %dma_wait3A_436 = arith.constant 6 : i32
    %dma_wait3A_437 = arith.constant 6 : i32
    %dma_wait3A_438 = arith.constant 0 : i32
    %dma_wait3A_439 = arith.constant 0 : i32
    %dma_wait3A_440 = tpu.memref_slice %arg6[%dma_wait3A_436, %dma_wait3A_438, %dma_wait3A_439] : memref<8x128x64xf32, #tpu.memory_space<vmem>> -> memref<1x128x64xf32, #tpu.memory_space<vmem>>
    %dma_wait3A_441 = tpu.memref_squeeze %dma_wait3A_440 : memref<1x128x64xf32, #tpu.memory_space<vmem>> -> memref<128x64xf32, #tpu.memory_space<vmem>>
    %dma_wait3A_442 = arith.constant 768 : i32
    %dma_wait3A_443 = tpu.memref_slice %arg5[%dma_wait3A_442] : memref<6400xi32, #tpu.memory_space<vmem>> -> memref<128xi32, #tpu.memory_space<vmem>>
    %dma_wait3A_444 = arith.constant 0 : i32
    %dma_wait3A_445 = arith.constant 0 : i32
    %dma_wait3A_446 = tpu.memref_slice %arg2[%dma_wait3A_444, %dma_wait3A_445] : memref<1000000x64xf32, #tpu.memory_space<hbm>> -> memref<1000000x64xf32, #tpu.memory_space<hbm>>
    %dma_wait3A_447 = tpu.memref_slice %arg7[%dma_wait3A_437] : memref<8x!tpu.dma_semaphore, #tpu.memory_space<semaphore_mem>> -> memref<1x!tpu.dma_semaphore, #tpu.memory_space<semaphore_mem>>
    %dma_wait3A_448 = tpu.memref_squeeze %dma_wait3A_447 : memref<1x!tpu.dma_semaphore, #tpu.memory_space<semaphore_mem>> -> memref<!tpu.dma_semaphore, #tpu.memory_space<semaphore_mem>>
    tpu.wait_indirect_dma semaphore(%dma_wait3A_448 : memref<!tpu.dma_semaphore, #tpu.memory_space<semaphore_mem>>) src(%dma_wait3A_446 : memref<1000000x64xf32, #tpu.memory_space<hbm>>) dst(%dma_wait3A_441 : memref<128x64xf32, #tpu.memory_space<vmem>>)
    %add3A_449 = arith.constant 768 : i32
    %add3A_450 = arith.addi %mul3A_2, %add3A_449 : i32
    %dma_start3A_451 = arith.constant 6 : i32
    %dma_start3A_452 = arith.constant 6 : i32
    %dma_start3A_453 = arith.constant 0 : i32
    %dma_start3A_454 = arith.constant 0 : i32
    %dma_start3A_455 = tpu.memref_slice %arg6[%dma_start3A_451, %dma_start3A_453, %dma_start3A_454] : memref<8x128x64xf32, #tpu.memory_space<vmem>> -> memref<1x128x64xf32, #tpu.memory_space<vmem>>
    %dma_start3A_456 = tpu.memref_squeeze %dma_start3A_455 : memref<1x128x64xf32, #tpu.memory_space<vmem>> -> memref<128x64xf32, #tpu.memory_space<vmem>>
    %dma_start3A_457 = arith.constant 0 : i32
    %dma_start3A_458 = tpu.memref_slice %arg4[%add3A_450, %dma_start3A_457] : memref<204800x64xf32, #tpu.memory_space<hbm>> -> memref<128x64xf32, #tpu.memory_space<hbm>>
    %dma_start3A_459 = tpu.memref_slice %arg8[%dma_start3A_452] : memref<8x!tpu.dma_semaphore, #tpu.memory_space<semaphore_mem>> -> memref<1x!tpu.dma_semaphore, #tpu.memory_space<semaphore_mem>>
    %dma_start3A_460 = tpu.memref_squeeze %dma_start3A_459 : memref<1x!tpu.dma_semaphore, #tpu.memory_space<semaphore_mem>> -> memref<!tpu.dma_semaphore, #tpu.memory_space<semaphore_mem>>
    %dma_start3A_461 = arith.constant 0 : i32
    %dma_start3A_462 = tpu.memref_slice %arg4[%add3A_450, %dma_start3A_461] : memref<204800x64xf32, #tpu.memory_space<hbm>> -> memref<128x64xf32, #tpu.memory_space<hbm>>
    %dma_start3A_463 = arith.constant 0 : i32
    %dma_start3A_464 = arith.constant 0 : i32
    %dma_start3A_465 = tpu.memref_slice %arg6[%dma_start3A_451, %dma_start3A_463, %dma_start3A_464] : memref<8x128x64xf32, #tpu.memory_space<vmem>> -> memref<1x128x64xf32, #tpu.memory_space<vmem>>
    %dma_start3A_466 = tpu.memref_squeeze %dma_start3A_465 : memref<1x128x64xf32, #tpu.memory_space<vmem>> -> memref<128x64xf32, #tpu.memory_space<vmem>>
    tpu.enqueue_dma source(%dma_start3A_466 : memref<128x64xf32, #tpu.memory_space<vmem>>) target(%dma_start3A_462 : memref<128x64xf32, #tpu.memory_space<hbm>>) target_semaphore(%dma_start3A_460 : memref<!tpu.dma_semaphore, #tpu.memory_space<semaphore_mem>>)
    %dma_wait3A_467 = arith.constant 5 : i32
    %dma_wait3A_468 = arith.constant 5 : i32
    %dma_wait3A_469 = arith.constant 0 : i32
    %dma_wait3A_470 = arith.constant 0 : i32
    %dma_wait3A_471 = tpu.memref_slice %arg6[%dma_wait3A_467, %dma_wait3A_469, %dma_wait3A_470] : memref<8x128x64xf32, #tpu.memory_space<vmem>> -> memref<1x128x64xf32, #tpu.memory_space<vmem>>
    %dma_wait3A_472 = tpu.memref_squeeze %dma_wait3A_471 : memref<1x128x64xf32, #tpu.memory_space<vmem>> -> memref<128x64xf32, #tpu.memory_space<vmem>>
    %dma_wait3A_473 = arith.constant 0 : i32
    %dma_wait3A_474 = tpu.memref_slice %arg4[%add3A_390, %dma_wait3A_473] : memref<204800x64xf32, #tpu.memory_space<hbm>> -> memref<128x64xf32, #tpu.memory_space<hbm>>
    %dma_wait3A_475 = tpu.memref_slice %arg8[%dma_wait3A_468] : memref<8x!tpu.dma_semaphore, #tpu.memory_space<semaphore_mem>> -> memref<1x!tpu.dma_semaphore, #tpu.memory_space<semaphore_mem>>
    %dma_wait3A_476 = tpu.memref_squeeze %dma_wait3A_475 : memref<1x!tpu.dma_semaphore, #tpu.memory_space<semaphore_mem>> -> memref<!tpu.dma_semaphore, #tpu.memory_space<semaphore_mem>>
    %dma_wait3A_477 = arith.constant 0 : i32
    %dma_wait3A_478 = tpu.memref_slice %arg4[%add3A_390, %dma_wait3A_477] : memref<204800x64xf32, #tpu.memory_space<hbm>> -> memref<128x64xf32, #tpu.memory_space<hbm>>
    %dma_wait3A_479 = arith.constant 0 : i32
    %dma_wait3A_480 = arith.constant 0 : i32
    %dma_wait3A_481 = tpu.memref_slice %arg6[%dma_wait3A_467, %dma_wait3A_479, %dma_wait3A_480] : memref<8x128x64xf32, #tpu.memory_space<vmem>> -> memref<1x128x64xf32, #tpu.memory_space<vmem>>
    %dma_wait3A_482 = tpu.memref_squeeze %dma_wait3A_481 : memref<1x128x64xf32, #tpu.memory_space<vmem>> -> memref<128x64xf32, #tpu.memory_space<vmem>>
    tpu.wait_dma2 semaphore(%dma_wait3A_476 : memref<!tpu.dma_semaphore, #tpu.memory_space<semaphore_mem>>) src(%dma_wait3A_482 : memref<128x64xf32, #tpu.memory_space<vmem>>) dst(%dma_wait3A_478 : memref<128x64xf32, #tpu.memory_space<hbm>>)
    %dma_start3A_483 = arith.constant 5 : i32
    %dma_start3A_484 = arith.constant 5 : i32
    %dma_start3A_485 = arith.constant 0 : i32
    %dma_start3A_486 = arith.constant 0 : i32
    %dma_start3A_487 = tpu.memref_slice %arg6[%dma_start3A_483, %dma_start3A_485, %dma_start3A_486] : memref<8x128x64xf32, #tpu.memory_space<vmem>> -> memref<1x128x64xf32, #tpu.memory_space<vmem>>
    %dma_start3A_488 = tpu.memref_squeeze %dma_start3A_487 : memref<1x128x64xf32, #tpu.memory_space<vmem>> -> memref<128x64xf32, #tpu.memory_space<vmem>>
    %dma_start3A_489 = arith.constant 1664 : i32
    %dma_start3A_490 = tpu.memref_slice %arg5[%dma_start3A_489] : memref<6400xi32, #tpu.memory_space<vmem>> -> memref<128xi32, #tpu.memory_space<vmem>>
    %dma_start3A_491 = arith.constant 0 : i32
    %dma_start3A_492 = arith.constant 0 : i32
    %dma_start3A_493 = tpu.memref_slice %arg2[%dma_start3A_491, %dma_start3A_492] : memref<1000000x64xf32, #tpu.memory_space<hbm>> -> memref<1000000x64xf32, #tpu.memory_space<hbm>>
    %dma_start3A_494 = tpu.memref_slice %arg7[%dma_start3A_484] : memref<8x!tpu.dma_semaphore, #tpu.memory_space<semaphore_mem>> -> memref<1x!tpu.dma_semaphore, #tpu.memory_space<semaphore_mem>>
    %dma_start3A_495 = tpu.memref_squeeze %dma_start3A_494 : memref<1x!tpu.dma_semaphore, #tpu.memory_space<semaphore_mem>> -> memref<!tpu.dma_semaphore, #tpu.memory_space<semaphore_mem>>
    tpu.enqueue_indirect_dma source(%dma_start3A_493 : memref<1000000x64xf32, #tpu.memory_space<hbm>>) target(%dma_start3A_488 : memref<128x64xf32, #tpu.memory_space<vmem>>) offsets(%dma_start3A_490 : memref<128xi32, #tpu.memory_space<vmem>>) semaphore(%dma_start3A_495 : memref<!tpu.dma_semaphore, #tpu.memory_space<semaphore_mem>>)
    %dma_wait3A_496 = arith.constant 7 : i32
    %dma_wait3A_497 = arith.constant 7 : i32
    %dma_wait3A_498 = arith.constant 0 : i32
    %dma_wait3A_499 = arith.constant 0 : i32
    %dma_wait3A_500 = tpu.memref_slice %arg6[%dma_wait3A_496, %dma_wait3A_498, %dma_wait3A_499] : memref<8x128x64xf32, #tpu.memory_space<vmem>> -> memref<1x128x64xf32, #tpu.memory_space<vmem>>
    %dma_wait3A_501 = tpu.memref_squeeze %dma_wait3A_500 : memref<1x128x64xf32, #tpu.memory_space<vmem>> -> memref<128x64xf32, #tpu.memory_space<vmem>>
    %dma_wait3A_502 = arith.constant 896 : i32
    %dma_wait3A_503 = tpu.memref_slice %arg5[%dma_wait3A_502] : memref<6400xi32, #tpu.memory_space<vmem>> -> memref<128xi32, #tpu.memory_space<vmem>>
    %dma_wait3A_504 = arith.constant 0 : i32
    %dma_wait3A_505 = arith.constant 0 : i32
    %dma_wait3A_506 = tpu.memref_slice %arg2[%dma_wait3A_504, %dma_wait3A_505] : memref<1000000x64xf32, #tpu.memory_space<hbm>> -> memref<1000000x64xf32, #tpu.memory_space<hbm>>
    %dma_wait3A_507 = tpu.memref_slice %arg7[%dma_wait3A_497] : memref<8x!tpu.dma_semaphore, #tpu.memory_space<semaphore_mem>> -> memref<1x!tpu.dma_semaphore, #tpu.memory_space<semaphore_mem>>
    %dma_wait3A_508 = tpu.memref_squeeze %dma_wait3A_507 : memref<1x!tpu.dma_semaphore, #tpu.memory_space<semaphore_mem>> -> memref<!tpu.dma_semaphore, #tpu.memory_space<semaphore_mem>>
    tpu.wait_indirect_dma semaphore(%dma_wait3A_508 : memref<!tpu.dma_semaphore, #tpu.memory_space<semaphore_mem>>) src(%dma_wait3A_506 : memref<1000000x64xf32, #tpu.memory_space<hbm>>) dst(%dma_wait3A_501 : memref<128x64xf32, #tpu.memory_space<vmem>>)
    %add3A_509 = arith.constant 896 : i32
    %add3A_510 = arith.addi %mul3A_2, %add3A_509 : i32
    %dma_start3A_511 = arith.constant 7 : i32
    %dma_start3A_512 = arith.constant 7 : i32
    %dma_start3A_513 = arith.constant 0 : i32
    %dma_start3A_514 = arith.constant 0 : i32
    %dma_start3A_515 = tpu.memref_slice %arg6[%dma_start3A_511, %dma_start3A_513, %dma_start3A_514] : memref<8x128x64xf32, #tpu.memory_space<vmem>> -> memref<1x128x64xf32, #tpu.memory_space<vmem>>
    %dma_start3A_516 = tpu.memref_squeeze %dma_start3A_515 : memref<1x128x64xf32, #tpu.memory_space<vmem>> -> memref<128x64xf32, #tpu.memory_space<vmem>>
    %dma_start3A_517 = arith.constant 0 : i32
    %dma_start3A_518 = tpu.memref_slice %arg4[%add3A_510, %dma_start3A_517] : memref<204800x64xf32, #tpu.memory_space<hbm>> -> memref<128x64xf32, #tpu.memory_space<hbm>>
    %dma_start3A_519 = tpu.memref_slice %arg8[%dma_start3A_512] : memref<8x!tpu.dma_semaphore, #tpu.memory_space<semaphore_mem>> -> memref<1x!tpu.dma_semaphore, #tpu.memory_space<semaphore_mem>>
    %dma_start3A_520 = tpu.memref_squeeze %dma_start3A_519 : memref<1x!tpu.dma_semaphore, #tpu.memory_space<semaphore_mem>> -> memref<!tpu.dma_semaphore, #tpu.memory_space<semaphore_mem>>
    %dma_start3A_521 = arith.constant 0 : i32
    %dma_start3A_522 = tpu.memref_slice %arg4[%add3A_510, %dma_start3A_521] : memref<204800x64xf32, #tpu.memory_space<hbm>> -> memref<128x64xf32, #tpu.memory_space<hbm>>
    %dma_start3A_523 = arith.constant 0 : i32
    %dma_start3A_524 = arith.constant 0 : i32
    %dma_start3A_525 = tpu.memref_slice %arg6[%dma_start3A_511, %dma_start3A_523, %dma_start3A_524] : memref<8x128x64xf32, #tpu.memory_space<vmem>> -> memref<1x128x64xf32, #tpu.memory_space<vmem>>
    %dma_start3A_526 = tpu.memref_squeeze %dma_start3A_525 : memref<1x128x64xf32, #tpu.memory_space<vmem>> -> memref<128x64xf32, #tpu.memory_space<vmem>>
    tpu.enqueue_dma source(%dma_start3A_526 : memref<128x64xf32, #tpu.memory_space<vmem>>) target(%dma_start3A_522 : memref<128x64xf32, #tpu.memory_space<hbm>>) target_semaphore(%dma_start3A_520 : memref<!tpu.dma_semaphore, #tpu.memory_space<semaphore_mem>>)
    %dma_wait3A_527 = arith.constant 6 : i32
    %dma_wait3A_528 = arith.constant 6 : i32
    %dma_wait3A_529 = arith.constant 0 : i32
    %dma_wait3A_530 = arith.constant 0 : i32
    %dma_wait3A_531 = tpu.memref_slice %arg6[%dma_wait3A_527, %dma_wait3A_529, %dma_wait3A_530] : memref<8x128x64xf32, #tpu.memory_space<vmem>> -> memref<1x128x64xf32, #tpu.memory_space<vmem>>
    %dma_wait3A_532 = tpu.memref_squeeze %dma_wait3A_531 : memref<1x128x64xf32, #tpu.memory_space<vmem>> -> memref<128x64xf32, #tpu.memory_space<vmem>>
    %dma_wait3A_533 = arith.constant 0 : i32
    %dma_wait3A_534 = tpu.memref_slice %arg4[%add3A_450, %dma_wait3A_533] : memref<204800x64xf32, #tpu.memory_space<hbm>> -> memref<128x64xf32, #tpu.memory_space<hbm>>
    %dma_wait3A_535 = tpu.memref_slice %arg8[%dma_wait3A_528] : memref<8x!tpu.dma_semaphore, #tpu.memory_space<semaphore_mem>> -> memref<1x!tpu.dma_semaphore, #tpu.memory_space<semaphore_mem>>
    %dma_wait3A_536 = tpu.memref_squeeze %dma_wait3A_535 : memref<1x!tpu.dma_semaphore, #tpu.memory_space<semaphore_mem>> -> memref<!tpu.dma_semaphore, #tpu.memory_space<semaphore_mem>>
    %dma_wait3A_537 = arith.constant 0 : i32
    %dma_wait3A_538 = tpu.memref_slice %arg4[%add3A_450, %dma_wait3A_537] : memref<204800x64xf32, #tpu.memory_space<hbm>> -> memref<128x64xf32, #tpu.memory_space<hbm>>
    %dma_wait3A_539 = arith.constant 0 : i32
    %dma_wait3A_540 = arith.constant 0 : i32
    %dma_wait3A_541 = tpu.memref_slice %arg6[%dma_wait3A_527, %dma_wait3A_539, %dma_wait3A_540] : memref<8x128x64xf32, #tpu.memory_space<vmem>> -> memref<1x128x64xf32, #tpu.memory_space<vmem>>
    %dma_wait3A_542 = tpu.memref_squeeze %dma_wait3A_541 : memref<1x128x64xf32, #tpu.memory_space<vmem>> -> memref<128x64xf32, #tpu.memory_space<vmem>>
    tpu.wait_dma2 semaphore(%dma_wait3A_536 : memref<!tpu.dma_semaphore, #tpu.memory_space<semaphore_mem>>) src(%dma_wait3A_542 : memref<128x64xf32, #tpu.memory_space<vmem>>) dst(%dma_wait3A_538 : memref<128x64xf32, #tpu.memory_space<hbm>>)
    %dma_start3A_543 = arith.constant 6 : i32
    %dma_start3A_544 = arith.constant 6 : i32
    %dma_start3A_545 = arith.constant 0 : i32
    %dma_start3A_546 = arith.constant 0 : i32
    %dma_start3A_547 = tpu.memref_slice %arg6[%dma_start3A_543, %dma_start3A_545, %dma_start3A_546] : memref<8x128x64xf32, #tpu.memory_space<vmem>> -> memref<1x128x64xf32, #tpu.memory_space<vmem>>
    %dma_start3A_548 = tpu.memref_squeeze %dma_start3A_547 : memref<1x128x64xf32, #tpu.memory_space<vmem>> -> memref<128x64xf32, #tpu.memory_space<vmem>>
    %dma_start3A_549 = arith.constant 1792 : i32
    %dma_start3A_550 = tpu.memref_slice %arg5[%dma_start3A_549] : memref<6400xi32, #tpu.memory_space<vmem>> -> memref<128xi32, #tpu.memory_space<vmem>>
    %dma_start3A_551 = arith.constant 0 : i32
    %dma_start3A_552 = arith.constant 0 : i32
    %dma_start3A_553 = tpu.memref_slice %arg2[%dma_start3A_551, %dma_start3A_552] : memref<1000000x64xf32, #tpu.memory_space<hbm>> -> memref<1000000x64xf32, #tpu.memory_space<hbm>>
    %dma_start3A_554 = tpu.memref_slice %arg7[%dma_start3A_544] : memref<8x!tpu.dma_semaphore, #tpu.memory_space<semaphore_mem>> -> memref<1x!tpu.dma_semaphore, #tpu.memory_space<semaphore_mem>>
    %dma_start3A_555 = tpu.memref_squeeze %dma_start3A_554 : memref<1x!tpu.dma_semaphore, #tpu.memory_space<semaphore_mem>> -> memref<!tpu.dma_semaphore, #tpu.memory_space<semaphore_mem>>
    tpu.enqueue_indirect_dma source(%dma_start3A_553 : memref<1000000x64xf32, #tpu.memory_space<hbm>>) target(%dma_start3A_548 : memref<128x64xf32, #tpu.memory_space<vmem>>) offsets(%dma_start3A_550 : memref<128xi32, #tpu.memory_space<vmem>>) semaphore(%dma_start3A_555 : memref<!tpu.dma_semaphore, #tpu.memory_space<semaphore_mem>>)
    %dma_wait3A_556 = arith.constant 0 : i32
    %dma_wait3A_557 = arith.constant 0 : i32
    %dma_wait3A_558 = arith.constant 0 : i32
    %dma_wait3A_559 = arith.constant 0 : i32
    %dma_wait3A_560 = tpu.memref_slice %arg6[%dma_wait3A_556, %dma_wait3A_558, %dma_wait3A_559] : memref<8x128x64xf32, #tpu.memory_space<vmem>> -> memref<1x128x64xf32, #tpu.memory_space<vmem>>
    %dma_wait3A_561 = tpu.memref_squeeze %dma_wait3A_560 : memref<1x128x64xf32, #tpu.memory_space<vmem>> -> memref<128x64xf32, #tpu.memory_space<vmem>>
    %dma_wait3A_562 = arith.constant 1024 : i32
    %dma_wait3A_563 = tpu.memref_slice %arg5[%dma_wait3A_562] : memref<6400xi32, #tpu.memory_space<vmem>> -> memref<128xi32, #tpu.memory_space<vmem>>
    %dma_wait3A_564 = arith.constant 0 : i32
    %dma_wait3A_565 = arith.constant 0 : i32
    %dma_wait3A_566 = tpu.memref_slice %arg2[%dma_wait3A_564, %dma_wait3A_565] : memref<1000000x64xf32, #tpu.memory_space<hbm>> -> memref<1000000x64xf32, #tpu.memory_space<hbm>>
    %dma_wait3A_567 = tpu.memref_slice %arg7[%dma_wait3A_557] : memref<8x!tpu.dma_semaphore, #tpu.memory_space<semaphore_mem>> -> memref<1x!tpu.dma_semaphore, #tpu.memory_space<semaphore_mem>>
    %dma_wait3A_568 = tpu.memref_squeeze %dma_wait3A_567 : memref<1x!tpu.dma_semaphore, #tpu.memory_space<semaphore_mem>> -> memref<!tpu.dma_semaphore, #tpu.memory_space<semaphore_mem>>
    tpu.wait_indirect_dma semaphore(%dma_wait3A_568 : memref<!tpu.dma_semaphore, #tpu.memory_space<semaphore_mem>>) src(%dma_wait3A_566 : memref<1000000x64xf32, #tpu.memory_space<hbm>>) dst(%dma_wait3A_561 : memref<128x64xf32, #tpu.memory_space<vmem>>)
    %add3A_569 = arith.constant 1024 : i32
    %add3A_570 = arith.addi %mul3A_2, %add3A_569 : i32
    %dma_start3A_571 = arith.constant 0 : i32
    %dma_start3A_572 = arith.constant 0 : i32
    %dma_start3A_573 = arith.constant 0 : i32
    %dma_start3A_574 = arith.constant 0 : i32
    %dma_start3A_575 = tpu.memref_slice %arg6[%dma_start3A_571, %dma_start3A_573, %dma_start3A_574] : memref<8x128x64xf32, #tpu.memory_space<vmem>> -> memref<1x128x64xf32, #tpu.memory_space<vmem>>
    %dma_start3A_576 = tpu.memref_squeeze %dma_start3A_575 : memref<1x128x64xf32, #tpu.memory_space<vmem>> -> memref<128x64xf32, #tpu.memory_space<vmem>>
    %dma_start3A_577 = arith.constant 0 : i32
    %dma_start3A_578 = tpu.memref_slice %arg4[%add3A_570, %dma_start3A_577] : memref<204800x64xf32, #tpu.memory_space<hbm>> -> memref<128x64xf32, #tpu.memory_space<hbm>>
    %dma_start3A_579 = tpu.memref_slice %arg8[%dma_start3A_572] : memref<8x!tpu.dma_semaphore, #tpu.memory_space<semaphore_mem>> -> memref<1x!tpu.dma_semaphore, #tpu.memory_space<semaphore_mem>>
    %dma_start3A_580 = tpu.memref_squeeze %dma_start3A_579 : memref<1x!tpu.dma_semaphore, #tpu.memory_space<semaphore_mem>> -> memref<!tpu.dma_semaphore, #tpu.memory_space<semaphore_mem>>
    %dma_start3A_581 = arith.constant 0 : i32
    %dma_start3A_582 = tpu.memref_slice %arg4[%add3A_570, %dma_start3A_581] : memref<204800x64xf32, #tpu.memory_space<hbm>> -> memref<128x64xf32, #tpu.memory_space<hbm>>
    %dma_start3A_583 = arith.constant 0 : i32
    %dma_start3A_584 = arith.constant 0 : i32
    %dma_start3A_585 = tpu.memref_slice %arg6[%dma_start3A_571, %dma_start3A_583, %dma_start3A_584] : memref<8x128x64xf32, #tpu.memory_space<vmem>> -> memref<1x128x64xf32, #tpu.memory_space<vmem>>
    %dma_start3A_586 = tpu.memref_squeeze %dma_start3A_585 : memref<1x128x64xf32, #tpu.memory_space<vmem>> -> memref<128x64xf32, #tpu.memory_space<vmem>>
    tpu.enqueue_dma source(%dma_start3A_586 : memref<128x64xf32, #tpu.memory_space<vmem>>) target(%dma_start3A_582 : memref<128x64xf32, #tpu.memory_space<hbm>>) target_semaphore(%dma_start3A_580 : memref<!tpu.dma_semaphore, #tpu.memory_space<semaphore_mem>>)
    %dma_wait3A_587 = arith.constant 7 : i32
    %dma_wait3A_588 = arith.constant 7 : i32
    %dma_wait3A_589 = arith.constant 0 : i32
    %dma_wait3A_590 = arith.constant 0 : i32
    %dma_wait3A_591 = tpu.memref_slice %arg6[%dma_wait3A_587, %dma_wait3A_589, %dma_wait3A_590] : memref<8x128x64xf32, #tpu.memory_space<vmem>> -> memref<1x128x64xf32, #tpu.memory_space<vmem>>
    %dma_wait3A_592 = tpu.memref_squeeze %dma_wait3A_591 : memref<1x128x64xf32, #tpu.memory_space<vmem>> -> memref<128x64xf32, #tpu.memory_space<vmem>>
    %dma_wait3A_593 = arith.constant 0 : i32
    %dma_wait3A_594 = tpu.memref_slice %arg4[%add3A_510, %dma_wait3A_593] : memref<204800x64xf32, #tpu.memory_space<hbm>> -> memref<128x64xf32, #tpu.memory_space<hbm>>
    %dma_wait3A_595 = tpu.memref_slice %arg8[%dma_wait3A_588] : memref<8x!tpu.dma_semaphore, #tpu.memory_space<semaphore_mem>> -> memref<1x!tpu.dma_semaphore, #tpu.memory_space<semaphore_mem>>
    %dma_wait3A_596 = tpu.memref_squeeze %dma_wait3A_595 : memref<1x!tpu.dma_semaphore, #tpu.memory_space<semaphore_mem>> -> memref<!tpu.dma_semaphore, #tpu.memory_space<semaphore_mem>>
    %dma_wait3A_597 = arith.constant 0 : i32
    %dma_wait3A_598 = tpu.memref_slice %arg4[%add3A_510, %dma_wait3A_597] : memref<204800x64xf32, #tpu.memory_space<hbm>> -> memref<128x64xf32, #tpu.memory_space<hbm>>
    %dma_wait3A_599 = arith.constant 0 : i32
    %dma_wait3A_600 = arith.constant 0 : i32
    %dma_wait3A_601 = tpu.memref_slice %arg6[%dma_wait3A_587, %dma_wait3A_599, %dma_wait3A_600] : memref<8x128x64xf32, #tpu.memory_space<vmem>> -> memref<1x128x64xf32, #tpu.memory_space<vmem>>
    %dma_wait3A_602 = tpu.memref_squeeze %dma_wait3A_601 : memref<1x128x64xf32, #tpu.memory_space<vmem>> -> memref<128x64xf32, #tpu.memory_space<vmem>>
    tpu.wait_dma2 semaphore(%dma_wait3A_596 : memref<!tpu.dma_semaphore, #tpu.memory_space<semaphore_mem>>) src(%dma_wait3A_602 : memref<128x64xf32, #tpu.memory_space<vmem>>) dst(%dma_wait3A_598 : memref<128x64xf32, #tpu.memory_space<hbm>>)
    %dma_start3A_603 = arith.constant 7 : i32
    %dma_start3A_604 = arith.constant 7 : i32
    %dma_start3A_605 = arith.constant 0 : i32
    %dma_start3A_606 = arith.constant 0 : i32
    %dma_start3A_607 = tpu.memref_slice %arg6[%dma_start3A_603, %dma_start3A_605, %dma_start3A_606] : memref<8x128x64xf32, #tpu.memory_space<vmem>> -> memref<1x128x64xf32, #tpu.memory_space<vmem>>
    %dma_start3A_608 = tpu.memref_squeeze %dma_start3A_607 : memref<1x128x64xf32, #tpu.memory_space<vmem>> -> memref<128x64xf32, #tpu.memory_space<vmem>>
    %dma_start3A_609 = arith.constant 1920 : i32
    %dma_start3A_610 = tpu.memref_slice %arg5[%dma_start3A_609] : memref<6400xi32, #tpu.memory_space<vmem>> -> memref<128xi32, #tpu.memory_space<vmem>>
    %dma_start3A_611 = arith.constant 0 : i32
    %dma_start3A_612 = arith.constant 0 : i32
    %dma_start3A_613 = tpu.memref_slice %arg2[%dma_start3A_611, %dma_start3A_612] : memref<1000000x64xf32, #tpu.memory_space<hbm>> -> memref<1000000x64xf32, #tpu.memory_space<hbm>>
    %dma_start3A_614 = tpu.memref_slice %arg7[%dma_start3A_604] : memref<8x!tpu.dma_semaphore, #tpu.memory_space<semaphore_mem>> -> memref<1x!tpu.dma_semaphore, #tpu.memory_space<semaphore_mem>>
    %dma_start3A_615 = tpu.memref_squeeze %dma_start3A_614 : memref<1x!tpu.dma_semaphore, #tpu.memory_space<semaphore_mem>> -> memref<!tpu.dma_semaphore, #tpu.memory_space<semaphore_mem>>
    tpu.enqueue_indirect_dma source(%dma_start3A_613 : memref<1000000x64xf32, #tpu.memory_space<hbm>>) target(%dma_start3A_608 : memref<128x64xf32, #tpu.memory_space<vmem>>) offsets(%dma_start3A_610 : memref<128xi32, #tpu.memory_space<vmem>>) semaphore(%dma_start3A_615 : memref<!tpu.dma_semaphore, #tpu.memory_space<semaphore_mem>>)
    %dma_wait3A_616 = arith.constant 1 : i32
    %dma_wait3A_617 = arith.constant 1 : i32
    %dma_wait3A_618 = arith.constant 0 : i32
    %dma_wait3A_619 = arith.constant 0 : i32
    %dma_wait3A_620 = tpu.memref_slice %arg6[%dma_wait3A_616, %dma_wait3A_618, %dma_wait3A_619] : memref<8x128x64xf32, #tpu.memory_space<vmem>> -> memref<1x128x64xf32, #tpu.memory_space<vmem>>
    %dma_wait3A_621 = tpu.memref_squeeze %dma_wait3A_620 : memref<1x128x64xf32, #tpu.memory_space<vmem>> -> memref<128x64xf32, #tpu.memory_space<vmem>>
    %dma_wait3A_622 = arith.constant 1152 : i32
    %dma_wait3A_623 = tpu.memref_slice %arg5[%dma_wait3A_622] : memref<6400xi32, #tpu.memory_space<vmem>> -> memref<128xi32, #tpu.memory_space<vmem>>
    %dma_wait3A_624 = arith.constant 0 : i32
    %dma_wait3A_625 = arith.constant 0 : i32
    %dma_wait3A_626 = tpu.memref_slice %arg2[%dma_wait3A_624, %dma_wait3A_625] : memref<1000000x64xf32, #tpu.memory_space<hbm>> -> memref<1000000x64xf32, #tpu.memory_space<hbm>>
    %dma_wait3A_627 = tpu.memref_slice %arg7[%dma_wait3A_617] : memref<8x!tpu.dma_semaphore, #tpu.memory_space<semaphore_mem>> -> memref<1x!tpu.dma_semaphore, #tpu.memory_space<semaphore_mem>>
    %dma_wait3A_628 = tpu.memref_squeeze %dma_wait3A_627 : memref<1x!tpu.dma_semaphore, #tpu.memory_space<semaphore_mem>> -> memref<!tpu.dma_semaphore, #tpu.memory_space<semaphore_mem>>
    tpu.wait_indirect_dma semaphore(%dma_wait3A_628 : memref<!tpu.dma_semaphore, #tpu.memory_space<semaphore_mem>>) src(%dma_wait3A_626 : memref<1000000x64xf32, #tpu.memory_space<hbm>>) dst(%dma_wait3A_621 : memref<128x64xf32, #tpu.memory_space<vmem>>)
    %add3A_629 = arith.constant 1152 : i32
    %add3A_630 = arith.addi %mul3A_2, %add3A_629 : i32
    %dma_start3A_631 = arith.constant 1 : i32
    %dma_start3A_632 = arith.constant 1 : i32
    %dma_start3A_633 = arith.constant 0 : i32
    %dma_start3A_634 = arith.constant 0 : i32
    %dma_start3A_635 = tpu.memref_slice %arg6[%dma_start3A_631, %dma_start3A_633, %dma_start3A_634] : memref<8x128x64xf32, #tpu.memory_space<vmem>> -> memref<1x128x64xf32, #tpu.memory_space<vmem>>
    %dma_start3A_636 = tpu.memref_squeeze %dma_start3A_635 : memref<1x128x64xf32, #tpu.memory_space<vmem>> -> memref<128x64xf32, #tpu.memory_space<vmem>>
    %dma_start3A_637 = arith.constant 0 : i32
    %dma_start3A_638 = tpu.memref_slice %arg4[%add3A_630, %dma_start3A_637] : memref<204800x64xf32, #tpu.memory_space<hbm>> -> memref<128x64xf32, #tpu.memory_space<hbm>>
    %dma_start3A_639 = tpu.memref_slice %arg8[%dma_start3A_632] : memref<8x!tpu.dma_semaphore, #tpu.memory_space<semaphore_mem>> -> memref<1x!tpu.dma_semaphore, #tpu.memory_space<semaphore_mem>>
    %dma_start3A_640 = tpu.memref_squeeze %dma_start3A_639 : memref<1x!tpu.dma_semaphore, #tpu.memory_space<semaphore_mem>> -> memref<!tpu.dma_semaphore, #tpu.memory_space<semaphore_mem>>
    %dma_start3A_641 = arith.constant 0 : i32
    %dma_start3A_642 = tpu.memref_slice %arg4[%add3A_630, %dma_start3A_641] : memref<204800x64xf32, #tpu.memory_space<hbm>> -> memref<128x64xf32, #tpu.memory_space<hbm>>
    %dma_start3A_643 = arith.constant 0 : i32
    %dma_start3A_644 = arith.constant 0 : i32
    %dma_start3A_645 = tpu.memref_slice %arg6[%dma_start3A_631, %dma_start3A_643, %dma_start3A_644] : memref<8x128x64xf32, #tpu.memory_space<vmem>> -> memref<1x128x64xf32, #tpu.memory_space<vmem>>
    %dma_start3A_646 = tpu.memref_squeeze %dma_start3A_645 : memref<1x128x64xf32, #tpu.memory_space<vmem>> -> memref<128x64xf32, #tpu.memory_space<vmem>>
    tpu.enqueue_dma source(%dma_start3A_646 : memref<128x64xf32, #tpu.memory_space<vmem>>) target(%dma_start3A_642 : memref<128x64xf32, #tpu.memory_space<hbm>>) target_semaphore(%dma_start3A_640 : memref<!tpu.dma_semaphore, #tpu.memory_space<semaphore_mem>>)
    %dma_wait3A_647 = arith.constant 0 : i32
    %dma_wait3A_648 = arith.constant 0 : i32
    %dma_wait3A_649 = arith.constant 0 : i32
    %dma_wait3A_650 = arith.constant 0 : i32
    %dma_wait3A_651 = tpu.memref_slice %arg6[%dma_wait3A_647, %dma_wait3A_649, %dma_wait3A_650] : memref<8x128x64xf32, #tpu.memory_space<vmem>> -> memref<1x128x64xf32, #tpu.memory_space<vmem>>
    %dma_wait3A_652 = tpu.memref_squeeze %dma_wait3A_651 : memref<1x128x64xf32, #tpu.memory_space<vmem>> -> memref<128x64xf32, #tpu.memory_space<vmem>>
    %dma_wait3A_653 = arith.constant 0 : i32
    %dma_wait3A_654 = tpu.memref_slice %arg4[%add3A_570, %dma_wait3A_653] : memref<204800x64xf32, #tpu.memory_space<hbm>> -> memref<128x64xf32, #tpu.memory_space<hbm>>
    %dma_wait3A_655 = tpu.memref_slice %arg8[%dma_wait3A_648] : memref<8x!tpu.dma_semaphore, #tpu.memory_space<semaphore_mem>> -> memref<1x!tpu.dma_semaphore, #tpu.memory_space<semaphore_mem>>
    %dma_wait3A_656 = tpu.memref_squeeze %dma_wait3A_655 : memref<1x!tpu.dma_semaphore, #tpu.memory_space<semaphore_mem>> -> memref<!tpu.dma_semaphore, #tpu.memory_space<semaphore_mem>>
    %dma_wait3A_657 = arith.constant 0 : i32
    %dma_wait3A_658 = tpu.memref_slice %arg4[%add3A_570, %dma_wait3A_657] : memref<204800x64xf32, #tpu.memory_space<hbm>> -> memref<128x64xf32, #tpu.memory_space<hbm>>
    %dma_wait3A_659 = arith.constant 0 : i32
    %dma_wait3A_660 = arith.constant 0 : i32
    %dma_wait3A_661 = tpu.memref_slice %arg6[%dma_wait3A_647, %dma_wait3A_659, %dma_wait3A_660] : memref<8x128x64xf32, #tpu.memory_space<vmem>> -> memref<1x128x64xf32, #tpu.memory_space<vmem>>
    %dma_wait3A_662 = tpu.memref_squeeze %dma_wait3A_661 : memref<1x128x64xf32, #tpu.memory_space<vmem>> -> memref<128x64xf32, #tpu.memory_space<vmem>>
    tpu.wait_dma2 semaphore(%dma_wait3A_656 : memref<!tpu.dma_semaphore, #tpu.memory_space<semaphore_mem>>) src(%dma_wait3A_662 : memref<128x64xf32, #tpu.memory_space<vmem>>) dst(%dma_wait3A_658 : memref<128x64xf32, #tpu.memory_space<hbm>>)
    %dma_start3A_663 = arith.constant 0 : i32
    %dma_start3A_664 = arith.constant 0 : i32
    %dma_start3A_665 = arith.constant 0 : i32
    %dma_start3A_666 = arith.constant 0 : i32
    %dma_start3A_667 = tpu.memref_slice %arg6[%dma_start3A_663, %dma_start3A_665, %dma_start3A_666] : memref<8x128x64xf32, #tpu.memory_space<vmem>> -> memref<1x128x64xf32, #tpu.memory_space<vmem>>
    %dma_start3A_668 = tpu.memref_squeeze %dma_start3A_667 : memref<1x128x64xf32, #tpu.memory_space<vmem>> -> memref<128x64xf32, #tpu.memory_space<vmem>>
    %dma_start3A_669 = arith.constant 2048 : i32
    %dma_start3A_670 = tpu.memref_slice %arg5[%dma_start3A_669] : memref<6400xi32, #tpu.memory_space<vmem>> -> memref<128xi32, #tpu.memory_space<vmem>>
    %dma_start3A_671 = arith.constant 0 : i32
    %dma_start3A_672 = arith.constant 0 : i32
    %dma_start3A_673 = tpu.memref_slice %arg2[%dma_start3A_671, %dma_start3A_672] : memref<1000000x64xf32, #tpu.memory_space<hbm>> -> memref<1000000x64xf32, #tpu.memory_space<hbm>>
    %dma_start3A_674 = tpu.memref_slice %arg7[%dma_start3A_664] : memref<8x!tpu.dma_semaphore, #tpu.memory_space<semaphore_mem>> -> memref<1x!tpu.dma_semaphore, #tpu.memory_space<semaphore_mem>>
    %dma_start3A_675 = tpu.memref_squeeze %dma_start3A_674 : memref<1x!tpu.dma_semaphore, #tpu.memory_space<semaphore_mem>> -> memref<!tpu.dma_semaphore, #tpu.memory_space<semaphore_mem>>
    tpu.enqueue_indirect_dma source(%dma_start3A_673 : memref<1000000x64xf32, #tpu.memory_space<hbm>>) target(%dma_start3A_668 : memref<128x64xf32, #tpu.memory_space<vmem>>) offsets(%dma_start3A_670 : memref<128xi32, #tpu.memory_space<vmem>>) semaphore(%dma_start3A_675 : memref<!tpu.dma_semaphore, #tpu.memory_space<semaphore_mem>>)
    %dma_wait3A_676 = arith.constant 2 : i32
    %dma_wait3A_677 = arith.constant 2 : i32
    %dma_wait3A_678 = arith.constant 0 : i32
    %dma_wait3A_679 = arith.constant 0 : i32
    %dma_wait3A_680 = tpu.memref_slice %arg6[%dma_wait3A_676, %dma_wait3A_678, %dma_wait3A_679] : memref<8x128x64xf32, #tpu.memory_space<vmem>> -> memref<1x128x64xf32, #tpu.memory_space<vmem>>
    %dma_wait3A_681 = tpu.memref_squeeze %dma_wait3A_680 : memref<1x128x64xf32, #tpu.memory_space<vmem>> -> memref<128x64xf32, #tpu.memory_space<vmem>>
    %dma_wait3A_682 = arith.constant 1280 : i32
    %dma_wait3A_683 = tpu.memref_slice %arg5[%dma_wait3A_682] : memref<6400xi32, #tpu.memory_space<vmem>> -> memref<128xi32, #tpu.memory_space<vmem>>
    %dma_wait3A_684 = arith.constant 0 : i32
    %dma_wait3A_685 = arith.constant 0 : i32
    %dma_wait3A_686 = tpu.memref_slice %arg2[%dma_wait3A_684, %dma_wait3A_685] : memref<1000000x64xf32, #tpu.memory_space<hbm>> -> memref<1000000x64xf32, #tpu.memory_space<hbm>>
    %dma_wait3A_687 = tpu.memref_slice %arg7[%dma_wait3A_677] : memref<8x!tpu.dma_semaphore, #tpu.memory_space<semaphore_mem>> -> memref<1x!tpu.dma_semaphore, #tpu.memory_space<semaphore_mem>>
    %dma_wait3A_688 = tpu.memref_squeeze %dma_wait3A_687 : memref<1x!tpu.dma_semaphore, #tpu.memory_space<semaphore_mem>> -> memref<!tpu.dma_semaphore, #tpu.memory_space<semaphore_mem>>
    tpu.wait_indirect_dma semaphore(%dma_wait3A_688 : memref<!tpu.dma_semaphore, #tpu.memory_space<semaphore_mem>>) src(%dma_wait3A_686 : memref<1000000x64xf32, #tpu.memory_space<hbm>>) dst(%dma_wait3A_681 : memref<128x64xf32, #tpu.memory_space<vmem>>)
    %add3A_689 = arith.constant 1280 : i32
    %add3A_690 = arith.addi %mul3A_2, %add3A_689 : i32
    %dma_start3A_691 = arith.constant 2 : i32
    %dma_start3A_692 = arith.constant 2 : i32
    %dma_start3A_693 = arith.constant 0 : i32
    %dma_start3A_694 = arith.constant 0 : i32
    %dma_start3A_695 = tpu.memref_slice %arg6[%dma_start3A_691, %dma_start3A_693, %dma_start3A_694] : memref<8x128x64xf32, #tpu.memory_space<vmem>> -> memref<1x128x64xf32, #tpu.memory_space<vmem>>
    %dma_start3A_696 = tpu.memref_squeeze %dma_start3A_695 : memref<1x128x64xf32, #tpu.memory_space<vmem>> -> memref<128x64xf32, #tpu.memory_space<vmem>>
    %dma_start3A_697 = arith.constant 0 : i32
    %dma_start3A_698 = tpu.memref_slice %arg4[%add3A_690, %dma_start3A_697] : memref<204800x64xf32, #tpu.memory_space<hbm>> -> memref<128x64xf32, #tpu.memory_space<hbm>>
    %dma_start3A_699 = tpu.memref_slice %arg8[%dma_start3A_692] : memref<8x!tpu.dma_semaphore, #tpu.memory_space<semaphore_mem>> -> memref<1x!tpu.dma_semaphore, #tpu.memory_space<semaphore_mem>>
    %dma_start3A_700 = tpu.memref_squeeze %dma_start3A_699 : memref<1x!tpu.dma_semaphore, #tpu.memory_space<semaphore_mem>> -> memref<!tpu.dma_semaphore, #tpu.memory_space<semaphore_mem>>
    %dma_start3A_701 = arith.constant 0 : i32
    %dma_start3A_702 = tpu.memref_slice %arg4[%add3A_690, %dma_start3A_701] : memref<204800x64xf32, #tpu.memory_space<hbm>> -> memref<128x64xf32, #tpu.memory_space<hbm>>
    %dma_start3A_703 = arith.constant 0 : i32
    %dma_start3A_704 = arith.constant 0 : i32
    %dma_start3A_705 = tpu.memref_slice %arg6[%dma_start3A_691, %dma_start3A_703, %dma_start3A_704] : memref<8x128x64xf32, #tpu.memory_space<vmem>> -> memref<1x128x64xf32, #tpu.memory_space<vmem>>
    %dma_start3A_706 = tpu.memref_squeeze %dma_start3A_705 : memref<1x128x64xf32, #tpu.memory_space<vmem>> -> memref<128x64xf32, #tpu.memory_space<vmem>>
    tpu.enqueue_dma source(%dma_start3A_706 : memref<128x64xf32, #tpu.memory_space<vmem>>) target(%dma_start3A_702 : memref<128x64xf32, #tpu.memory_space<hbm>>) target_semaphore(%dma_start3A_700 : memref<!tpu.dma_semaphore, #tpu.memory_space<semaphore_mem>>)
    %dma_wait3A_707 = arith.constant 1 : i32
    %dma_wait3A_708 = arith.constant 1 : i32
    %dma_wait3A_709 = arith.constant 0 : i32
    %dma_wait3A_710 = arith.constant 0 : i32
    %dma_wait3A_711 = tpu.memref_slice %arg6[%dma_wait3A_707, %dma_wait3A_709, %dma_wait3A_710] : memref<8x128x64xf32, #tpu.memory_space<vmem>> -> memref<1x128x64xf32, #tpu.memory_space<vmem>>
    %dma_wait3A_712 = tpu.memref_squeeze %dma_wait3A_711 : memref<1x128x64xf32, #tpu.memory_space<vmem>> -> memref<128x64xf32, #tpu.memory_space<vmem>>
    %dma_wait3A_713 = arith.constant 0 : i32
    %dma_wait3A_714 = tpu.memref_slice %arg4[%add3A_630, %dma_wait3A_713] : memref<204800x64xf32, #tpu.memory_space<hbm>> -> memref<128x64xf32, #tpu.memory_space<hbm>>
    %dma_wait3A_715 = tpu.memref_slice %arg8[%dma_wait3A_708] : memref<8x!tpu.dma_semaphore, #tpu.memory_space<semaphore_mem>> -> memref<1x!tpu.dma_semaphore, #tpu.memory_space<semaphore_mem>>
    %dma_wait3A_716 = tpu.memref_squeeze %dma_wait3A_715 : memref<1x!tpu.dma_semaphore, #tpu.memory_space<semaphore_mem>> -> memref<!tpu.dma_semaphore, #tpu.memory_space<semaphore_mem>>
    %dma_wait3A_717 = arith.constant 0 : i32
    %dma_wait3A_718 = tpu.memref_slice %arg4[%add3A_630, %dma_wait3A_717] : memref<204800x64xf32, #tpu.memory_space<hbm>> -> memref<128x64xf32, #tpu.memory_space<hbm>>
    %dma_wait3A_719 = arith.constant 0 : i32
    %dma_wait3A_720 = arith.constant 0 : i32
    %dma_wait3A_721 = tpu.memref_slice %arg6[%dma_wait3A_707, %dma_wait3A_719, %dma_wait3A_720] : memref<8x128x64xf32, #tpu.memory_space<vmem>> -> memref<1x128x64xf32, #tpu.memory_space<vmem>>
    %dma_wait3A_722 = tpu.memref_squeeze %dma_wait3A_721 : memref<1x128x64xf32, #tpu.memory_space<vmem>> -> memref<128x64xf32, #tpu.memory_space<vmem>>
    tpu.wait_dma2 semaphore(%dma_wait3A_716 : memref<!tpu.dma_semaphore, #tpu.memory_space<semaphore_mem>>) src(%dma_wait3A_722 : memref<128x64xf32, #tpu.memory_space<vmem>>) dst(%dma_wait3A_718 : memref<128x64xf32, #tpu.memory_space<hbm>>)
    %dma_start3A_723 = arith.constant 1 : i32
    %dma_start3A_724 = arith.constant 1 : i32
    %dma_start3A_725 = arith.constant 0 : i32
    %dma_start3A_726 = arith.constant 0 : i32
    %dma_start3A_727 = tpu.memref_slice %arg6[%dma_start3A_723, %dma_start3A_725, %dma_start3A_726] : memref<8x128x64xf32, #tpu.memory_space<vmem>> -> memref<1x128x64xf32, #tpu.memory_space<vmem>>
    %dma_start3A_728 = tpu.memref_squeeze %dma_start3A_727 : memref<1x128x64xf32, #tpu.memory_space<vmem>> -> memref<128x64xf32, #tpu.memory_space<vmem>>
    %dma_start3A_729 = arith.constant 2176 : i32
    %dma_start3A_730 = tpu.memref_slice %arg5[%dma_start3A_729] : memref<6400xi32, #tpu.memory_space<vmem>> -> memref<128xi32, #tpu.memory_space<vmem>>
    %dma_start3A_731 = arith.constant 0 : i32
    %dma_start3A_732 = arith.constant 0 : i32
    %dma_start3A_733 = tpu.memref_slice %arg2[%dma_start3A_731, %dma_start3A_732] : memref<1000000x64xf32, #tpu.memory_space<hbm>> -> memref<1000000x64xf32, #tpu.memory_space<hbm>>
    %dma_start3A_734 = tpu.memref_slice %arg7[%dma_start3A_724] : memref<8x!tpu.dma_semaphore, #tpu.memory_space<semaphore_mem>> -> memref<1x!tpu.dma_semaphore, #tpu.memory_space<semaphore_mem>>
    %dma_start3A_735 = tpu.memref_squeeze %dma_start3A_734 : memref<1x!tpu.dma_semaphore, #tpu.memory_space<semaphore_mem>> -> memref<!tpu.dma_semaphore, #tpu.memory_space<semaphore_mem>>
    tpu.enqueue_indirect_dma source(%dma_start3A_733 : memref<1000000x64xf32, #tpu.memory_space<hbm>>) target(%dma_start3A_728 : memref<128x64xf32, #tpu.memory_space<vmem>>) offsets(%dma_start3A_730 : memref<128xi32, #tpu.memory_space<vmem>>) semaphore(%dma_start3A_735 : memref<!tpu.dma_semaphore, #tpu.memory_space<semaphore_mem>>)
    %dma_wait3A_736 = arith.constant 3 : i32
    %dma_wait3A_737 = arith.constant 3 : i32
    %dma_wait3A_738 = arith.constant 0 : i32
    %dma_wait3A_739 = arith.constant 0 : i32
    %dma_wait3A_740 = tpu.memref_slice %arg6[%dma_wait3A_736, %dma_wait3A_738, %dma_wait3A_739] : memref<8x128x64xf32, #tpu.memory_space<vmem>> -> memref<1x128x64xf32, #tpu.memory_space<vmem>>
    %dma_wait3A_741 = tpu.memref_squeeze %dma_wait3A_740 : memref<1x128x64xf32, #tpu.memory_space<vmem>> -> memref<128x64xf32, #tpu.memory_space<vmem>>
    %dma_wait3A_742 = arith.constant 1408 : i32
    %dma_wait3A_743 = tpu.memref_slice %arg5[%dma_wait3A_742] : memref<6400xi32, #tpu.memory_space<vmem>> -> memref<128xi32, #tpu.memory_space<vmem>>
    %dma_wait3A_744 = arith.constant 0 : i32
    %dma_wait3A_745 = arith.constant 0 : i32
    %dma_wait3A_746 = tpu.memref_slice %arg2[%dma_wait3A_744, %dma_wait3A_745] : memref<1000000x64xf32, #tpu.memory_space<hbm>> -> memref<1000000x64xf32, #tpu.memory_space<hbm>>
    %dma_wait3A_747 = tpu.memref_slice %arg7[%dma_wait3A_737] : memref<8x!tpu.dma_semaphore, #tpu.memory_space<semaphore_mem>> -> memref<1x!tpu.dma_semaphore, #tpu.memory_space<semaphore_mem>>
    %dma_wait3A_748 = tpu.memref_squeeze %dma_wait3A_747 : memref<1x!tpu.dma_semaphore, #tpu.memory_space<semaphore_mem>> -> memref<!tpu.dma_semaphore, #tpu.memory_space<semaphore_mem>>
    tpu.wait_indirect_dma semaphore(%dma_wait3A_748 : memref<!tpu.dma_semaphore, #tpu.memory_space<semaphore_mem>>) src(%dma_wait3A_746 : memref<1000000x64xf32, #tpu.memory_space<hbm>>) dst(%dma_wait3A_741 : memref<128x64xf32, #tpu.memory_space<vmem>>)
    %add3A_749 = arith.constant 1408 : i32
    %add3A_750 = arith.addi %mul3A_2, %add3A_749 : i32
    %dma_start3A_751 = arith.constant 3 : i32
    %dma_start3A_752 = arith.constant 3 : i32
    %dma_start3A_753 = arith.constant 0 : i32
    %dma_start3A_754 = arith.constant 0 : i32
    %dma_start3A_755 = tpu.memref_slice %arg6[%dma_start3A_751, %dma_start3A_753, %dma_start3A_754] : memref<8x128x64xf32, #tpu.memory_space<vmem>> -> memref<1x128x64xf32, #tpu.memory_space<vmem>>
    %dma_start3A_756 = tpu.memref_squeeze %dma_start3A_755 : memref<1x128x64xf32, #tpu.memory_space<vmem>> -> memref<128x64xf32, #tpu.memory_space<vmem>>
    %dma_start3A_757 = arith.constant 0 : i32
    %dma_start3A_758 = tpu.memref_slice %arg4[%add3A_750, %dma_start3A_757] : memref<204800x64xf32, #tpu.memory_space<hbm>> -> memref<128x64xf32, #tpu.memory_space<hbm>>
    %dma_start3A_759 = tpu.memref_slice %arg8[%dma_start3A_752] : memref<8x!tpu.dma_semaphore, #tpu.memory_space<semaphore_mem>> -> memref<1x!tpu.dma_semaphore, #tpu.memory_space<semaphore_mem>>
    %dma_start3A_760 = tpu.memref_squeeze %dma_start3A_759 : memref<1x!tpu.dma_semaphore, #tpu.memory_space<semaphore_mem>> -> memref<!tpu.dma_semaphore, #tpu.memory_space<semaphore_mem>>
    %dma_start3A_761 = arith.constant 0 : i32
    %dma_start3A_762 = tpu.memref_slice %arg4[%add3A_750, %dma_start3A_761] : memref<204800x64xf32, #tpu.memory_space<hbm>> -> memref<128x64xf32, #tpu.memory_space<hbm>>
    %dma_start3A_763 = arith.constant 0 : i32
    %dma_start3A_764 = arith.constant 0 : i32
    %dma_start3A_765 = tpu.memref_slice %arg6[%dma_start3A_751, %dma_start3A_763, %dma_start3A_764] : memref<8x128x64xf32, #tpu.memory_space<vmem>> -> memref<1x128x64xf32, #tpu.memory_space<vmem>>
    %dma_start3A_766 = tpu.memref_squeeze %dma_start3A_765 : memref<1x128x64xf32, #tpu.memory_space<vmem>> -> memref<128x64xf32, #tpu.memory_space<vmem>>
    tpu.enqueue_dma source(%dma_start3A_766 : memref<128x64xf32, #tpu.memory_space<vmem>>) target(%dma_start3A_762 : memref<128x64xf32, #tpu.memory_space<hbm>>) target_semaphore(%dma_start3A_760 : memref<!tpu.dma_semaphore, #tpu.memory_space<semaphore_mem>>)
    %dma_wait3A_767 = arith.constant 2 : i32
    %dma_wait3A_768 = arith.constant 2 : i32
    %dma_wait3A_769 = arith.constant 0 : i32
    %dma_wait3A_770 = arith.constant 0 : i32
    %dma_wait3A_771 = tpu.memref_slice %arg6[%dma_wait3A_767, %dma_wait3A_769, %dma_wait3A_770] : memref<8x128x64xf32, #tpu.memory_space<vmem>> -> memref<1x128x64xf32, #tpu.memory_space<vmem>>
    %dma_wait3A_772 = tpu.memref_squeeze %dma_wait3A_771 : memref<1x128x64xf32, #tpu.memory_space<vmem>> -> memref<128x64xf32, #tpu.memory_space<vmem>>
    %dma_wait3A_773 = arith.constant 0 : i32
    %dma_wait3A_774 = tpu.memref_slice %arg4[%add3A_690, %dma_wait3A_773] : memref<204800x64xf32, #tpu.memory_space<hbm>> -> memref<128x64xf32, #tpu.memory_space<hbm>>
    %dma_wait3A_775 = tpu.memref_slice %arg8[%dma_wait3A_768] : memref<8x!tpu.dma_semaphore, #tpu.memory_space<semaphore_mem>> -> memref<1x!tpu.dma_semaphore, #tpu.memory_space<semaphore_mem>>
    %dma_wait3A_776 = tpu.memref_squeeze %dma_wait3A_775 : memref<1x!tpu.dma_semaphore, #tpu.memory_space<semaphore_mem>> -> memref<!tpu.dma_semaphore, #tpu.memory_space<semaphore_mem>>
    %dma_wait3A_777 = arith.constant 0 : i32
    %dma_wait3A_778 = tpu.memref_slice %arg4[%add3A_690, %dma_wait3A_777] : memref<204800x64xf32, #tpu.memory_space<hbm>> -> memref<128x64xf32, #tpu.memory_space<hbm>>
    %dma_wait3A_779 = arith.constant 0 : i32
    %dma_wait3A_780 = arith.constant 0 : i32
    %dma_wait3A_781 = tpu.memref_slice %arg6[%dma_wait3A_767, %dma_wait3A_779, %dma_wait3A_780] : memref<8x128x64xf32, #tpu.memory_space<vmem>> -> memref<1x128x64xf32, #tpu.memory_space<vmem>>
    %dma_wait3A_782 = tpu.memref_squeeze %dma_wait3A_781 : memref<1x128x64xf32, #tpu.memory_space<vmem>> -> memref<128x64xf32, #tpu.memory_space<vmem>>
    tpu.wait_dma2 semaphore(%dma_wait3A_776 : memref<!tpu.dma_semaphore, #tpu.memory_space<semaphore_mem>>) src(%dma_wait3A_782 : memref<128x64xf32, #tpu.memory_space<vmem>>) dst(%dma_wait3A_778 : memref<128x64xf32, #tpu.memory_space<hbm>>)
    %dma_start3A_783 = arith.constant 2 : i32
    %dma_start3A_784 = arith.constant 2 : i32
    %dma_start3A_785 = arith.constant 0 : i32
    %dma_start3A_786 = arith.constant 0 : i32
    %dma_start3A_787 = tpu.memref_slice %arg6[%dma_start3A_783, %dma_start3A_785, %dma_start3A_786] : memref<8x128x64xf32, #tpu.memory_space<vmem>> -> memref<1x128x64xf32, #tpu.memory_space<vmem>>
    %dma_start3A_788 = tpu.memref_squeeze %dma_start3A_787 : memref<1x128x64xf32, #tpu.memory_space<vmem>> -> memref<128x64xf32, #tpu.memory_space<vmem>>
    %dma_start3A_789 = arith.constant 2304 : i32
    %dma_start3A_790 = tpu.memref_slice %arg5[%dma_start3A_789] : memref<6400xi32, #tpu.memory_space<vmem>> -> memref<128xi32, #tpu.memory_space<vmem>>
    %dma_start3A_791 = arith.constant 0 : i32
    %dma_start3A_792 = arith.constant 0 : i32
    %dma_start3A_793 = tpu.memref_slice %arg2[%dma_start3A_791, %dma_start3A_792] : memref<1000000x64xf32, #tpu.memory_space<hbm>> -> memref<1000000x64xf32, #tpu.memory_space<hbm>>
    %dma_start3A_794 = tpu.memref_slice %arg7[%dma_start3A_784] : memref<8x!tpu.dma_semaphore, #tpu.memory_space<semaphore_mem>> -> memref<1x!tpu.dma_semaphore, #tpu.memory_space<semaphore_mem>>
    %dma_start3A_795 = tpu.memref_squeeze %dma_start3A_794 : memref<1x!tpu.dma_semaphore, #tpu.memory_space<semaphore_mem>> -> memref<!tpu.dma_semaphore, #tpu.memory_space<semaphore_mem>>
    tpu.enqueue_indirect_dma source(%dma_start3A_793 : memref<1000000x64xf32, #tpu.memory_space<hbm>>) target(%dma_start3A_788 : memref<128x64xf32, #tpu.memory_space<vmem>>) offsets(%dma_start3A_790 : memref<128xi32, #tpu.memory_space<vmem>>) semaphore(%dma_start3A_795 : memref<!tpu.dma_semaphore, #tpu.memory_space<semaphore_mem>>)
    %dma_wait3A_796 = arith.constant 4 : i32
    %dma_wait3A_797 = arith.constant 4 : i32
    %dma_wait3A_798 = arith.constant 0 : i32
    %dma_wait3A_799 = arith.constant 0 : i32
    %dma_wait3A_800 = tpu.memref_slice %arg6[%dma_wait3A_796, %dma_wait3A_798, %dma_wait3A_799] : memref<8x128x64xf32, #tpu.memory_space<vmem>> -> memref<1x128x64xf32, #tpu.memory_space<vmem>>
    %dma_wait3A_801 = tpu.memref_squeeze %dma_wait3A_800 : memref<1x128x64xf32, #tpu.memory_space<vmem>> -> memref<128x64xf32, #tpu.memory_space<vmem>>
    %dma_wait3A_802 = arith.constant 1536 : i32
    %dma_wait3A_803 = tpu.memref_slice %arg5[%dma_wait3A_802] : memref<6400xi32, #tpu.memory_space<vmem>> -> memref<128xi32, #tpu.memory_space<vmem>>
    %dma_wait3A_804 = arith.constant 0 : i32
    %dma_wait3A_805 = arith.constant 0 : i32
    %dma_wait3A_806 = tpu.memref_slice %arg2[%dma_wait3A_804, %dma_wait3A_805] : memref<1000000x64xf32, #tpu.memory_space<hbm>> -> memref<1000000x64xf32, #tpu.memory_space<hbm>>
    %dma_wait3A_807 = tpu.memref_slice %arg7[%dma_wait3A_797] : memref<8x!tpu.dma_semaphore, #tpu.memory_space<semaphore_mem>> -> memref<1x!tpu.dma_semaphore, #tpu.memory_space<semaphore_mem>>
    %dma_wait3A_808 = tpu.memref_squeeze %dma_wait3A_807 : memref<1x!tpu.dma_semaphore, #tpu.memory_space<semaphore_mem>> -> memref<!tpu.dma_semaphore, #tpu.memory_space<semaphore_mem>>
    tpu.wait_indirect_dma semaphore(%dma_wait3A_808 : memref<!tpu.dma_semaphore, #tpu.memory_space<semaphore_mem>>) src(%dma_wait3A_806 : memref<1000000x64xf32, #tpu.memory_space<hbm>>) dst(%dma_wait3A_801 : memref<128x64xf32, #tpu.memory_space<vmem>>)
    %add3A_809 = arith.constant 1536 : i32
    %add3A_810 = arith.addi %mul3A_2, %add3A_809 : i32
    %dma_start3A_811 = arith.constant 4 : i32
    %dma_start3A_812 = arith.constant 4 : i32
    %dma_start3A_813 = arith.constant 0 : i32
    %dma_start3A_814 = arith.constant 0 : i32
    %dma_start3A_815 = tpu.memref_slice %arg6[%dma_start3A_811, %dma_start3A_813, %dma_start3A_814] : memref<8x128x64xf32, #tpu.memory_space<vmem>> -> memref<1x128x64xf32, #tpu.memory_space<vmem>>
    %dma_start3A_816 = tpu.memref_squeeze %dma_start3A_815 : memref<1x128x64xf32, #tpu.memory_space<vmem>> -> memref<128x64xf32, #tpu.memory_space<vmem>>
    %dma_start3A_817 = arith.constant 0 : i32
    %dma_start3A_818 = tpu.memref_slice %arg4[%add3A_810, %dma_start3A_817] : memref<204800x64xf32, #tpu.memory_space<hbm>> -> memref<128x64xf32, #tpu.memory_space<hbm>>
    %dma_start3A_819 = tpu.memref_slice %arg8[%dma_start3A_812] : memref<8x!tpu.dma_semaphore, #tpu.memory_space<semaphore_mem>> -> memref<1x!tpu.dma_semaphore, #tpu.memory_space<semaphore_mem>>
    %dma_start3A_820 = tpu.memref_squeeze %dma_start3A_819 : memref<1x!tpu.dma_semaphore, #tpu.memory_space<semaphore_mem>> -> memref<!tpu.dma_semaphore, #tpu.memory_space<semaphore_mem>>
    %dma_start3A_821 = arith.constant 0 : i32
    %dma_start3A_822 = tpu.memref_slice %arg4[%add3A_810, %dma_start3A_821] : memref<204800x64xf32, #tpu.memory_space<hbm>> -> memref<128x64xf32, #tpu.memory_space<hbm>>
    %dma_start3A_823 = arith.constant 0 : i32
    %dma_start3A_824 = arith.constant 0 : i32
    %dma_start3A_825 = tpu.memref_slice %arg6[%dma_start3A_811, %dma_start3A_823, %dma_start3A_824] : memref<8x128x64xf32, #tpu.memory_space<vmem>> -> memref<1x128x64xf32, #tpu.memory_space<vmem>>
    %dma_start3A_826 = tpu.memref_squeeze %dma_start3A_825 : memref<1x128x64xf32, #tpu.memory_space<vmem>> -> memref<128x64xf32, #tpu.memory_space<vmem>>
    tpu.enqueue_dma source(%dma_start3A_826 : memref<128x64xf32, #tpu.memory_space<vmem>>) target(%dma_start3A_822 : memref<128x64xf32, #tpu.memory_space<hbm>>) target_semaphore(%dma_start3A_820 : memref<!tpu.dma_semaphore, #tpu.memory_space<semaphore_mem>>)
    %dma_wait3A_827 = arith.constant 3 : i32
    %dma_wait3A_828 = arith.constant 3 : i32
    %dma_wait3A_829 = arith.constant 0 : i32
    %dma_wait3A_830 = arith.constant 0 : i32
    %dma_wait3A_831 = tpu.memref_slice %arg6[%dma_wait3A_827, %dma_wait3A_829, %dma_wait3A_830] : memref<8x128x64xf32, #tpu.memory_space<vmem>> -> memref<1x128x64xf32, #tpu.memory_space<vmem>>
    %dma_wait3A_832 = tpu.memref_squeeze %dma_wait3A_831 : memref<1x128x64xf32, #tpu.memory_space<vmem>> -> memref<128x64xf32, #tpu.memory_space<vmem>>
    %dma_wait3A_833 = arith.constant 0 : i32
    %dma_wait3A_834 = tpu.memref_slice %arg4[%add3A_750, %dma_wait3A_833] : memref<204800x64xf32, #tpu.memory_space<hbm>> -> memref<128x64xf32, #tpu.memory_space<hbm>>
    %dma_wait3A_835 = tpu.memref_slice %arg8[%dma_wait3A_828] : memref<8x!tpu.dma_semaphore, #tpu.memory_space<semaphore_mem>> -> memref<1x!tpu.dma_semaphore, #tpu.memory_space<semaphore_mem>>
    %dma_wait3A_836 = tpu.memref_squeeze %dma_wait3A_835 : memref<1x!tpu.dma_semaphore, #tpu.memory_space<semaphore_mem>> -> memref<!tpu.dma_semaphore, #tpu.memory_space<semaphore_mem>>
    %dma_wait3A_837 = arith.constant 0 : i32
    %dma_wait3A_838 = tpu.memref_slice %arg4[%add3A_750, %dma_wait3A_837] : memref<204800x64xf32, #tpu.memory_space<hbm>> -> memref<128x64xf32, #tpu.memory_space<hbm>>
    %dma_wait3A_839 = arith.constant 0 : i32
    %dma_wait3A_840 = arith.constant 0 : i32
    %dma_wait3A_841 = tpu.memref_slice %arg6[%dma_wait3A_827, %dma_wait3A_839, %dma_wait3A_840] : memref<8x128x64xf32, #tpu.memory_space<vmem>> -> memref<1x128x64xf32, #tpu.memory_space<vmem>>
    %dma_wait3A_842 = tpu.memref_squeeze %dma_wait3A_841 : memref<1x128x64xf32, #tpu.memory_space<vmem>> -> memref<128x64xf32, #tpu.memory_space<vmem>>
    tpu.wait_dma2 semaphore(%dma_wait3A_836 : memref<!tpu.dma_semaphore, #tpu.memory_space<semaphore_mem>>) src(%dma_wait3A_842 : memref<128x64xf32, #tpu.memory_space<vmem>>) dst(%dma_wait3A_838 : memref<128x64xf32, #tpu.memory_space<hbm>>)
    %dma_start3A_843 = arith.constant 3 : i32
    %dma_start3A_844 = arith.constant 3 : i32
    %dma_start3A_845 = arith.constant 0 : i32
    %dma_start3A_846 = arith.constant 0 : i32
    %dma_start3A_847 = tpu.memref_slice %arg6[%dma_start3A_843, %dma_start3A_845, %dma_start3A_846] : memref<8x128x64xf32, #tpu.memory_space<vmem>> -> memref<1x128x64xf32, #tpu.memory_space<vmem>>
    %dma_start3A_848 = tpu.memref_squeeze %dma_start3A_847 : memref<1x128x64xf32, #tpu.memory_space<vmem>> -> memref<128x64xf32, #tpu.memory_space<vmem>>
    %dma_start3A_849 = arith.constant 2432 : i32
    %dma_start3A_850 = tpu.memref_slice %arg5[%dma_start3A_849] : memref<6400xi32, #tpu.memory_space<vmem>> -> memref<128xi32, #tpu.memory_space<vmem>>
    %dma_start3A_851 = arith.constant 0 : i32
    %dma_start3A_852 = arith.constant 0 : i32
    %dma_start3A_853 = tpu.memref_slice %arg2[%dma_start3A_851, %dma_start3A_852] : memref<1000000x64xf32, #tpu.memory_space<hbm>> -> memref<1000000x64xf32, #tpu.memory_space<hbm>>
    %dma_start3A_854 = tpu.memref_slice %arg7[%dma_start3A_844] : memref<8x!tpu.dma_semaphore, #tpu.memory_space<semaphore_mem>> -> memref<1x!tpu.dma_semaphore, #tpu.memory_space<semaphore_mem>>
    %dma_start3A_855 = tpu.memref_squeeze %dma_start3A_854 : memref<1x!tpu.dma_semaphore, #tpu.memory_space<semaphore_mem>> -> memref<!tpu.dma_semaphore, #tpu.memory_space<semaphore_mem>>
    tpu.enqueue_indirect_dma source(%dma_start3A_853 : memref<1000000x64xf32, #tpu.memory_space<hbm>>) target(%dma_start3A_848 : memref<128x64xf32, #tpu.memory_space<vmem>>) offsets(%dma_start3A_850 : memref<128xi32, #tpu.memory_space<vmem>>) semaphore(%dma_start3A_855 : memref<!tpu.dma_semaphore, #tpu.memory_space<semaphore_mem>>)
    %dma_wait3A_856 = arith.constant 5 : i32
    %dma_wait3A_857 = arith.constant 5 : i32
    %dma_wait3A_858 = arith.constant 0 : i32
    %dma_wait3A_859 = arith.constant 0 : i32
    %dma_wait3A_860 = tpu.memref_slice %arg6[%dma_wait3A_856, %dma_wait3A_858, %dma_wait3A_859] : memref<8x128x64xf32, #tpu.memory_space<vmem>> -> memref<1x128x64xf32, #tpu.memory_space<vmem>>
    %dma_wait3A_861 = tpu.memref_squeeze %dma_wait3A_860 : memref<1x128x64xf32, #tpu.memory_space<vmem>> -> memref<128x64xf32, #tpu.memory_space<vmem>>
    %dma_wait3A_862 = arith.constant 1664 : i32
    %dma_wait3A_863 = tpu.memref_slice %arg5[%dma_wait3A_862] : memref<6400xi32, #tpu.memory_space<vmem>> -> memref<128xi32, #tpu.memory_space<vmem>>
    %dma_wait3A_864 = arith.constant 0 : i32
    %dma_wait3A_865 = arith.constant 0 : i32
    %dma_wait3A_866 = tpu.memref_slice %arg2[%dma_wait3A_864, %dma_wait3A_865] : memref<1000000x64xf32, #tpu.memory_space<hbm>> -> memref<1000000x64xf32, #tpu.memory_space<hbm>>
    %dma_wait3A_867 = tpu.memref_slice %arg7[%dma_wait3A_857] : memref<8x!tpu.dma_semaphore, #tpu.memory_space<semaphore_mem>> -> memref<1x!tpu.dma_semaphore, #tpu.memory_space<semaphore_mem>>
    %dma_wait3A_868 = tpu.memref_squeeze %dma_wait3A_867 : memref<1x!tpu.dma_semaphore, #tpu.memory_space<semaphore_mem>> -> memref<!tpu.dma_semaphore, #tpu.memory_space<semaphore_mem>>
    tpu.wait_indirect_dma semaphore(%dma_wait3A_868 : memref<!tpu.dma_semaphore, #tpu.memory_space<semaphore_mem>>) src(%dma_wait3A_866 : memref<1000000x64xf32, #tpu.memory_space<hbm>>) dst(%dma_wait3A_861 : memref<128x64xf32, #tpu.memory_space<vmem>>)
    %add3A_869 = arith.constant 1664 : i32
    %add3A_870 = arith.addi %mul3A_2, %add3A_869 : i32
    %dma_start3A_871 = arith.constant 5 : i32
    %dma_start3A_872 = arith.constant 5 : i32
    %dma_start3A_873 = arith.constant 0 : i32
    %dma_start3A_874 = arith.constant 0 : i32
    %dma_start3A_875 = tpu.memref_slice %arg6[%dma_start3A_871, %dma_start3A_873, %dma_start3A_874] : memref<8x128x64xf32, #tpu.memory_space<vmem>> -> memref<1x128x64xf32, #tpu.memory_space<vmem>>
    %dma_start3A_876 = tpu.memref_squeeze %dma_start3A_875 : memref<1x128x64xf32, #tpu.memory_space<vmem>> -> memref<128x64xf32, #tpu.memory_space<vmem>>
    %dma_start3A_877 = arith.constant 0 : i32
    %dma_start3A_878 = tpu.memref_slice %arg4[%add3A_870, %dma_start3A_877] : memref<204800x64xf32, #tpu.memory_space<hbm>> -> memref<128x64xf32, #tpu.memory_space<hbm>>
    %dma_start3A_879 = tpu.memref_slice %arg8[%dma_start3A_872] : memref<8x!tpu.dma_semaphore, #tpu.memory_space<semaphore_mem>> -> memref<1x!tpu.dma_semaphore, #tpu.memory_space<semaphore_mem>>
    %dma_start3A_880 = tpu.memref_squeeze %dma_start3A_879 : memref<1x!tpu.dma_semaphore, #tpu.memory_space<semaphore_mem>> -> memref<!tpu.dma_semaphore, #tpu.memory_space<semaphore_mem>>
    %dma_start3A_881 = arith.constant 0 : i32
    %dma_start3A_882 = tpu.memref_slice %arg4[%add3A_870, %dma_start3A_881] : memref<204800x64xf32, #tpu.memory_space<hbm>> -> memref<128x64xf32, #tpu.memory_space<hbm>>
    %dma_start3A_883 = arith.constant 0 : i32
    %dma_start3A_884 = arith.constant 0 : i32
    %dma_start3A_885 = tpu.memref_slice %arg6[%dma_start3A_871, %dma_start3A_883, %dma_start3A_884] : memref<8x128x64xf32, #tpu.memory_space<vmem>> -> memref<1x128x64xf32, #tpu.memory_space<vmem>>
    %dma_start3A_886 = tpu.memref_squeeze %dma_start3A_885 : memref<1x128x64xf32, #tpu.memory_space<vmem>> -> memref<128x64xf32, #tpu.memory_space<vmem>>
    tpu.enqueue_dma source(%dma_start3A_886 : memref<128x64xf32, #tpu.memory_space<vmem>>) target(%dma_start3A_882 : memref<128x64xf32, #tpu.memory_space<hbm>>) target_semaphore(%dma_start3A_880 : memref<!tpu.dma_semaphore, #tpu.memory_space<semaphore_mem>>)
    %dma_wait3A_887 = arith.constant 4 : i32
    %dma_wait3A_888 = arith.constant 4 : i32
    %dma_wait3A_889 = arith.constant 0 : i32
    %dma_wait3A_890 = arith.constant 0 : i32
    %dma_wait3A_891 = tpu.memref_slice %arg6[%dma_wait3A_887, %dma_wait3A_889, %dma_wait3A_890] : memref<8x128x64xf32, #tpu.memory_space<vmem>> -> memref<1x128x64xf32, #tpu.memory_space<vmem>>
    %dma_wait3A_892 = tpu.memref_squeeze %dma_wait3A_891 : memref<1x128x64xf32, #tpu.memory_space<vmem>> -> memref<128x64xf32, #tpu.memory_space<vmem>>
    %dma_wait3A_893 = arith.constant 0 : i32
    %dma_wait3A_894 = tpu.memref_slice %arg4[%add3A_810, %dma_wait3A_893] : memref<204800x64xf32, #tpu.memory_space<hbm>> -> memref<128x64xf32, #tpu.memory_space<hbm>>
    %dma_wait3A_895 = tpu.memref_slice %arg8[%dma_wait3A_888] : memref<8x!tpu.dma_semaphore, #tpu.memory_space<semaphore_mem>> -> memref<1x!tpu.dma_semaphore, #tpu.memory_space<semaphore_mem>>
    %dma_wait3A_896 = tpu.memref_squeeze %dma_wait3A_895 : memref<1x!tpu.dma_semaphore, #tpu.memory_space<semaphore_mem>> -> memref<!tpu.dma_semaphore, #tpu.memory_space<semaphore_mem>>
    %dma_wait3A_897 = arith.constant 0 : i32
    %dma_wait3A_898 = tpu.memref_slice %arg4[%add3A_810, %dma_wait3A_897] : memref<204800x64xf32, #tpu.memory_space<hbm>> -> memref<128x64xf32, #tpu.memory_space<hbm>>
    %dma_wait3A_899 = arith.constant 0 : i32
    %dma_wait3A_900 = arith.constant 0 : i32
    %dma_wait3A_901 = tpu.memref_slice %arg6[%dma_wait3A_887, %dma_wait3A_899, %dma_wait3A_900] : memref<8x128x64xf32, #tpu.memory_space<vmem>> -> memref<1x128x64xf32, #tpu.memory_space<vmem>>
    %dma_wait3A_902 = tpu.memref_squeeze %dma_wait3A_901 : memref<1x128x64xf32, #tpu.memory_space<vmem>> -> memref<128x64xf32, #tpu.memory_space<vmem>>
    tpu.wait_dma2 semaphore(%dma_wait3A_896 : memref<!tpu.dma_semaphore, #tpu.memory_space<semaphore_mem>>) src(%dma_wait3A_902 : memref<128x64xf32, #tpu.memory_space<vmem>>) dst(%dma_wait3A_898 : memref<128x64xf32, #tpu.memory_space<hbm>>)
    %dma_start3A_903 = arith.constant 4 : i32
    %dma_start3A_904 = arith.constant 4 : i32
    %dma_start3A_905 = arith.constant 0 : i32
    %dma_start3A_906 = arith.constant 0 : i32
    %dma_start3A_907 = tpu.memref_slice %arg6[%dma_start3A_903, %dma_start3A_905, %dma_start3A_906] : memref<8x128x64xf32, #tpu.memory_space<vmem>> -> memref<1x128x64xf32, #tpu.memory_space<vmem>>
    %dma_start3A_908 = tpu.memref_squeeze %dma_start3A_907 : memref<1x128x64xf32, #tpu.memory_space<vmem>> -> memref<128x64xf32, #tpu.memory_space<vmem>>
    %dma_start3A_909 = arith.constant 2560 : i32
    %dma_start3A_910 = tpu.memref_slice %arg5[%dma_start3A_909] : memref<6400xi32, #tpu.memory_space<vmem>> -> memref<128xi32, #tpu.memory_space<vmem>>
    %dma_start3A_911 = arith.constant 0 : i32
    %dma_start3A_912 = arith.constant 0 : i32
    %dma_start3A_913 = tpu.memref_slice %arg2[%dma_start3A_911, %dma_start3A_912] : memref<1000000x64xf32, #tpu.memory_space<hbm>> -> memref<1000000x64xf32, #tpu.memory_space<hbm>>
    %dma_start3A_914 = tpu.memref_slice %arg7[%dma_start3A_904] : memref<8x!tpu.dma_semaphore, #tpu.memory_space<semaphore_mem>> -> memref<1x!tpu.dma_semaphore, #tpu.memory_space<semaphore_mem>>
    %dma_start3A_915 = tpu.memref_squeeze %dma_start3A_914 : memref<1x!tpu.dma_semaphore, #tpu.memory_space<semaphore_mem>> -> memref<!tpu.dma_semaphore, #tpu.memory_space<semaphore_mem>>
    tpu.enqueue_indirect_dma source(%dma_start3A_913 : memref<1000000x64xf32, #tpu.memory_space<hbm>>) target(%dma_start3A_908 : memref<128x64xf32, #tpu.memory_space<vmem>>) offsets(%dma_start3A_910 : memref<128xi32, #tpu.memory_space<vmem>>) semaphore(%dma_start3A_915 : memref<!tpu.dma_semaphore, #tpu.memory_space<semaphore_mem>>)
    %dma_wait3A_916 = arith.constant 6 : i32
    %dma_wait3A_917 = arith.constant 6 : i32
    %dma_wait3A_918 = arith.constant 0 : i32
    %dma_wait3A_919 = arith.constant 0 : i32
    %dma_wait3A_920 = tpu.memref_slice %arg6[%dma_wait3A_916, %dma_wait3A_918, %dma_wait3A_919] : memref<8x128x64xf32, #tpu.memory_space<vmem>> -> memref<1x128x64xf32, #tpu.memory_space<vmem>>
    %dma_wait3A_921 = tpu.memref_squeeze %dma_wait3A_920 : memref<1x128x64xf32, #tpu.memory_space<vmem>> -> memref<128x64xf32, #tpu.memory_space<vmem>>
    %dma_wait3A_922 = arith.constant 1792 : i32
    %dma_wait3A_923 = tpu.memref_slice %arg5[%dma_wait3A_922] : memref<6400xi32, #tpu.memory_space<vmem>> -> memref<128xi32, #tpu.memory_space<vmem>>
    %dma_wait3A_924 = arith.constant 0 : i32
    %dma_wait3A_925 = arith.constant 0 : i32
    %dma_wait3A_926 = tpu.memref_slice %arg2[%dma_wait3A_924, %dma_wait3A_925] : memref<1000000x64xf32, #tpu.memory_space<hbm>> -> memref<1000000x64xf32, #tpu.memory_space<hbm>>
    %dma_wait3A_927 = tpu.memref_slice %arg7[%dma_wait3A_917] : memref<8x!tpu.dma_semaphore, #tpu.memory_space<semaphore_mem>> -> memref<1x!tpu.dma_semaphore, #tpu.memory_space<semaphore_mem>>
    %dma_wait3A_928 = tpu.memref_squeeze %dma_wait3A_927 : memref<1x!tpu.dma_semaphore, #tpu.memory_space<semaphore_mem>> -> memref<!tpu.dma_semaphore, #tpu.memory_space<semaphore_mem>>
    tpu.wait_indirect_dma semaphore(%dma_wait3A_928 : memref<!tpu.dma_semaphore, #tpu.memory_space<semaphore_mem>>) src(%dma_wait3A_926 : memref<1000000x64xf32, #tpu.memory_space<hbm>>) dst(%dma_wait3A_921 : memref<128x64xf32, #tpu.memory_space<vmem>>)
    %add3A_929 = arith.constant 1792 : i32
    %add3A_930 = arith.addi %mul3A_2, %add3A_929 : i32
    %dma_start3A_931 = arith.constant 6 : i32
    %dma_start3A_932 = arith.constant 6 : i32
    %dma_start3A_933 = arith.constant 0 : i32
    %dma_start3A_934 = arith.constant 0 : i32
    %dma_start3A_935 = tpu.memref_slice %arg6[%dma_start3A_931, %dma_start3A_933, %dma_start3A_934] : memref<8x128x64xf32, #tpu.memory_space<vmem>> -> memref<1x128x64xf32, #tpu.memory_space<vmem>>
    %dma_start3A_936 = tpu.memref_squeeze %dma_start3A_935 : memref<1x128x64xf32, #tpu.memory_space<vmem>> -> memref<128x64xf32, #tpu.memory_space<vmem>>
    %dma_start3A_937 = arith.constant 0 : i32
    %dma_start3A_938 = tpu.memref_slice %arg4[%add3A_930, %dma_start3A_937] : memref<204800x64xf32, #tpu.memory_space<hbm>> -> memref<128x64xf32, #tpu.memory_space<hbm>>
    %dma_start3A_939 = tpu.memref_slice %arg8[%dma_start3A_932] : memref<8x!tpu.dma_semaphore, #tpu.memory_space<semaphore_mem>> -> memref<1x!tpu.dma_semaphore, #tpu.memory_space<semaphore_mem>>
    %dma_start3A_940 = tpu.memref_squeeze %dma_start3A_939 : memref<1x!tpu.dma_semaphore, #tpu.memory_space<semaphore_mem>> -> memref<!tpu.dma_semaphore, #tpu.memory_space<semaphore_mem>>
    %dma_start3A_941 = arith.constant 0 : i32
    %dma_start3A_942 = tpu.memref_slice %arg4[%add3A_930, %dma_start3A_941] : memref<204800x64xf32, #tpu.memory_space<hbm>> -> memref<128x64xf32, #tpu.memory_space<hbm>>
    %dma_start3A_943 = arith.constant 0 : i32
    %dma_start3A_944 = arith.constant 0 : i32
    %dma_start3A_945 = tpu.memref_slice %arg6[%dma_start3A_931, %dma_start3A_943, %dma_start3A_944] : memref<8x128x64xf32, #tpu.memory_space<vmem>> -> memref<1x128x64xf32, #tpu.memory_space<vmem>>
    %dma_start3A_946 = tpu.memref_squeeze %dma_start3A_945 : memref<1x128x64xf32, #tpu.memory_space<vmem>> -> memref<128x64xf32, #tpu.memory_space<vmem>>
    tpu.enqueue_dma source(%dma_start3A_946 : memref<128x64xf32, #tpu.memory_space<vmem>>) target(%dma_start3A_942 : memref<128x64xf32, #tpu.memory_space<hbm>>) target_semaphore(%dma_start3A_940 : memref<!tpu.dma_semaphore, #tpu.memory_space<semaphore_mem>>)
    %dma_wait3A_947 = arith.constant 5 : i32
    %dma_wait3A_948 = arith.constant 5 : i32
    %dma_wait3A_949 = arith.constant 0 : i32
    %dma_wait3A_950 = arith.constant 0 : i32
    %dma_wait3A_951 = tpu.memref_slice %arg6[%dma_wait3A_947, %dma_wait3A_949, %dma_wait3A_950] : memref<8x128x64xf32, #tpu.memory_space<vmem>> -> memref<1x128x64xf32, #tpu.memory_space<vmem>>
    %dma_wait3A_952 = tpu.memref_squeeze %dma_wait3A_951 : memref<1x128x64xf32, #tpu.memory_space<vmem>> -> memref<128x64xf32, #tpu.memory_space<vmem>>
    %dma_wait3A_953 = arith.constant 0 : i32
    %dma_wait3A_954 = tpu.memref_slice %arg4[%add3A_870, %dma_wait3A_953] : memref<204800x64xf32, #tpu.memory_space<hbm>> -> memref<128x64xf32, #tpu.memory_space<hbm>>
    %dma_wait3A_955 = tpu.memref_slice %arg8[%dma_wait3A_948] : memref<8x!tpu.dma_semaphore, #tpu.memory_space<semaphore_mem>> -> memref<1x!tpu.dma_semaphore, #tpu.memory_space<semaphore_mem>>
    %dma_wait3A_956 = tpu.memref_squeeze %dma_wait3A_955 : memref<1x!tpu.dma_semaphore, #tpu.memory_space<semaphore_mem>> -> memref<!tpu.dma_semaphore, #tpu.memory_space<semaphore_mem>>
    %dma_wait3A_957 = arith.constant 0 : i32
    %dma_wait3A_958 = tpu.memref_slice %arg4[%add3A_870, %dma_wait3A_957] : memref<204800x64xf32, #tpu.memory_space<hbm>> -> memref<128x64xf32, #tpu.memory_space<hbm>>
    %dma_wait3A_959 = arith.constant 0 : i32
    %dma_wait3A_960 = arith.constant 0 : i32
    %dma_wait3A_961 = tpu.memref_slice %arg6[%dma_wait3A_947, %dma_wait3A_959, %dma_wait3A_960] : memref<8x128x64xf32, #tpu.memory_space<vmem>> -> memref<1x128x64xf32, #tpu.memory_space<vmem>>
    %dma_wait3A_962 = tpu.memref_squeeze %dma_wait3A_961 : memref<1x128x64xf32, #tpu.memory_space<vmem>> -> memref<128x64xf32, #tpu.memory_space<vmem>>
    tpu.wait_dma2 semaphore(%dma_wait3A_956 : memref<!tpu.dma_semaphore, #tpu.memory_space<semaphore_mem>>) src(%dma_wait3A_962 : memref<128x64xf32, #tpu.memory_space<vmem>>) dst(%dma_wait3A_958 : memref<128x64xf32, #tpu.memory_space<hbm>>)
    %dma_start3A_963 = arith.constant 5 : i32
    %dma_start3A_964 = arith.constant 5 : i32
    %dma_start3A_965 = arith.constant 0 : i32
    %dma_start3A_966 = arith.constant 0 : i32
    %dma_start3A_967 = tpu.memref_slice %arg6[%dma_start3A_963, %dma_start3A_965, %dma_start3A_966] : memref<8x128x64xf32, #tpu.memory_space<vmem>> -> memref<1x128x64xf32, #tpu.memory_space<vmem>>
    %dma_start3A_968 = tpu.memref_squeeze %dma_start3A_967 : memref<1x128x64xf32, #tpu.memory_space<vmem>> -> memref<128x64xf32, #tpu.memory_space<vmem>>
    %dma_start3A_969 = arith.constant 2688 : i32
    %dma_start3A_970 = tpu.memref_slice %arg5[%dma_start3A_969] : memref<6400xi32, #tpu.memory_space<vmem>> -> memref<128xi32, #tpu.memory_space<vmem>>
    %dma_start3A_971 = arith.constant 0 : i32
    %dma_start3A_972 = arith.constant 0 : i32
    %dma_start3A_973 = tpu.memref_slice %arg2[%dma_start3A_971, %dma_start3A_972] : memref<1000000x64xf32, #tpu.memory_space<hbm>> -> memref<1000000x64xf32, #tpu.memory_space<hbm>>
    %dma_start3A_974 = tpu.memref_slice %arg7[%dma_start3A_964] : memref<8x!tpu.dma_semaphore, #tpu.memory_space<semaphore_mem>> -> memref<1x!tpu.dma_semaphore, #tpu.memory_space<semaphore_mem>>
    %dma_start3A_975 = tpu.memref_squeeze %dma_start3A_974 : memref<1x!tpu.dma_semaphore, #tpu.memory_space<semaphore_mem>> -> memref<!tpu.dma_semaphore, #tpu.memory_space<semaphore_mem>>
    tpu.enqueue_indirect_dma source(%dma_start3A_973 : memref<1000000x64xf32, #tpu.memory_space<hbm>>) target(%dma_start3A_968 : memref<128x64xf32, #tpu.memory_space<vmem>>) offsets(%dma_start3A_970 : memref<128xi32, #tpu.memory_space<vmem>>) semaphore(%dma_start3A_975 : memref<!tpu.dma_semaphore, #tpu.memory_space<semaphore_mem>>)
    %dma_wait3A_976 = arith.constant 7 : i32
    %dma_wait3A_977 = arith.constant 7 : i32
    %dma_wait3A_978 = arith.constant 0 : i32
    %dma_wait3A_979 = arith.constant 0 : i32
    %dma_wait3A_980 = tpu.memref_slice %arg6[%dma_wait3A_976, %dma_wait3A_978, %dma_wait3A_979] : memref<8x128x64xf32, #tpu.memory_space<vmem>> -> memref<1x128x64xf32, #tpu.memory_space<vmem>>
    %dma_wait3A_981 = tpu.memref_squeeze %dma_wait3A_980 : memref<1x128x64xf32, #tpu.memory_space<vmem>> -> memref<128x64xf32, #tpu.memory_space<vmem>>
    %dma_wait3A_982 = arith.constant 1920 : i32
    %dma_wait3A_983 = tpu.memref_slice %arg5[%dma_wait3A_982] : memref<6400xi32, #tpu.memory_space<vmem>> -> memref<128xi32, #tpu.memory_space<vmem>>
    %dma_wait3A_984 = arith.constant 0 : i32
    %dma_wait3A_985 = arith.constant 0 : i32
    %dma_wait3A_986 = tpu.memref_slice %arg2[%dma_wait3A_984, %dma_wait3A_985] : memref<1000000x64xf32, #tpu.memory_space<hbm>> -> memref<1000000x64xf32, #tpu.memory_space<hbm>>
    %dma_wait3A_987 = tpu.memref_slice %arg7[%dma_wait3A_977] : memref<8x!tpu.dma_semaphore, #tpu.memory_space<semaphore_mem>> -> memref<1x!tpu.dma_semaphore, #tpu.memory_space<semaphore_mem>>
    %dma_wait3A_988 = tpu.memref_squeeze %dma_wait3A_987 : memref<1x!tpu.dma_semaphore, #tpu.memory_space<semaphore_mem>> -> memref<!tpu.dma_semaphore, #tpu.memory_space<semaphore_mem>>
    tpu.wait_indirect_dma semaphore(%dma_wait3A_988 : memref<!tpu.dma_semaphore, #tpu.memory_space<semaphore_mem>>) src(%dma_wait3A_986 : memref<1000000x64xf32, #tpu.memory_space<hbm>>) dst(%dma_wait3A_981 : memref<128x64xf32, #tpu.memory_space<vmem>>)
    %add3A_989 = arith.constant 1920 : i32
    %add3A_990 = arith.addi %mul3A_2, %add3A_989 : i32
    %dma_start3A_991 = arith.constant 7 : i32
    %dma_start3A_992 = arith.constant 7 : i32
    %dma_start3A_993 = arith.constant 0 : i32
    %dma_start3A_994 = arith.constant 0 : i32
    %dma_start3A_995 = tpu.memref_slice %arg6[%dma_start3A_991, %dma_start3A_993, %dma_start3A_994] : memref<8x128x64xf32, #tpu.memory_space<vmem>> -> memref<1x128x64xf32, #tpu.memory_space<vmem>>
    %dma_start3A_996 = tpu.memref_squeeze %dma_start3A_995 : memref<1x128x64xf32, #tpu.memory_space<vmem>> -> memref<128x64xf32, #tpu.memory_space<vmem>>
    %dma_start3A_997 = arith.constant 0 : i32
    %dma_start3A_998 = tpu.memref_slice %arg4[%add3A_990, %dma_start3A_997] : memref<204800x64xf32, #tpu.memory_space<hbm>> -> memref<128x64xf32, #tpu.memory_space<hbm>>
    %dma_start3A_999 = tpu.memref_slice %arg8[%dma_start3A_992] : memref<8x!tpu.dma_semaphore, #tpu.memory_space<semaphore_mem>> -> memref<1x!tpu.dma_semaphore, #tpu.memory_space<semaphore_mem>>
    %dma_start3A_1000 = tpu.memref_squeeze %dma_start3A_999 : memref<1x!tpu.dma_semaphore, #tpu.memory_space<semaphore_mem>> -> memref<!tpu.dma_semaphore, #tpu.memory_space<semaphore_mem>>
    %dma_start3A_1001 = arith.constant 0 : i32
    %dma_start3A_1002 = tpu.memref_slice %arg4[%add3A_990, %dma_start3A_1001] : memref<204800x64xf32, #tpu.memory_space<hbm>> -> memref<128x64xf32, #tpu.memory_space<hbm>>
    %dma_start3A_1003 = arith.constant 0 : i32
    %dma_start3A_1004 = arith.constant 0 : i32
    %dma_start3A_1005 = tpu.memref_slice %arg6[%dma_start3A_991, %dma_start3A_1003, %dma_start3A_1004] : memref<8x128x64xf32, #tpu.memory_space<vmem>> -> memref<1x128x64xf32, #tpu.memory_space<vmem>>
    %dma_start3A_1006 = tpu.memref_squeeze %dma_start3A_1005 : memref<1x128x64xf32, #tpu.memory_space<vmem>> -> memref<128x64xf32, #tpu.memory_space<vmem>>
    tpu.enqueue_dma source(%dma_start3A_1006 : memref<128x64xf32, #tpu.memory_space<vmem>>) target(%dma_start3A_1002 : memref<128x64xf32, #tpu.memory_space<hbm>>) target_semaphore(%dma_start3A_1000 : memref<!tpu.dma_semaphore, #tpu.memory_space<semaphore_mem>>)
    %dma_wait3A_1007 = arith.constant 6 : i32
    %dma_wait3A_1008 = arith.constant 6 : i32
    %dma_wait3A_1009 = arith.constant 0 : i32
    %dma_wait3A_1010 = arith.constant 0 : i32
    %dma_wait3A_1011 = tpu.memref_slice %arg6[%dma_wait3A_1007, %dma_wait3A_1009, %dma_wait3A_1010] : memref<8x128x64xf32, #tpu.memory_space<vmem>> -> memref<1x128x64xf32, #tpu.memory_space<vmem>>
    %dma_wait3A_1012 = tpu.memref_squeeze %dma_wait3A_1011 : memref<1x128x64xf32, #tpu.memory_space<vmem>> -> memref<128x64xf32, #tpu.memory_space<vmem>>
    %dma_wait3A_1013 = arith.constant 0 : i32
    %dma_wait3A_1014 = tpu.memref_slice %arg4[%add3A_930, %dma_wait3A_1013] : memref<204800x64xf32, #tpu.memory_space<hbm>> -> memref<128x64xf32, #tpu.memory_space<hbm>>
    %dma_wait3A_1015 = tpu.memref_slice %arg8[%dma_wait3A_1008] : memref<8x!tpu.dma_semaphore, #tpu.memory_space<semaphore_mem>> -> memref<1x!tpu.dma_semaphore, #tpu.memory_space<semaphore_mem>>
    %dma_wait3A_1016 = tpu.memref_squeeze %dma_wait3A_1015 : memref<1x!tpu.dma_semaphore, #tpu.memory_space<semaphore_mem>> -> memref<!tpu.dma_semaphore, #tpu.memory_space<semaphore_mem>>
    %dma_wait3A_1017 = arith.constant 0 : i32
    %dma_wait3A_1018 = tpu.memref_slice %arg4[%add3A_930, %dma_wait3A_1017] : memref<204800x64xf32, #tpu.memory_space<hbm>> -> memref<128x64xf32, #tpu.memory_space<hbm>>
    %dma_wait3A_1019 = arith.constant 0 : i32
    %dma_wait3A_1020 = arith.constant 0 : i32
    %dma_wait3A_1021 = tpu.memref_slice %arg6[%dma_wait3A_1007, %dma_wait3A_1019, %dma_wait3A_1020] : memref<8x128x64xf32, #tpu.memory_space<vmem>> -> memref<1x128x64xf32, #tpu.memory_space<vmem>>
    %dma_wait3A_1022 = tpu.memref_squeeze %dma_wait3A_1021 : memref<1x128x64xf32, #tpu.memory_space<vmem>> -> memref<128x64xf32, #tpu.memory_space<vmem>>
    tpu.wait_dma2 semaphore(%dma_wait3A_1016 : memref<!tpu.dma_semaphore, #tpu.memory_space<semaphore_mem>>) src(%dma_wait3A_1022 : memref<128x64xf32, #tpu.memory_space<vmem>>) dst(%dma_wait3A_1018 : memref<128x64xf32, #tpu.memory_space<hbm>>)
    %dma_start3A_1023 = arith.constant 6 : i32
    %dma_start3A_1024 = arith.constant 6 : i32
    %dma_start3A_1025 = arith.constant 0 : i32
    %dma_start3A_1026 = arith.constant 0 : i32
    %dma_start3A_1027 = tpu.memref_slice %arg6[%dma_start3A_1023, %dma_start3A_1025, %dma_start3A_1026] : memref<8x128x64xf32, #tpu.memory_space<vmem>> -> memref<1x128x64xf32, #tpu.memory_space<vmem>>
    %dma_start3A_1028 = tpu.memref_squeeze %dma_start3A_1027 : memref<1x128x64xf32, #tpu.memory_space<vmem>> -> memref<128x64xf32, #tpu.memory_space<vmem>>
    %dma_start3A_1029 = arith.constant 2816 : i32
    %dma_start3A_1030 = tpu.memref_slice %arg5[%dma_start3A_1029] : memref<6400xi32, #tpu.memory_space<vmem>> -> memref<128xi32, #tpu.memory_space<vmem>>
    %dma_start3A_1031 = arith.constant 0 : i32
    %dma_start3A_1032 = arith.constant 0 : i32
    %dma_start3A_1033 = tpu.memref_slice %arg2[%dma_start3A_1031, %dma_start3A_1032] : memref<1000000x64xf32, #tpu.memory_space<hbm>> -> memref<1000000x64xf32, #tpu.memory_space<hbm>>
    %dma_start3A_1034 = tpu.memref_slice %arg7[%dma_start3A_1024] : memref<8x!tpu.dma_semaphore, #tpu.memory_space<semaphore_mem>> -> memref<1x!tpu.dma_semaphore, #tpu.memory_space<semaphore_mem>>
    %dma_start3A_1035 = tpu.memref_squeeze %dma_start3A_1034 : memref<1x!tpu.dma_semaphore, #tpu.memory_space<semaphore_mem>> -> memref<!tpu.dma_semaphore, #tpu.memory_space<semaphore_mem>>
    tpu.enqueue_indirect_dma source(%dma_start3A_1033 : memref<1000000x64xf32, #tpu.memory_space<hbm>>) target(%dma_start3A_1028 : memref<128x64xf32, #tpu.memory_space<vmem>>) offsets(%dma_start3A_1030 : memref<128xi32, #tpu.memory_space<vmem>>) semaphore(%dma_start3A_1035 : memref<!tpu.dma_semaphore, #tpu.memory_space<semaphore_mem>>)
    %dma_wait3A_1036 = arith.constant 0 : i32
    %dma_wait3A_1037 = arith.constant 0 : i32
    %dma_wait3A_1038 = arith.constant 0 : i32
    %dma_wait3A_1039 = arith.constant 0 : i32
    %dma_wait3A_1040 = tpu.memref_slice %arg6[%dma_wait3A_1036, %dma_wait3A_1038, %dma_wait3A_1039] : memref<8x128x64xf32, #tpu.memory_space<vmem>> -> memref<1x128x64xf32, #tpu.memory_space<vmem>>
    %dma_wait3A_1041 = tpu.memref_squeeze %dma_wait3A_1040 : memref<1x128x64xf32, #tpu.memory_space<vmem>> -> memref<128x64xf32, #tpu.memory_space<vmem>>
    %dma_wait3A_1042 = arith.constant 2048 : i32
    %dma_wait3A_1043 = tpu.memref_slice %arg5[%dma_wait3A_1042] : memref<6400xi32, #tpu.memory_space<vmem>> -> memref<128xi32, #tpu.memory_space<vmem>>
    %dma_wait3A_1044 = arith.constant 0 : i32
    %dma_wait3A_1045 = arith.constant 0 : i32
    %dma_wait3A_1046 = tpu.memref_slice %arg2[%dma_wait3A_1044, %dma_wait3A_1045] : memref<1000000x64xf32, #tpu.memory_space<hbm>> -> memref<1000000x64xf32, #tpu.memory_space<hbm>>
    %dma_wait3A_1047 = tpu.memref_slice %arg7[%dma_wait3A_1037] : memref<8x!tpu.dma_semaphore, #tpu.memory_space<semaphore_mem>> -> memref<1x!tpu.dma_semaphore, #tpu.memory_space<semaphore_mem>>
    %dma_wait3A_1048 = tpu.memref_squeeze %dma_wait3A_1047 : memref<1x!tpu.dma_semaphore, #tpu.memory_space<semaphore_mem>> -> memref<!tpu.dma_semaphore, #tpu.memory_space<semaphore_mem>>
    tpu.wait_indirect_dma semaphore(%dma_wait3A_1048 : memref<!tpu.dma_semaphore, #tpu.memory_space<semaphore_mem>>) src(%dma_wait3A_1046 : memref<1000000x64xf32, #tpu.memory_space<hbm>>) dst(%dma_wait3A_1041 : memref<128x64xf32, #tpu.memory_space<vmem>>)
    %add3A_1049 = arith.constant 2048 : i32
    %add3A_1050 = arith.addi %mul3A_2, %add3A_1049 : i32
    %dma_start3A_1051 = arith.constant 0 : i32
    %dma_start3A_1052 = arith.constant 0 : i32
    %dma_start3A_1053 = arith.constant 0 : i32
    %dma_start3A_1054 = arith.constant 0 : i32
    %dma_start3A_1055 = tpu.memref_slice %arg6[%dma_start3A_1051, %dma_start3A_1053, %dma_start3A_1054] : memref<8x128x64xf32, #tpu.memory_space<vmem>> -> memref<1x128x64xf32, #tpu.memory_space<vmem>>
    %dma_start3A_1056 = tpu.memref_squeeze %dma_start3A_1055 : memref<1x128x64xf32, #tpu.memory_space<vmem>> -> memref<128x64xf32, #tpu.memory_space<vmem>>
    %dma_start3A_1057 = arith.constant 0 : i32
    %dma_start3A_1058 = tpu.memref_slice %arg4[%add3A_1050, %dma_start3A_1057] : memref<204800x64xf32, #tpu.memory_space<hbm>> -> memref<128x64xf32, #tpu.memory_space<hbm>>
    %dma_start3A_1059 = tpu.memref_slice %arg8[%dma_start3A_1052] : memref<8x!tpu.dma_semaphore, #tpu.memory_space<semaphore_mem>> -> memref<1x!tpu.dma_semaphore, #tpu.memory_space<semaphore_mem>>
    %dma_start3A_1060 = tpu.memref_squeeze %dma_start3A_1059 : memref<1x!tpu.dma_semaphore, #tpu.memory_space<semaphore_mem>> -> memref<!tpu.dma_semaphore, #tpu.memory_space<semaphore_mem>>
    %dma_start3A_1061 = arith.constant 0 : i32
    %dma_start3A_1062 = tpu.memref_slice %arg4[%add3A_1050, %dma_start3A_1061] : memref<204800x64xf32, #tpu.memory_space<hbm>> -> memref<128x64xf32, #tpu.memory_space<hbm>>
    %dma_start3A_1063 = arith.constant 0 : i32
    %dma_start3A_1064 = arith.constant 0 : i32
    %dma_start3A_1065 = tpu.memref_slice %arg6[%dma_start3A_1051, %dma_start3A_1063, %dma_start3A_1064] : memref<8x128x64xf32, #tpu.memory_space<vmem>> -> memref<1x128x64xf32, #tpu.memory_space<vmem>>
    %dma_start3A_1066 = tpu.memref_squeeze %dma_start3A_1065 : memref<1x128x64xf32, #tpu.memory_space<vmem>> -> memref<128x64xf32, #tpu.memory_space<vmem>>
    tpu.enqueue_dma source(%dma_start3A_1066 : memref<128x64xf32, #tpu.memory_space<vmem>>) target(%dma_start3A_1062 : memref<128x64xf32, #tpu.memory_space<hbm>>) target_semaphore(%dma_start3A_1060 : memref<!tpu.dma_semaphore, #tpu.memory_space<semaphore_mem>>)
    %dma_wait3A_1067 = arith.constant 7 : i32
    %dma_wait3A_1068 = arith.constant 7 : i32
    %dma_wait3A_1069 = arith.constant 0 : i32
    %dma_wait3A_1070 = arith.constant 0 : i32
    %dma_wait3A_1071 = tpu.memref_slice %arg6[%dma_wait3A_1067, %dma_wait3A_1069, %dma_wait3A_1070] : memref<8x128x64xf32, #tpu.memory_space<vmem>> -> memref<1x128x64xf32, #tpu.memory_space<vmem>>
    %dma_wait3A_1072 = tpu.memref_squeeze %dma_wait3A_1071 : memref<1x128x64xf32, #tpu.memory_space<vmem>> -> memref<128x64xf32, #tpu.memory_space<vmem>>
    %dma_wait3A_1073 = arith.constant 0 : i32
    %dma_wait3A_1074 = tpu.memref_slice %arg4[%add3A_990, %dma_wait3A_1073] : memref<204800x64xf32, #tpu.memory_space<hbm>> -> memref<128x64xf32, #tpu.memory_space<hbm>>
    %dma_wait3A_1075 = tpu.memref_slice %arg8[%dma_wait3A_1068] : memref<8x!tpu.dma_semaphore, #tpu.memory_space<semaphore_mem>> -> memref<1x!tpu.dma_semaphore, #tpu.memory_space<semaphore_mem>>
    %dma_wait3A_1076 = tpu.memref_squeeze %dma_wait3A_1075 : memref<1x!tpu.dma_semaphore, #tpu.memory_space<semaphore_mem>> -> memref<!tpu.dma_semaphore, #tpu.memory_space<semaphore_mem>>
    %dma_wait3A_1077 = arith.constant 0 : i32
    %dma_wait3A_1078 = tpu.memref_slice %arg4[%add3A_990, %dma_wait3A_1077] : memref<204800x64xf32, #tpu.memory_space<hbm>> -> memref<128x64xf32, #tpu.memory_space<hbm>>
    %dma_wait3A_1079 = arith.constant 0 : i32
    %dma_wait3A_1080 = arith.constant 0 : i32
    %dma_wait3A_1081 = tpu.memref_slice %arg6[%dma_wait3A_1067, %dma_wait3A_1079, %dma_wait3A_1080] : memref<8x128x64xf32, #tpu.memory_space<vmem>> -> memref<1x128x64xf32, #tpu.memory_space<vmem>>
    %dma_wait3A_1082 = tpu.memref_squeeze %dma_wait3A_1081 : memref<1x128x64xf32, #tpu.memory_space<vmem>> -> memref<128x64xf32, #tpu.memory_space<vmem>>
    tpu.wait_dma2 semaphore(%dma_wait3A_1076 : memref<!tpu.dma_semaphore, #tpu.memory_space<semaphore_mem>>) src(%dma_wait3A_1082 : memref<128x64xf32, #tpu.memory_space<vmem>>) dst(%dma_wait3A_1078 : memref<128x64xf32, #tpu.memory_space<hbm>>)
    %dma_start3A_1083 = arith.constant 7 : i32
    %dma_start3A_1084 = arith.constant 7 : i32
    %dma_start3A_1085 = arith.constant 0 : i32
    %dma_start3A_1086 = arith.constant 0 : i32
    %dma_start3A_1087 = tpu.memref_slice %arg6[%dma_start3A_1083, %dma_start3A_1085, %dma_start3A_1086] : memref<8x128x64xf32, #tpu.memory_space<vmem>> -> memref<1x128x64xf32, #tpu.memory_space<vmem>>
    %dma_start3A_1088 = tpu.memref_squeeze %dma_start3A_1087 : memref<1x128x64xf32, #tpu.memory_space<vmem>> -> memref<128x64xf32, #tpu.memory_space<vmem>>
    %dma_start3A_1089 = arith.constant 2944 : i32
    %dma_start3A_1090 = tpu.memref_slice %arg5[%dma_start3A_1089] : memref<6400xi32, #tpu.memory_space<vmem>> -> memref<128xi32, #tpu.memory_space<vmem>>
    %dma_start3A_1091 = arith.constant 0 : i32
    %dma_start3A_1092 = arith.constant 0 : i32
    %dma_start3A_1093 = tpu.memref_slice %arg2[%dma_start3A_1091, %dma_start3A_1092] : memref<1000000x64xf32, #tpu.memory_space<hbm>> -> memref<1000000x64xf32, #tpu.memory_space<hbm>>
    %dma_start3A_1094 = tpu.memref_slice %arg7[%dma_start3A_1084] : memref<8x!tpu.dma_semaphore, #tpu.memory_space<semaphore_mem>> -> memref<1x!tpu.dma_semaphore, #tpu.memory_space<semaphore_mem>>
    %dma_start3A_1095 = tpu.memref_squeeze %dma_start3A_1094 : memref<1x!tpu.dma_semaphore, #tpu.memory_space<semaphore_mem>> -> memref<!tpu.dma_semaphore, #tpu.memory_space<semaphore_mem>>
    tpu.enqueue_indirect_dma source(%dma_start3A_1093 : memref<1000000x64xf32, #tpu.memory_space<hbm>>) target(%dma_start3A_1088 : memref<128x64xf32, #tpu.memory_space<vmem>>) offsets(%dma_start3A_1090 : memref<128xi32, #tpu.memory_space<vmem>>) semaphore(%dma_start3A_1095 : memref<!tpu.dma_semaphore, #tpu.memory_space<semaphore_mem>>)
    %dma_wait3A_1096 = arith.constant 1 : i32
    %dma_wait3A_1097 = arith.constant 1 : i32
    %dma_wait3A_1098 = arith.constant 0 : i32
    %dma_wait3A_1099 = arith.constant 0 : i32
    %dma_wait3A_1100 = tpu.memref_slice %arg6[%dma_wait3A_1096, %dma_wait3A_1098, %dma_wait3A_1099] : memref<8x128x64xf32, #tpu.memory_space<vmem>> -> memref<1x128x64xf32, #tpu.memory_space<vmem>>
    %dma_wait3A_1101 = tpu.memref_squeeze %dma_wait3A_1100 : memref<1x128x64xf32, #tpu.memory_space<vmem>> -> memref<128x64xf32, #tpu.memory_space<vmem>>
    %dma_wait3A_1102 = arith.constant 2176 : i32
    %dma_wait3A_1103 = tpu.memref_slice %arg5[%dma_wait3A_1102] : memref<6400xi32, #tpu.memory_space<vmem>> -> memref<128xi32, #tpu.memory_space<vmem>>
    %dma_wait3A_1104 = arith.constant 0 : i32
    %dma_wait3A_1105 = arith.constant 0 : i32
    %dma_wait3A_1106 = tpu.memref_slice %arg2[%dma_wait3A_1104, %dma_wait3A_1105] : memref<1000000x64xf32, #tpu.memory_space<hbm>> -> memref<1000000x64xf32, #tpu.memory_space<hbm>>
    %dma_wait3A_1107 = tpu.memref_slice %arg7[%dma_wait3A_1097] : memref<8x!tpu.dma_semaphore, #tpu.memory_space<semaphore_mem>> -> memref<1x!tpu.dma_semaphore, #tpu.memory_space<semaphore_mem>>
    %dma_wait3A_1108 = tpu.memref_squeeze %dma_wait3A_1107 : memref<1x!tpu.dma_semaphore, #tpu.memory_space<semaphore_mem>> -> memref<!tpu.dma_semaphore, #tpu.memory_space<semaphore_mem>>
    tpu.wait_indirect_dma semaphore(%dma_wait3A_1108 : memref<!tpu.dma_semaphore, #tpu.memory_space<semaphore_mem>>) src(%dma_wait3A_1106 : memref<1000000x64xf32, #tpu.memory_space<hbm>>) dst(%dma_wait3A_1101 : memref<128x64xf32, #tpu.memory_space<vmem>>)
    %add3A_1109 = arith.constant 2176 : i32
    %add3A_1110 = arith.addi %mul3A_2, %add3A_1109 : i32
    %dma_start3A_1111 = arith.constant 1 : i32
    %dma_start3A_1112 = arith.constant 1 : i32
    %dma_start3A_1113 = arith.constant 0 : i32
    %dma_start3A_1114 = arith.constant 0 : i32
    %dma_start3A_1115 = tpu.memref_slice %arg6[%dma_start3A_1111, %dma_start3A_1113, %dma_start3A_1114] : memref<8x128x64xf32, #tpu.memory_space<vmem>> -> memref<1x128x64xf32, #tpu.memory_space<vmem>>
    %dma_start3A_1116 = tpu.memref_squeeze %dma_start3A_1115 : memref<1x128x64xf32, #tpu.memory_space<vmem>> -> memref<128x64xf32, #tpu.memory_space<vmem>>
    %dma_start3A_1117 = arith.constant 0 : i32
    %dma_start3A_1118 = tpu.memref_slice %arg4[%add3A_1110, %dma_start3A_1117] : memref<204800x64xf32, #tpu.memory_space<hbm>> -> memref<128x64xf32, #tpu.memory_space<hbm>>
    %dma_start3A_1119 = tpu.memref_slice %arg8[%dma_start3A_1112] : memref<8x!tpu.dma_semaphore, #tpu.memory_space<semaphore_mem>> -> memref<1x!tpu.dma_semaphore, #tpu.memory_space<semaphore_mem>>
    %dma_start3A_1120 = tpu.memref_squeeze %dma_start3A_1119 : memref<1x!tpu.dma_semaphore, #tpu.memory_space<semaphore_mem>> -> memref<!tpu.dma_semaphore, #tpu.memory_space<semaphore_mem>>
    %dma_start3A_1121 = arith.constant 0 : i32
    %dma_start3A_1122 = tpu.memref_slice %arg4[%add3A_1110, %dma_start3A_1121] : memref<204800x64xf32, #tpu.memory_space<hbm>> -> memref<128x64xf32, #tpu.memory_space<hbm>>
    %dma_start3A_1123 = arith.constant 0 : i32
    %dma_start3A_1124 = arith.constant 0 : i32
    %dma_start3A_1125 = tpu.memref_slice %arg6[%dma_start3A_1111, %dma_start3A_1123, %dma_start3A_1124] : memref<8x128x64xf32, #tpu.memory_space<vmem>> -> memref<1x128x64xf32, #tpu.memory_space<vmem>>
    %dma_start3A_1126 = tpu.memref_squeeze %dma_start3A_1125 : memref<1x128x64xf32, #tpu.memory_space<vmem>> -> memref<128x64xf32, #tpu.memory_space<vmem>>
    tpu.enqueue_dma source(%dma_start3A_1126 : memref<128x64xf32, #tpu.memory_space<vmem>>) target(%dma_start3A_1122 : memref<128x64xf32, #tpu.memory_space<hbm>>) target_semaphore(%dma_start3A_1120 : memref<!tpu.dma_semaphore, #tpu.memory_space<semaphore_mem>>)
    %dma_wait3A_1127 = arith.constant 0 : i32
    %dma_wait3A_1128 = arith.constant 0 : i32
    %dma_wait3A_1129 = arith.constant 0 : i32
    %dma_wait3A_1130 = arith.constant 0 : i32
    %dma_wait3A_1131 = tpu.memref_slice %arg6[%dma_wait3A_1127, %dma_wait3A_1129, %dma_wait3A_1130] : memref<8x128x64xf32, #tpu.memory_space<vmem>> -> memref<1x128x64xf32, #tpu.memory_space<vmem>>
    %dma_wait3A_1132 = tpu.memref_squeeze %dma_wait3A_1131 : memref<1x128x64xf32, #tpu.memory_space<vmem>> -> memref<128x64xf32, #tpu.memory_space<vmem>>
    %dma_wait3A_1133 = arith.constant 0 : i32
    %dma_wait3A_1134 = tpu.memref_slice %arg4[%add3A_1050, %dma_wait3A_1133] : memref<204800x64xf32, #tpu.memory_space<hbm>> -> memref<128x64xf32, #tpu.memory_space<hbm>>
    %dma_wait3A_1135 = tpu.memref_slice %arg8[%dma_wait3A_1128] : memref<8x!tpu.dma_semaphore, #tpu.memory_space<semaphore_mem>> -> memref<1x!tpu.dma_semaphore, #tpu.memory_space<semaphore_mem>>
    %dma_wait3A_1136 = tpu.memref_squeeze %dma_wait3A_1135 : memref<1x!tpu.dma_semaphore, #tpu.memory_space<semaphore_mem>> -> memref<!tpu.dma_semaphore, #tpu.memory_space<semaphore_mem>>
    %dma_wait3A_1137 = arith.constant 0 : i32
    %dma_wait3A_1138 = tpu.memref_slice %arg4[%add3A_1050, %dma_wait3A_1137] : memref<204800x64xf32, #tpu.memory_space<hbm>> -> memref<128x64xf32, #tpu.memory_space<hbm>>
    %dma_wait3A_1139 = arith.constant 0 : i32
    %dma_wait3A_1140 = arith.constant 0 : i32
    %dma_wait3A_1141 = tpu.memref_slice %arg6[%dma_wait3A_1127, %dma_wait3A_1139, %dma_wait3A_1140] : memref<8x128x64xf32, #tpu.memory_space<vmem>> -> memref<1x128x64xf32, #tpu.memory_space<vmem>>
    %dma_wait3A_1142 = tpu.memref_squeeze %dma_wait3A_1141 : memref<1x128x64xf32, #tpu.memory_space<vmem>> -> memref<128x64xf32, #tpu.memory_space<vmem>>
    tpu.wait_dma2 semaphore(%dma_wait3A_1136 : memref<!tpu.dma_semaphore, #tpu.memory_space<semaphore_mem>>) src(%dma_wait3A_1142 : memref<128x64xf32, #tpu.memory_space<vmem>>) dst(%dma_wait3A_1138 : memref<128x64xf32, #tpu.memory_space<hbm>>)
    %dma_start3A_1143 = arith.constant 0 : i32
    %dma_start3A_1144 = arith.constant 0 : i32
    %dma_start3A_1145 = arith.constant 0 : i32
    %dma_start3A_1146 = arith.constant 0 : i32
    %dma_start3A_1147 = tpu.memref_slice %arg6[%dma_start3A_1143, %dma_start3A_1145, %dma_start3A_1146] : memref<8x128x64xf32, #tpu.memory_space<vmem>> -> memref<1x128x64xf32, #tpu.memory_space<vmem>>
    %dma_start3A_1148 = tpu.memref_squeeze %dma_start3A_1147 : memref<1x128x64xf32, #tpu.memory_space<vmem>> -> memref<128x64xf32, #tpu.memory_space<vmem>>
    %dma_start3A_1149 = arith.constant 3072 : i32
    %dma_start3A_1150 = tpu.memref_slice %arg5[%dma_start3A_1149] : memref<6400xi32, #tpu.memory_space<vmem>> -> memref<128xi32, #tpu.memory_space<vmem>>
    %dma_start3A_1151 = arith.constant 0 : i32
    %dma_start3A_1152 = arith.constant 0 : i32
    %dma_start3A_1153 = tpu.memref_slice %arg2[%dma_start3A_1151, %dma_start3A_1152] : memref<1000000x64xf32, #tpu.memory_space<hbm>> -> memref<1000000x64xf32, #tpu.memory_space<hbm>>
    %dma_start3A_1154 = tpu.memref_slice %arg7[%dma_start3A_1144] : memref<8x!tpu.dma_semaphore, #tpu.memory_space<semaphore_mem>> -> memref<1x!tpu.dma_semaphore, #tpu.memory_space<semaphore_mem>>
    %dma_start3A_1155 = tpu.memref_squeeze %dma_start3A_1154 : memref<1x!tpu.dma_semaphore, #tpu.memory_space<semaphore_mem>> -> memref<!tpu.dma_semaphore, #tpu.memory_space<semaphore_mem>>
    tpu.enqueue_indirect_dma source(%dma_start3A_1153 : memref<1000000x64xf32, #tpu.memory_space<hbm>>) target(%dma_start3A_1148 : memref<128x64xf32, #tpu.memory_space<vmem>>) offsets(%dma_start3A_1150 : memref<128xi32, #tpu.memory_space<vmem>>) semaphore(%dma_start3A_1155 : memref<!tpu.dma_semaphore, #tpu.memory_space<semaphore_mem>>)
    %dma_wait3A_1156 = arith.constant 2 : i32
    %dma_wait3A_1157 = arith.constant 2 : i32
    %dma_wait3A_1158 = arith.constant 0 : i32
    %dma_wait3A_1159 = arith.constant 0 : i32
    %dma_wait3A_1160 = tpu.memref_slice %arg6[%dma_wait3A_1156, %dma_wait3A_1158, %dma_wait3A_1159] : memref<8x128x64xf32, #tpu.memory_space<vmem>> -> memref<1x128x64xf32, #tpu.memory_space<vmem>>
    %dma_wait3A_1161 = tpu.memref_squeeze %dma_wait3A_1160 : memref<1x128x64xf32, #tpu.memory_space<vmem>> -> memref<128x64xf32, #tpu.memory_space<vmem>>
    %dma_wait3A_1162 = arith.constant 2304 : i32
    %dma_wait3A_1163 = tpu.memref_slice %arg5[%dma_wait3A_1162] : memref<6400xi32, #tpu.memory_space<vmem>> -> memref<128xi32, #tpu.memory_space<vmem>>
    %dma_wait3A_1164 = arith.constant 0 : i32
    %dma_wait3A_1165 = arith.constant 0 : i32
    %dma_wait3A_1166 = tpu.memref_slice %arg2[%dma_wait3A_1164, %dma_wait3A_1165] : memref<1000000x64xf32, #tpu.memory_space<hbm>> -> memref<1000000x64xf32, #tpu.memory_space<hbm>>
    %dma_wait3A_1167 = tpu.memref_slice %arg7[%dma_wait3A_1157] : memref<8x!tpu.dma_semaphore, #tpu.memory_space<semaphore_mem>> -> memref<1x!tpu.dma_semaphore, #tpu.memory_space<semaphore_mem>>
    %dma_wait3A_1168 = tpu.memref_squeeze %dma_wait3A_1167 : memref<1x!tpu.dma_semaphore, #tpu.memory_space<semaphore_mem>> -> memref<!tpu.dma_semaphore, #tpu.memory_space<semaphore_mem>>
    tpu.wait_indirect_dma semaphore(%dma_wait3A_1168 : memref<!tpu.dma_semaphore, #tpu.memory_space<semaphore_mem>>) src(%dma_wait3A_1166 : memref<1000000x64xf32, #tpu.memory_space<hbm>>) dst(%dma_wait3A_1161 : memref<128x64xf32, #tpu.memory_space<vmem>>)
    %add3A_1169 = arith.constant 2304 : i32
    %add3A_1170 = arith.addi %mul3A_2, %add3A_1169 : i32
    %dma_start3A_1171 = arith.constant 2 : i32
    %dma_start3A_1172 = arith.constant 2 : i32
    %dma_start3A_1173 = arith.constant 0 : i32
    %dma_start3A_1174 = arith.constant 0 : i32
    %dma_start3A_1175 = tpu.memref_slice %arg6[%dma_start3A_1171, %dma_start3A_1173, %dma_start3A_1174] : memref<8x128x64xf32, #tpu.memory_space<vmem>> -> memref<1x128x64xf32, #tpu.memory_space<vmem>>
    %dma_start3A_1176 = tpu.memref_squeeze %dma_start3A_1175 : memref<1x128x64xf32, #tpu.memory_space<vmem>> -> memref<128x64xf32, #tpu.memory_space<vmem>>
    %dma_start3A_1177 = arith.constant 0 : i32
    %dma_start3A_1178 = tpu.memref_slice %arg4[%add3A_1170, %dma_start3A_1177] : memref<204800x64xf32, #tpu.memory_space<hbm>> -> memref<128x64xf32, #tpu.memory_space<hbm>>
    %dma_start3A_1179 = tpu.memref_slice %arg8[%dma_start3A_1172] : memref<8x!tpu.dma_semaphore, #tpu.memory_space<semaphore_mem>> -> memref<1x!tpu.dma_semaphore, #tpu.memory_space<semaphore_mem>>
    %dma_start3A_1180 = tpu.memref_squeeze %dma_start3A_1179 : memref<1x!tpu.dma_semaphore, #tpu.memory_space<semaphore_mem>> -> memref<!tpu.dma_semaphore, #tpu.memory_space<semaphore_mem>>
    %dma_start3A_1181 = arith.constant 0 : i32
    %dma_start3A_1182 = tpu.memref_slice %arg4[%add3A_1170, %dma_start3A_1181] : memref<204800x64xf32, #tpu.memory_space<hbm>> -> memref<128x64xf32, #tpu.memory_space<hbm>>
    %dma_start3A_1183 = arith.constant 0 : i32
    %dma_start3A_1184 = arith.constant 0 : i32
    %dma_start3A_1185 = tpu.memref_slice %arg6[%dma_start3A_1171, %dma_start3A_1183, %dma_start3A_1184] : memref<8x128x64xf32, #tpu.memory_space<vmem>> -> memref<1x128x64xf32, #tpu.memory_space<vmem>>
    %dma_start3A_1186 = tpu.memref_squeeze %dma_start3A_1185 : memref<1x128x64xf32, #tpu.memory_space<vmem>> -> memref<128x64xf32, #tpu.memory_space<vmem>>
    tpu.enqueue_dma source(%dma_start3A_1186 : memref<128x64xf32, #tpu.memory_space<vmem>>) target(%dma_start3A_1182 : memref<128x64xf32, #tpu.memory_space<hbm>>) target_semaphore(%dma_start3A_1180 : memref<!tpu.dma_semaphore, #tpu.memory_space<semaphore_mem>>)
    %dma_wait3A_1187 = arith.constant 1 : i32
    %dma_wait3A_1188 = arith.constant 1 : i32
    %dma_wait3A_1189 = arith.constant 0 : i32
    %dma_wait3A_1190 = arith.constant 0 : i32
    %dma_wait3A_1191 = tpu.memref_slice %arg6[%dma_wait3A_1187, %dma_wait3A_1189, %dma_wait3A_1190] : memref<8x128x64xf32, #tpu.memory_space<vmem>> -> memref<1x128x64xf32, #tpu.memory_space<vmem>>
    %dma_wait3A_1192 = tpu.memref_squeeze %dma_wait3A_1191 : memref<1x128x64xf32, #tpu.memory_space<vmem>> -> memref<128x64xf32, #tpu.memory_space<vmem>>
    %dma_wait3A_1193 = arith.constant 0 : i32
    %dma_wait3A_1194 = tpu.memref_slice %arg4[%add3A_1110, %dma_wait3A_1193] : memref<204800x64xf32, #tpu.memory_space<hbm>> -> memref<128x64xf32, #tpu.memory_space<hbm>>
    %dma_wait3A_1195 = tpu.memref_slice %arg8[%dma_wait3A_1188] : memref<8x!tpu.dma_semaphore, #tpu.memory_space<semaphore_mem>> -> memref<1x!tpu.dma_semaphore, #tpu.memory_space<semaphore_mem>>
    %dma_wait3A_1196 = tpu.memref_squeeze %dma_wait3A_1195 : memref<1x!tpu.dma_semaphore, #tpu.memory_space<semaphore_mem>> -> memref<!tpu.dma_semaphore, #tpu.memory_space<semaphore_mem>>
    %dma_wait3A_1197 = arith.constant 0 : i32
    %dma_wait3A_1198 = tpu.memref_slice %arg4[%add3A_1110, %dma_wait3A_1197] : memref<204800x64xf32, #tpu.memory_space<hbm>> -> memref<128x64xf32, #tpu.memory_space<hbm>>
    %dma_wait3A_1199 = arith.constant 0 : i32
    %dma_wait3A_1200 = arith.constant 0 : i32
    %dma_wait3A_1201 = tpu.memref_slice %arg6[%dma_wait3A_1187, %dma_wait3A_1199, %dma_wait3A_1200] : memref<8x128x64xf32, #tpu.memory_space<vmem>> -> memref<1x128x64xf32, #tpu.memory_space<vmem>>
    %dma_wait3A_1202 = tpu.memref_squeeze %dma_wait3A_1201 : memref<1x128x64xf32, #tpu.memory_space<vmem>> -> memref<128x64xf32, #tpu.memory_space<vmem>>
    tpu.wait_dma2 semaphore(%dma_wait3A_1196 : memref<!tpu.dma_semaphore, #tpu.memory_space<semaphore_mem>>) src(%dma_wait3A_1202 : memref<128x64xf32, #tpu.memory_space<vmem>>) dst(%dma_wait3A_1198 : memref<128x64xf32, #tpu.memory_space<hbm>>)
    %dma_start3A_1203 = arith.constant 1 : i32
    %dma_start3A_1204 = arith.constant 1 : i32
    %dma_start3A_1205 = arith.constant 0 : i32
    %dma_start3A_1206 = arith.constant 0 : i32
    %dma_start3A_1207 = tpu.memref_slice %arg6[%dma_start3A_1203, %dma_start3A_1205, %dma_start3A_1206] : memref<8x128x64xf32, #tpu.memory_space<vmem>> -> memref<1x128x64xf32, #tpu.memory_space<vmem>>
    %dma_start3A_1208 = tpu.memref_squeeze %dma_start3A_1207 : memref<1x128x64xf32, #tpu.memory_space<vmem>> -> memref<128x64xf32, #tpu.memory_space<vmem>>
    %dma_start3A_1209 = arith.constant 3200 : i32
    %dma_start3A_1210 = tpu.memref_slice %arg5[%dma_start3A_1209] : memref<6400xi32, #tpu.memory_space<vmem>> -> memref<128xi32, #tpu.memory_space<vmem>>
    %dma_start3A_1211 = arith.constant 0 : i32
    %dma_start3A_1212 = arith.constant 0 : i32
    %dma_start3A_1213 = tpu.memref_slice %arg2[%dma_start3A_1211, %dma_start3A_1212] : memref<1000000x64xf32, #tpu.memory_space<hbm>> -> memref<1000000x64xf32, #tpu.memory_space<hbm>>
    %dma_start3A_1214 = tpu.memref_slice %arg7[%dma_start3A_1204] : memref<8x!tpu.dma_semaphore, #tpu.memory_space<semaphore_mem>> -> memref<1x!tpu.dma_semaphore, #tpu.memory_space<semaphore_mem>>
    %dma_start3A_1215 = tpu.memref_squeeze %dma_start3A_1214 : memref<1x!tpu.dma_semaphore, #tpu.memory_space<semaphore_mem>> -> memref<!tpu.dma_semaphore, #tpu.memory_space<semaphore_mem>>
    tpu.enqueue_indirect_dma source(%dma_start3A_1213 : memref<1000000x64xf32, #tpu.memory_space<hbm>>) target(%dma_start3A_1208 : memref<128x64xf32, #tpu.memory_space<vmem>>) offsets(%dma_start3A_1210 : memref<128xi32, #tpu.memory_space<vmem>>) semaphore(%dma_start3A_1215 : memref<!tpu.dma_semaphore, #tpu.memory_space<semaphore_mem>>)
    %dma_wait3A_1216 = arith.constant 3 : i32
    %dma_wait3A_1217 = arith.constant 3 : i32
    %dma_wait3A_1218 = arith.constant 0 : i32
    %dma_wait3A_1219 = arith.constant 0 : i32
    %dma_wait3A_1220 = tpu.memref_slice %arg6[%dma_wait3A_1216, %dma_wait3A_1218, %dma_wait3A_1219] : memref<8x128x64xf32, #tpu.memory_space<vmem>> -> memref<1x128x64xf32, #tpu.memory_space<vmem>>
    %dma_wait3A_1221 = tpu.memref_squeeze %dma_wait3A_1220 : memref<1x128x64xf32, #tpu.memory_space<vmem>> -> memref<128x64xf32, #tpu.memory_space<vmem>>
    %dma_wait3A_1222 = arith.constant 2432 : i32
    %dma_wait3A_1223 = tpu.memref_slice %arg5[%dma_wait3A_1222] : memref<6400xi32, #tpu.memory_space<vmem>> -> memref<128xi32, #tpu.memory_space<vmem>>
    %dma_wait3A_1224 = arith.constant 0 : i32
    %dma_wait3A_1225 = arith.constant 0 : i32
    %dma_wait3A_1226 = tpu.memref_slice %arg2[%dma_wait3A_1224, %dma_wait3A_1225] : memref<1000000x64xf32, #tpu.memory_space<hbm>> -> memref<1000000x64xf32, #tpu.memory_space<hbm>>
    %dma_wait3A_1227 = tpu.memref_slice %arg7[%dma_wait3A_1217] : memref<8x!tpu.dma_semaphore, #tpu.memory_space<semaphore_mem>> -> memref<1x!tpu.dma_semaphore, #tpu.memory_space<semaphore_mem>>
    %dma_wait3A_1228 = tpu.memref_squeeze %dma_wait3A_1227 : memref<1x!tpu.dma_semaphore, #tpu.memory_space<semaphore_mem>> -> memref<!tpu.dma_semaphore, #tpu.memory_space<semaphore_mem>>
    tpu.wait_indirect_dma semaphore(%dma_wait3A_1228 : memref<!tpu.dma_semaphore, #tpu.memory_space<semaphore_mem>>) src(%dma_wait3A_1226 : memref<1000000x64xf32, #tpu.memory_space<hbm>>) dst(%dma_wait3A_1221 : memref<128x64xf32, #tpu.memory_space<vmem>>)
    %add3A_1229 = arith.constant 2432 : i32
    %add3A_1230 = arith.addi %mul3A_2, %add3A_1229 : i32
    %dma_start3A_1231 = arith.constant 3 : i32
    %dma_start3A_1232 = arith.constant 3 : i32
    %dma_start3A_1233 = arith.constant 0 : i32
    %dma_start3A_1234 = arith.constant 0 : i32
    %dma_start3A_1235 = tpu.memref_slice %arg6[%dma_start3A_1231, %dma_start3A_1233, %dma_start3A_1234] : memref<8x128x64xf32, #tpu.memory_space<vmem>> -> memref<1x128x64xf32, #tpu.memory_space<vmem>>
    %dma_start3A_1236 = tpu.memref_squeeze %dma_start3A_1235 : memref<1x128x64xf32, #tpu.memory_space<vmem>> -> memref<128x64xf32, #tpu.memory_space<vmem>>
    %dma_start3A_1237 = arith.constant 0 : i32
    %dma_start3A_1238 = tpu.memref_slice %arg4[%add3A_1230, %dma_start3A_1237] : memref<204800x64xf32, #tpu.memory_space<hbm>> -> memref<128x64xf32, #tpu.memory_space<hbm>>
    %dma_start3A_1239 = tpu.memref_slice %arg8[%dma_start3A_1232] : memref<8x!tpu.dma_semaphore, #tpu.memory_space<semaphore_mem>> -> memref<1x!tpu.dma_semaphore, #tpu.memory_space<semaphore_mem>>
    %dma_start3A_1240 = tpu.memref_squeeze %dma_start3A_1239 : memref<1x!tpu.dma_semaphore, #tpu.memory_space<semaphore_mem>> -> memref<!tpu.dma_semaphore, #tpu.memory_space<semaphore_mem>>
    %dma_start3A_1241 = arith.constant 0 : i32
    %dma_start3A_1242 = tpu.memref_slice %arg4[%add3A_1230, %dma_start3A_1241] : memref<204800x64xf32, #tpu.memory_space<hbm>> -> memref<128x64xf32, #tpu.memory_space<hbm>>
    %dma_start3A_1243 = arith.constant 0 : i32
    %dma_start3A_1244 = arith.constant 0 : i32
    %dma_start3A_1245 = tpu.memref_slice %arg6[%dma_start3A_1231, %dma_start3A_1243, %dma_start3A_1244] : memref<8x128x64xf32, #tpu.memory_space<vmem>> -> memref<1x128x64xf32, #tpu.memory_space<vmem>>
    %dma_start3A_1246 = tpu.memref_squeeze %dma_start3A_1245 : memref<1x128x64xf32, #tpu.memory_space<vmem>> -> memref<128x64xf32, #tpu.memory_space<vmem>>
    tpu.enqueue_dma source(%dma_start3A_1246 : memref<128x64xf32, #tpu.memory_space<vmem>>) target(%dma_start3A_1242 : memref<128x64xf32, #tpu.memory_space<hbm>>) target_semaphore(%dma_start3A_1240 : memref<!tpu.dma_semaphore, #tpu.memory_space<semaphore_mem>>)
    %dma_wait3A_1247 = arith.constant 2 : i32
    %dma_wait3A_1248 = arith.constant 2 : i32
    %dma_wait3A_1249 = arith.constant 0 : i32
    %dma_wait3A_1250 = arith.constant 0 : i32
    %dma_wait3A_1251 = tpu.memref_slice %arg6[%dma_wait3A_1247, %dma_wait3A_1249, %dma_wait3A_1250] : memref<8x128x64xf32, #tpu.memory_space<vmem>> -> memref<1x128x64xf32, #tpu.memory_space<vmem>>
    %dma_wait3A_1252 = tpu.memref_squeeze %dma_wait3A_1251 : memref<1x128x64xf32, #tpu.memory_space<vmem>> -> memref<128x64xf32, #tpu.memory_space<vmem>>
    %dma_wait3A_1253 = arith.constant 0 : i32
    %dma_wait3A_1254 = tpu.memref_slice %arg4[%add3A_1170, %dma_wait3A_1253] : memref<204800x64xf32, #tpu.memory_space<hbm>> -> memref<128x64xf32, #tpu.memory_space<hbm>>
    %dma_wait3A_1255 = tpu.memref_slice %arg8[%dma_wait3A_1248] : memref<8x!tpu.dma_semaphore, #tpu.memory_space<semaphore_mem>> -> memref<1x!tpu.dma_semaphore, #tpu.memory_space<semaphore_mem>>
    %dma_wait3A_1256 = tpu.memref_squeeze %dma_wait3A_1255 : memref<1x!tpu.dma_semaphore, #tpu.memory_space<semaphore_mem>> -> memref<!tpu.dma_semaphore, #tpu.memory_space<semaphore_mem>>
    %dma_wait3A_1257 = arith.constant 0 : i32
    %dma_wait3A_1258 = tpu.memref_slice %arg4[%add3A_1170, %dma_wait3A_1257] : memref<204800x64xf32, #tpu.memory_space<hbm>> -> memref<128x64xf32, #tpu.memory_space<hbm>>
    %dma_wait3A_1259 = arith.constant 0 : i32
    %dma_wait3A_1260 = arith.constant 0 : i32
    %dma_wait3A_1261 = tpu.memref_slice %arg6[%dma_wait3A_1247, %dma_wait3A_1259, %dma_wait3A_1260] : memref<8x128x64xf32, #tpu.memory_space<vmem>> -> memref<1x128x64xf32, #tpu.memory_space<vmem>>
    %dma_wait3A_1262 = tpu.memref_squeeze %dma_wait3A_1261 : memref<1x128x64xf32, #tpu.memory_space<vmem>> -> memref<128x64xf32, #tpu.memory_space<vmem>>
    tpu.wait_dma2 semaphore(%dma_wait3A_1256 : memref<!tpu.dma_semaphore, #tpu.memory_space<semaphore_mem>>) src(%dma_wait3A_1262 : memref<128x64xf32, #tpu.memory_space<vmem>>) dst(%dma_wait3A_1258 : memref<128x64xf32, #tpu.memory_space<hbm>>)
    %dma_start3A_1263 = arith.constant 2 : i32
    %dma_start3A_1264 = arith.constant 2 : i32
    %dma_start3A_1265 = arith.constant 0 : i32
    %dma_start3A_1266 = arith.constant 0 : i32
    %dma_start3A_1267 = tpu.memref_slice %arg6[%dma_start3A_1263, %dma_start3A_1265, %dma_start3A_1266] : memref<8x128x64xf32, #tpu.memory_space<vmem>> -> memref<1x128x64xf32, #tpu.memory_space<vmem>>
    %dma_start3A_1268 = tpu.memref_squeeze %dma_start3A_1267 : memref<1x128x64xf32, #tpu.memory_space<vmem>> -> memref<128x64xf32, #tpu.memory_space<vmem>>
    %dma_start3A_1269 = arith.constant 3328 : i32
    %dma_start3A_1270 = tpu.memref_slice %arg5[%dma_start3A_1269] : memref<6400xi32, #tpu.memory_space<vmem>> -> memref<128xi32, #tpu.memory_space<vmem>>
    %dma_start3A_1271 = arith.constant 0 : i32
    %dma_start3A_1272 = arith.constant 0 : i32
    %dma_start3A_1273 = tpu.memref_slice %arg2[%dma_start3A_1271, %dma_start3A_1272] : memref<1000000x64xf32, #tpu.memory_space<hbm>> -> memref<1000000x64xf32, #tpu.memory_space<hbm>>
    %dma_start3A_1274 = tpu.memref_slice %arg7[%dma_start3A_1264] : memref<8x!tpu.dma_semaphore, #tpu.memory_space<semaphore_mem>> -> memref<1x!tpu.dma_semaphore, #tpu.memory_space<semaphore_mem>>
    %dma_start3A_1275 = tpu.memref_squeeze %dma_start3A_1274 : memref<1x!tpu.dma_semaphore, #tpu.memory_space<semaphore_mem>> -> memref<!tpu.dma_semaphore, #tpu.memory_space<semaphore_mem>>
    tpu.enqueue_indirect_dma source(%dma_start3A_1273 : memref<1000000x64xf32, #tpu.memory_space<hbm>>) target(%dma_start3A_1268 : memref<128x64xf32, #tpu.memory_space<vmem>>) offsets(%dma_start3A_1270 : memref<128xi32, #tpu.memory_space<vmem>>) semaphore(%dma_start3A_1275 : memref<!tpu.dma_semaphore, #tpu.memory_space<semaphore_mem>>)
    %dma_wait3A_1276 = arith.constant 4 : i32
    %dma_wait3A_1277 = arith.constant 4 : i32
    %dma_wait3A_1278 = arith.constant 0 : i32
    %dma_wait3A_1279 = arith.constant 0 : i32
    %dma_wait3A_1280 = tpu.memref_slice %arg6[%dma_wait3A_1276, %dma_wait3A_1278, %dma_wait3A_1279] : memref<8x128x64xf32, #tpu.memory_space<vmem>> -> memref<1x128x64xf32, #tpu.memory_space<vmem>>
    %dma_wait3A_1281 = tpu.memref_squeeze %dma_wait3A_1280 : memref<1x128x64xf32, #tpu.memory_space<vmem>> -> memref<128x64xf32, #tpu.memory_space<vmem>>
    %dma_wait3A_1282 = arith.constant 2560 : i32
    %dma_wait3A_1283 = tpu.memref_slice %arg5[%dma_wait3A_1282] : memref<6400xi32, #tpu.memory_space<vmem>> -> memref<128xi32, #tpu.memory_space<vmem>>
    %dma_wait3A_1284 = arith.constant 0 : i32
    %dma_wait3A_1285 = arith.constant 0 : i32
    %dma_wait3A_1286 = tpu.memref_slice %arg2[%dma_wait3A_1284, %dma_wait3A_1285] : memref<1000000x64xf32, #tpu.memory_space<hbm>> -> memref<1000000x64xf32, #tpu.memory_space<hbm>>
    %dma_wait3A_1287 = tpu.memref_slice %arg7[%dma_wait3A_1277] : memref<8x!tpu.dma_semaphore, #tpu.memory_space<semaphore_mem>> -> memref<1x!tpu.dma_semaphore, #tpu.memory_space<semaphore_mem>>
    %dma_wait3A_1288 = tpu.memref_squeeze %dma_wait3A_1287 : memref<1x!tpu.dma_semaphore, #tpu.memory_space<semaphore_mem>> -> memref<!tpu.dma_semaphore, #tpu.memory_space<semaphore_mem>>
    tpu.wait_indirect_dma semaphore(%dma_wait3A_1288 : memref<!tpu.dma_semaphore, #tpu.memory_space<semaphore_mem>>) src(%dma_wait3A_1286 : memref<1000000x64xf32, #tpu.memory_space<hbm>>) dst(%dma_wait3A_1281 : memref<128x64xf32, #tpu.memory_space<vmem>>)
    %add3A_1289 = arith.constant 2560 : i32
    %add3A_1290 = arith.addi %mul3A_2, %add3A_1289 : i32
    %dma_start3A_1291 = arith.constant 4 : i32
    %dma_start3A_1292 = arith.constant 4 : i32
    %dma_start3A_1293 = arith.constant 0 : i32
    %dma_start3A_1294 = arith.constant 0 : i32
    %dma_start3A_1295 = tpu.memref_slice %arg6[%dma_start3A_1291, %dma_start3A_1293, %dma_start3A_1294] : memref<8x128x64xf32, #tpu.memory_space<vmem>> -> memref<1x128x64xf32, #tpu.memory_space<vmem>>
    %dma_start3A_1296 = tpu.memref_squeeze %dma_start3A_1295 : memref<1x128x64xf32, #tpu.memory_space<vmem>> -> memref<128x64xf32, #tpu.memory_space<vmem>>
    %dma_start3A_1297 = arith.constant 0 : i32
    %dma_start3A_1298 = tpu.memref_slice %arg4[%add3A_1290, %dma_start3A_1297] : memref<204800x64xf32, #tpu.memory_space<hbm>> -> memref<128x64xf32, #tpu.memory_space<hbm>>
    %dma_start3A_1299 = tpu.memref_slice %arg8[%dma_start3A_1292] : memref<8x!tpu.dma_semaphore, #tpu.memory_space<semaphore_mem>> -> memref<1x!tpu.dma_semaphore, #tpu.memory_space<semaphore_mem>>
    %dma_start3A_1300 = tpu.memref_squeeze %dma_start3A_1299 : memref<1x!tpu.dma_semaphore, #tpu.memory_space<semaphore_mem>> -> memref<!tpu.dma_semaphore, #tpu.memory_space<semaphore_mem>>
    %dma_start3A_1301 = arith.constant 0 : i32
    %dma_start3A_1302 = tpu.memref_slice %arg4[%add3A_1290, %dma_start3A_1301] : memref<204800x64xf32, #tpu.memory_space<hbm>> -> memref<128x64xf32, #tpu.memory_space<hbm>>
    %dma_start3A_1303 = arith.constant 0 : i32
    %dma_start3A_1304 = arith.constant 0 : i32
    %dma_start3A_1305 = tpu.memref_slice %arg6[%dma_start3A_1291, %dma_start3A_1303, %dma_start3A_1304] : memref<8x128x64xf32, #tpu.memory_space<vmem>> -> memref<1x128x64xf32, #tpu.memory_space<vmem>>
    %dma_start3A_1306 = tpu.memref_squeeze %dma_start3A_1305 : memref<1x128x64xf32, #tpu.memory_space<vmem>> -> memref<128x64xf32, #tpu.memory_space<vmem>>
    tpu.enqueue_dma source(%dma_start3A_1306 : memref<128x64xf32, #tpu.memory_space<vmem>>) target(%dma_start3A_1302 : memref<128x64xf32, #tpu.memory_space<hbm>>) target_semaphore(%dma_start3A_1300 : memref<!tpu.dma_semaphore, #tpu.memory_space<semaphore_mem>>)
    %dma_wait3A_1307 = arith.constant 3 : i32
    %dma_wait3A_1308 = arith.constant 3 : i32
    %dma_wait3A_1309 = arith.constant 0 : i32
    %dma_wait3A_1310 = arith.constant 0 : i32
    %dma_wait3A_1311 = tpu.memref_slice %arg6[%dma_wait3A_1307, %dma_wait3A_1309, %dma_wait3A_1310] : memref<8x128x64xf32, #tpu.memory_space<vmem>> -> memref<1x128x64xf32, #tpu.memory_space<vmem>>
    %dma_wait3A_1312 = tpu.memref_squeeze %dma_wait3A_1311 : memref<1x128x64xf32, #tpu.memory_space<vmem>> -> memref<128x64xf32, #tpu.memory_space<vmem>>
    %dma_wait3A_1313 = arith.constant 0 : i32
    %dma_wait3A_1314 = tpu.memref_slice %arg4[%add3A_1230, %dma_wait3A_1313] : memref<204800x64xf32, #tpu.memory_space<hbm>> -> memref<128x64xf32, #tpu.memory_space<hbm>>
    %dma_wait3A_1315 = tpu.memref_slice %arg8[%dma_wait3A_1308] : memref<8x!tpu.dma_semaphore, #tpu.memory_space<semaphore_mem>> -> memref<1x!tpu.dma_semaphore, #tpu.memory_space<semaphore_mem>>
    %dma_wait3A_1316 = tpu.memref_squeeze %dma_wait3A_1315 : memref<1x!tpu.dma_semaphore, #tpu.memory_space<semaphore_mem>> -> memref<!tpu.dma_semaphore, #tpu.memory_space<semaphore_mem>>
    %dma_wait3A_1317 = arith.constant 0 : i32
    %dma_wait3A_1318 = tpu.memref_slice %arg4[%add3A_1230, %dma_wait3A_1317] : memref<204800x64xf32, #tpu.memory_space<hbm>> -> memref<128x64xf32, #tpu.memory_space<hbm>>
    %dma_wait3A_1319 = arith.constant 0 : i32
    %dma_wait3A_1320 = arith.constant 0 : i32
    %dma_wait3A_1321 = tpu.memref_slice %arg6[%dma_wait3A_1307, %dma_wait3A_1319, %dma_wait3A_1320] : memref<8x128x64xf32, #tpu.memory_space<vmem>> -> memref<1x128x64xf32, #tpu.memory_space<vmem>>
    %dma_wait3A_1322 = tpu.memref_squeeze %dma_wait3A_1321 : memref<1x128x64xf32, #tpu.memory_space<vmem>> -> memref<128x64xf32, #tpu.memory_space<vmem>>
    tpu.wait_dma2 semaphore(%dma_wait3A_1316 : memref<!tpu.dma_semaphore, #tpu.memory_space<semaphore_mem>>) src(%dma_wait3A_1322 : memref<128x64xf32, #tpu.memory_space<vmem>>) dst(%dma_wait3A_1318 : memref<128x64xf32, #tpu.memory_space<hbm>>)
    %dma_start3A_1323 = arith.constant 3 : i32
    %dma_start3A_1324 = arith.constant 3 : i32
    %dma_start3A_1325 = arith.constant 0 : i32
    %dma_start3A_1326 = arith.constant 0 : i32
    %dma_start3A_1327 = tpu.memref_slice %arg6[%dma_start3A_1323, %dma_start3A_1325, %dma_start3A_1326] : memref<8x128x64xf32, #tpu.memory_space<vmem>> -> memref<1x128x64xf32, #tpu.memory_space<vmem>>
    %dma_start3A_1328 = tpu.memref_squeeze %dma_start3A_1327 : memref<1x128x64xf32, #tpu.memory_space<vmem>> -> memref<128x64xf32, #tpu.memory_space<vmem>>
    %dma_start3A_1329 = arith.constant 3456 : i32
    %dma_start3A_1330 = tpu.memref_slice %arg5[%dma_start3A_1329] : memref<6400xi32, #tpu.memory_space<vmem>> -> memref<128xi32, #tpu.memory_space<vmem>>
    %dma_start3A_1331 = arith.constant 0 : i32
    %dma_start3A_1332 = arith.constant 0 : i32
    %dma_start3A_1333 = tpu.memref_slice %arg2[%dma_start3A_1331, %dma_start3A_1332] : memref<1000000x64xf32, #tpu.memory_space<hbm>> -> memref<1000000x64xf32, #tpu.memory_space<hbm>>
    %dma_start3A_1334 = tpu.memref_slice %arg7[%dma_start3A_1324] : memref<8x!tpu.dma_semaphore, #tpu.memory_space<semaphore_mem>> -> memref<1x!tpu.dma_semaphore, #tpu.memory_space<semaphore_mem>>
    %dma_start3A_1335 = tpu.memref_squeeze %dma_start3A_1334 : memref<1x!tpu.dma_semaphore, #tpu.memory_space<semaphore_mem>> -> memref<!tpu.dma_semaphore, #tpu.memory_space<semaphore_mem>>
    tpu.enqueue_indirect_dma source(%dma_start3A_1333 : memref<1000000x64xf32, #tpu.memory_space<hbm>>) target(%dma_start3A_1328 : memref<128x64xf32, #tpu.memory_space<vmem>>) offsets(%dma_start3A_1330 : memref<128xi32, #tpu.memory_space<vmem>>) semaphore(%dma_start3A_1335 : memref<!tpu.dma_semaphore, #tpu.memory_space<semaphore_mem>>)
    %dma_wait3A_1336 = arith.constant 5 : i32
    %dma_wait3A_1337 = arith.constant 5 : i32
    %dma_wait3A_1338 = arith.constant 0 : i32
    %dma_wait3A_1339 = arith.constant 0 : i32
    %dma_wait3A_1340 = tpu.memref_slice %arg6[%dma_wait3A_1336, %dma_wait3A_1338, %dma_wait3A_1339] : memref<8x128x64xf32, #tpu.memory_space<vmem>> -> memref<1x128x64xf32, #tpu.memory_space<vmem>>
    %dma_wait3A_1341 = tpu.memref_squeeze %dma_wait3A_1340 : memref<1x128x64xf32, #tpu.memory_space<vmem>> -> memref<128x64xf32, #tpu.memory_space<vmem>>
    %dma_wait3A_1342 = arith.constant 2688 : i32
    %dma_wait3A_1343 = tpu.memref_slice %arg5[%dma_wait3A_1342] : memref<6400xi32, #tpu.memory_space<vmem>> -> memref<128xi32, #tpu.memory_space<vmem>>
    %dma_wait3A_1344 = arith.constant 0 : i32
    %dma_wait3A_1345 = arith.constant 0 : i32
    %dma_wait3A_1346 = tpu.memref_slice %arg2[%dma_wait3A_1344, %dma_wait3A_1345] : memref<1000000x64xf32, #tpu.memory_space<hbm>> -> memref<1000000x64xf32, #tpu.memory_space<hbm>>
    %dma_wait3A_1347 = tpu.memref_slice %arg7[%dma_wait3A_1337] : memref<8x!tpu.dma_semaphore, #tpu.memory_space<semaphore_mem>> -> memref<1x!tpu.dma_semaphore, #tpu.memory_space<semaphore_mem>>
    %dma_wait3A_1348 = tpu.memref_squeeze %dma_wait3A_1347 : memref<1x!tpu.dma_semaphore, #tpu.memory_space<semaphore_mem>> -> memref<!tpu.dma_semaphore, #tpu.memory_space<semaphore_mem>>
    tpu.wait_indirect_dma semaphore(%dma_wait3A_1348 : memref<!tpu.dma_semaphore, #tpu.memory_space<semaphore_mem>>) src(%dma_wait3A_1346 : memref<1000000x64xf32, #tpu.memory_space<hbm>>) dst(%dma_wait3A_1341 : memref<128x64xf32, #tpu.memory_space<vmem>>)
    %add3A_1349 = arith.constant 2688 : i32
    %add3A_1350 = arith.addi %mul3A_2, %add3A_1349 : i32
    %dma_start3A_1351 = arith.constant 5 : i32
    %dma_start3A_1352 = arith.constant 5 : i32
    %dma_start3A_1353 = arith.constant 0 : i32
    %dma_start3A_1354 = arith.constant 0 : i32
    %dma_start3A_1355 = tpu.memref_slice %arg6[%dma_start3A_1351, %dma_start3A_1353, %dma_start3A_1354] : memref<8x128x64xf32, #tpu.memory_space<vmem>> -> memref<1x128x64xf32, #tpu.memory_space<vmem>>
    %dma_start3A_1356 = tpu.memref_squeeze %dma_start3A_1355 : memref<1x128x64xf32, #tpu.memory_space<vmem>> -> memref<128x64xf32, #tpu.memory_space<vmem>>
    %dma_start3A_1357 = arith.constant 0 : i32
    %dma_start3A_1358 = tpu.memref_slice %arg4[%add3A_1350, %dma_start3A_1357] : memref<204800x64xf32, #tpu.memory_space<hbm>> -> memref<128x64xf32, #tpu.memory_space<hbm>>
    %dma_start3A_1359 = tpu.memref_slice %arg8[%dma_start3A_1352] : memref<8x!tpu.dma_semaphore, #tpu.memory_space<semaphore_mem>> -> memref<1x!tpu.dma_semaphore, #tpu.memory_space<semaphore_mem>>
    %dma_start3A_1360 = tpu.memref_squeeze %dma_start3A_1359 : memref<1x!tpu.dma_semaphore, #tpu.memory_space<semaphore_mem>> -> memref<!tpu.dma_semaphore, #tpu.memory_space<semaphore_mem>>
    %dma_start3A_1361 = arith.constant 0 : i32
    %dma_start3A_1362 = tpu.memref_slice %arg4[%add3A_1350, %dma_start3A_1361] : memref<204800x64xf32, #tpu.memory_space<hbm>> -> memref<128x64xf32, #tpu.memory_space<hbm>>
    %dma_start3A_1363 = arith.constant 0 : i32
    %dma_start3A_1364 = arith.constant 0 : i32
    %dma_start3A_1365 = tpu.memref_slice %arg6[%dma_start3A_1351, %dma_start3A_1363, %dma_start3A_1364] : memref<8x128x64xf32, #tpu.memory_space<vmem>> -> memref<1x128x64xf32, #tpu.memory_space<vmem>>
    %dma_start3A_1366 = tpu.memref_squeeze %dma_start3A_1365 : memref<1x128x64xf32, #tpu.memory_space<vmem>> -> memref<128x64xf32, #tpu.memory_space<vmem>>
    tpu.enqueue_dma source(%dma_start3A_1366 : memref<128x64xf32, #tpu.memory_space<vmem>>) target(%dma_start3A_1362 : memref<128x64xf32, #tpu.memory_space<hbm>>) target_semaphore(%dma_start3A_1360 : memref<!tpu.dma_semaphore, #tpu.memory_space<semaphore_mem>>)
    %dma_wait3A_1367 = arith.constant 4 : i32
    %dma_wait3A_1368 = arith.constant 4 : i32
    %dma_wait3A_1369 = arith.constant 0 : i32
    %dma_wait3A_1370 = arith.constant 0 : i32
    %dma_wait3A_1371 = tpu.memref_slice %arg6[%dma_wait3A_1367, %dma_wait3A_1369, %dma_wait3A_1370] : memref<8x128x64xf32, #tpu.memory_space<vmem>> -> memref<1x128x64xf32, #tpu.memory_space<vmem>>
    %dma_wait3A_1372 = tpu.memref_squeeze %dma_wait3A_1371 : memref<1x128x64xf32, #tpu.memory_space<vmem>> -> memref<128x64xf32, #tpu.memory_space<vmem>>
    %dma_wait3A_1373 = arith.constant 0 : i32
    %dma_wait3A_1374 = tpu.memref_slice %arg4[%add3A_1290, %dma_wait3A_1373] : memref<204800x64xf32, #tpu.memory_space<hbm>> -> memref<128x64xf32, #tpu.memory_space<hbm>>
    %dma_wait3A_1375 = tpu.memref_slice %arg8[%dma_wait3A_1368] : memref<8x!tpu.dma_semaphore, #tpu.memory_space<semaphore_mem>> -> memref<1x!tpu.dma_semaphore, #tpu.memory_space<semaphore_mem>>
    %dma_wait3A_1376 = tpu.memref_squeeze %dma_wait3A_1375 : memref<1x!tpu.dma_semaphore, #tpu.memory_space<semaphore_mem>> -> memref<!tpu.dma_semaphore, #tpu.memory_space<semaphore_mem>>
    %dma_wait3A_1377 = arith.constant 0 : i32
    %dma_wait3A_1378 = tpu.memref_slice %arg4[%add3A_1290, %dma_wait3A_1377] : memref<204800x64xf32, #tpu.memory_space<hbm>> -> memref<128x64xf32, #tpu.memory_space<hbm>>
    %dma_wait3A_1379 = arith.constant 0 : i32
    %dma_wait3A_1380 = arith.constant 0 : i32
    %dma_wait3A_1381 = tpu.memref_slice %arg6[%dma_wait3A_1367, %dma_wait3A_1379, %dma_wait3A_1380] : memref<8x128x64xf32, #tpu.memory_space<vmem>> -> memref<1x128x64xf32, #tpu.memory_space<vmem>>
    %dma_wait3A_1382 = tpu.memref_squeeze %dma_wait3A_1381 : memref<1x128x64xf32, #tpu.memory_space<vmem>> -> memref<128x64xf32, #tpu.memory_space<vmem>>
    tpu.wait_dma2 semaphore(%dma_wait3A_1376 : memref<!tpu.dma_semaphore, #tpu.memory_space<semaphore_mem>>) src(%dma_wait3A_1382 : memref<128x64xf32, #tpu.memory_space<vmem>>) dst(%dma_wait3A_1378 : memref<128x64xf32, #tpu.memory_space<hbm>>)
    %dma_start3A_1383 = arith.constant 4 : i32
    %dma_start3A_1384 = arith.constant 4 : i32
    %dma_start3A_1385 = arith.constant 0 : i32
    %dma_start3A_1386 = arith.constant 0 : i32
    %dma_start3A_1387 = tpu.memref_slice %arg6[%dma_start3A_1383, %dma_start3A_1385, %dma_start3A_1386] : memref<8x128x64xf32, #tpu.memory_space<vmem>> -> memref<1x128x64xf32, #tpu.memory_space<vmem>>
    %dma_start3A_1388 = tpu.memref_squeeze %dma_start3A_1387 : memref<1x128x64xf32, #tpu.memory_space<vmem>> -> memref<128x64xf32, #tpu.memory_space<vmem>>
    %dma_start3A_1389 = arith.constant 3584 : i32
    %dma_start3A_1390 = tpu.memref_slice %arg5[%dma_start3A_1389] : memref<6400xi32, #tpu.memory_space<vmem>> -> memref<128xi32, #tpu.memory_space<vmem>>
    %dma_start3A_1391 = arith.constant 0 : i32
    %dma_start3A_1392 = arith.constant 0 : i32
    %dma_start3A_1393 = tpu.memref_slice %arg2[%dma_start3A_1391, %dma_start3A_1392] : memref<1000000x64xf32, #tpu.memory_space<hbm>> -> memref<1000000x64xf32, #tpu.memory_space<hbm>>
    %dma_start3A_1394 = tpu.memref_slice %arg7[%dma_start3A_1384] : memref<8x!tpu.dma_semaphore, #tpu.memory_space<semaphore_mem>> -> memref<1x!tpu.dma_semaphore, #tpu.memory_space<semaphore_mem>>
    %dma_start3A_1395 = tpu.memref_squeeze %dma_start3A_1394 : memref<1x!tpu.dma_semaphore, #tpu.memory_space<semaphore_mem>> -> memref<!tpu.dma_semaphore, #tpu.memory_space<semaphore_mem>>
    tpu.enqueue_indirect_dma source(%dma_start3A_1393 : memref<1000000x64xf32, #tpu.memory_space<hbm>>) target(%dma_start3A_1388 : memref<128x64xf32, #tpu.memory_space<vmem>>) offsets(%dma_start3A_1390 : memref<128xi32, #tpu.memory_space<vmem>>) semaphore(%dma_start3A_1395 : memref<!tpu.dma_semaphore, #tpu.memory_space<semaphore_mem>>)
    %dma_wait3A_1396 = arith.constant 6 : i32
    %dma_wait3A_1397 = arith.constant 6 : i32
    %dma_wait3A_1398 = arith.constant 0 : i32
    %dma_wait3A_1399 = arith.constant 0 : i32
    %dma_wait3A_1400 = tpu.memref_slice %arg6[%dma_wait3A_1396, %dma_wait3A_1398, %dma_wait3A_1399] : memref<8x128x64xf32, #tpu.memory_space<vmem>> -> memref<1x128x64xf32, #tpu.memory_space<vmem>>
    %dma_wait3A_1401 = tpu.memref_squeeze %dma_wait3A_1400 : memref<1x128x64xf32, #tpu.memory_space<vmem>> -> memref<128x64xf32, #tpu.memory_space<vmem>>
    %dma_wait3A_1402 = arith.constant 2816 : i32
    %dma_wait3A_1403 = tpu.memref_slice %arg5[%dma_wait3A_1402] : memref<6400xi32, #tpu.memory_space<vmem>> -> memref<128xi32, #tpu.memory_space<vmem>>
    %dma_wait3A_1404 = arith.constant 0 : i32
    %dma_wait3A_1405 = arith.constant 0 : i32
    %dma_wait3A_1406 = tpu.memref_slice %arg2[%dma_wait3A_1404, %dma_wait3A_1405] : memref<1000000x64xf32, #tpu.memory_space<hbm>> -> memref<1000000x64xf32, #tpu.memory_space<hbm>>
    %dma_wait3A_1407 = tpu.memref_slice %arg7[%dma_wait3A_1397] : memref<8x!tpu.dma_semaphore, #tpu.memory_space<semaphore_mem>> -> memref<1x!tpu.dma_semaphore, #tpu.memory_space<semaphore_mem>>
    %dma_wait3A_1408 = tpu.memref_squeeze %dma_wait3A_1407 : memref<1x!tpu.dma_semaphore, #tpu.memory_space<semaphore_mem>> -> memref<!tpu.dma_semaphore, #tpu.memory_space<semaphore_mem>>
    tpu.wait_indirect_dma semaphore(%dma_wait3A_1408 : memref<!tpu.dma_semaphore, #tpu.memory_space<semaphore_mem>>) src(%dma_wait3A_1406 : memref<1000000x64xf32, #tpu.memory_space<hbm>>) dst(%dma_wait3A_1401 : memref<128x64xf32, #tpu.memory_space<vmem>>)
    %add3A_1409 = arith.constant 2816 : i32
    %add3A_1410 = arith.addi %mul3A_2, %add3A_1409 : i32
    %dma_start3A_1411 = arith.constant 6 : i32
    %dma_start3A_1412 = arith.constant 6 : i32
    %dma_start3A_1413 = arith.constant 0 : i32
    %dma_start3A_1414 = arith.constant 0 : i32
    %dma_start3A_1415 = tpu.memref_slice %arg6[%dma_start3A_1411, %dma_start3A_1413, %dma_start3A_1414] : memref<8x128x64xf32, #tpu.memory_space<vmem>> -> memref<1x128x64xf32, #tpu.memory_space<vmem>>
    %dma_start3A_1416 = tpu.memref_squeeze %dma_start3A_1415 : memref<1x128x64xf32, #tpu.memory_space<vmem>> -> memref<128x64xf32, #tpu.memory_space<vmem>>
    %dma_start3A_1417 = arith.constant 0 : i32
    %dma_start3A_1418 = tpu.memref_slice %arg4[%add3A_1410, %dma_start3A_1417] : memref<204800x64xf32, #tpu.memory_space<hbm>> -> memref<128x64xf32, #tpu.memory_space<hbm>>
    %dma_start3A_1419 = tpu.memref_slice %arg8[%dma_start3A_1412] : memref<8x!tpu.dma_semaphore, #tpu.memory_space<semaphore_mem>> -> memref<1x!tpu.dma_semaphore, #tpu.memory_space<semaphore_mem>>
    %dma_start3A_1420 = tpu.memref_squeeze %dma_start3A_1419 : memref<1x!tpu.dma_semaphore, #tpu.memory_space<semaphore_mem>> -> memref<!tpu.dma_semaphore, #tpu.memory_space<semaphore_mem>>
    %dma_start3A_1421 = arith.constant 0 : i32
    %dma_start3A_1422 = tpu.memref_slice %arg4[%add3A_1410, %dma_start3A_1421] : memref<204800x64xf32, #tpu.memory_space<hbm>> -> memref<128x64xf32, #tpu.memory_space<hbm>>
    %dma_start3A_1423 = arith.constant 0 : i32
    %dma_start3A_1424 = arith.constant 0 : i32
    %dma_start3A_1425 = tpu.memref_slice %arg6[%dma_start3A_1411, %dma_start3A_1423, %dma_start3A_1424] : memref<8x128x64xf32, #tpu.memory_space<vmem>> -> memref<1x128x64xf32, #tpu.memory_space<vmem>>
    %dma_start3A_1426 = tpu.memref_squeeze %dma_start3A_1425 : memref<1x128x64xf32, #tpu.memory_space<vmem>> -> memref<128x64xf32, #tpu.memory_space<vmem>>
    tpu.enqueue_dma source(%dma_start3A_1426 : memref<128x64xf32, #tpu.memory_space<vmem>>) target(%dma_start3A_1422 : memref<128x64xf32, #tpu.memory_space<hbm>>) target_semaphore(%dma_start3A_1420 : memref<!tpu.dma_semaphore, #tpu.memory_space<semaphore_mem>>)
    %dma_wait3A_1427 = arith.constant 5 : i32
    %dma_wait3A_1428 = arith.constant 5 : i32
    %dma_wait3A_1429 = arith.constant 0 : i32
    %dma_wait3A_1430 = arith.constant 0 : i32
    %dma_wait3A_1431 = tpu.memref_slice %arg6[%dma_wait3A_1427, %dma_wait3A_1429, %dma_wait3A_1430] : memref<8x128x64xf32, #tpu.memory_space<vmem>> -> memref<1x128x64xf32, #tpu.memory_space<vmem>>
    %dma_wait3A_1432 = tpu.memref_squeeze %dma_wait3A_1431 : memref<1x128x64xf32, #tpu.memory_space<vmem>> -> memref<128x64xf32, #tpu.memory_space<vmem>>
    %dma_wait3A_1433 = arith.constant 0 : i32
    %dma_wait3A_1434 = tpu.memref_slice %arg4[%add3A_1350, %dma_wait3A_1433] : memref<204800x64xf32, #tpu.memory_space<hbm>> -> memref<128x64xf32, #tpu.memory_space<hbm>>
    %dma_wait3A_1435 = tpu.memref_slice %arg8[%dma_wait3A_1428] : memref<8x!tpu.dma_semaphore, #tpu.memory_space<semaphore_mem>> -> memref<1x!tpu.dma_semaphore, #tpu.memory_space<semaphore_mem>>
    %dma_wait3A_1436 = tpu.memref_squeeze %dma_wait3A_1435 : memref<1x!tpu.dma_semaphore, #tpu.memory_space<semaphore_mem>> -> memref<!tpu.dma_semaphore, #tpu.memory_space<semaphore_mem>>
    %dma_wait3A_1437 = arith.constant 0 : i32
    %dma_wait3A_1438 = tpu.memref_slice %arg4[%add3A_1350, %dma_wait3A_1437] : memref<204800x64xf32, #tpu.memory_space<hbm>> -> memref<128x64xf32, #tpu.memory_space<hbm>>
    %dma_wait3A_1439 = arith.constant 0 : i32
    %dma_wait3A_1440 = arith.constant 0 : i32
    %dma_wait3A_1441 = tpu.memref_slice %arg6[%dma_wait3A_1427, %dma_wait3A_1439, %dma_wait3A_1440] : memref<8x128x64xf32, #tpu.memory_space<vmem>> -> memref<1x128x64xf32, #tpu.memory_space<vmem>>
    %dma_wait3A_1442 = tpu.memref_squeeze %dma_wait3A_1441 : memref<1x128x64xf32, #tpu.memory_space<vmem>> -> memref<128x64xf32, #tpu.memory_space<vmem>>
    tpu.wait_dma2 semaphore(%dma_wait3A_1436 : memref<!tpu.dma_semaphore, #tpu.memory_space<semaphore_mem>>) src(%dma_wait3A_1442 : memref<128x64xf32, #tpu.memory_space<vmem>>) dst(%dma_wait3A_1438 : memref<128x64xf32, #tpu.memory_space<hbm>>)
    %dma_start3A_1443 = arith.constant 5 : i32
    %dma_start3A_1444 = arith.constant 5 : i32
    %dma_start3A_1445 = arith.constant 0 : i32
    %dma_start3A_1446 = arith.constant 0 : i32
    %dma_start3A_1447 = tpu.memref_slice %arg6[%dma_start3A_1443, %dma_start3A_1445, %dma_start3A_1446] : memref<8x128x64xf32, #tpu.memory_space<vmem>> -> memref<1x128x64xf32, #tpu.memory_space<vmem>>
    %dma_start3A_1448 = tpu.memref_squeeze %dma_start3A_1447 : memref<1x128x64xf32, #tpu.memory_space<vmem>> -> memref<128x64xf32, #tpu.memory_space<vmem>>
    %dma_start3A_1449 = arith.constant 3712 : i32
    %dma_start3A_1450 = tpu.memref_slice %arg5[%dma_start3A_1449] : memref<6400xi32, #tpu.memory_space<vmem>> -> memref<128xi32, #tpu.memory_space<vmem>>
    %dma_start3A_1451 = arith.constant 0 : i32
    %dma_start3A_1452 = arith.constant 0 : i32
    %dma_start3A_1453 = tpu.memref_slice %arg2[%dma_start3A_1451, %dma_start3A_1452] : memref<1000000x64xf32, #tpu.memory_space<hbm>> -> memref<1000000x64xf32, #tpu.memory_space<hbm>>
    %dma_start3A_1454 = tpu.memref_slice %arg7[%dma_start3A_1444] : memref<8x!tpu.dma_semaphore, #tpu.memory_space<semaphore_mem>> -> memref<1x!tpu.dma_semaphore, #tpu.memory_space<semaphore_mem>>
    %dma_start3A_1455 = tpu.memref_squeeze %dma_start3A_1454 : memref<1x!tpu.dma_semaphore, #tpu.memory_space<semaphore_mem>> -> memref<!tpu.dma_semaphore, #tpu.memory_space<semaphore_mem>>
    tpu.enqueue_indirect_dma source(%dma_start3A_1453 : memref<1000000x64xf32, #tpu.memory_space<hbm>>) target(%dma_start3A_1448 : memref<128x64xf32, #tpu.memory_space<vmem>>) offsets(%dma_start3A_1450 : memref<128xi32, #tpu.memory_space<vmem>>) semaphore(%dma_start3A_1455 : memref<!tpu.dma_semaphore, #tpu.memory_space<semaphore_mem>>)
    %dma_wait3A_1456 = arith.constant 7 : i32
    %dma_wait3A_1457 = arith.constant 7 : i32
    %dma_wait3A_1458 = arith.constant 0 : i32
    %dma_wait3A_1459 = arith.constant 0 : i32
    %dma_wait3A_1460 = tpu.memref_slice %arg6[%dma_wait3A_1456, %dma_wait3A_1458, %dma_wait3A_1459] : memref<8x128x64xf32, #tpu.memory_space<vmem>> -> memref<1x128x64xf32, #tpu.memory_space<vmem>>
    %dma_wait3A_1461 = tpu.memref_squeeze %dma_wait3A_1460 : memref<1x128x64xf32, #tpu.memory_space<vmem>> -> memref<128x64xf32, #tpu.memory_space<vmem>>
    %dma_wait3A_1462 = arith.constant 2944 : i32
    %dma_wait3A_1463 = tpu.memref_slice %arg5[%dma_wait3A_1462] : memref<6400xi32, #tpu.memory_space<vmem>> -> memref<128xi32, #tpu.memory_space<vmem>>
    %dma_wait3A_1464 = arith.constant 0 : i32
    %dma_wait3A_1465 = arith.constant 0 : i32
    %dma_wait3A_1466 = tpu.memref_slice %arg2[%dma_wait3A_1464, %dma_wait3A_1465] : memref<1000000x64xf32, #tpu.memory_space<hbm>> -> memref<1000000x64xf32, #tpu.memory_space<hbm>>
    %dma_wait3A_1467 = tpu.memref_slice %arg7[%dma_wait3A_1457] : memref<8x!tpu.dma_semaphore, #tpu.memory_space<semaphore_mem>> -> memref<1x!tpu.dma_semaphore, #tpu.memory_space<semaphore_mem>>
    %dma_wait3A_1468 = tpu.memref_squeeze %dma_wait3A_1467 : memref<1x!tpu.dma_semaphore, #tpu.memory_space<semaphore_mem>> -> memref<!tpu.dma_semaphore, #tpu.memory_space<semaphore_mem>>
    tpu.wait_indirect_dma semaphore(%dma_wait3A_1468 : memref<!tpu.dma_semaphore, #tpu.memory_space<semaphore_mem>>) src(%dma_wait3A_1466 : memref<1000000x64xf32, #tpu.memory_space<hbm>>) dst(%dma_wait3A_1461 : memref<128x64xf32, #tpu.memory_space<vmem>>)
    %add3A_1469 = arith.constant 2944 : i32
    %add3A_1470 = arith.addi %mul3A_2, %add3A_1469 : i32
    %dma_start3A_1471 = arith.constant 7 : i32
    %dma_start3A_1472 = arith.constant 7 : i32
    %dma_start3A_1473 = arith.constant 0 : i32
    %dma_start3A_1474 = arith.constant 0 : i32
    %dma_start3A_1475 = tpu.memref_slice %arg6[%dma_start3A_1471, %dma_start3A_1473, %dma_start3A_1474] : memref<8x128x64xf32, #tpu.memory_space<vmem>> -> memref<1x128x64xf32, #tpu.memory_space<vmem>>
    %dma_start3A_1476 = tpu.memref_squeeze %dma_start3A_1475 : memref<1x128x64xf32, #tpu.memory_space<vmem>> -> memref<128x64xf32, #tpu.memory_space<vmem>>
    %dma_start3A_1477 = arith.constant 0 : i32
    %dma_start3A_1478 = tpu.memref_slice %arg4[%add3A_1470, %dma_start3A_1477] : memref<204800x64xf32, #tpu.memory_space<hbm>> -> memref<128x64xf32, #tpu.memory_space<hbm>>
    %dma_start3A_1479 = tpu.memref_slice %arg8[%dma_start3A_1472] : memref<8x!tpu.dma_semaphore, #tpu.memory_space<semaphore_mem>> -> memref<1x!tpu.dma_semaphore, #tpu.memory_space<semaphore_mem>>
    %dma_start3A_1480 = tpu.memref_squeeze %dma_start3A_1479 : memref<1x!tpu.dma_semaphore, #tpu.memory_space<semaphore_mem>> -> memref<!tpu.dma_semaphore, #tpu.memory_space<semaphore_mem>>
    %dma_start3A_1481 = arith.constant 0 : i32
    %dma_start3A_1482 = tpu.memref_slice %arg4[%add3A_1470, %dma_start3A_1481] : memref<204800x64xf32, #tpu.memory_space<hbm>> -> memref<128x64xf32, #tpu.memory_space<hbm>>
    %dma_start3A_1483 = arith.constant 0 : i32
    %dma_start3A_1484 = arith.constant 0 : i32
    %dma_start3A_1485 = tpu.memref_slice %arg6[%dma_start3A_1471, %dma_start3A_1483, %dma_start3A_1484] : memref<8x128x64xf32, #tpu.memory_space<vmem>> -> memref<1x128x64xf32, #tpu.memory_space<vmem>>
    %dma_start3A_1486 = tpu.memref_squeeze %dma_start3A_1485 : memref<1x128x64xf32, #tpu.memory_space<vmem>> -> memref<128x64xf32, #tpu.memory_space<vmem>>
    tpu.enqueue_dma source(%dma_start3A_1486 : memref<128x64xf32, #tpu.memory_space<vmem>>) target(%dma_start3A_1482 : memref<128x64xf32, #tpu.memory_space<hbm>>) target_semaphore(%dma_start3A_1480 : memref<!tpu.dma_semaphore, #tpu.memory_space<semaphore_mem>>)
    %dma_wait3A_1487 = arith.constant 6 : i32
    %dma_wait3A_1488 = arith.constant 6 : i32
    %dma_wait3A_1489 = arith.constant 0 : i32
    %dma_wait3A_1490 = arith.constant 0 : i32
    %dma_wait3A_1491 = tpu.memref_slice %arg6[%dma_wait3A_1487, %dma_wait3A_1489, %dma_wait3A_1490] : memref<8x128x64xf32, #tpu.memory_space<vmem>> -> memref<1x128x64xf32, #tpu.memory_space<vmem>>
    %dma_wait3A_1492 = tpu.memref_squeeze %dma_wait3A_1491 : memref<1x128x64xf32, #tpu.memory_space<vmem>> -> memref<128x64xf32, #tpu.memory_space<vmem>>
    %dma_wait3A_1493 = arith.constant 0 : i32
    %dma_wait3A_1494 = tpu.memref_slice %arg4[%add3A_1410, %dma_wait3A_1493] : memref<204800x64xf32, #tpu.memory_space<hbm>> -> memref<128x64xf32, #tpu.memory_space<hbm>>
    %dma_wait3A_1495 = tpu.memref_slice %arg8[%dma_wait3A_1488] : memref<8x!tpu.dma_semaphore, #tpu.memory_space<semaphore_mem>> -> memref<1x!tpu.dma_semaphore, #tpu.memory_space<semaphore_mem>>
    %dma_wait3A_1496 = tpu.memref_squeeze %dma_wait3A_1495 : memref<1x!tpu.dma_semaphore, #tpu.memory_space<semaphore_mem>> -> memref<!tpu.dma_semaphore, #tpu.memory_space<semaphore_mem>>
    %dma_wait3A_1497 = arith.constant 0 : i32
    %dma_wait3A_1498 = tpu.memref_slice %arg4[%add3A_1410, %dma_wait3A_1497] : memref<204800x64xf32, #tpu.memory_space<hbm>> -> memref<128x64xf32, #tpu.memory_space<hbm>>
    %dma_wait3A_1499 = arith.constant 0 : i32
    %dma_wait3A_1500 = arith.constant 0 : i32
    %dma_wait3A_1501 = tpu.memref_slice %arg6[%dma_wait3A_1487, %dma_wait3A_1499, %dma_wait3A_1500] : memref<8x128x64xf32, #tpu.memory_space<vmem>> -> memref<1x128x64xf32, #tpu.memory_space<vmem>>
    %dma_wait3A_1502 = tpu.memref_squeeze %dma_wait3A_1501 : memref<1x128x64xf32, #tpu.memory_space<vmem>> -> memref<128x64xf32, #tpu.memory_space<vmem>>
    tpu.wait_dma2 semaphore(%dma_wait3A_1496 : memref<!tpu.dma_semaphore, #tpu.memory_space<semaphore_mem>>) src(%dma_wait3A_1502 : memref<128x64xf32, #tpu.memory_space<vmem>>) dst(%dma_wait3A_1498 : memref<128x64xf32, #tpu.memory_space<hbm>>)
    %dma_start3A_1503 = arith.constant 6 : i32
    %dma_start3A_1504 = arith.constant 6 : i32
    %dma_start3A_1505 = arith.constant 0 : i32
    %dma_start3A_1506 = arith.constant 0 : i32
    %dma_start3A_1507 = tpu.memref_slice %arg6[%dma_start3A_1503, %dma_start3A_1505, %dma_start3A_1506] : memref<8x128x64xf32, #tpu.memory_space<vmem>> -> memref<1x128x64xf32, #tpu.memory_space<vmem>>
    %dma_start3A_1508 = tpu.memref_squeeze %dma_start3A_1507 : memref<1x128x64xf32, #tpu.memory_space<vmem>> -> memref<128x64xf32, #tpu.memory_space<vmem>>
    %dma_start3A_1509 = arith.constant 3840 : i32
    %dma_start3A_1510 = tpu.memref_slice %arg5[%dma_start3A_1509] : memref<6400xi32, #tpu.memory_space<vmem>> -> memref<128xi32, #tpu.memory_space<vmem>>
    %dma_start3A_1511 = arith.constant 0 : i32
    %dma_start3A_1512 = arith.constant 0 : i32
    %dma_start3A_1513 = tpu.memref_slice %arg2[%dma_start3A_1511, %dma_start3A_1512] : memref<1000000x64xf32, #tpu.memory_space<hbm>> -> memref<1000000x64xf32, #tpu.memory_space<hbm>>
    %dma_start3A_1514 = tpu.memref_slice %arg7[%dma_start3A_1504] : memref<8x!tpu.dma_semaphore, #tpu.memory_space<semaphore_mem>> -> memref<1x!tpu.dma_semaphore, #tpu.memory_space<semaphore_mem>>
    %dma_start3A_1515 = tpu.memref_squeeze %dma_start3A_1514 : memref<1x!tpu.dma_semaphore, #tpu.memory_space<semaphore_mem>> -> memref<!tpu.dma_semaphore, #tpu.memory_space<semaphore_mem>>
    tpu.enqueue_indirect_dma source(%dma_start3A_1513 : memref<1000000x64xf32, #tpu.memory_space<hbm>>) target(%dma_start3A_1508 : memref<128x64xf32, #tpu.memory_space<vmem>>) offsets(%dma_start3A_1510 : memref<128xi32, #tpu.memory_space<vmem>>) semaphore(%dma_start3A_1515 : memref<!tpu.dma_semaphore, #tpu.memory_space<semaphore_mem>>)
    %dma_wait3A_1516 = arith.constant 0 : i32
    %dma_wait3A_1517 = arith.constant 0 : i32
    %dma_wait3A_1518 = arith.constant 0 : i32
    %dma_wait3A_1519 = arith.constant 0 : i32
    %dma_wait3A_1520 = tpu.memref_slice %arg6[%dma_wait3A_1516, %dma_wait3A_1518, %dma_wait3A_1519] : memref<8x128x64xf32, #tpu.memory_space<vmem>> -> memref<1x128x64xf32, #tpu.memory_space<vmem>>
    %dma_wait3A_1521 = tpu.memref_squeeze %dma_wait3A_1520 : memref<1x128x64xf32, #tpu.memory_space<vmem>> -> memref<128x64xf32, #tpu.memory_space<vmem>>
    %dma_wait3A_1522 = arith.constant 3072 : i32
    %dma_wait3A_1523 = tpu.memref_slice %arg5[%dma_wait3A_1522] : memref<6400xi32, #tpu.memory_space<vmem>> -> memref<128xi32, #tpu.memory_space<vmem>>
    %dma_wait3A_1524 = arith.constant 0 : i32
    %dma_wait3A_1525 = arith.constant 0 : i32
    %dma_wait3A_1526 = tpu.memref_slice %arg2[%dma_wait3A_1524, %dma_wait3A_1525] : memref<1000000x64xf32, #tpu.memory_space<hbm>> -> memref<1000000x64xf32, #tpu.memory_space<hbm>>
    %dma_wait3A_1527 = tpu.memref_slice %arg7[%dma_wait3A_1517] : memref<8x!tpu.dma_semaphore, #tpu.memory_space<semaphore_mem>> -> memref<1x!tpu.dma_semaphore, #tpu.memory_space<semaphore_mem>>
    %dma_wait3A_1528 = tpu.memref_squeeze %dma_wait3A_1527 : memref<1x!tpu.dma_semaphore, #tpu.memory_space<semaphore_mem>> -> memref<!tpu.dma_semaphore, #tpu.memory_space<semaphore_mem>>
    tpu.wait_indirect_dma semaphore(%dma_wait3A_1528 : memref<!tpu.dma_semaphore, #tpu.memory_space<semaphore_mem>>) src(%dma_wait3A_1526 : memref<1000000x64xf32, #tpu.memory_space<hbm>>) dst(%dma_wait3A_1521 : memref<128x64xf32, #tpu.memory_space<vmem>>)
    %add3A_1529 = arith.constant 3072 : i32
    %add3A_1530 = arith.addi %mul3A_2, %add3A_1529 : i32
    %dma_start3A_1531 = arith.constant 0 : i32
    %dma_start3A_1532 = arith.constant 0 : i32
    %dma_start3A_1533 = arith.constant 0 : i32
    %dma_start3A_1534 = arith.constant 0 : i32
    %dma_start3A_1535 = tpu.memref_slice %arg6[%dma_start3A_1531, %dma_start3A_1533, %dma_start3A_1534] : memref<8x128x64xf32, #tpu.memory_space<vmem>> -> memref<1x128x64xf32, #tpu.memory_space<vmem>>
    %dma_start3A_1536 = tpu.memref_squeeze %dma_start3A_1535 : memref<1x128x64xf32, #tpu.memory_space<vmem>> -> memref<128x64xf32, #tpu.memory_space<vmem>>
    %dma_start3A_1537 = arith.constant 0 : i32
    %dma_start3A_1538 = tpu.memref_slice %arg4[%add3A_1530, %dma_start3A_1537] : memref<204800x64xf32, #tpu.memory_space<hbm>> -> memref<128x64xf32, #tpu.memory_space<hbm>>
    %dma_start3A_1539 = tpu.memref_slice %arg8[%dma_start3A_1532] : memref<8x!tpu.dma_semaphore, #tpu.memory_space<semaphore_mem>> -> memref<1x!tpu.dma_semaphore, #tpu.memory_space<semaphore_mem>>
    %dma_start3A_1540 = tpu.memref_squeeze %dma_start3A_1539 : memref<1x!tpu.dma_semaphore, #tpu.memory_space<semaphore_mem>> -> memref<!tpu.dma_semaphore, #tpu.memory_space<semaphore_mem>>
    %dma_start3A_1541 = arith.constant 0 : i32
    %dma_start3A_1542 = tpu.memref_slice %arg4[%add3A_1530, %dma_start3A_1541] : memref<204800x64xf32, #tpu.memory_space<hbm>> -> memref<128x64xf32, #tpu.memory_space<hbm>>
    %dma_start3A_1543 = arith.constant 0 : i32
    %dma_start3A_1544 = arith.constant 0 : i32
    %dma_start3A_1545 = tpu.memref_slice %arg6[%dma_start3A_1531, %dma_start3A_1543, %dma_start3A_1544] : memref<8x128x64xf32, #tpu.memory_space<vmem>> -> memref<1x128x64xf32, #tpu.memory_space<vmem>>
    %dma_start3A_1546 = tpu.memref_squeeze %dma_start3A_1545 : memref<1x128x64xf32, #tpu.memory_space<vmem>> -> memref<128x64xf32, #tpu.memory_space<vmem>>
    tpu.enqueue_dma source(%dma_start3A_1546 : memref<128x64xf32, #tpu.memory_space<vmem>>) target(%dma_start3A_1542 : memref<128x64xf32, #tpu.memory_space<hbm>>) target_semaphore(%dma_start3A_1540 : memref<!tpu.dma_semaphore, #tpu.memory_space<semaphore_mem>>)
    %dma_wait3A_1547 = arith.constant 7 : i32
    %dma_wait3A_1548 = arith.constant 7 : i32
    %dma_wait3A_1549 = arith.constant 0 : i32
    %dma_wait3A_1550 = arith.constant 0 : i32
    %dma_wait3A_1551 = tpu.memref_slice %arg6[%dma_wait3A_1547, %dma_wait3A_1549, %dma_wait3A_1550] : memref<8x128x64xf32, #tpu.memory_space<vmem>> -> memref<1x128x64xf32, #tpu.memory_space<vmem>>
    %dma_wait3A_1552 = tpu.memref_squeeze %dma_wait3A_1551 : memref<1x128x64xf32, #tpu.memory_space<vmem>> -> memref<128x64xf32, #tpu.memory_space<vmem>>
    %dma_wait3A_1553 = arith.constant 0 : i32
    %dma_wait3A_1554 = tpu.memref_slice %arg4[%add3A_1470, %dma_wait3A_1553] : memref<204800x64xf32, #tpu.memory_space<hbm>> -> memref<128x64xf32, #tpu.memory_space<hbm>>
    %dma_wait3A_1555 = tpu.memref_slice %arg8[%dma_wait3A_1548] : memref<8x!tpu.dma_semaphore, #tpu.memory_space<semaphore_mem>> -> memref<1x!tpu.dma_semaphore, #tpu.memory_space<semaphore_mem>>
    %dma_wait3A_1556 = tpu.memref_squeeze %dma_wait3A_1555 : memref<1x!tpu.dma_semaphore, #tpu.memory_space<semaphore_mem>> -> memref<!tpu.dma_semaphore, #tpu.memory_space<semaphore_mem>>
    %dma_wait3A_1557 = arith.constant 0 : i32
    %dma_wait3A_1558 = tpu.memref_slice %arg4[%add3A_1470, %dma_wait3A_1557] : memref<204800x64xf32, #tpu.memory_space<hbm>> -> memref<128x64xf32, #tpu.memory_space<hbm>>
    %dma_wait3A_1559 = arith.constant 0 : i32
    %dma_wait3A_1560 = arith.constant 0 : i32
    %dma_wait3A_1561 = tpu.memref_slice %arg6[%dma_wait3A_1547, %dma_wait3A_1559, %dma_wait3A_1560] : memref<8x128x64xf32, #tpu.memory_space<vmem>> -> memref<1x128x64xf32, #tpu.memory_space<vmem>>
    %dma_wait3A_1562 = tpu.memref_squeeze %dma_wait3A_1561 : memref<1x128x64xf32, #tpu.memory_space<vmem>> -> memref<128x64xf32, #tpu.memory_space<vmem>>
    tpu.wait_dma2 semaphore(%dma_wait3A_1556 : memref<!tpu.dma_semaphore, #tpu.memory_space<semaphore_mem>>) src(%dma_wait3A_1562 : memref<128x64xf32, #tpu.memory_space<vmem>>) dst(%dma_wait3A_1558 : memref<128x64xf32, #tpu.memory_space<hbm>>)
    %dma_start3A_1563 = arith.constant 7 : i32
    %dma_start3A_1564 = arith.constant 7 : i32
    %dma_start3A_1565 = arith.constant 0 : i32
    %dma_start3A_1566 = arith.constant 0 : i32
    %dma_start3A_1567 = tpu.memref_slice %arg6[%dma_start3A_1563, %dma_start3A_1565, %dma_start3A_1566] : memref<8x128x64xf32, #tpu.memory_space<vmem>> -> memref<1x128x64xf32, #tpu.memory_space<vmem>>
    %dma_start3A_1568 = tpu.memref_squeeze %dma_start3A_1567 : memref<1x128x64xf32, #tpu.memory_space<vmem>> -> memref<128x64xf32, #tpu.memory_space<vmem>>
    %dma_start3A_1569 = arith.constant 3968 : i32
    %dma_start3A_1570 = tpu.memref_slice %arg5[%dma_start3A_1569] : memref<6400xi32, #tpu.memory_space<vmem>> -> memref<128xi32, #tpu.memory_space<vmem>>
    %dma_start3A_1571 = arith.constant 0 : i32
    %dma_start3A_1572 = arith.constant 0 : i32
    %dma_start3A_1573 = tpu.memref_slice %arg2[%dma_start3A_1571, %dma_start3A_1572] : memref<1000000x64xf32, #tpu.memory_space<hbm>> -> memref<1000000x64xf32, #tpu.memory_space<hbm>>
    %dma_start3A_1574 = tpu.memref_slice %arg7[%dma_start3A_1564] : memref<8x!tpu.dma_semaphore, #tpu.memory_space<semaphore_mem>> -> memref<1x!tpu.dma_semaphore, #tpu.memory_space<semaphore_mem>>
    %dma_start3A_1575 = tpu.memref_squeeze %dma_start3A_1574 : memref<1x!tpu.dma_semaphore, #tpu.memory_space<semaphore_mem>> -> memref<!tpu.dma_semaphore, #tpu.memory_space<semaphore_mem>>
    tpu.enqueue_indirect_dma source(%dma_start3A_1573 : memref<1000000x64xf32, #tpu.memory_space<hbm>>) target(%dma_start3A_1568 : memref<128x64xf32, #tpu.memory_space<vmem>>) offsets(%dma_start3A_1570 : memref<128xi32, #tpu.memory_space<vmem>>) semaphore(%dma_start3A_1575 : memref<!tpu.dma_semaphore, #tpu.memory_space<semaphore_mem>>)
    %dma_wait3A_1576 = arith.constant 1 : i32
    %dma_wait3A_1577 = arith.constant 1 : i32
    %dma_wait3A_1578 = arith.constant 0 : i32
    %dma_wait3A_1579 = arith.constant 0 : i32
    %dma_wait3A_1580 = tpu.memref_slice %arg6[%dma_wait3A_1576, %dma_wait3A_1578, %dma_wait3A_1579] : memref<8x128x64xf32, #tpu.memory_space<vmem>> -> memref<1x128x64xf32, #tpu.memory_space<vmem>>
    %dma_wait3A_1581 = tpu.memref_squeeze %dma_wait3A_1580 : memref<1x128x64xf32, #tpu.memory_space<vmem>> -> memref<128x64xf32, #tpu.memory_space<vmem>>
    %dma_wait3A_1582 = arith.constant 3200 : i32
    %dma_wait3A_1583 = tpu.memref_slice %arg5[%dma_wait3A_1582] : memref<6400xi32, #tpu.memory_space<vmem>> -> memref<128xi32, #tpu.memory_space<vmem>>
    %dma_wait3A_1584 = arith.constant 0 : i32
    %dma_wait3A_1585 = arith.constant 0 : i32
    %dma_wait3A_1586 = tpu.memref_slice %arg2[%dma_wait3A_1584, %dma_wait3A_1585] : memref<1000000x64xf32, #tpu.memory_space<hbm>> -> memref<1000000x64xf32, #tpu.memory_space<hbm>>
    %dma_wait3A_1587 = tpu.memref_slice %arg7[%dma_wait3A_1577] : memref<8x!tpu.dma_semaphore, #tpu.memory_space<semaphore_mem>> -> memref<1x!tpu.dma_semaphore, #tpu.memory_space<semaphore_mem>>
    %dma_wait3A_1588 = tpu.memref_squeeze %dma_wait3A_1587 : memref<1x!tpu.dma_semaphore, #tpu.memory_space<semaphore_mem>> -> memref<!tpu.dma_semaphore, #tpu.memory_space<semaphore_mem>>
    tpu.wait_indirect_dma semaphore(%dma_wait3A_1588 : memref<!tpu.dma_semaphore, #tpu.memory_space<semaphore_mem>>) src(%dma_wait3A_1586 : memref<1000000x64xf32, #tpu.memory_space<hbm>>) dst(%dma_wait3A_1581 : memref<128x64xf32, #tpu.memory_space<vmem>>)
    %add3A_1589 = arith.constant 3200 : i32
    %add3A_1590 = arith.addi %mul3A_2, %add3A_1589 : i32
    %dma_start3A_1591 = arith.constant 1 : i32
    %dma_start3A_1592 = arith.constant 1 : i32
    %dma_start3A_1593 = arith.constant 0 : i32
    %dma_start3A_1594 = arith.constant 0 : i32
    %dma_start3A_1595 = tpu.memref_slice %arg6[%dma_start3A_1591, %dma_start3A_1593, %dma_start3A_1594] : memref<8x128x64xf32, #tpu.memory_space<vmem>> -> memref<1x128x64xf32, #tpu.memory_space<vmem>>
    %dma_start3A_1596 = tpu.memref_squeeze %dma_start3A_1595 : memref<1x128x64xf32, #tpu.memory_space<vmem>> -> memref<128x64xf32, #tpu.memory_space<vmem>>
    %dma_start3A_1597 = arith.constant 0 : i32
    %dma_start3A_1598 = tpu.memref_slice %arg4[%add3A_1590, %dma_start3A_1597] : memref<204800x64xf32, #tpu.memory_space<hbm>> -> memref<128x64xf32, #tpu.memory_space<hbm>>
    %dma_start3A_1599 = tpu.memref_slice %arg8[%dma_start3A_1592] : memref<8x!tpu.dma_semaphore, #tpu.memory_space<semaphore_mem>> -> memref<1x!tpu.dma_semaphore, #tpu.memory_space<semaphore_mem>>
    %dma_start3A_1600 = tpu.memref_squeeze %dma_start3A_1599 : memref<1x!tpu.dma_semaphore, #tpu.memory_space<semaphore_mem>> -> memref<!tpu.dma_semaphore, #tpu.memory_space<semaphore_mem>>
    %dma_start3A_1601 = arith.constant 0 : i32
    %dma_start3A_1602 = tpu.memref_slice %arg4[%add3A_1590, %dma_start3A_1601] : memref<204800x64xf32, #tpu.memory_space<hbm>> -> memref<128x64xf32, #tpu.memory_space<hbm>>
    %dma_start3A_1603 = arith.constant 0 : i32
    %dma_start3A_1604 = arith.constant 0 : i32
    %dma_start3A_1605 = tpu.memref_slice %arg6[%dma_start3A_1591, %dma_start3A_1603, %dma_start3A_1604] : memref<8x128x64xf32, #tpu.memory_space<vmem>> -> memref<1x128x64xf32, #tpu.memory_space<vmem>>
    %dma_start3A_1606 = tpu.memref_squeeze %dma_start3A_1605 : memref<1x128x64xf32, #tpu.memory_space<vmem>> -> memref<128x64xf32, #tpu.memory_space<vmem>>
    tpu.enqueue_dma source(%dma_start3A_1606 : memref<128x64xf32, #tpu.memory_space<vmem>>) target(%dma_start3A_1602 : memref<128x64xf32, #tpu.memory_space<hbm>>) target_semaphore(%dma_start3A_1600 : memref<!tpu.dma_semaphore, #tpu.memory_space<semaphore_mem>>)
    %dma_wait3A_1607 = arith.constant 0 : i32
    %dma_wait3A_1608 = arith.constant 0 : i32
    %dma_wait3A_1609 = arith.constant 0 : i32
    %dma_wait3A_1610 = arith.constant 0 : i32
    %dma_wait3A_1611 = tpu.memref_slice %arg6[%dma_wait3A_1607, %dma_wait3A_1609, %dma_wait3A_1610] : memref<8x128x64xf32, #tpu.memory_space<vmem>> -> memref<1x128x64xf32, #tpu.memory_space<vmem>>
    %dma_wait3A_1612 = tpu.memref_squeeze %dma_wait3A_1611 : memref<1x128x64xf32, #tpu.memory_space<vmem>> -> memref<128x64xf32, #tpu.memory_space<vmem>>
    %dma_wait3A_1613 = arith.constant 0 : i32
    %dma_wait3A_1614 = tpu.memref_slice %arg4[%add3A_1530, %dma_wait3A_1613] : memref<204800x64xf32, #tpu.memory_space<hbm>> -> memref<128x64xf32, #tpu.memory_space<hbm>>
    %dma_wait3A_1615 = tpu.memref_slice %arg8[%dma_wait3A_1608] : memref<8x!tpu.dma_semaphore, #tpu.memory_space<semaphore_mem>> -> memref<1x!tpu.dma_semaphore, #tpu.memory_space<semaphore_mem>>
    %dma_wait3A_1616 = tpu.memref_squeeze %dma_wait3A_1615 : memref<1x!tpu.dma_semaphore, #tpu.memory_space<semaphore_mem>> -> memref<!tpu.dma_semaphore, #tpu.memory_space<semaphore_mem>>
    %dma_wait3A_1617 = arith.constant 0 : i32
    %dma_wait3A_1618 = tpu.memref_slice %arg4[%add3A_1530, %dma_wait3A_1617] : memref<204800x64xf32, #tpu.memory_space<hbm>> -> memref<128x64xf32, #tpu.memory_space<hbm>>
    %dma_wait3A_1619 = arith.constant 0 : i32
    %dma_wait3A_1620 = arith.constant 0 : i32
    %dma_wait3A_1621 = tpu.memref_slice %arg6[%dma_wait3A_1607, %dma_wait3A_1619, %dma_wait3A_1620] : memref<8x128x64xf32, #tpu.memory_space<vmem>> -> memref<1x128x64xf32, #tpu.memory_space<vmem>>
    %dma_wait3A_1622 = tpu.memref_squeeze %dma_wait3A_1621 : memref<1x128x64xf32, #tpu.memory_space<vmem>> -> memref<128x64xf32, #tpu.memory_space<vmem>>
    tpu.wait_dma2 semaphore(%dma_wait3A_1616 : memref<!tpu.dma_semaphore, #tpu.memory_space<semaphore_mem>>) src(%dma_wait3A_1622 : memref<128x64xf32, #tpu.memory_space<vmem>>) dst(%dma_wait3A_1618 : memref<128x64xf32, #tpu.memory_space<hbm>>)
    %dma_start3A_1623 = arith.constant 0 : i32
    %dma_start3A_1624 = arith.constant 0 : i32
    %dma_start3A_1625 = arith.constant 0 : i32
    %dma_start3A_1626 = arith.constant 0 : i32
    %dma_start3A_1627 = tpu.memref_slice %arg6[%dma_start3A_1623, %dma_start3A_1625, %dma_start3A_1626] : memref<8x128x64xf32, #tpu.memory_space<vmem>> -> memref<1x128x64xf32, #tpu.memory_space<vmem>>
    %dma_start3A_1628 = tpu.memref_squeeze %dma_start3A_1627 : memref<1x128x64xf32, #tpu.memory_space<vmem>> -> memref<128x64xf32, #tpu.memory_space<vmem>>
    %dma_start3A_1629 = arith.constant 4096 : i32
    %dma_start3A_1630 = tpu.memref_slice %arg5[%dma_start3A_1629] : memref<6400xi32, #tpu.memory_space<vmem>> -> memref<128xi32, #tpu.memory_space<vmem>>
    %dma_start3A_1631 = arith.constant 0 : i32
    %dma_start3A_1632 = arith.constant 0 : i32
    %dma_start3A_1633 = tpu.memref_slice %arg2[%dma_start3A_1631, %dma_start3A_1632] : memref<1000000x64xf32, #tpu.memory_space<hbm>> -> memref<1000000x64xf32, #tpu.memory_space<hbm>>
    %dma_start3A_1634 = tpu.memref_slice %arg7[%dma_start3A_1624] : memref<8x!tpu.dma_semaphore, #tpu.memory_space<semaphore_mem>> -> memref<1x!tpu.dma_semaphore, #tpu.memory_space<semaphore_mem>>
    %dma_start3A_1635 = tpu.memref_squeeze %dma_start3A_1634 : memref<1x!tpu.dma_semaphore, #tpu.memory_space<semaphore_mem>> -> memref<!tpu.dma_semaphore, #tpu.memory_space<semaphore_mem>>
    tpu.enqueue_indirect_dma source(%dma_start3A_1633 : memref<1000000x64xf32, #tpu.memory_space<hbm>>) target(%dma_start3A_1628 : memref<128x64xf32, #tpu.memory_space<vmem>>) offsets(%dma_start3A_1630 : memref<128xi32, #tpu.memory_space<vmem>>) semaphore(%dma_start3A_1635 : memref<!tpu.dma_semaphore, #tpu.memory_space<semaphore_mem>>)
    %dma_wait3A_1636 = arith.constant 2 : i32
    %dma_wait3A_1637 = arith.constant 2 : i32
    %dma_wait3A_1638 = arith.constant 0 : i32
    %dma_wait3A_1639 = arith.constant 0 : i32
    %dma_wait3A_1640 = tpu.memref_slice %arg6[%dma_wait3A_1636, %dma_wait3A_1638, %dma_wait3A_1639] : memref<8x128x64xf32, #tpu.memory_space<vmem>> -> memref<1x128x64xf32, #tpu.memory_space<vmem>>
    %dma_wait3A_1641 = tpu.memref_squeeze %dma_wait3A_1640 : memref<1x128x64xf32, #tpu.memory_space<vmem>> -> memref<128x64xf32, #tpu.memory_space<vmem>>
    %dma_wait3A_1642 = arith.constant 3328 : i32
    %dma_wait3A_1643 = tpu.memref_slice %arg5[%dma_wait3A_1642] : memref<6400xi32, #tpu.memory_space<vmem>> -> memref<128xi32, #tpu.memory_space<vmem>>
    %dma_wait3A_1644 = arith.constant 0 : i32
    %dma_wait3A_1645 = arith.constant 0 : i32
    %dma_wait3A_1646 = tpu.memref_slice %arg2[%dma_wait3A_1644, %dma_wait3A_1645] : memref<1000000x64xf32, #tpu.memory_space<hbm>> -> memref<1000000x64xf32, #tpu.memory_space<hbm>>
    %dma_wait3A_1647 = tpu.memref_slice %arg7[%dma_wait3A_1637] : memref<8x!tpu.dma_semaphore, #tpu.memory_space<semaphore_mem>> -> memref<1x!tpu.dma_semaphore, #tpu.memory_space<semaphore_mem>>
    %dma_wait3A_1648 = tpu.memref_squeeze %dma_wait3A_1647 : memref<1x!tpu.dma_semaphore, #tpu.memory_space<semaphore_mem>> -> memref<!tpu.dma_semaphore, #tpu.memory_space<semaphore_mem>>
    tpu.wait_indirect_dma semaphore(%dma_wait3A_1648 : memref<!tpu.dma_semaphore, #tpu.memory_space<semaphore_mem>>) src(%dma_wait3A_1646 : memref<1000000x64xf32, #tpu.memory_space<hbm>>) dst(%dma_wait3A_1641 : memref<128x64xf32, #tpu.memory_space<vmem>>)
    %add3A_1649 = arith.constant 3328 : i32
    %add3A_1650 = arith.addi %mul3A_2, %add3A_1649 : i32
    %dma_start3A_1651 = arith.constant 2 : i32
    %dma_start3A_1652 = arith.constant 2 : i32
    %dma_start3A_1653 = arith.constant 0 : i32
    %dma_start3A_1654 = arith.constant 0 : i32
    %dma_start3A_1655 = tpu.memref_slice %arg6[%dma_start3A_1651, %dma_start3A_1653, %dma_start3A_1654] : memref<8x128x64xf32, #tpu.memory_space<vmem>> -> memref<1x128x64xf32, #tpu.memory_space<vmem>>
    %dma_start3A_1656 = tpu.memref_squeeze %dma_start3A_1655 : memref<1x128x64xf32, #tpu.memory_space<vmem>> -> memref<128x64xf32, #tpu.memory_space<vmem>>
    %dma_start3A_1657 = arith.constant 0 : i32
    %dma_start3A_1658 = tpu.memref_slice %arg4[%add3A_1650, %dma_start3A_1657] : memref<204800x64xf32, #tpu.memory_space<hbm>> -> memref<128x64xf32, #tpu.memory_space<hbm>>
    %dma_start3A_1659 = tpu.memref_slice %arg8[%dma_start3A_1652] : memref<8x!tpu.dma_semaphore, #tpu.memory_space<semaphore_mem>> -> memref<1x!tpu.dma_semaphore, #tpu.memory_space<semaphore_mem>>
    %dma_start3A_1660 = tpu.memref_squeeze %dma_start3A_1659 : memref<1x!tpu.dma_semaphore, #tpu.memory_space<semaphore_mem>> -> memref<!tpu.dma_semaphore, #tpu.memory_space<semaphore_mem>>
    %dma_start3A_1661 = arith.constant 0 : i32
    %dma_start3A_1662 = tpu.memref_slice %arg4[%add3A_1650, %dma_start3A_1661] : memref<204800x64xf32, #tpu.memory_space<hbm>> -> memref<128x64xf32, #tpu.memory_space<hbm>>
    %dma_start3A_1663 = arith.constant 0 : i32
    %dma_start3A_1664 = arith.constant 0 : i32
    %dma_start3A_1665 = tpu.memref_slice %arg6[%dma_start3A_1651, %dma_start3A_1663, %dma_start3A_1664] : memref<8x128x64xf32, #tpu.memory_space<vmem>> -> memref<1x128x64xf32, #tpu.memory_space<vmem>>
    %dma_start3A_1666 = tpu.memref_squeeze %dma_start3A_1665 : memref<1x128x64xf32, #tpu.memory_space<vmem>> -> memref<128x64xf32, #tpu.memory_space<vmem>>
    tpu.enqueue_dma source(%dma_start3A_1666 : memref<128x64xf32, #tpu.memory_space<vmem>>) target(%dma_start3A_1662 : memref<128x64xf32, #tpu.memory_space<hbm>>) target_semaphore(%dma_start3A_1660 : memref<!tpu.dma_semaphore, #tpu.memory_space<semaphore_mem>>)
    %dma_wait3A_1667 = arith.constant 1 : i32
    %dma_wait3A_1668 = arith.constant 1 : i32
    %dma_wait3A_1669 = arith.constant 0 : i32
    %dma_wait3A_1670 = arith.constant 0 : i32
    %dma_wait3A_1671 = tpu.memref_slice %arg6[%dma_wait3A_1667, %dma_wait3A_1669, %dma_wait3A_1670] : memref<8x128x64xf32, #tpu.memory_space<vmem>> -> memref<1x128x64xf32, #tpu.memory_space<vmem>>
    %dma_wait3A_1672 = tpu.memref_squeeze %dma_wait3A_1671 : memref<1x128x64xf32, #tpu.memory_space<vmem>> -> memref<128x64xf32, #tpu.memory_space<vmem>>
    %dma_wait3A_1673 = arith.constant 0 : i32
    %dma_wait3A_1674 = tpu.memref_slice %arg4[%add3A_1590, %dma_wait3A_1673] : memref<204800x64xf32, #tpu.memory_space<hbm>> -> memref<128x64xf32, #tpu.memory_space<hbm>>
    %dma_wait3A_1675 = tpu.memref_slice %arg8[%dma_wait3A_1668] : memref<8x!tpu.dma_semaphore, #tpu.memory_space<semaphore_mem>> -> memref<1x!tpu.dma_semaphore, #tpu.memory_space<semaphore_mem>>
    %dma_wait3A_1676 = tpu.memref_squeeze %dma_wait3A_1675 : memref<1x!tpu.dma_semaphore, #tpu.memory_space<semaphore_mem>> -> memref<!tpu.dma_semaphore, #tpu.memory_space<semaphore_mem>>
    %dma_wait3A_1677 = arith.constant 0 : i32
    %dma_wait3A_1678 = tpu.memref_slice %arg4[%add3A_1590, %dma_wait3A_1677] : memref<204800x64xf32, #tpu.memory_space<hbm>> -> memref<128x64xf32, #tpu.memory_space<hbm>>
    %dma_wait3A_1679 = arith.constant 0 : i32
    %dma_wait3A_1680 = arith.constant 0 : i32
    %dma_wait3A_1681 = tpu.memref_slice %arg6[%dma_wait3A_1667, %dma_wait3A_1679, %dma_wait3A_1680] : memref<8x128x64xf32, #tpu.memory_space<vmem>> -> memref<1x128x64xf32, #tpu.memory_space<vmem>>
    %dma_wait3A_1682 = tpu.memref_squeeze %dma_wait3A_1681 : memref<1x128x64xf32, #tpu.memory_space<vmem>> -> memref<128x64xf32, #tpu.memory_space<vmem>>
    tpu.wait_dma2 semaphore(%dma_wait3A_1676 : memref<!tpu.dma_semaphore, #tpu.memory_space<semaphore_mem>>) src(%dma_wait3A_1682 : memref<128x64xf32, #tpu.memory_space<vmem>>) dst(%dma_wait3A_1678 : memref<128x64xf32, #tpu.memory_space<hbm>>)
    %dma_start3A_1683 = arith.constant 1 : i32
    %dma_start3A_1684 = arith.constant 1 : i32
    %dma_start3A_1685 = arith.constant 0 : i32
    %dma_start3A_1686 = arith.constant 0 : i32
    %dma_start3A_1687 = tpu.memref_slice %arg6[%dma_start3A_1683, %dma_start3A_1685, %dma_start3A_1686] : memref<8x128x64xf32, #tpu.memory_space<vmem>> -> memref<1x128x64xf32, #tpu.memory_space<vmem>>
    %dma_start3A_1688 = tpu.memref_squeeze %dma_start3A_1687 : memref<1x128x64xf32, #tpu.memory_space<vmem>> -> memref<128x64xf32, #tpu.memory_space<vmem>>
    %dma_start3A_1689 = arith.constant 4224 : i32
    %dma_start3A_1690 = tpu.memref_slice %arg5[%dma_start3A_1689] : memref<6400xi32, #tpu.memory_space<vmem>> -> memref<128xi32, #tpu.memory_space<vmem>>
    %dma_start3A_1691 = arith.constant 0 : i32
    %dma_start3A_1692 = arith.constant 0 : i32
    %dma_start3A_1693 = tpu.memref_slice %arg2[%dma_start3A_1691, %dma_start3A_1692] : memref<1000000x64xf32, #tpu.memory_space<hbm>> -> memref<1000000x64xf32, #tpu.memory_space<hbm>>
    %dma_start3A_1694 = tpu.memref_slice %arg7[%dma_start3A_1684] : memref<8x!tpu.dma_semaphore, #tpu.memory_space<semaphore_mem>> -> memref<1x!tpu.dma_semaphore, #tpu.memory_space<semaphore_mem>>
    %dma_start3A_1695 = tpu.memref_squeeze %dma_start3A_1694 : memref<1x!tpu.dma_semaphore, #tpu.memory_space<semaphore_mem>> -> memref<!tpu.dma_semaphore, #tpu.memory_space<semaphore_mem>>
    tpu.enqueue_indirect_dma source(%dma_start3A_1693 : memref<1000000x64xf32, #tpu.memory_space<hbm>>) target(%dma_start3A_1688 : memref<128x64xf32, #tpu.memory_space<vmem>>) offsets(%dma_start3A_1690 : memref<128xi32, #tpu.memory_space<vmem>>) semaphore(%dma_start3A_1695 : memref<!tpu.dma_semaphore, #tpu.memory_space<semaphore_mem>>)
    %dma_wait3A_1696 = arith.constant 3 : i32
    %dma_wait3A_1697 = arith.constant 3 : i32
    %dma_wait3A_1698 = arith.constant 0 : i32
    %dma_wait3A_1699 = arith.constant 0 : i32
    %dma_wait3A_1700 = tpu.memref_slice %arg6[%dma_wait3A_1696, %dma_wait3A_1698, %dma_wait3A_1699] : memref<8x128x64xf32, #tpu.memory_space<vmem>> -> memref<1x128x64xf32, #tpu.memory_space<vmem>>
    %dma_wait3A_1701 = tpu.memref_squeeze %dma_wait3A_1700 : memref<1x128x64xf32, #tpu.memory_space<vmem>> -> memref<128x64xf32, #tpu.memory_space<vmem>>
    %dma_wait3A_1702 = arith.constant 3456 : i32
    %dma_wait3A_1703 = tpu.memref_slice %arg5[%dma_wait3A_1702] : memref<6400xi32, #tpu.memory_space<vmem>> -> memref<128xi32, #tpu.memory_space<vmem>>
    %dma_wait3A_1704 = arith.constant 0 : i32
    %dma_wait3A_1705 = arith.constant 0 : i32
    %dma_wait3A_1706 = tpu.memref_slice %arg2[%dma_wait3A_1704, %dma_wait3A_1705] : memref<1000000x64xf32, #tpu.memory_space<hbm>> -> memref<1000000x64xf32, #tpu.memory_space<hbm>>
    %dma_wait3A_1707 = tpu.memref_slice %arg7[%dma_wait3A_1697] : memref<8x!tpu.dma_semaphore, #tpu.memory_space<semaphore_mem>> -> memref<1x!tpu.dma_semaphore, #tpu.memory_space<semaphore_mem>>
    %dma_wait3A_1708 = tpu.memref_squeeze %dma_wait3A_1707 : memref<1x!tpu.dma_semaphore, #tpu.memory_space<semaphore_mem>> -> memref<!tpu.dma_semaphore, #tpu.memory_space<semaphore_mem>>
    tpu.wait_indirect_dma semaphore(%dma_wait3A_1708 : memref<!tpu.dma_semaphore, #tpu.memory_space<semaphore_mem>>) src(%dma_wait3A_1706 : memref<1000000x64xf32, #tpu.memory_space<hbm>>) dst(%dma_wait3A_1701 : memref<128x64xf32, #tpu.memory_space<vmem>>)
    %add3A_1709 = arith.constant 3456 : i32
    %add3A_1710 = arith.addi %mul3A_2, %add3A_1709 : i32
    %dma_start3A_1711 = arith.constant 3 : i32
    %dma_start3A_1712 = arith.constant 3 : i32
    %dma_start3A_1713 = arith.constant 0 : i32
    %dma_start3A_1714 = arith.constant 0 : i32
    %dma_start3A_1715 = tpu.memref_slice %arg6[%dma_start3A_1711, %dma_start3A_1713, %dma_start3A_1714] : memref<8x128x64xf32, #tpu.memory_space<vmem>> -> memref<1x128x64xf32, #tpu.memory_space<vmem>>
    %dma_start3A_1716 = tpu.memref_squeeze %dma_start3A_1715 : memref<1x128x64xf32, #tpu.memory_space<vmem>> -> memref<128x64xf32, #tpu.memory_space<vmem>>
    %dma_start3A_1717 = arith.constant 0 : i32
    %dma_start3A_1718 = tpu.memref_slice %arg4[%add3A_1710, %dma_start3A_1717] : memref<204800x64xf32, #tpu.memory_space<hbm>> -> memref<128x64xf32, #tpu.memory_space<hbm>>
    %dma_start3A_1719 = tpu.memref_slice %arg8[%dma_start3A_1712] : memref<8x!tpu.dma_semaphore, #tpu.memory_space<semaphore_mem>> -> memref<1x!tpu.dma_semaphore, #tpu.memory_space<semaphore_mem>>
    %dma_start3A_1720 = tpu.memref_squeeze %dma_start3A_1719 : memref<1x!tpu.dma_semaphore, #tpu.memory_space<semaphore_mem>> -> memref<!tpu.dma_semaphore, #tpu.memory_space<semaphore_mem>>
    %dma_start3A_1721 = arith.constant 0 : i32
    %dma_start3A_1722 = tpu.memref_slice %arg4[%add3A_1710, %dma_start3A_1721] : memref<204800x64xf32, #tpu.memory_space<hbm>> -> memref<128x64xf32, #tpu.memory_space<hbm>>
    %dma_start3A_1723 = arith.constant 0 : i32
    %dma_start3A_1724 = arith.constant 0 : i32
    %dma_start3A_1725 = tpu.memref_slice %arg6[%dma_start3A_1711, %dma_start3A_1723, %dma_start3A_1724] : memref<8x128x64xf32, #tpu.memory_space<vmem>> -> memref<1x128x64xf32, #tpu.memory_space<vmem>>
    %dma_start3A_1726 = tpu.memref_squeeze %dma_start3A_1725 : memref<1x128x64xf32, #tpu.memory_space<vmem>> -> memref<128x64xf32, #tpu.memory_space<vmem>>
    tpu.enqueue_dma source(%dma_start3A_1726 : memref<128x64xf32, #tpu.memory_space<vmem>>) target(%dma_start3A_1722 : memref<128x64xf32, #tpu.memory_space<hbm>>) target_semaphore(%dma_start3A_1720 : memref<!tpu.dma_semaphore, #tpu.memory_space<semaphore_mem>>)
    %dma_wait3A_1727 = arith.constant 2 : i32
    %dma_wait3A_1728 = arith.constant 2 : i32
    %dma_wait3A_1729 = arith.constant 0 : i32
    %dma_wait3A_1730 = arith.constant 0 : i32
    %dma_wait3A_1731 = tpu.memref_slice %arg6[%dma_wait3A_1727, %dma_wait3A_1729, %dma_wait3A_1730] : memref<8x128x64xf32, #tpu.memory_space<vmem>> -> memref<1x128x64xf32, #tpu.memory_space<vmem>>
    %dma_wait3A_1732 = tpu.memref_squeeze %dma_wait3A_1731 : memref<1x128x64xf32, #tpu.memory_space<vmem>> -> memref<128x64xf32, #tpu.memory_space<vmem>>
    %dma_wait3A_1733 = arith.constant 0 : i32
    %dma_wait3A_1734 = tpu.memref_slice %arg4[%add3A_1650, %dma_wait3A_1733] : memref<204800x64xf32, #tpu.memory_space<hbm>> -> memref<128x64xf32, #tpu.memory_space<hbm>>
    %dma_wait3A_1735 = tpu.memref_slice %arg8[%dma_wait3A_1728] : memref<8x!tpu.dma_semaphore, #tpu.memory_space<semaphore_mem>> -> memref<1x!tpu.dma_semaphore, #tpu.memory_space<semaphore_mem>>
    %dma_wait3A_1736 = tpu.memref_squeeze %dma_wait3A_1735 : memref<1x!tpu.dma_semaphore, #tpu.memory_space<semaphore_mem>> -> memref<!tpu.dma_semaphore, #tpu.memory_space<semaphore_mem>>
    %dma_wait3A_1737 = arith.constant 0 : i32
    %dma_wait3A_1738 = tpu.memref_slice %arg4[%add3A_1650, %dma_wait3A_1737] : memref<204800x64xf32, #tpu.memory_space<hbm>> -> memref<128x64xf32, #tpu.memory_space<hbm>>
    %dma_wait3A_1739 = arith.constant 0 : i32
    %dma_wait3A_1740 = arith.constant 0 : i32
    %dma_wait3A_1741 = tpu.memref_slice %arg6[%dma_wait3A_1727, %dma_wait3A_1739, %dma_wait3A_1740] : memref<8x128x64xf32, #tpu.memory_space<vmem>> -> memref<1x128x64xf32, #tpu.memory_space<vmem>>
    %dma_wait3A_1742 = tpu.memref_squeeze %dma_wait3A_1741 : memref<1x128x64xf32, #tpu.memory_space<vmem>> -> memref<128x64xf32, #tpu.memory_space<vmem>>
    tpu.wait_dma2 semaphore(%dma_wait3A_1736 : memref<!tpu.dma_semaphore, #tpu.memory_space<semaphore_mem>>) src(%dma_wait3A_1742 : memref<128x64xf32, #tpu.memory_space<vmem>>) dst(%dma_wait3A_1738 : memref<128x64xf32, #tpu.memory_space<hbm>>)
    %dma_start3A_1743 = arith.constant 2 : i32
    %dma_start3A_1744 = arith.constant 2 : i32
    %dma_start3A_1745 = arith.constant 0 : i32
    %dma_start3A_1746 = arith.constant 0 : i32
    %dma_start3A_1747 = tpu.memref_slice %arg6[%dma_start3A_1743, %dma_start3A_1745, %dma_start3A_1746] : memref<8x128x64xf32, #tpu.memory_space<vmem>> -> memref<1x128x64xf32, #tpu.memory_space<vmem>>
    %dma_start3A_1748 = tpu.memref_squeeze %dma_start3A_1747 : memref<1x128x64xf32, #tpu.memory_space<vmem>> -> memref<128x64xf32, #tpu.memory_space<vmem>>
    %dma_start3A_1749 = arith.constant 4352 : i32
    %dma_start3A_1750 = tpu.memref_slice %arg5[%dma_start3A_1749] : memref<6400xi32, #tpu.memory_space<vmem>> -> memref<128xi32, #tpu.memory_space<vmem>>
    %dma_start3A_1751 = arith.constant 0 : i32
    %dma_start3A_1752 = arith.constant 0 : i32
    %dma_start3A_1753 = tpu.memref_slice %arg2[%dma_start3A_1751, %dma_start3A_1752] : memref<1000000x64xf32, #tpu.memory_space<hbm>> -> memref<1000000x64xf32, #tpu.memory_space<hbm>>
    %dma_start3A_1754 = tpu.memref_slice %arg7[%dma_start3A_1744] : memref<8x!tpu.dma_semaphore, #tpu.memory_space<semaphore_mem>> -> memref<1x!tpu.dma_semaphore, #tpu.memory_space<semaphore_mem>>
    %dma_start3A_1755 = tpu.memref_squeeze %dma_start3A_1754 : memref<1x!tpu.dma_semaphore, #tpu.memory_space<semaphore_mem>> -> memref<!tpu.dma_semaphore, #tpu.memory_space<semaphore_mem>>
    tpu.enqueue_indirect_dma source(%dma_start3A_1753 : memref<1000000x64xf32, #tpu.memory_space<hbm>>) target(%dma_start3A_1748 : memref<128x64xf32, #tpu.memory_space<vmem>>) offsets(%dma_start3A_1750 : memref<128xi32, #tpu.memory_space<vmem>>) semaphore(%dma_start3A_1755 : memref<!tpu.dma_semaphore, #tpu.memory_space<semaphore_mem>>)
    %dma_wait3A_1756 = arith.constant 4 : i32
    %dma_wait3A_1757 = arith.constant 4 : i32
    %dma_wait3A_1758 = arith.constant 0 : i32
    %dma_wait3A_1759 = arith.constant 0 : i32
    %dma_wait3A_1760 = tpu.memref_slice %arg6[%dma_wait3A_1756, %dma_wait3A_1758, %dma_wait3A_1759] : memref<8x128x64xf32, #tpu.memory_space<vmem>> -> memref<1x128x64xf32, #tpu.memory_space<vmem>>
    %dma_wait3A_1761 = tpu.memref_squeeze %dma_wait3A_1760 : memref<1x128x64xf32, #tpu.memory_space<vmem>> -> memref<128x64xf32, #tpu.memory_space<vmem>>
    %dma_wait3A_1762 = arith.constant 3584 : i32
    %dma_wait3A_1763 = tpu.memref_slice %arg5[%dma_wait3A_1762] : memref<6400xi32, #tpu.memory_space<vmem>> -> memref<128xi32, #tpu.memory_space<vmem>>
    %dma_wait3A_1764 = arith.constant 0 : i32
    %dma_wait3A_1765 = arith.constant 0 : i32
    %dma_wait3A_1766 = tpu.memref_slice %arg2[%dma_wait3A_1764, %dma_wait3A_1765] : memref<1000000x64xf32, #tpu.memory_space<hbm>> -> memref<1000000x64xf32, #tpu.memory_space<hbm>>
    %dma_wait3A_1767 = tpu.memref_slice %arg7[%dma_wait3A_1757] : memref<8x!tpu.dma_semaphore, #tpu.memory_space<semaphore_mem>> -> memref<1x!tpu.dma_semaphore, #tpu.memory_space<semaphore_mem>>
    %dma_wait3A_1768 = tpu.memref_squeeze %dma_wait3A_1767 : memref<1x!tpu.dma_semaphore, #tpu.memory_space<semaphore_mem>> -> memref<!tpu.dma_semaphore, #tpu.memory_space<semaphore_mem>>
    tpu.wait_indirect_dma semaphore(%dma_wait3A_1768 : memref<!tpu.dma_semaphore, #tpu.memory_space<semaphore_mem>>) src(%dma_wait3A_1766 : memref<1000000x64xf32, #tpu.memory_space<hbm>>) dst(%dma_wait3A_1761 : memref<128x64xf32, #tpu.memory_space<vmem>>)
    %add3A_1769 = arith.constant 3584 : i32
    %add3A_1770 = arith.addi %mul3A_2, %add3A_1769 : i32
    %dma_start3A_1771 = arith.constant 4 : i32
    %dma_start3A_1772 = arith.constant 4 : i32
    %dma_start3A_1773 = arith.constant 0 : i32
    %dma_start3A_1774 = arith.constant 0 : i32
    %dma_start3A_1775 = tpu.memref_slice %arg6[%dma_start3A_1771, %dma_start3A_1773, %dma_start3A_1774] : memref<8x128x64xf32, #tpu.memory_space<vmem>> -> memref<1x128x64xf32, #tpu.memory_space<vmem>>
    %dma_start3A_1776 = tpu.memref_squeeze %dma_start3A_1775 : memref<1x128x64xf32, #tpu.memory_space<vmem>> -> memref<128x64xf32, #tpu.memory_space<vmem>>
    %dma_start3A_1777 = arith.constant 0 : i32
    %dma_start3A_1778 = tpu.memref_slice %arg4[%add3A_1770, %dma_start3A_1777] : memref<204800x64xf32, #tpu.memory_space<hbm>> -> memref<128x64xf32, #tpu.memory_space<hbm>>
    %dma_start3A_1779 = tpu.memref_slice %arg8[%dma_start3A_1772] : memref<8x!tpu.dma_semaphore, #tpu.memory_space<semaphore_mem>> -> memref<1x!tpu.dma_semaphore, #tpu.memory_space<semaphore_mem>>
    %dma_start3A_1780 = tpu.memref_squeeze %dma_start3A_1779 : memref<1x!tpu.dma_semaphore, #tpu.memory_space<semaphore_mem>> -> memref<!tpu.dma_semaphore, #tpu.memory_space<semaphore_mem>>
    %dma_start3A_1781 = arith.constant 0 : i32
    %dma_start3A_1782 = tpu.memref_slice %arg4[%add3A_1770, %dma_start3A_1781] : memref<204800x64xf32, #tpu.memory_space<hbm>> -> memref<128x64xf32, #tpu.memory_space<hbm>>
    %dma_start3A_1783 = arith.constant 0 : i32
    %dma_start3A_1784 = arith.constant 0 : i32
    %dma_start3A_1785 = tpu.memref_slice %arg6[%dma_start3A_1771, %dma_start3A_1783, %dma_start3A_1784] : memref<8x128x64xf32, #tpu.memory_space<vmem>> -> memref<1x128x64xf32, #tpu.memory_space<vmem>>
    %dma_start3A_1786 = tpu.memref_squeeze %dma_start3A_1785 : memref<1x128x64xf32, #tpu.memory_space<vmem>> -> memref<128x64xf32, #tpu.memory_space<vmem>>
    tpu.enqueue_dma source(%dma_start3A_1786 : memref<128x64xf32, #tpu.memory_space<vmem>>) target(%dma_start3A_1782 : memref<128x64xf32, #tpu.memory_space<hbm>>) target_semaphore(%dma_start3A_1780 : memref<!tpu.dma_semaphore, #tpu.memory_space<semaphore_mem>>)
    %dma_wait3A_1787 = arith.constant 3 : i32
    %dma_wait3A_1788 = arith.constant 3 : i32
    %dma_wait3A_1789 = arith.constant 0 : i32
    %dma_wait3A_1790 = arith.constant 0 : i32
    %dma_wait3A_1791 = tpu.memref_slice %arg6[%dma_wait3A_1787, %dma_wait3A_1789, %dma_wait3A_1790] : memref<8x128x64xf32, #tpu.memory_space<vmem>> -> memref<1x128x64xf32, #tpu.memory_space<vmem>>
    %dma_wait3A_1792 = tpu.memref_squeeze %dma_wait3A_1791 : memref<1x128x64xf32, #tpu.memory_space<vmem>> -> memref<128x64xf32, #tpu.memory_space<vmem>>
    %dma_wait3A_1793 = arith.constant 0 : i32
    %dma_wait3A_1794 = tpu.memref_slice %arg4[%add3A_1710, %dma_wait3A_1793] : memref<204800x64xf32, #tpu.memory_space<hbm>> -> memref<128x64xf32, #tpu.memory_space<hbm>>
    %dma_wait3A_1795 = tpu.memref_slice %arg8[%dma_wait3A_1788] : memref<8x!tpu.dma_semaphore, #tpu.memory_space<semaphore_mem>> -> memref<1x!tpu.dma_semaphore, #tpu.memory_space<semaphore_mem>>
    %dma_wait3A_1796 = tpu.memref_squeeze %dma_wait3A_1795 : memref<1x!tpu.dma_semaphore, #tpu.memory_space<semaphore_mem>> -> memref<!tpu.dma_semaphore, #tpu.memory_space<semaphore_mem>>
    %dma_wait3A_1797 = arith.constant 0 : i32
    %dma_wait3A_1798 = tpu.memref_slice %arg4[%add3A_1710, %dma_wait3A_1797] : memref<204800x64xf32, #tpu.memory_space<hbm>> -> memref<128x64xf32, #tpu.memory_space<hbm>>
    %dma_wait3A_1799 = arith.constant 0 : i32
    %dma_wait3A_1800 = arith.constant 0 : i32
    %dma_wait3A_1801 = tpu.memref_slice %arg6[%dma_wait3A_1787, %dma_wait3A_1799, %dma_wait3A_1800] : memref<8x128x64xf32, #tpu.memory_space<vmem>> -> memref<1x128x64xf32, #tpu.memory_space<vmem>>
    %dma_wait3A_1802 = tpu.memref_squeeze %dma_wait3A_1801 : memref<1x128x64xf32, #tpu.memory_space<vmem>> -> memref<128x64xf32, #tpu.memory_space<vmem>>
    tpu.wait_dma2 semaphore(%dma_wait3A_1796 : memref<!tpu.dma_semaphore, #tpu.memory_space<semaphore_mem>>) src(%dma_wait3A_1802 : memref<128x64xf32, #tpu.memory_space<vmem>>) dst(%dma_wait3A_1798 : memref<128x64xf32, #tpu.memory_space<hbm>>)
    %dma_start3A_1803 = arith.constant 3 : i32
    %dma_start3A_1804 = arith.constant 3 : i32
    %dma_start3A_1805 = arith.constant 0 : i32
    %dma_start3A_1806 = arith.constant 0 : i32
    %dma_start3A_1807 = tpu.memref_slice %arg6[%dma_start3A_1803, %dma_start3A_1805, %dma_start3A_1806] : memref<8x128x64xf32, #tpu.memory_space<vmem>> -> memref<1x128x64xf32, #tpu.memory_space<vmem>>
    %dma_start3A_1808 = tpu.memref_squeeze %dma_start3A_1807 : memref<1x128x64xf32, #tpu.memory_space<vmem>> -> memref<128x64xf32, #tpu.memory_space<vmem>>
    %dma_start3A_1809 = arith.constant 4480 : i32
    %dma_start3A_1810 = tpu.memref_slice %arg5[%dma_start3A_1809] : memref<6400xi32, #tpu.memory_space<vmem>> -> memref<128xi32, #tpu.memory_space<vmem>>
    %dma_start3A_1811 = arith.constant 0 : i32
    %dma_start3A_1812 = arith.constant 0 : i32
    %dma_start3A_1813 = tpu.memref_slice %arg2[%dma_start3A_1811, %dma_start3A_1812] : memref<1000000x64xf32, #tpu.memory_space<hbm>> -> memref<1000000x64xf32, #tpu.memory_space<hbm>>
    %dma_start3A_1814 = tpu.memref_slice %arg7[%dma_start3A_1804] : memref<8x!tpu.dma_semaphore, #tpu.memory_space<semaphore_mem>> -> memref<1x!tpu.dma_semaphore, #tpu.memory_space<semaphore_mem>>
    %dma_start3A_1815 = tpu.memref_squeeze %dma_start3A_1814 : memref<1x!tpu.dma_semaphore, #tpu.memory_space<semaphore_mem>> -> memref<!tpu.dma_semaphore, #tpu.memory_space<semaphore_mem>>
    tpu.enqueue_indirect_dma source(%dma_start3A_1813 : memref<1000000x64xf32, #tpu.memory_space<hbm>>) target(%dma_start3A_1808 : memref<128x64xf32, #tpu.memory_space<vmem>>) offsets(%dma_start3A_1810 : memref<128xi32, #tpu.memory_space<vmem>>) semaphore(%dma_start3A_1815 : memref<!tpu.dma_semaphore, #tpu.memory_space<semaphore_mem>>)
    %dma_wait3A_1816 = arith.constant 5 : i32
    %dma_wait3A_1817 = arith.constant 5 : i32
    %dma_wait3A_1818 = arith.constant 0 : i32
    %dma_wait3A_1819 = arith.constant 0 : i32
    %dma_wait3A_1820 = tpu.memref_slice %arg6[%dma_wait3A_1816, %dma_wait3A_1818, %dma_wait3A_1819] : memref<8x128x64xf32, #tpu.memory_space<vmem>> -> memref<1x128x64xf32, #tpu.memory_space<vmem>>
    %dma_wait3A_1821 = tpu.memref_squeeze %dma_wait3A_1820 : memref<1x128x64xf32, #tpu.memory_space<vmem>> -> memref<128x64xf32, #tpu.memory_space<vmem>>
    %dma_wait3A_1822 = arith.constant 3712 : i32
    %dma_wait3A_1823 = tpu.memref_slice %arg5[%dma_wait3A_1822] : memref<6400xi32, #tpu.memory_space<vmem>> -> memref<128xi32, #tpu.memory_space<vmem>>
    %dma_wait3A_1824 = arith.constant 0 : i32
    %dma_wait3A_1825 = arith.constant 0 : i32
    %dma_wait3A_1826 = tpu.memref_slice %arg2[%dma_wait3A_1824, %dma_wait3A_1825] : memref<1000000x64xf32, #tpu.memory_space<hbm>> -> memref<1000000x64xf32, #tpu.memory_space<hbm>>
    %dma_wait3A_1827 = tpu.memref_slice %arg7[%dma_wait3A_1817] : memref<8x!tpu.dma_semaphore, #tpu.memory_space<semaphore_mem>> -> memref<1x!tpu.dma_semaphore, #tpu.memory_space<semaphore_mem>>
    %dma_wait3A_1828 = tpu.memref_squeeze %dma_wait3A_1827 : memref<1x!tpu.dma_semaphore, #tpu.memory_space<semaphore_mem>> -> memref<!tpu.dma_semaphore, #tpu.memory_space<semaphore_mem>>
    tpu.wait_indirect_dma semaphore(%dma_wait3A_1828 : memref<!tpu.dma_semaphore, #tpu.memory_space<semaphore_mem>>) src(%dma_wait3A_1826 : memref<1000000x64xf32, #tpu.memory_space<hbm>>) dst(%dma_wait3A_1821 : memref<128x64xf32, #tpu.memory_space<vmem>>)
    %add3A_1829 = arith.constant 3712 : i32
    %add3A_1830 = arith.addi %mul3A_2, %add3A_1829 : i32
    %dma_start3A_1831 = arith.constant 5 : i32
    %dma_start3A_1832 = arith.constant 5 : i32
    %dma_start3A_1833 = arith.constant 0 : i32
    %dma_start3A_1834 = arith.constant 0 : i32
    %dma_start3A_1835 = tpu.memref_slice %arg6[%dma_start3A_1831, %dma_start3A_1833, %dma_start3A_1834] : memref<8x128x64xf32, #tpu.memory_space<vmem>> -> memref<1x128x64xf32, #tpu.memory_space<vmem>>
    %dma_start3A_1836 = tpu.memref_squeeze %dma_start3A_1835 : memref<1x128x64xf32, #tpu.memory_space<vmem>> -> memref<128x64xf32, #tpu.memory_space<vmem>>
    %dma_start3A_1837 = arith.constant 0 : i32
    %dma_start3A_1838 = tpu.memref_slice %arg4[%add3A_1830, %dma_start3A_1837] : memref<204800x64xf32, #tpu.memory_space<hbm>> -> memref<128x64xf32, #tpu.memory_space<hbm>>
    %dma_start3A_1839 = tpu.memref_slice %arg8[%dma_start3A_1832] : memref<8x!tpu.dma_semaphore, #tpu.memory_space<semaphore_mem>> -> memref<1x!tpu.dma_semaphore, #tpu.memory_space<semaphore_mem>>
    %dma_start3A_1840 = tpu.memref_squeeze %dma_start3A_1839 : memref<1x!tpu.dma_semaphore, #tpu.memory_space<semaphore_mem>> -> memref<!tpu.dma_semaphore, #tpu.memory_space<semaphore_mem>>
    %dma_start3A_1841 = arith.constant 0 : i32
    %dma_start3A_1842 = tpu.memref_slice %arg4[%add3A_1830, %dma_start3A_1841] : memref<204800x64xf32, #tpu.memory_space<hbm>> -> memref<128x64xf32, #tpu.memory_space<hbm>>
    %dma_start3A_1843 = arith.constant 0 : i32
    %dma_start3A_1844 = arith.constant 0 : i32
    %dma_start3A_1845 = tpu.memref_slice %arg6[%dma_start3A_1831, %dma_start3A_1843, %dma_start3A_1844] : memref<8x128x64xf32, #tpu.memory_space<vmem>> -> memref<1x128x64xf32, #tpu.memory_space<vmem>>
    %dma_start3A_1846 = tpu.memref_squeeze %dma_start3A_1845 : memref<1x128x64xf32, #tpu.memory_space<vmem>> -> memref<128x64xf32, #tpu.memory_space<vmem>>
    tpu.enqueue_dma source(%dma_start3A_1846 : memref<128x64xf32, #tpu.memory_space<vmem>>) target(%dma_start3A_1842 : memref<128x64xf32, #tpu.memory_space<hbm>>) target_semaphore(%dma_start3A_1840 : memref<!tpu.dma_semaphore, #tpu.memory_space<semaphore_mem>>)
    %dma_wait3A_1847 = arith.constant 4 : i32
    %dma_wait3A_1848 = arith.constant 4 : i32
    %dma_wait3A_1849 = arith.constant 0 : i32
    %dma_wait3A_1850 = arith.constant 0 : i32
    %dma_wait3A_1851 = tpu.memref_slice %arg6[%dma_wait3A_1847, %dma_wait3A_1849, %dma_wait3A_1850] : memref<8x128x64xf32, #tpu.memory_space<vmem>> -> memref<1x128x64xf32, #tpu.memory_space<vmem>>
    %dma_wait3A_1852 = tpu.memref_squeeze %dma_wait3A_1851 : memref<1x128x64xf32, #tpu.memory_space<vmem>> -> memref<128x64xf32, #tpu.memory_space<vmem>>
    %dma_wait3A_1853 = arith.constant 0 : i32
    %dma_wait3A_1854 = tpu.memref_slice %arg4[%add3A_1770, %dma_wait3A_1853] : memref<204800x64xf32, #tpu.memory_space<hbm>> -> memref<128x64xf32, #tpu.memory_space<hbm>>
    %dma_wait3A_1855 = tpu.memref_slice %arg8[%dma_wait3A_1848] : memref<8x!tpu.dma_semaphore, #tpu.memory_space<semaphore_mem>> -> memref<1x!tpu.dma_semaphore, #tpu.memory_space<semaphore_mem>>
    %dma_wait3A_1856 = tpu.memref_squeeze %dma_wait3A_1855 : memref<1x!tpu.dma_semaphore, #tpu.memory_space<semaphore_mem>> -> memref<!tpu.dma_semaphore, #tpu.memory_space<semaphore_mem>>
    %dma_wait3A_1857 = arith.constant 0 : i32
    %dma_wait3A_1858 = tpu.memref_slice %arg4[%add3A_1770, %dma_wait3A_1857] : memref<204800x64xf32, #tpu.memory_space<hbm>> -> memref<128x64xf32, #tpu.memory_space<hbm>>
    %dma_wait3A_1859 = arith.constant 0 : i32
    %dma_wait3A_1860 = arith.constant 0 : i32
    %dma_wait3A_1861 = tpu.memref_slice %arg6[%dma_wait3A_1847, %dma_wait3A_1859, %dma_wait3A_1860] : memref<8x128x64xf32, #tpu.memory_space<vmem>> -> memref<1x128x64xf32, #tpu.memory_space<vmem>>
    %dma_wait3A_1862 = tpu.memref_squeeze %dma_wait3A_1861 : memref<1x128x64xf32, #tpu.memory_space<vmem>> -> memref<128x64xf32, #tpu.memory_space<vmem>>
    tpu.wait_dma2 semaphore(%dma_wait3A_1856 : memref<!tpu.dma_semaphore, #tpu.memory_space<semaphore_mem>>) src(%dma_wait3A_1862 : memref<128x64xf32, #tpu.memory_space<vmem>>) dst(%dma_wait3A_1858 : memref<128x64xf32, #tpu.memory_space<hbm>>)
    %dma_start3A_1863 = arith.constant 4 : i32
    %dma_start3A_1864 = arith.constant 4 : i32
    %dma_start3A_1865 = arith.constant 0 : i32
    %dma_start3A_1866 = arith.constant 0 : i32
    %dma_start3A_1867 = tpu.memref_slice %arg6[%dma_start3A_1863, %dma_start3A_1865, %dma_start3A_1866] : memref<8x128x64xf32, #tpu.memory_space<vmem>> -> memref<1x128x64xf32, #tpu.memory_space<vmem>>
    %dma_start3A_1868 = tpu.memref_squeeze %dma_start3A_1867 : memref<1x128x64xf32, #tpu.memory_space<vmem>> -> memref<128x64xf32, #tpu.memory_space<vmem>>
    %dma_start3A_1869 = arith.constant 4608 : i32
    %dma_start3A_1870 = tpu.memref_slice %arg5[%dma_start3A_1869] : memref<6400xi32, #tpu.memory_space<vmem>> -> memref<128xi32, #tpu.memory_space<vmem>>
    %dma_start3A_1871 = arith.constant 0 : i32
    %dma_start3A_1872 = arith.constant 0 : i32
    %dma_start3A_1873 = tpu.memref_slice %arg2[%dma_start3A_1871, %dma_start3A_1872] : memref<1000000x64xf32, #tpu.memory_space<hbm>> -> memref<1000000x64xf32, #tpu.memory_space<hbm>>
    %dma_start3A_1874 = tpu.memref_slice %arg7[%dma_start3A_1864] : memref<8x!tpu.dma_semaphore, #tpu.memory_space<semaphore_mem>> -> memref<1x!tpu.dma_semaphore, #tpu.memory_space<semaphore_mem>>
    %dma_start3A_1875 = tpu.memref_squeeze %dma_start3A_1874 : memref<1x!tpu.dma_semaphore, #tpu.memory_space<semaphore_mem>> -> memref<!tpu.dma_semaphore, #tpu.memory_space<semaphore_mem>>
    tpu.enqueue_indirect_dma source(%dma_start3A_1873 : memref<1000000x64xf32, #tpu.memory_space<hbm>>) target(%dma_start3A_1868 : memref<128x64xf32, #tpu.memory_space<vmem>>) offsets(%dma_start3A_1870 : memref<128xi32, #tpu.memory_space<vmem>>) semaphore(%dma_start3A_1875 : memref<!tpu.dma_semaphore, #tpu.memory_space<semaphore_mem>>)
    %dma_wait3A_1876 = arith.constant 6 : i32
    %dma_wait3A_1877 = arith.constant 6 : i32
    %dma_wait3A_1878 = arith.constant 0 : i32
    %dma_wait3A_1879 = arith.constant 0 : i32
    %dma_wait3A_1880 = tpu.memref_slice %arg6[%dma_wait3A_1876, %dma_wait3A_1878, %dma_wait3A_1879] : memref<8x128x64xf32, #tpu.memory_space<vmem>> -> memref<1x128x64xf32, #tpu.memory_space<vmem>>
    %dma_wait3A_1881 = tpu.memref_squeeze %dma_wait3A_1880 : memref<1x128x64xf32, #tpu.memory_space<vmem>> -> memref<128x64xf32, #tpu.memory_space<vmem>>
    %dma_wait3A_1882 = arith.constant 3840 : i32
    %dma_wait3A_1883 = tpu.memref_slice %arg5[%dma_wait3A_1882] : memref<6400xi32, #tpu.memory_space<vmem>> -> memref<128xi32, #tpu.memory_space<vmem>>
    %dma_wait3A_1884 = arith.constant 0 : i32
    %dma_wait3A_1885 = arith.constant 0 : i32
    %dma_wait3A_1886 = tpu.memref_slice %arg2[%dma_wait3A_1884, %dma_wait3A_1885] : memref<1000000x64xf32, #tpu.memory_space<hbm>> -> memref<1000000x64xf32, #tpu.memory_space<hbm>>
    %dma_wait3A_1887 = tpu.memref_slice %arg7[%dma_wait3A_1877] : memref<8x!tpu.dma_semaphore, #tpu.memory_space<semaphore_mem>> -> memref<1x!tpu.dma_semaphore, #tpu.memory_space<semaphore_mem>>
    %dma_wait3A_1888 = tpu.memref_squeeze %dma_wait3A_1887 : memref<1x!tpu.dma_semaphore, #tpu.memory_space<semaphore_mem>> -> memref<!tpu.dma_semaphore, #tpu.memory_space<semaphore_mem>>
    tpu.wait_indirect_dma semaphore(%dma_wait3A_1888 : memref<!tpu.dma_semaphore, #tpu.memory_space<semaphore_mem>>) src(%dma_wait3A_1886 : memref<1000000x64xf32, #tpu.memory_space<hbm>>) dst(%dma_wait3A_1881 : memref<128x64xf32, #tpu.memory_space<vmem>>)
    %add3A_1889 = arith.constant 3840 : i32
    %add3A_1890 = arith.addi %mul3A_2, %add3A_1889 : i32
    %dma_start3A_1891 = arith.constant 6 : i32
    %dma_start3A_1892 = arith.constant 6 : i32
    %dma_start3A_1893 = arith.constant 0 : i32
    %dma_start3A_1894 = arith.constant 0 : i32
    %dma_start3A_1895 = tpu.memref_slice %arg6[%dma_start3A_1891, %dma_start3A_1893, %dma_start3A_1894] : memref<8x128x64xf32, #tpu.memory_space<vmem>> -> memref<1x128x64xf32, #tpu.memory_space<vmem>>
    %dma_start3A_1896 = tpu.memref_squeeze %dma_start3A_1895 : memref<1x128x64xf32, #tpu.memory_space<vmem>> -> memref<128x64xf32, #tpu.memory_space<vmem>>
    %dma_start3A_1897 = arith.constant 0 : i32
    %dma_start3A_1898 = tpu.memref_slice %arg4[%add3A_1890, %dma_start3A_1897] : memref<204800x64xf32, #tpu.memory_space<hbm>> -> memref<128x64xf32, #tpu.memory_space<hbm>>
    %dma_start3A_1899 = tpu.memref_slice %arg8[%dma_start3A_1892] : memref<8x!tpu.dma_semaphore, #tpu.memory_space<semaphore_mem>> -> memref<1x!tpu.dma_semaphore, #tpu.memory_space<semaphore_mem>>
    %dma_start3A_1900 = tpu.memref_squeeze %dma_start3A_1899 : memref<1x!tpu.dma_semaphore, #tpu.memory_space<semaphore_mem>> -> memref<!tpu.dma_semaphore, #tpu.memory_space<semaphore_mem>>
    %dma_start3A_1901 = arith.constant 0 : i32
    %dma_start3A_1902 = tpu.memref_slice %arg4[%add3A_1890, %dma_start3A_1901] : memref<204800x64xf32, #tpu.memory_space<hbm>> -> memref<128x64xf32, #tpu.memory_space<hbm>>
    %dma_start3A_1903 = arith.constant 0 : i32
    %dma_start3A_1904 = arith.constant 0 : i32
    %dma_start3A_1905 = tpu.memref_slice %arg6[%dma_start3A_1891, %dma_start3A_1903, %dma_start3A_1904] : memref<8x128x64xf32, #tpu.memory_space<vmem>> -> memref<1x128x64xf32, #tpu.memory_space<vmem>>
    %dma_start3A_1906 = tpu.memref_squeeze %dma_start3A_1905 : memref<1x128x64xf32, #tpu.memory_space<vmem>> -> memref<128x64xf32, #tpu.memory_space<vmem>>
    tpu.enqueue_dma source(%dma_start3A_1906 : memref<128x64xf32, #tpu.memory_space<vmem>>) target(%dma_start3A_1902 : memref<128x64xf32, #tpu.memory_space<hbm>>) target_semaphore(%dma_start3A_1900 : memref<!tpu.dma_semaphore, #tpu.memory_space<semaphore_mem>>)
    %dma_wait3A_1907 = arith.constant 5 : i32
    %dma_wait3A_1908 = arith.constant 5 : i32
    %dma_wait3A_1909 = arith.constant 0 : i32
    %dma_wait3A_1910 = arith.constant 0 : i32
    %dma_wait3A_1911 = tpu.memref_slice %arg6[%dma_wait3A_1907, %dma_wait3A_1909, %dma_wait3A_1910] : memref<8x128x64xf32, #tpu.memory_space<vmem>> -> memref<1x128x64xf32, #tpu.memory_space<vmem>>
    %dma_wait3A_1912 = tpu.memref_squeeze %dma_wait3A_1911 : memref<1x128x64xf32, #tpu.memory_space<vmem>> -> memref<128x64xf32, #tpu.memory_space<vmem>>
    %dma_wait3A_1913 = arith.constant 0 : i32
    %dma_wait3A_1914 = tpu.memref_slice %arg4[%add3A_1830, %dma_wait3A_1913] : memref<204800x64xf32, #tpu.memory_space<hbm>> -> memref<128x64xf32, #tpu.memory_space<hbm>>
    %dma_wait3A_1915 = tpu.memref_slice %arg8[%dma_wait3A_1908] : memref<8x!tpu.dma_semaphore, #tpu.memory_space<semaphore_mem>> -> memref<1x!tpu.dma_semaphore, #tpu.memory_space<semaphore_mem>>
    %dma_wait3A_1916 = tpu.memref_squeeze %dma_wait3A_1915 : memref<1x!tpu.dma_semaphore, #tpu.memory_space<semaphore_mem>> -> memref<!tpu.dma_semaphore, #tpu.memory_space<semaphore_mem>>
    %dma_wait3A_1917 = arith.constant 0 : i32
    %dma_wait3A_1918 = tpu.memref_slice %arg4[%add3A_1830, %dma_wait3A_1917] : memref<204800x64xf32, #tpu.memory_space<hbm>> -> memref<128x64xf32, #tpu.memory_space<hbm>>
    %dma_wait3A_1919 = arith.constant 0 : i32
    %dma_wait3A_1920 = arith.constant 0 : i32
    %dma_wait3A_1921 = tpu.memref_slice %arg6[%dma_wait3A_1907, %dma_wait3A_1919, %dma_wait3A_1920] : memref<8x128x64xf32, #tpu.memory_space<vmem>> -> memref<1x128x64xf32, #tpu.memory_space<vmem>>
    %dma_wait3A_1922 = tpu.memref_squeeze %dma_wait3A_1921 : memref<1x128x64xf32, #tpu.memory_space<vmem>> -> memref<128x64xf32, #tpu.memory_space<vmem>>
    tpu.wait_dma2 semaphore(%dma_wait3A_1916 : memref<!tpu.dma_semaphore, #tpu.memory_space<semaphore_mem>>) src(%dma_wait3A_1922 : memref<128x64xf32, #tpu.memory_space<vmem>>) dst(%dma_wait3A_1918 : memref<128x64xf32, #tpu.memory_space<hbm>>)
    %dma_start3A_1923 = arith.constant 5 : i32
    %dma_start3A_1924 = arith.constant 5 : i32
    %dma_start3A_1925 = arith.constant 0 : i32
    %dma_start3A_1926 = arith.constant 0 : i32
    %dma_start3A_1927 = tpu.memref_slice %arg6[%dma_start3A_1923, %dma_start3A_1925, %dma_start3A_1926] : memref<8x128x64xf32, #tpu.memory_space<vmem>> -> memref<1x128x64xf32, #tpu.memory_space<vmem>>
    %dma_start3A_1928 = tpu.memref_squeeze %dma_start3A_1927 : memref<1x128x64xf32, #tpu.memory_space<vmem>> -> memref<128x64xf32, #tpu.memory_space<vmem>>
    %dma_start3A_1929 = arith.constant 4736 : i32
    %dma_start3A_1930 = tpu.memref_slice %arg5[%dma_start3A_1929] : memref<6400xi32, #tpu.memory_space<vmem>> -> memref<128xi32, #tpu.memory_space<vmem>>
    %dma_start3A_1931 = arith.constant 0 : i32
    %dma_start3A_1932 = arith.constant 0 : i32
    %dma_start3A_1933 = tpu.memref_slice %arg2[%dma_start3A_1931, %dma_start3A_1932] : memref<1000000x64xf32, #tpu.memory_space<hbm>> -> memref<1000000x64xf32, #tpu.memory_space<hbm>>
    %dma_start3A_1934 = tpu.memref_slice %arg7[%dma_start3A_1924] : memref<8x!tpu.dma_semaphore, #tpu.memory_space<semaphore_mem>> -> memref<1x!tpu.dma_semaphore, #tpu.memory_space<semaphore_mem>>
    %dma_start3A_1935 = tpu.memref_squeeze %dma_start3A_1934 : memref<1x!tpu.dma_semaphore, #tpu.memory_space<semaphore_mem>> -> memref<!tpu.dma_semaphore, #tpu.memory_space<semaphore_mem>>
    tpu.enqueue_indirect_dma source(%dma_start3A_1933 : memref<1000000x64xf32, #tpu.memory_space<hbm>>) target(%dma_start3A_1928 : memref<128x64xf32, #tpu.memory_space<vmem>>) offsets(%dma_start3A_1930 : memref<128xi32, #tpu.memory_space<vmem>>) semaphore(%dma_start3A_1935 : memref<!tpu.dma_semaphore, #tpu.memory_space<semaphore_mem>>)
    %dma_wait3A_1936 = arith.constant 7 : i32
    %dma_wait3A_1937 = arith.constant 7 : i32
    %dma_wait3A_1938 = arith.constant 0 : i32
    %dma_wait3A_1939 = arith.constant 0 : i32
    %dma_wait3A_1940 = tpu.memref_slice %arg6[%dma_wait3A_1936, %dma_wait3A_1938, %dma_wait3A_1939] : memref<8x128x64xf32, #tpu.memory_space<vmem>> -> memref<1x128x64xf32, #tpu.memory_space<vmem>>
    %dma_wait3A_1941 = tpu.memref_squeeze %dma_wait3A_1940 : memref<1x128x64xf32, #tpu.memory_space<vmem>> -> memref<128x64xf32, #tpu.memory_space<vmem>>
    %dma_wait3A_1942 = arith.constant 3968 : i32
    %dma_wait3A_1943 = tpu.memref_slice %arg5[%dma_wait3A_1942] : memref<6400xi32, #tpu.memory_space<vmem>> -> memref<128xi32, #tpu.memory_space<vmem>>
    %dma_wait3A_1944 = arith.constant 0 : i32
    %dma_wait3A_1945 = arith.constant 0 : i32
    %dma_wait3A_1946 = tpu.memref_slice %arg2[%dma_wait3A_1944, %dma_wait3A_1945] : memref<1000000x64xf32, #tpu.memory_space<hbm>> -> memref<1000000x64xf32, #tpu.memory_space<hbm>>
    %dma_wait3A_1947 = tpu.memref_slice %arg7[%dma_wait3A_1937] : memref<8x!tpu.dma_semaphore, #tpu.memory_space<semaphore_mem>> -> memref<1x!tpu.dma_semaphore, #tpu.memory_space<semaphore_mem>>
    %dma_wait3A_1948 = tpu.memref_squeeze %dma_wait3A_1947 : memref<1x!tpu.dma_semaphore, #tpu.memory_space<semaphore_mem>> -> memref<!tpu.dma_semaphore, #tpu.memory_space<semaphore_mem>>
    tpu.wait_indirect_dma semaphore(%dma_wait3A_1948 : memref<!tpu.dma_semaphore, #tpu.memory_space<semaphore_mem>>) src(%dma_wait3A_1946 : memref<1000000x64xf32, #tpu.memory_space<hbm>>) dst(%dma_wait3A_1941 : memref<128x64xf32, #tpu.memory_space<vmem>>)
    %add3A_1949 = arith.constant 3968 : i32
    %add3A_1950 = arith.addi %mul3A_2, %add3A_1949 : i32
    %dma_start3A_1951 = arith.constant 7 : i32
    %dma_start3A_1952 = arith.constant 7 : i32
    %dma_start3A_1953 = arith.constant 0 : i32
    %dma_start3A_1954 = arith.constant 0 : i32
    %dma_start3A_1955 = tpu.memref_slice %arg6[%dma_start3A_1951, %dma_start3A_1953, %dma_start3A_1954] : memref<8x128x64xf32, #tpu.memory_space<vmem>> -> memref<1x128x64xf32, #tpu.memory_space<vmem>>
    %dma_start3A_1956 = tpu.memref_squeeze %dma_start3A_1955 : memref<1x128x64xf32, #tpu.memory_space<vmem>> -> memref<128x64xf32, #tpu.memory_space<vmem>>
    %dma_start3A_1957 = arith.constant 0 : i32
    %dma_start3A_1958 = tpu.memref_slice %arg4[%add3A_1950, %dma_start3A_1957] : memref<204800x64xf32, #tpu.memory_space<hbm>> -> memref<128x64xf32, #tpu.memory_space<hbm>>
    %dma_start3A_1959 = tpu.memref_slice %arg8[%dma_start3A_1952] : memref<8x!tpu.dma_semaphore, #tpu.memory_space<semaphore_mem>> -> memref<1x!tpu.dma_semaphore, #tpu.memory_space<semaphore_mem>>
    %dma_start3A_1960 = tpu.memref_squeeze %dma_start3A_1959 : memref<1x!tpu.dma_semaphore, #tpu.memory_space<semaphore_mem>> -> memref<!tpu.dma_semaphore, #tpu.memory_space<semaphore_mem>>
    %dma_start3A_1961 = arith.constant 0 : i32
    %dma_start3A_1962 = tpu.memref_slice %arg4[%add3A_1950, %dma_start3A_1961] : memref<204800x64xf32, #tpu.memory_space<hbm>> -> memref<128x64xf32, #tpu.memory_space<hbm>>
    %dma_start3A_1963 = arith.constant 0 : i32
    %dma_start3A_1964 = arith.constant 0 : i32
    %dma_start3A_1965 = tpu.memref_slice %arg6[%dma_start3A_1951, %dma_start3A_1963, %dma_start3A_1964] : memref<8x128x64xf32, #tpu.memory_space<vmem>> -> memref<1x128x64xf32, #tpu.memory_space<vmem>>
    %dma_start3A_1966 = tpu.memref_squeeze %dma_start3A_1965 : memref<1x128x64xf32, #tpu.memory_space<vmem>> -> memref<128x64xf32, #tpu.memory_space<vmem>>
    tpu.enqueue_dma source(%dma_start3A_1966 : memref<128x64xf32, #tpu.memory_space<vmem>>) target(%dma_start3A_1962 : memref<128x64xf32, #tpu.memory_space<hbm>>) target_semaphore(%dma_start3A_1960 : memref<!tpu.dma_semaphore, #tpu.memory_space<semaphore_mem>>)
    %dma_wait3A_1967 = arith.constant 6 : i32
    %dma_wait3A_1968 = arith.constant 6 : i32
    %dma_wait3A_1969 = arith.constant 0 : i32
    %dma_wait3A_1970 = arith.constant 0 : i32
    %dma_wait3A_1971 = tpu.memref_slice %arg6[%dma_wait3A_1967, %dma_wait3A_1969, %dma_wait3A_1970] : memref<8x128x64xf32, #tpu.memory_space<vmem>> -> memref<1x128x64xf32, #tpu.memory_space<vmem>>
    %dma_wait3A_1972 = tpu.memref_squeeze %dma_wait3A_1971 : memref<1x128x64xf32, #tpu.memory_space<vmem>> -> memref<128x64xf32, #tpu.memory_space<vmem>>
    %dma_wait3A_1973 = arith.constant 0 : i32
    %dma_wait3A_1974 = tpu.memref_slice %arg4[%add3A_1890, %dma_wait3A_1973] : memref<204800x64xf32, #tpu.memory_space<hbm>> -> memref<128x64xf32, #tpu.memory_space<hbm>>
    %dma_wait3A_1975 = tpu.memref_slice %arg8[%dma_wait3A_1968] : memref<8x!tpu.dma_semaphore, #tpu.memory_space<semaphore_mem>> -> memref<1x!tpu.dma_semaphore, #tpu.memory_space<semaphore_mem>>
    %dma_wait3A_1976 = tpu.memref_squeeze %dma_wait3A_1975 : memref<1x!tpu.dma_semaphore, #tpu.memory_space<semaphore_mem>> -> memref<!tpu.dma_semaphore, #tpu.memory_space<semaphore_mem>>
    %dma_wait3A_1977 = arith.constant 0 : i32
    %dma_wait3A_1978 = tpu.memref_slice %arg4[%add3A_1890, %dma_wait3A_1977] : memref<204800x64xf32, #tpu.memory_space<hbm>> -> memref<128x64xf32, #tpu.memory_space<hbm>>
    %dma_wait3A_1979 = arith.constant 0 : i32
    %dma_wait3A_1980 = arith.constant 0 : i32
    %dma_wait3A_1981 = tpu.memref_slice %arg6[%dma_wait3A_1967, %dma_wait3A_1979, %dma_wait3A_1980] : memref<8x128x64xf32, #tpu.memory_space<vmem>> -> memref<1x128x64xf32, #tpu.memory_space<vmem>>
    %dma_wait3A_1982 = tpu.memref_squeeze %dma_wait3A_1981 : memref<1x128x64xf32, #tpu.memory_space<vmem>> -> memref<128x64xf32, #tpu.memory_space<vmem>>
    tpu.wait_dma2 semaphore(%dma_wait3A_1976 : memref<!tpu.dma_semaphore, #tpu.memory_space<semaphore_mem>>) src(%dma_wait3A_1982 : memref<128x64xf32, #tpu.memory_space<vmem>>) dst(%dma_wait3A_1978 : memref<128x64xf32, #tpu.memory_space<hbm>>)
    %dma_start3A_1983 = arith.constant 6 : i32
    %dma_start3A_1984 = arith.constant 6 : i32
    %dma_start3A_1985 = arith.constant 0 : i32
    %dma_start3A_1986 = arith.constant 0 : i32
    %dma_start3A_1987 = tpu.memref_slice %arg6[%dma_start3A_1983, %dma_start3A_1985, %dma_start3A_1986] : memref<8x128x64xf32, #tpu.memory_space<vmem>> -> memref<1x128x64xf32, #tpu.memory_space<vmem>>
    %dma_start3A_1988 = tpu.memref_squeeze %dma_start3A_1987 : memref<1x128x64xf32, #tpu.memory_space<vmem>> -> memref<128x64xf32, #tpu.memory_space<vmem>>
    %dma_start3A_1989 = arith.constant 4864 : i32
    %dma_start3A_1990 = tpu.memref_slice %arg5[%dma_start3A_1989] : memref<6400xi32, #tpu.memory_space<vmem>> -> memref<128xi32, #tpu.memory_space<vmem>>
    %dma_start3A_1991 = arith.constant 0 : i32
    %dma_start3A_1992 = arith.constant 0 : i32
    %dma_start3A_1993 = tpu.memref_slice %arg2[%dma_start3A_1991, %dma_start3A_1992] : memref<1000000x64xf32, #tpu.memory_space<hbm>> -> memref<1000000x64xf32, #tpu.memory_space<hbm>>
    %dma_start3A_1994 = tpu.memref_slice %arg7[%dma_start3A_1984] : memref<8x!tpu.dma_semaphore, #tpu.memory_space<semaphore_mem>> -> memref<1x!tpu.dma_semaphore, #tpu.memory_space<semaphore_mem>>
    %dma_start3A_1995 = tpu.memref_squeeze %dma_start3A_1994 : memref<1x!tpu.dma_semaphore, #tpu.memory_space<semaphore_mem>> -> memref<!tpu.dma_semaphore, #tpu.memory_space<semaphore_mem>>
    tpu.enqueue_indirect_dma source(%dma_start3A_1993 : memref<1000000x64xf32, #tpu.memory_space<hbm>>) target(%dma_start3A_1988 : memref<128x64xf32, #tpu.memory_space<vmem>>) offsets(%dma_start3A_1990 : memref<128xi32, #tpu.memory_space<vmem>>) semaphore(%dma_start3A_1995 : memref<!tpu.dma_semaphore, #tpu.memory_space<semaphore_mem>>)
    %dma_wait3A_1996 = arith.constant 0 : i32
    %dma_wait3A_1997 = arith.constant 0 : i32
    %dma_wait3A_1998 = arith.constant 0 : i32
    %dma_wait3A_1999 = arith.constant 0 : i32
    %dma_wait3A_2000 = tpu.memref_slice %arg6[%dma_wait3A_1996, %dma_wait3A_1998, %dma_wait3A_1999] : memref<8x128x64xf32, #tpu.memory_space<vmem>> -> memref<1x128x64xf32, #tpu.memory_space<vmem>>
    %dma_wait3A_2001 = tpu.memref_squeeze %dma_wait3A_2000 : memref<1x128x64xf32, #tpu.memory_space<vmem>> -> memref<128x64xf32, #tpu.memory_space<vmem>>
    %dma_wait3A_2002 = arith.constant 4096 : i32
    %dma_wait3A_2003 = tpu.memref_slice %arg5[%dma_wait3A_2002] : memref<6400xi32, #tpu.memory_space<vmem>> -> memref<128xi32, #tpu.memory_space<vmem>>
    %dma_wait3A_2004 = arith.constant 0 : i32
    %dma_wait3A_2005 = arith.constant 0 : i32
    %dma_wait3A_2006 = tpu.memref_slice %arg2[%dma_wait3A_2004, %dma_wait3A_2005] : memref<1000000x64xf32, #tpu.memory_space<hbm>> -> memref<1000000x64xf32, #tpu.memory_space<hbm>>
    %dma_wait3A_2007 = tpu.memref_slice %arg7[%dma_wait3A_1997] : memref<8x!tpu.dma_semaphore, #tpu.memory_space<semaphore_mem>> -> memref<1x!tpu.dma_semaphore, #tpu.memory_space<semaphore_mem>>
    %dma_wait3A_2008 = tpu.memref_squeeze %dma_wait3A_2007 : memref<1x!tpu.dma_semaphore, #tpu.memory_space<semaphore_mem>> -> memref<!tpu.dma_semaphore, #tpu.memory_space<semaphore_mem>>
    tpu.wait_indirect_dma semaphore(%dma_wait3A_2008 : memref<!tpu.dma_semaphore, #tpu.memory_space<semaphore_mem>>) src(%dma_wait3A_2006 : memref<1000000x64xf32, #tpu.memory_space<hbm>>) dst(%dma_wait3A_2001 : memref<128x64xf32, #tpu.memory_space<vmem>>)
    %add3A_2009 = arith.constant 4096 : i32
    %add3A_2010 = arith.addi %mul3A_2, %add3A_2009 : i32
    %dma_start3A_2011 = arith.constant 0 : i32
    %dma_start3A_2012 = arith.constant 0 : i32
    %dma_start3A_2013 = arith.constant 0 : i32
    %dma_start3A_2014 = arith.constant 0 : i32
    %dma_start3A_2015 = tpu.memref_slice %arg6[%dma_start3A_2011, %dma_start3A_2013, %dma_start3A_2014] : memref<8x128x64xf32, #tpu.memory_space<vmem>> -> memref<1x128x64xf32, #tpu.memory_space<vmem>>
    %dma_start3A_2016 = tpu.memref_squeeze %dma_start3A_2015 : memref<1x128x64xf32, #tpu.memory_space<vmem>> -> memref<128x64xf32, #tpu.memory_space<vmem>>
    %dma_start3A_2017 = arith.constant 0 : i32
    %dma_start3A_2018 = tpu.memref_slice %arg4[%add3A_2010, %dma_start3A_2017] : memref<204800x64xf32, #tpu.memory_space<hbm>> -> memref<128x64xf32, #tpu.memory_space<hbm>>
    %dma_start3A_2019 = tpu.memref_slice %arg8[%dma_start3A_2012] : memref<8x!tpu.dma_semaphore, #tpu.memory_space<semaphore_mem>> -> memref<1x!tpu.dma_semaphore, #tpu.memory_space<semaphore_mem>>
    %dma_start3A_2020 = tpu.memref_squeeze %dma_start3A_2019 : memref<1x!tpu.dma_semaphore, #tpu.memory_space<semaphore_mem>> -> memref<!tpu.dma_semaphore, #tpu.memory_space<semaphore_mem>>
    %dma_start3A_2021 = arith.constant 0 : i32
    %dma_start3A_2022 = tpu.memref_slice %arg4[%add3A_2010, %dma_start3A_2021] : memref<204800x64xf32, #tpu.memory_space<hbm>> -> memref<128x64xf32, #tpu.memory_space<hbm>>
    %dma_start3A_2023 = arith.constant 0 : i32
    %dma_start3A_2024 = arith.constant 0 : i32
    %dma_start3A_2025 = tpu.memref_slice %arg6[%dma_start3A_2011, %dma_start3A_2023, %dma_start3A_2024] : memref<8x128x64xf32, #tpu.memory_space<vmem>> -> memref<1x128x64xf32, #tpu.memory_space<vmem>>
    %dma_start3A_2026 = tpu.memref_squeeze %dma_start3A_2025 : memref<1x128x64xf32, #tpu.memory_space<vmem>> -> memref<128x64xf32, #tpu.memory_space<vmem>>
    tpu.enqueue_dma source(%dma_start3A_2026 : memref<128x64xf32, #tpu.memory_space<vmem>>) target(%dma_start3A_2022 : memref<128x64xf32, #tpu.memory_space<hbm>>) target_semaphore(%dma_start3A_2020 : memref<!tpu.dma_semaphore, #tpu.memory_space<semaphore_mem>>)
    %dma_wait3A_2027 = arith.constant 7 : i32
    %dma_wait3A_2028 = arith.constant 7 : i32
    %dma_wait3A_2029 = arith.constant 0 : i32
    %dma_wait3A_2030 = arith.constant 0 : i32
    %dma_wait3A_2031 = tpu.memref_slice %arg6[%dma_wait3A_2027, %dma_wait3A_2029, %dma_wait3A_2030] : memref<8x128x64xf32, #tpu.memory_space<vmem>> -> memref<1x128x64xf32, #tpu.memory_space<vmem>>
    %dma_wait3A_2032 = tpu.memref_squeeze %dma_wait3A_2031 : memref<1x128x64xf32, #tpu.memory_space<vmem>> -> memref<128x64xf32, #tpu.memory_space<vmem>>
    %dma_wait3A_2033 = arith.constant 0 : i32
    %dma_wait3A_2034 = tpu.memref_slice %arg4[%add3A_1950, %dma_wait3A_2033] : memref<204800x64xf32, #tpu.memory_space<hbm>> -> memref<128x64xf32, #tpu.memory_space<hbm>>
    %dma_wait3A_2035 = tpu.memref_slice %arg8[%dma_wait3A_2028] : memref<8x!tpu.dma_semaphore, #tpu.memory_space<semaphore_mem>> -> memref<1x!tpu.dma_semaphore, #tpu.memory_space<semaphore_mem>>
    %dma_wait3A_2036 = tpu.memref_squeeze %dma_wait3A_2035 : memref<1x!tpu.dma_semaphore, #tpu.memory_space<semaphore_mem>> -> memref<!tpu.dma_semaphore, #tpu.memory_space<semaphore_mem>>
    %dma_wait3A_2037 = arith.constant 0 : i32
    %dma_wait3A_2038 = tpu.memref_slice %arg4[%add3A_1950, %dma_wait3A_2037] : memref<204800x64xf32, #tpu.memory_space<hbm>> -> memref<128x64xf32, #tpu.memory_space<hbm>>
    %dma_wait3A_2039 = arith.constant 0 : i32
    %dma_wait3A_2040 = arith.constant 0 : i32
    %dma_wait3A_2041 = tpu.memref_slice %arg6[%dma_wait3A_2027, %dma_wait3A_2039, %dma_wait3A_2040] : memref<8x128x64xf32, #tpu.memory_space<vmem>> -> memref<1x128x64xf32, #tpu.memory_space<vmem>>
    %dma_wait3A_2042 = tpu.memref_squeeze %dma_wait3A_2041 : memref<1x128x64xf32, #tpu.memory_space<vmem>> -> memref<128x64xf32, #tpu.memory_space<vmem>>
    tpu.wait_dma2 semaphore(%dma_wait3A_2036 : memref<!tpu.dma_semaphore, #tpu.memory_space<semaphore_mem>>) src(%dma_wait3A_2042 : memref<128x64xf32, #tpu.memory_space<vmem>>) dst(%dma_wait3A_2038 : memref<128x64xf32, #tpu.memory_space<hbm>>)
    %dma_start3A_2043 = arith.constant 7 : i32
    %dma_start3A_2044 = arith.constant 7 : i32
    %dma_start3A_2045 = arith.constant 0 : i32
    %dma_start3A_2046 = arith.constant 0 : i32
    %dma_start3A_2047 = tpu.memref_slice %arg6[%dma_start3A_2043, %dma_start3A_2045, %dma_start3A_2046] : memref<8x128x64xf32, #tpu.memory_space<vmem>> -> memref<1x128x64xf32, #tpu.memory_space<vmem>>
    %dma_start3A_2048 = tpu.memref_squeeze %dma_start3A_2047 : memref<1x128x64xf32, #tpu.memory_space<vmem>> -> memref<128x64xf32, #tpu.memory_space<vmem>>
    %dma_start3A_2049 = arith.constant 4992 : i32
    %dma_start3A_2050 = tpu.memref_slice %arg5[%dma_start3A_2049] : memref<6400xi32, #tpu.memory_space<vmem>> -> memref<128xi32, #tpu.memory_space<vmem>>
    %dma_start3A_2051 = arith.constant 0 : i32
    %dma_start3A_2052 = arith.constant 0 : i32
    %dma_start3A_2053 = tpu.memref_slice %arg2[%dma_start3A_2051, %dma_start3A_2052] : memref<1000000x64xf32, #tpu.memory_space<hbm>> -> memref<1000000x64xf32, #tpu.memory_space<hbm>>
    %dma_start3A_2054 = tpu.memref_slice %arg7[%dma_start3A_2044] : memref<8x!tpu.dma_semaphore, #tpu.memory_space<semaphore_mem>> -> memref<1x!tpu.dma_semaphore, #tpu.memory_space<semaphore_mem>>
    %dma_start3A_2055 = tpu.memref_squeeze %dma_start3A_2054 : memref<1x!tpu.dma_semaphore, #tpu.memory_space<semaphore_mem>> -> memref<!tpu.dma_semaphore, #tpu.memory_space<semaphore_mem>>
    tpu.enqueue_indirect_dma source(%dma_start3A_2053 : memref<1000000x64xf32, #tpu.memory_space<hbm>>) target(%dma_start3A_2048 : memref<128x64xf32, #tpu.memory_space<vmem>>) offsets(%dma_start3A_2050 : memref<128xi32, #tpu.memory_space<vmem>>) semaphore(%dma_start3A_2055 : memref<!tpu.dma_semaphore, #tpu.memory_space<semaphore_mem>>)
    %dma_wait3A_2056 = arith.constant 1 : i32
    %dma_wait3A_2057 = arith.constant 1 : i32
    %dma_wait3A_2058 = arith.constant 0 : i32
    %dma_wait3A_2059 = arith.constant 0 : i32
    %dma_wait3A_2060 = tpu.memref_slice %arg6[%dma_wait3A_2056, %dma_wait3A_2058, %dma_wait3A_2059] : memref<8x128x64xf32, #tpu.memory_space<vmem>> -> memref<1x128x64xf32, #tpu.memory_space<vmem>>
    %dma_wait3A_2061 = tpu.memref_squeeze %dma_wait3A_2060 : memref<1x128x64xf32, #tpu.memory_space<vmem>> -> memref<128x64xf32, #tpu.memory_space<vmem>>
    %dma_wait3A_2062 = arith.constant 4224 : i32
    %dma_wait3A_2063 = tpu.memref_slice %arg5[%dma_wait3A_2062] : memref<6400xi32, #tpu.memory_space<vmem>> -> memref<128xi32, #tpu.memory_space<vmem>>
    %dma_wait3A_2064 = arith.constant 0 : i32
    %dma_wait3A_2065 = arith.constant 0 : i32
    %dma_wait3A_2066 = tpu.memref_slice %arg2[%dma_wait3A_2064, %dma_wait3A_2065] : memref<1000000x64xf32, #tpu.memory_space<hbm>> -> memref<1000000x64xf32, #tpu.memory_space<hbm>>
    %dma_wait3A_2067 = tpu.memref_slice %arg7[%dma_wait3A_2057] : memref<8x!tpu.dma_semaphore, #tpu.memory_space<semaphore_mem>> -> memref<1x!tpu.dma_semaphore, #tpu.memory_space<semaphore_mem>>
    %dma_wait3A_2068 = tpu.memref_squeeze %dma_wait3A_2067 : memref<1x!tpu.dma_semaphore, #tpu.memory_space<semaphore_mem>> -> memref<!tpu.dma_semaphore, #tpu.memory_space<semaphore_mem>>
    tpu.wait_indirect_dma semaphore(%dma_wait3A_2068 : memref<!tpu.dma_semaphore, #tpu.memory_space<semaphore_mem>>) src(%dma_wait3A_2066 : memref<1000000x64xf32, #tpu.memory_space<hbm>>) dst(%dma_wait3A_2061 : memref<128x64xf32, #tpu.memory_space<vmem>>)
    %add3A_2069 = arith.constant 4224 : i32
    %add3A_2070 = arith.addi %mul3A_2, %add3A_2069 : i32
    %dma_start3A_2071 = arith.constant 1 : i32
    %dma_start3A_2072 = arith.constant 1 : i32
    %dma_start3A_2073 = arith.constant 0 : i32
    %dma_start3A_2074 = arith.constant 0 : i32
    %dma_start3A_2075 = tpu.memref_slice %arg6[%dma_start3A_2071, %dma_start3A_2073, %dma_start3A_2074] : memref<8x128x64xf32, #tpu.memory_space<vmem>> -> memref<1x128x64xf32, #tpu.memory_space<vmem>>
    %dma_start3A_2076 = tpu.memref_squeeze %dma_start3A_2075 : memref<1x128x64xf32, #tpu.memory_space<vmem>> -> memref<128x64xf32, #tpu.memory_space<vmem>>
    %dma_start3A_2077 = arith.constant 0 : i32
    %dma_start3A_2078 = tpu.memref_slice %arg4[%add3A_2070, %dma_start3A_2077] : memref<204800x64xf32, #tpu.memory_space<hbm>> -> memref<128x64xf32, #tpu.memory_space<hbm>>
    %dma_start3A_2079 = tpu.memref_slice %arg8[%dma_start3A_2072] : memref<8x!tpu.dma_semaphore, #tpu.memory_space<semaphore_mem>> -> memref<1x!tpu.dma_semaphore, #tpu.memory_space<semaphore_mem>>
    %dma_start3A_2080 = tpu.memref_squeeze %dma_start3A_2079 : memref<1x!tpu.dma_semaphore, #tpu.memory_space<semaphore_mem>> -> memref<!tpu.dma_semaphore, #tpu.memory_space<semaphore_mem>>
    %dma_start3A_2081 = arith.constant 0 : i32
    %dma_start3A_2082 = tpu.memref_slice %arg4[%add3A_2070, %dma_start3A_2081] : memref<204800x64xf32, #tpu.memory_space<hbm>> -> memref<128x64xf32, #tpu.memory_space<hbm>>
    %dma_start3A_2083 = arith.constant 0 : i32
    %dma_start3A_2084 = arith.constant 0 : i32
    %dma_start3A_2085 = tpu.memref_slice %arg6[%dma_start3A_2071, %dma_start3A_2083, %dma_start3A_2084] : memref<8x128x64xf32, #tpu.memory_space<vmem>> -> memref<1x128x64xf32, #tpu.memory_space<vmem>>
    %dma_start3A_2086 = tpu.memref_squeeze %dma_start3A_2085 : memref<1x128x64xf32, #tpu.memory_space<vmem>> -> memref<128x64xf32, #tpu.memory_space<vmem>>
    tpu.enqueue_dma source(%dma_start3A_2086 : memref<128x64xf32, #tpu.memory_space<vmem>>) target(%dma_start3A_2082 : memref<128x64xf32, #tpu.memory_space<hbm>>) target_semaphore(%dma_start3A_2080 : memref<!tpu.dma_semaphore, #tpu.memory_space<semaphore_mem>>)
    %dma_wait3A_2087 = arith.constant 0 : i32
    %dma_wait3A_2088 = arith.constant 0 : i32
    %dma_wait3A_2089 = arith.constant 0 : i32
    %dma_wait3A_2090 = arith.constant 0 : i32
    %dma_wait3A_2091 = tpu.memref_slice %arg6[%dma_wait3A_2087, %dma_wait3A_2089, %dma_wait3A_2090] : memref<8x128x64xf32, #tpu.memory_space<vmem>> -> memref<1x128x64xf32, #tpu.memory_space<vmem>>
    %dma_wait3A_2092 = tpu.memref_squeeze %dma_wait3A_2091 : memref<1x128x64xf32, #tpu.memory_space<vmem>> -> memref<128x64xf32, #tpu.memory_space<vmem>>
    %dma_wait3A_2093 = arith.constant 0 : i32
    %dma_wait3A_2094 = tpu.memref_slice %arg4[%add3A_2010, %dma_wait3A_2093] : memref<204800x64xf32, #tpu.memory_space<hbm>> -> memref<128x64xf32, #tpu.memory_space<hbm>>
    %dma_wait3A_2095 = tpu.memref_slice %arg8[%dma_wait3A_2088] : memref<8x!tpu.dma_semaphore, #tpu.memory_space<semaphore_mem>> -> memref<1x!tpu.dma_semaphore, #tpu.memory_space<semaphore_mem>>
    %dma_wait3A_2096 = tpu.memref_squeeze %dma_wait3A_2095 : memref<1x!tpu.dma_semaphore, #tpu.memory_space<semaphore_mem>> -> memref<!tpu.dma_semaphore, #tpu.memory_space<semaphore_mem>>
    %dma_wait3A_2097 = arith.constant 0 : i32
    %dma_wait3A_2098 = tpu.memref_slice %arg4[%add3A_2010, %dma_wait3A_2097] : memref<204800x64xf32, #tpu.memory_space<hbm>> -> memref<128x64xf32, #tpu.memory_space<hbm>>
    %dma_wait3A_2099 = arith.constant 0 : i32
    %dma_wait3A_2100 = arith.constant 0 : i32
    %dma_wait3A_2101 = tpu.memref_slice %arg6[%dma_wait3A_2087, %dma_wait3A_2099, %dma_wait3A_2100] : memref<8x128x64xf32, #tpu.memory_space<vmem>> -> memref<1x128x64xf32, #tpu.memory_space<vmem>>
    %dma_wait3A_2102 = tpu.memref_squeeze %dma_wait3A_2101 : memref<1x128x64xf32, #tpu.memory_space<vmem>> -> memref<128x64xf32, #tpu.memory_space<vmem>>
    tpu.wait_dma2 semaphore(%dma_wait3A_2096 : memref<!tpu.dma_semaphore, #tpu.memory_space<semaphore_mem>>) src(%dma_wait3A_2102 : memref<128x64xf32, #tpu.memory_space<vmem>>) dst(%dma_wait3A_2098 : memref<128x64xf32, #tpu.memory_space<hbm>>)
    %dma_start3A_2103 = arith.constant 0 : i32
    %dma_start3A_2104 = arith.constant 0 : i32
    %dma_start3A_2105 = arith.constant 0 : i32
    %dma_start3A_2106 = arith.constant 0 : i32
    %dma_start3A_2107 = tpu.memref_slice %arg6[%dma_start3A_2103, %dma_start3A_2105, %dma_start3A_2106] : memref<8x128x64xf32, #tpu.memory_space<vmem>> -> memref<1x128x64xf32, #tpu.memory_space<vmem>>
    %dma_start3A_2108 = tpu.memref_squeeze %dma_start3A_2107 : memref<1x128x64xf32, #tpu.memory_space<vmem>> -> memref<128x64xf32, #tpu.memory_space<vmem>>
    %dma_start3A_2109 = arith.constant 5120 : i32
    %dma_start3A_2110 = tpu.memref_slice %arg5[%dma_start3A_2109] : memref<6400xi32, #tpu.memory_space<vmem>> -> memref<128xi32, #tpu.memory_space<vmem>>
    %dma_start3A_2111 = arith.constant 0 : i32
    %dma_start3A_2112 = arith.constant 0 : i32
    %dma_start3A_2113 = tpu.memref_slice %arg2[%dma_start3A_2111, %dma_start3A_2112] : memref<1000000x64xf32, #tpu.memory_space<hbm>> -> memref<1000000x64xf32, #tpu.memory_space<hbm>>
    %dma_start3A_2114 = tpu.memref_slice %arg7[%dma_start3A_2104] : memref<8x!tpu.dma_semaphore, #tpu.memory_space<semaphore_mem>> -> memref<1x!tpu.dma_semaphore, #tpu.memory_space<semaphore_mem>>
    %dma_start3A_2115 = tpu.memref_squeeze %dma_start3A_2114 : memref<1x!tpu.dma_semaphore, #tpu.memory_space<semaphore_mem>> -> memref<!tpu.dma_semaphore, #tpu.memory_space<semaphore_mem>>
    tpu.enqueue_indirect_dma source(%dma_start3A_2113 : memref<1000000x64xf32, #tpu.memory_space<hbm>>) target(%dma_start3A_2108 : memref<128x64xf32, #tpu.memory_space<vmem>>) offsets(%dma_start3A_2110 : memref<128xi32, #tpu.memory_space<vmem>>) semaphore(%dma_start3A_2115 : memref<!tpu.dma_semaphore, #tpu.memory_space<semaphore_mem>>)
    %dma_wait3A_2116 = arith.constant 2 : i32
    %dma_wait3A_2117 = arith.constant 2 : i32
    %dma_wait3A_2118 = arith.constant 0 : i32
    %dma_wait3A_2119 = arith.constant 0 : i32
    %dma_wait3A_2120 = tpu.memref_slice %arg6[%dma_wait3A_2116, %dma_wait3A_2118, %dma_wait3A_2119] : memref<8x128x64xf32, #tpu.memory_space<vmem>> -> memref<1x128x64xf32, #tpu.memory_space<vmem>>
    %dma_wait3A_2121 = tpu.memref_squeeze %dma_wait3A_2120 : memref<1x128x64xf32, #tpu.memory_space<vmem>> -> memref<128x64xf32, #tpu.memory_space<vmem>>
    %dma_wait3A_2122 = arith.constant 4352 : i32
    %dma_wait3A_2123 = tpu.memref_slice %arg5[%dma_wait3A_2122] : memref<6400xi32, #tpu.memory_space<vmem>> -> memref<128xi32, #tpu.memory_space<vmem>>
    %dma_wait3A_2124 = arith.constant 0 : i32
    %dma_wait3A_2125 = arith.constant 0 : i32
    %dma_wait3A_2126 = tpu.memref_slice %arg2[%dma_wait3A_2124, %dma_wait3A_2125] : memref<1000000x64xf32, #tpu.memory_space<hbm>> -> memref<1000000x64xf32, #tpu.memory_space<hbm>>
    %dma_wait3A_2127 = tpu.memref_slice %arg7[%dma_wait3A_2117] : memref<8x!tpu.dma_semaphore, #tpu.memory_space<semaphore_mem>> -> memref<1x!tpu.dma_semaphore, #tpu.memory_space<semaphore_mem>>
    %dma_wait3A_2128 = tpu.memref_squeeze %dma_wait3A_2127 : memref<1x!tpu.dma_semaphore, #tpu.memory_space<semaphore_mem>> -> memref<!tpu.dma_semaphore, #tpu.memory_space<semaphore_mem>>
    tpu.wait_indirect_dma semaphore(%dma_wait3A_2128 : memref<!tpu.dma_semaphore, #tpu.memory_space<semaphore_mem>>) src(%dma_wait3A_2126 : memref<1000000x64xf32, #tpu.memory_space<hbm>>) dst(%dma_wait3A_2121 : memref<128x64xf32, #tpu.memory_space<vmem>>)
    %add3A_2129 = arith.constant 4352 : i32
    %add3A_2130 = arith.addi %mul3A_2, %add3A_2129 : i32
    %dma_start3A_2131 = arith.constant 2 : i32
    %dma_start3A_2132 = arith.constant 2 : i32
    %dma_start3A_2133 = arith.constant 0 : i32
    %dma_start3A_2134 = arith.constant 0 : i32
    %dma_start3A_2135 = tpu.memref_slice %arg6[%dma_start3A_2131, %dma_start3A_2133, %dma_start3A_2134] : memref<8x128x64xf32, #tpu.memory_space<vmem>> -> memref<1x128x64xf32, #tpu.memory_space<vmem>>
    %dma_start3A_2136 = tpu.memref_squeeze %dma_start3A_2135 : memref<1x128x64xf32, #tpu.memory_space<vmem>> -> memref<128x64xf32, #tpu.memory_space<vmem>>
    %dma_start3A_2137 = arith.constant 0 : i32
    %dma_start3A_2138 = tpu.memref_slice %arg4[%add3A_2130, %dma_start3A_2137] : memref<204800x64xf32, #tpu.memory_space<hbm>> -> memref<128x64xf32, #tpu.memory_space<hbm>>
    %dma_start3A_2139 = tpu.memref_slice %arg8[%dma_start3A_2132] : memref<8x!tpu.dma_semaphore, #tpu.memory_space<semaphore_mem>> -> memref<1x!tpu.dma_semaphore, #tpu.memory_space<semaphore_mem>>
    %dma_start3A_2140 = tpu.memref_squeeze %dma_start3A_2139 : memref<1x!tpu.dma_semaphore, #tpu.memory_space<semaphore_mem>> -> memref<!tpu.dma_semaphore, #tpu.memory_space<semaphore_mem>>
    %dma_start3A_2141 = arith.constant 0 : i32
    %dma_start3A_2142 = tpu.memref_slice %arg4[%add3A_2130, %dma_start3A_2141] : memref<204800x64xf32, #tpu.memory_space<hbm>> -> memref<128x64xf32, #tpu.memory_space<hbm>>
    %dma_start3A_2143 = arith.constant 0 : i32
    %dma_start3A_2144 = arith.constant 0 : i32
    %dma_start3A_2145 = tpu.memref_slice %arg6[%dma_start3A_2131, %dma_start3A_2143, %dma_start3A_2144] : memref<8x128x64xf32, #tpu.memory_space<vmem>> -> memref<1x128x64xf32, #tpu.memory_space<vmem>>
    %dma_start3A_2146 = tpu.memref_squeeze %dma_start3A_2145 : memref<1x128x64xf32, #tpu.memory_space<vmem>> -> memref<128x64xf32, #tpu.memory_space<vmem>>
    tpu.enqueue_dma source(%dma_start3A_2146 : memref<128x64xf32, #tpu.memory_space<vmem>>) target(%dma_start3A_2142 : memref<128x64xf32, #tpu.memory_space<hbm>>) target_semaphore(%dma_start3A_2140 : memref<!tpu.dma_semaphore, #tpu.memory_space<semaphore_mem>>)
    %dma_wait3A_2147 = arith.constant 1 : i32
    %dma_wait3A_2148 = arith.constant 1 : i32
    %dma_wait3A_2149 = arith.constant 0 : i32
    %dma_wait3A_2150 = arith.constant 0 : i32
    %dma_wait3A_2151 = tpu.memref_slice %arg6[%dma_wait3A_2147, %dma_wait3A_2149, %dma_wait3A_2150] : memref<8x128x64xf32, #tpu.memory_space<vmem>> -> memref<1x128x64xf32, #tpu.memory_space<vmem>>
    %dma_wait3A_2152 = tpu.memref_squeeze %dma_wait3A_2151 : memref<1x128x64xf32, #tpu.memory_space<vmem>> -> memref<128x64xf32, #tpu.memory_space<vmem>>
    %dma_wait3A_2153 = arith.constant 0 : i32
    %dma_wait3A_2154 = tpu.memref_slice %arg4[%add3A_2070, %dma_wait3A_2153] : memref<204800x64xf32, #tpu.memory_space<hbm>> -> memref<128x64xf32, #tpu.memory_space<hbm>>
    %dma_wait3A_2155 = tpu.memref_slice %arg8[%dma_wait3A_2148] : memref<8x!tpu.dma_semaphore, #tpu.memory_space<semaphore_mem>> -> memref<1x!tpu.dma_semaphore, #tpu.memory_space<semaphore_mem>>
    %dma_wait3A_2156 = tpu.memref_squeeze %dma_wait3A_2155 : memref<1x!tpu.dma_semaphore, #tpu.memory_space<semaphore_mem>> -> memref<!tpu.dma_semaphore, #tpu.memory_space<semaphore_mem>>
    %dma_wait3A_2157 = arith.constant 0 : i32
    %dma_wait3A_2158 = tpu.memref_slice %arg4[%add3A_2070, %dma_wait3A_2157] : memref<204800x64xf32, #tpu.memory_space<hbm>> -> memref<128x64xf32, #tpu.memory_space<hbm>>
    %dma_wait3A_2159 = arith.constant 0 : i32
    %dma_wait3A_2160 = arith.constant 0 : i32
    %dma_wait3A_2161 = tpu.memref_slice %arg6[%dma_wait3A_2147, %dma_wait3A_2159, %dma_wait3A_2160] : memref<8x128x64xf32, #tpu.memory_space<vmem>> -> memref<1x128x64xf32, #tpu.memory_space<vmem>>
    %dma_wait3A_2162 = tpu.memref_squeeze %dma_wait3A_2161 : memref<1x128x64xf32, #tpu.memory_space<vmem>> -> memref<128x64xf32, #tpu.memory_space<vmem>>
    tpu.wait_dma2 semaphore(%dma_wait3A_2156 : memref<!tpu.dma_semaphore, #tpu.memory_space<semaphore_mem>>) src(%dma_wait3A_2162 : memref<128x64xf32, #tpu.memory_space<vmem>>) dst(%dma_wait3A_2158 : memref<128x64xf32, #tpu.memory_space<hbm>>)
    %dma_start3A_2163 = arith.constant 1 : i32
    %dma_start3A_2164 = arith.constant 1 : i32
    %dma_start3A_2165 = arith.constant 0 : i32
    %dma_start3A_2166 = arith.constant 0 : i32
    %dma_start3A_2167 = tpu.memref_slice %arg6[%dma_start3A_2163, %dma_start3A_2165, %dma_start3A_2166] : memref<8x128x64xf32, #tpu.memory_space<vmem>> -> memref<1x128x64xf32, #tpu.memory_space<vmem>>
    %dma_start3A_2168 = tpu.memref_squeeze %dma_start3A_2167 : memref<1x128x64xf32, #tpu.memory_space<vmem>> -> memref<128x64xf32, #tpu.memory_space<vmem>>
    %dma_start3A_2169 = arith.constant 5248 : i32
    %dma_start3A_2170 = tpu.memref_slice %arg5[%dma_start3A_2169] : memref<6400xi32, #tpu.memory_space<vmem>> -> memref<128xi32, #tpu.memory_space<vmem>>
    %dma_start3A_2171 = arith.constant 0 : i32
    %dma_start3A_2172 = arith.constant 0 : i32
    %dma_start3A_2173 = tpu.memref_slice %arg2[%dma_start3A_2171, %dma_start3A_2172] : memref<1000000x64xf32, #tpu.memory_space<hbm>> -> memref<1000000x64xf32, #tpu.memory_space<hbm>>
    %dma_start3A_2174 = tpu.memref_slice %arg7[%dma_start3A_2164] : memref<8x!tpu.dma_semaphore, #tpu.memory_space<semaphore_mem>> -> memref<1x!tpu.dma_semaphore, #tpu.memory_space<semaphore_mem>>
    %dma_start3A_2175 = tpu.memref_squeeze %dma_start3A_2174 : memref<1x!tpu.dma_semaphore, #tpu.memory_space<semaphore_mem>> -> memref<!tpu.dma_semaphore, #tpu.memory_space<semaphore_mem>>
    tpu.enqueue_indirect_dma source(%dma_start3A_2173 : memref<1000000x64xf32, #tpu.memory_space<hbm>>) target(%dma_start3A_2168 : memref<128x64xf32, #tpu.memory_space<vmem>>) offsets(%dma_start3A_2170 : memref<128xi32, #tpu.memory_space<vmem>>) semaphore(%dma_start3A_2175 : memref<!tpu.dma_semaphore, #tpu.memory_space<semaphore_mem>>)
    %dma_wait3A_2176 = arith.constant 3 : i32
    %dma_wait3A_2177 = arith.constant 3 : i32
    %dma_wait3A_2178 = arith.constant 0 : i32
    %dma_wait3A_2179 = arith.constant 0 : i32
    %dma_wait3A_2180 = tpu.memref_slice %arg6[%dma_wait3A_2176, %dma_wait3A_2178, %dma_wait3A_2179] : memref<8x128x64xf32, #tpu.memory_space<vmem>> -> memref<1x128x64xf32, #tpu.memory_space<vmem>>
    %dma_wait3A_2181 = tpu.memref_squeeze %dma_wait3A_2180 : memref<1x128x64xf32, #tpu.memory_space<vmem>> -> memref<128x64xf32, #tpu.memory_space<vmem>>
    %dma_wait3A_2182 = arith.constant 4480 : i32
    %dma_wait3A_2183 = tpu.memref_slice %arg5[%dma_wait3A_2182] : memref<6400xi32, #tpu.memory_space<vmem>> -> memref<128xi32, #tpu.memory_space<vmem>>
    %dma_wait3A_2184 = arith.constant 0 : i32
    %dma_wait3A_2185 = arith.constant 0 : i32
    %dma_wait3A_2186 = tpu.memref_slice %arg2[%dma_wait3A_2184, %dma_wait3A_2185] : memref<1000000x64xf32, #tpu.memory_space<hbm>> -> memref<1000000x64xf32, #tpu.memory_space<hbm>>
    %dma_wait3A_2187 = tpu.memref_slice %arg7[%dma_wait3A_2177] : memref<8x!tpu.dma_semaphore, #tpu.memory_space<semaphore_mem>> -> memref<1x!tpu.dma_semaphore, #tpu.memory_space<semaphore_mem>>
    %dma_wait3A_2188 = tpu.memref_squeeze %dma_wait3A_2187 : memref<1x!tpu.dma_semaphore, #tpu.memory_space<semaphore_mem>> -> memref<!tpu.dma_semaphore, #tpu.memory_space<semaphore_mem>>
    tpu.wait_indirect_dma semaphore(%dma_wait3A_2188 : memref<!tpu.dma_semaphore, #tpu.memory_space<semaphore_mem>>) src(%dma_wait3A_2186 : memref<1000000x64xf32, #tpu.memory_space<hbm>>) dst(%dma_wait3A_2181 : memref<128x64xf32, #tpu.memory_space<vmem>>)
    %add3A_2189 = arith.constant 4480 : i32
    %add3A_2190 = arith.addi %mul3A_2, %add3A_2189 : i32
    %dma_start3A_2191 = arith.constant 3 : i32
    %dma_start3A_2192 = arith.constant 3 : i32
    %dma_start3A_2193 = arith.constant 0 : i32
    %dma_start3A_2194 = arith.constant 0 : i32
    %dma_start3A_2195 = tpu.memref_slice %arg6[%dma_start3A_2191, %dma_start3A_2193, %dma_start3A_2194] : memref<8x128x64xf32, #tpu.memory_space<vmem>> -> memref<1x128x64xf32, #tpu.memory_space<vmem>>
    %dma_start3A_2196 = tpu.memref_squeeze %dma_start3A_2195 : memref<1x128x64xf32, #tpu.memory_space<vmem>> -> memref<128x64xf32, #tpu.memory_space<vmem>>
    %dma_start3A_2197 = arith.constant 0 : i32
    %dma_start3A_2198 = tpu.memref_slice %arg4[%add3A_2190, %dma_start3A_2197] : memref<204800x64xf32, #tpu.memory_space<hbm>> -> memref<128x64xf32, #tpu.memory_space<hbm>>
    %dma_start3A_2199 = tpu.memref_slice %arg8[%dma_start3A_2192] : memref<8x!tpu.dma_semaphore, #tpu.memory_space<semaphore_mem>> -> memref<1x!tpu.dma_semaphore, #tpu.memory_space<semaphore_mem>>
    %dma_start3A_2200 = tpu.memref_squeeze %dma_start3A_2199 : memref<1x!tpu.dma_semaphore, #tpu.memory_space<semaphore_mem>> -> memref<!tpu.dma_semaphore, #tpu.memory_space<semaphore_mem>>
    %dma_start3A_2201 = arith.constant 0 : i32
    %dma_start3A_2202 = tpu.memref_slice %arg4[%add3A_2190, %dma_start3A_2201] : memref<204800x64xf32, #tpu.memory_space<hbm>> -> memref<128x64xf32, #tpu.memory_space<hbm>>
    %dma_start3A_2203 = arith.constant 0 : i32
    %dma_start3A_2204 = arith.constant 0 : i32
    %dma_start3A_2205 = tpu.memref_slice %arg6[%dma_start3A_2191, %dma_start3A_2203, %dma_start3A_2204] : memref<8x128x64xf32, #tpu.memory_space<vmem>> -> memref<1x128x64xf32, #tpu.memory_space<vmem>>
    %dma_start3A_2206 = tpu.memref_squeeze %dma_start3A_2205 : memref<1x128x64xf32, #tpu.memory_space<vmem>> -> memref<128x64xf32, #tpu.memory_space<vmem>>
    tpu.enqueue_dma source(%dma_start3A_2206 : memref<128x64xf32, #tpu.memory_space<vmem>>) target(%dma_start3A_2202 : memref<128x64xf32, #tpu.memory_space<hbm>>) target_semaphore(%dma_start3A_2200 : memref<!tpu.dma_semaphore, #tpu.memory_space<semaphore_mem>>)
    %dma_wait3A_2207 = arith.constant 2 : i32
    %dma_wait3A_2208 = arith.constant 2 : i32
    %dma_wait3A_2209 = arith.constant 0 : i32
    %dma_wait3A_2210 = arith.constant 0 : i32
    %dma_wait3A_2211 = tpu.memref_slice %arg6[%dma_wait3A_2207, %dma_wait3A_2209, %dma_wait3A_2210] : memref<8x128x64xf32, #tpu.memory_space<vmem>> -> memref<1x128x64xf32, #tpu.memory_space<vmem>>
    %dma_wait3A_2212 = tpu.memref_squeeze %dma_wait3A_2211 : memref<1x128x64xf32, #tpu.memory_space<vmem>> -> memref<128x64xf32, #tpu.memory_space<vmem>>
    %dma_wait3A_2213 = arith.constant 0 : i32
    %dma_wait3A_2214 = tpu.memref_slice %arg4[%add3A_2130, %dma_wait3A_2213] : memref<204800x64xf32, #tpu.memory_space<hbm>> -> memref<128x64xf32, #tpu.memory_space<hbm>>
    %dma_wait3A_2215 = tpu.memref_slice %arg8[%dma_wait3A_2208] : memref<8x!tpu.dma_semaphore, #tpu.memory_space<semaphore_mem>> -> memref<1x!tpu.dma_semaphore, #tpu.memory_space<semaphore_mem>>
    %dma_wait3A_2216 = tpu.memref_squeeze %dma_wait3A_2215 : memref<1x!tpu.dma_semaphore, #tpu.memory_space<semaphore_mem>> -> memref<!tpu.dma_semaphore, #tpu.memory_space<semaphore_mem>>
    %dma_wait3A_2217 = arith.constant 0 : i32
    %dma_wait3A_2218 = tpu.memref_slice %arg4[%add3A_2130, %dma_wait3A_2217] : memref<204800x64xf32, #tpu.memory_space<hbm>> -> memref<128x64xf32, #tpu.memory_space<hbm>>
    %dma_wait3A_2219 = arith.constant 0 : i32
    %dma_wait3A_2220 = arith.constant 0 : i32
    %dma_wait3A_2221 = tpu.memref_slice %arg6[%dma_wait3A_2207, %dma_wait3A_2219, %dma_wait3A_2220] : memref<8x128x64xf32, #tpu.memory_space<vmem>> -> memref<1x128x64xf32, #tpu.memory_space<vmem>>
    %dma_wait3A_2222 = tpu.memref_squeeze %dma_wait3A_2221 : memref<1x128x64xf32, #tpu.memory_space<vmem>> -> memref<128x64xf32, #tpu.memory_space<vmem>>
    tpu.wait_dma2 semaphore(%dma_wait3A_2216 : memref<!tpu.dma_semaphore, #tpu.memory_space<semaphore_mem>>) src(%dma_wait3A_2222 : memref<128x64xf32, #tpu.memory_space<vmem>>) dst(%dma_wait3A_2218 : memref<128x64xf32, #tpu.memory_space<hbm>>)
    %dma_start3A_2223 = arith.constant 2 : i32
    %dma_start3A_2224 = arith.constant 2 : i32
    %dma_start3A_2225 = arith.constant 0 : i32
    %dma_start3A_2226 = arith.constant 0 : i32
    %dma_start3A_2227 = tpu.memref_slice %arg6[%dma_start3A_2223, %dma_start3A_2225, %dma_start3A_2226] : memref<8x128x64xf32, #tpu.memory_space<vmem>> -> memref<1x128x64xf32, #tpu.memory_space<vmem>>
    %dma_start3A_2228 = tpu.memref_squeeze %dma_start3A_2227 : memref<1x128x64xf32, #tpu.memory_space<vmem>> -> memref<128x64xf32, #tpu.memory_space<vmem>>
    %dma_start3A_2229 = arith.constant 5376 : i32
    %dma_start3A_2230 = tpu.memref_slice %arg5[%dma_start3A_2229] : memref<6400xi32, #tpu.memory_space<vmem>> -> memref<128xi32, #tpu.memory_space<vmem>>
    %dma_start3A_2231 = arith.constant 0 : i32
    %dma_start3A_2232 = arith.constant 0 : i32
    %dma_start3A_2233 = tpu.memref_slice %arg2[%dma_start3A_2231, %dma_start3A_2232] : memref<1000000x64xf32, #tpu.memory_space<hbm>> -> memref<1000000x64xf32, #tpu.memory_space<hbm>>
    %dma_start3A_2234 = tpu.memref_slice %arg7[%dma_start3A_2224] : memref<8x!tpu.dma_semaphore, #tpu.memory_space<semaphore_mem>> -> memref<1x!tpu.dma_semaphore, #tpu.memory_space<semaphore_mem>>
    %dma_start3A_2235 = tpu.memref_squeeze %dma_start3A_2234 : memref<1x!tpu.dma_semaphore, #tpu.memory_space<semaphore_mem>> -> memref<!tpu.dma_semaphore, #tpu.memory_space<semaphore_mem>>
    tpu.enqueue_indirect_dma source(%dma_start3A_2233 : memref<1000000x64xf32, #tpu.memory_space<hbm>>) target(%dma_start3A_2228 : memref<128x64xf32, #tpu.memory_space<vmem>>) offsets(%dma_start3A_2230 : memref<128xi32, #tpu.memory_space<vmem>>) semaphore(%dma_start3A_2235 : memref<!tpu.dma_semaphore, #tpu.memory_space<semaphore_mem>>)
    %dma_wait3A_2236 = arith.constant 4 : i32
    %dma_wait3A_2237 = arith.constant 4 : i32
    %dma_wait3A_2238 = arith.constant 0 : i32
    %dma_wait3A_2239 = arith.constant 0 : i32
    %dma_wait3A_2240 = tpu.memref_slice %arg6[%dma_wait3A_2236, %dma_wait3A_2238, %dma_wait3A_2239] : memref<8x128x64xf32, #tpu.memory_space<vmem>> -> memref<1x128x64xf32, #tpu.memory_space<vmem>>
    %dma_wait3A_2241 = tpu.memref_squeeze %dma_wait3A_2240 : memref<1x128x64xf32, #tpu.memory_space<vmem>> -> memref<128x64xf32, #tpu.memory_space<vmem>>
    %dma_wait3A_2242 = arith.constant 4608 : i32
    %dma_wait3A_2243 = tpu.memref_slice %arg5[%dma_wait3A_2242] : memref<6400xi32, #tpu.memory_space<vmem>> -> memref<128xi32, #tpu.memory_space<vmem>>
    %dma_wait3A_2244 = arith.constant 0 : i32
    %dma_wait3A_2245 = arith.constant 0 : i32
    %dma_wait3A_2246 = tpu.memref_slice %arg2[%dma_wait3A_2244, %dma_wait3A_2245] : memref<1000000x64xf32, #tpu.memory_space<hbm>> -> memref<1000000x64xf32, #tpu.memory_space<hbm>>
    %dma_wait3A_2247 = tpu.memref_slice %arg7[%dma_wait3A_2237] : memref<8x!tpu.dma_semaphore, #tpu.memory_space<semaphore_mem>> -> memref<1x!tpu.dma_semaphore, #tpu.memory_space<semaphore_mem>>
    %dma_wait3A_2248 = tpu.memref_squeeze %dma_wait3A_2247 : memref<1x!tpu.dma_semaphore, #tpu.memory_space<semaphore_mem>> -> memref<!tpu.dma_semaphore, #tpu.memory_space<semaphore_mem>>
    tpu.wait_indirect_dma semaphore(%dma_wait3A_2248 : memref<!tpu.dma_semaphore, #tpu.memory_space<semaphore_mem>>) src(%dma_wait3A_2246 : memref<1000000x64xf32, #tpu.memory_space<hbm>>) dst(%dma_wait3A_2241 : memref<128x64xf32, #tpu.memory_space<vmem>>)
    %add3A_2249 = arith.constant 4608 : i32
    %add3A_2250 = arith.addi %mul3A_2, %add3A_2249 : i32
    %dma_start3A_2251 = arith.constant 4 : i32
    %dma_start3A_2252 = arith.constant 4 : i32
    %dma_start3A_2253 = arith.constant 0 : i32
    %dma_start3A_2254 = arith.constant 0 : i32
    %dma_start3A_2255 = tpu.memref_slice %arg6[%dma_start3A_2251, %dma_start3A_2253, %dma_start3A_2254] : memref<8x128x64xf32, #tpu.memory_space<vmem>> -> memref<1x128x64xf32, #tpu.memory_space<vmem>>
    %dma_start3A_2256 = tpu.memref_squeeze %dma_start3A_2255 : memref<1x128x64xf32, #tpu.memory_space<vmem>> -> memref<128x64xf32, #tpu.memory_space<vmem>>
    %dma_start3A_2257 = arith.constant 0 : i32
    %dma_start3A_2258 = tpu.memref_slice %arg4[%add3A_2250, %dma_start3A_2257] : memref<204800x64xf32, #tpu.memory_space<hbm>> -> memref<128x64xf32, #tpu.memory_space<hbm>>
    %dma_start3A_2259 = tpu.memref_slice %arg8[%dma_start3A_2252] : memref<8x!tpu.dma_semaphore, #tpu.memory_space<semaphore_mem>> -> memref<1x!tpu.dma_semaphore, #tpu.memory_space<semaphore_mem>>
    %dma_start3A_2260 = tpu.memref_squeeze %dma_start3A_2259 : memref<1x!tpu.dma_semaphore, #tpu.memory_space<semaphore_mem>> -> memref<!tpu.dma_semaphore, #tpu.memory_space<semaphore_mem>>
    %dma_start3A_2261 = arith.constant 0 : i32
    %dma_start3A_2262 = tpu.memref_slice %arg4[%add3A_2250, %dma_start3A_2261] : memref<204800x64xf32, #tpu.memory_space<hbm>> -> memref<128x64xf32, #tpu.memory_space<hbm>>
    %dma_start3A_2263 = arith.constant 0 : i32
    %dma_start3A_2264 = arith.constant 0 : i32
    %dma_start3A_2265 = tpu.memref_slice %arg6[%dma_start3A_2251, %dma_start3A_2263, %dma_start3A_2264] : memref<8x128x64xf32, #tpu.memory_space<vmem>> -> memref<1x128x64xf32, #tpu.memory_space<vmem>>
    %dma_start3A_2266 = tpu.memref_squeeze %dma_start3A_2265 : memref<1x128x64xf32, #tpu.memory_space<vmem>> -> memref<128x64xf32, #tpu.memory_space<vmem>>
    tpu.enqueue_dma source(%dma_start3A_2266 : memref<128x64xf32, #tpu.memory_space<vmem>>) target(%dma_start3A_2262 : memref<128x64xf32, #tpu.memory_space<hbm>>) target_semaphore(%dma_start3A_2260 : memref<!tpu.dma_semaphore, #tpu.memory_space<semaphore_mem>>)
    %dma_wait3A_2267 = arith.constant 3 : i32
    %dma_wait3A_2268 = arith.constant 3 : i32
    %dma_wait3A_2269 = arith.constant 0 : i32
    %dma_wait3A_2270 = arith.constant 0 : i32
    %dma_wait3A_2271 = tpu.memref_slice %arg6[%dma_wait3A_2267, %dma_wait3A_2269, %dma_wait3A_2270] : memref<8x128x64xf32, #tpu.memory_space<vmem>> -> memref<1x128x64xf32, #tpu.memory_space<vmem>>
    %dma_wait3A_2272 = tpu.memref_squeeze %dma_wait3A_2271 : memref<1x128x64xf32, #tpu.memory_space<vmem>> -> memref<128x64xf32, #tpu.memory_space<vmem>>
    %dma_wait3A_2273 = arith.constant 0 : i32
    %dma_wait3A_2274 = tpu.memref_slice %arg4[%add3A_2190, %dma_wait3A_2273] : memref<204800x64xf32, #tpu.memory_space<hbm>> -> memref<128x64xf32, #tpu.memory_space<hbm>>
    %dma_wait3A_2275 = tpu.memref_slice %arg8[%dma_wait3A_2268] : memref<8x!tpu.dma_semaphore, #tpu.memory_space<semaphore_mem>> -> memref<1x!tpu.dma_semaphore, #tpu.memory_space<semaphore_mem>>
    %dma_wait3A_2276 = tpu.memref_squeeze %dma_wait3A_2275 : memref<1x!tpu.dma_semaphore, #tpu.memory_space<semaphore_mem>> -> memref<!tpu.dma_semaphore, #tpu.memory_space<semaphore_mem>>
    %dma_wait3A_2277 = arith.constant 0 : i32
    %dma_wait3A_2278 = tpu.memref_slice %arg4[%add3A_2190, %dma_wait3A_2277] : memref<204800x64xf32, #tpu.memory_space<hbm>> -> memref<128x64xf32, #tpu.memory_space<hbm>>
    %dma_wait3A_2279 = arith.constant 0 : i32
    %dma_wait3A_2280 = arith.constant 0 : i32
    %dma_wait3A_2281 = tpu.memref_slice %arg6[%dma_wait3A_2267, %dma_wait3A_2279, %dma_wait3A_2280] : memref<8x128x64xf32, #tpu.memory_space<vmem>> -> memref<1x128x64xf32, #tpu.memory_space<vmem>>
    %dma_wait3A_2282 = tpu.memref_squeeze %dma_wait3A_2281 : memref<1x128x64xf32, #tpu.memory_space<vmem>> -> memref<128x64xf32, #tpu.memory_space<vmem>>
    tpu.wait_dma2 semaphore(%dma_wait3A_2276 : memref<!tpu.dma_semaphore, #tpu.memory_space<semaphore_mem>>) src(%dma_wait3A_2282 : memref<128x64xf32, #tpu.memory_space<vmem>>) dst(%dma_wait3A_2278 : memref<128x64xf32, #tpu.memory_space<hbm>>)
    %dma_start3A_2283 = arith.constant 3 : i32
    %dma_start3A_2284 = arith.constant 3 : i32
    %dma_start3A_2285 = arith.constant 0 : i32
    %dma_start3A_2286 = arith.constant 0 : i32
    %dma_start3A_2287 = tpu.memref_slice %arg6[%dma_start3A_2283, %dma_start3A_2285, %dma_start3A_2286] : memref<8x128x64xf32, #tpu.memory_space<vmem>> -> memref<1x128x64xf32, #tpu.memory_space<vmem>>
    %dma_start3A_2288 = tpu.memref_squeeze %dma_start3A_2287 : memref<1x128x64xf32, #tpu.memory_space<vmem>> -> memref<128x64xf32, #tpu.memory_space<vmem>>
    %dma_start3A_2289 = arith.constant 5504 : i32
    %dma_start3A_2290 = tpu.memref_slice %arg5[%dma_start3A_2289] : memref<6400xi32, #tpu.memory_space<vmem>> -> memref<128xi32, #tpu.memory_space<vmem>>
    %dma_start3A_2291 = arith.constant 0 : i32
    %dma_start3A_2292 = arith.constant 0 : i32
    %dma_start3A_2293 = tpu.memref_slice %arg2[%dma_start3A_2291, %dma_start3A_2292] : memref<1000000x64xf32, #tpu.memory_space<hbm>> -> memref<1000000x64xf32, #tpu.memory_space<hbm>>
    %dma_start3A_2294 = tpu.memref_slice %arg7[%dma_start3A_2284] : memref<8x!tpu.dma_semaphore, #tpu.memory_space<semaphore_mem>> -> memref<1x!tpu.dma_semaphore, #tpu.memory_space<semaphore_mem>>
    %dma_start3A_2295 = tpu.memref_squeeze %dma_start3A_2294 : memref<1x!tpu.dma_semaphore, #tpu.memory_space<semaphore_mem>> -> memref<!tpu.dma_semaphore, #tpu.memory_space<semaphore_mem>>
    tpu.enqueue_indirect_dma source(%dma_start3A_2293 : memref<1000000x64xf32, #tpu.memory_space<hbm>>) target(%dma_start3A_2288 : memref<128x64xf32, #tpu.memory_space<vmem>>) offsets(%dma_start3A_2290 : memref<128xi32, #tpu.memory_space<vmem>>) semaphore(%dma_start3A_2295 : memref<!tpu.dma_semaphore, #tpu.memory_space<semaphore_mem>>)
    %dma_wait3A_2296 = arith.constant 5 : i32
    %dma_wait3A_2297 = arith.constant 5 : i32
    %dma_wait3A_2298 = arith.constant 0 : i32
    %dma_wait3A_2299 = arith.constant 0 : i32
    %dma_wait3A_2300 = tpu.memref_slice %arg6[%dma_wait3A_2296, %dma_wait3A_2298, %dma_wait3A_2299] : memref<8x128x64xf32, #tpu.memory_space<vmem>> -> memref<1x128x64xf32, #tpu.memory_space<vmem>>
    %dma_wait3A_2301 = tpu.memref_squeeze %dma_wait3A_2300 : memref<1x128x64xf32, #tpu.memory_space<vmem>> -> memref<128x64xf32, #tpu.memory_space<vmem>>
    %dma_wait3A_2302 = arith.constant 4736 : i32
    %dma_wait3A_2303 = tpu.memref_slice %arg5[%dma_wait3A_2302] : memref<6400xi32, #tpu.memory_space<vmem>> -> memref<128xi32, #tpu.memory_space<vmem>>
    %dma_wait3A_2304 = arith.constant 0 : i32
    %dma_wait3A_2305 = arith.constant 0 : i32
    %dma_wait3A_2306 = tpu.memref_slice %arg2[%dma_wait3A_2304, %dma_wait3A_2305] : memref<1000000x64xf32, #tpu.memory_space<hbm>> -> memref<1000000x64xf32, #tpu.memory_space<hbm>>
    %dma_wait3A_2307 = tpu.memref_slice %arg7[%dma_wait3A_2297] : memref<8x!tpu.dma_semaphore, #tpu.memory_space<semaphore_mem>> -> memref<1x!tpu.dma_semaphore, #tpu.memory_space<semaphore_mem>>
    %dma_wait3A_2308 = tpu.memref_squeeze %dma_wait3A_2307 : memref<1x!tpu.dma_semaphore, #tpu.memory_space<semaphore_mem>> -> memref<!tpu.dma_semaphore, #tpu.memory_space<semaphore_mem>>
    tpu.wait_indirect_dma semaphore(%dma_wait3A_2308 : memref<!tpu.dma_semaphore, #tpu.memory_space<semaphore_mem>>) src(%dma_wait3A_2306 : memref<1000000x64xf32, #tpu.memory_space<hbm>>) dst(%dma_wait3A_2301 : memref<128x64xf32, #tpu.memory_space<vmem>>)
    %add3A_2309 = arith.constant 4736 : i32
    %add3A_2310 = arith.addi %mul3A_2, %add3A_2309 : i32
    %dma_start3A_2311 = arith.constant 5 : i32
    %dma_start3A_2312 = arith.constant 5 : i32
    %dma_start3A_2313 = arith.constant 0 : i32
    %dma_start3A_2314 = arith.constant 0 : i32
    %dma_start3A_2315 = tpu.memref_slice %arg6[%dma_start3A_2311, %dma_start3A_2313, %dma_start3A_2314] : memref<8x128x64xf32, #tpu.memory_space<vmem>> -> memref<1x128x64xf32, #tpu.memory_space<vmem>>
    %dma_start3A_2316 = tpu.memref_squeeze %dma_start3A_2315 : memref<1x128x64xf32, #tpu.memory_space<vmem>> -> memref<128x64xf32, #tpu.memory_space<vmem>>
    %dma_start3A_2317 = arith.constant 0 : i32
    %dma_start3A_2318 = tpu.memref_slice %arg4[%add3A_2310, %dma_start3A_2317] : memref<204800x64xf32, #tpu.memory_space<hbm>> -> memref<128x64xf32, #tpu.memory_space<hbm>>
    %dma_start3A_2319 = tpu.memref_slice %arg8[%dma_start3A_2312] : memref<8x!tpu.dma_semaphore, #tpu.memory_space<semaphore_mem>> -> memref<1x!tpu.dma_semaphore, #tpu.memory_space<semaphore_mem>>
    %dma_start3A_2320 = tpu.memref_squeeze %dma_start3A_2319 : memref<1x!tpu.dma_semaphore, #tpu.memory_space<semaphore_mem>> -> memref<!tpu.dma_semaphore, #tpu.memory_space<semaphore_mem>>
    %dma_start3A_2321 = arith.constant 0 : i32
    %dma_start3A_2322 = tpu.memref_slice %arg4[%add3A_2310, %dma_start3A_2321] : memref<204800x64xf32, #tpu.memory_space<hbm>> -> memref<128x64xf32, #tpu.memory_space<hbm>>
    %dma_start3A_2323 = arith.constant 0 : i32
    %dma_start3A_2324 = arith.constant 0 : i32
    %dma_start3A_2325 = tpu.memref_slice %arg6[%dma_start3A_2311, %dma_start3A_2323, %dma_start3A_2324] : memref<8x128x64xf32, #tpu.memory_space<vmem>> -> memref<1x128x64xf32, #tpu.memory_space<vmem>>
    %dma_start3A_2326 = tpu.memref_squeeze %dma_start3A_2325 : memref<1x128x64xf32, #tpu.memory_space<vmem>> -> memref<128x64xf32, #tpu.memory_space<vmem>>
    tpu.enqueue_dma source(%dma_start3A_2326 : memref<128x64xf32, #tpu.memory_space<vmem>>) target(%dma_start3A_2322 : memref<128x64xf32, #tpu.memory_space<hbm>>) target_semaphore(%dma_start3A_2320 : memref<!tpu.dma_semaphore, #tpu.memory_space<semaphore_mem>>)
    %dma_wait3A_2327 = arith.constant 4 : i32
    %dma_wait3A_2328 = arith.constant 4 : i32
    %dma_wait3A_2329 = arith.constant 0 : i32
    %dma_wait3A_2330 = arith.constant 0 : i32
    %dma_wait3A_2331 = tpu.memref_slice %arg6[%dma_wait3A_2327, %dma_wait3A_2329, %dma_wait3A_2330] : memref<8x128x64xf32, #tpu.memory_space<vmem>> -> memref<1x128x64xf32, #tpu.memory_space<vmem>>
    %dma_wait3A_2332 = tpu.memref_squeeze %dma_wait3A_2331 : memref<1x128x64xf32, #tpu.memory_space<vmem>> -> memref<128x64xf32, #tpu.memory_space<vmem>>
    %dma_wait3A_2333 = arith.constant 0 : i32
    %dma_wait3A_2334 = tpu.memref_slice %arg4[%add3A_2250, %dma_wait3A_2333] : memref<204800x64xf32, #tpu.memory_space<hbm>> -> memref<128x64xf32, #tpu.memory_space<hbm>>
    %dma_wait3A_2335 = tpu.memref_slice %arg8[%dma_wait3A_2328] : memref<8x!tpu.dma_semaphore, #tpu.memory_space<semaphore_mem>> -> memref<1x!tpu.dma_semaphore, #tpu.memory_space<semaphore_mem>>
    %dma_wait3A_2336 = tpu.memref_squeeze %dma_wait3A_2335 : memref<1x!tpu.dma_semaphore, #tpu.memory_space<semaphore_mem>> -> memref<!tpu.dma_semaphore, #tpu.memory_space<semaphore_mem>>
    %dma_wait3A_2337 = arith.constant 0 : i32
    %dma_wait3A_2338 = tpu.memref_slice %arg4[%add3A_2250, %dma_wait3A_2337] : memref<204800x64xf32, #tpu.memory_space<hbm>> -> memref<128x64xf32, #tpu.memory_space<hbm>>
    %dma_wait3A_2339 = arith.constant 0 : i32
    %dma_wait3A_2340 = arith.constant 0 : i32
    %dma_wait3A_2341 = tpu.memref_slice %arg6[%dma_wait3A_2327, %dma_wait3A_2339, %dma_wait3A_2340] : memref<8x128x64xf32, #tpu.memory_space<vmem>> -> memref<1x128x64xf32, #tpu.memory_space<vmem>>
    %dma_wait3A_2342 = tpu.memref_squeeze %dma_wait3A_2341 : memref<1x128x64xf32, #tpu.memory_space<vmem>> -> memref<128x64xf32, #tpu.memory_space<vmem>>
    tpu.wait_dma2 semaphore(%dma_wait3A_2336 : memref<!tpu.dma_semaphore, #tpu.memory_space<semaphore_mem>>) src(%dma_wait3A_2342 : memref<128x64xf32, #tpu.memory_space<vmem>>) dst(%dma_wait3A_2338 : memref<128x64xf32, #tpu.memory_space<hbm>>)
    %dma_start3A_2343 = arith.constant 4 : i32
    %dma_start3A_2344 = arith.constant 4 : i32
    %dma_start3A_2345 = arith.constant 0 : i32
    %dma_start3A_2346 = arith.constant 0 : i32
    %dma_start3A_2347 = tpu.memref_slice %arg6[%dma_start3A_2343, %dma_start3A_2345, %dma_start3A_2346] : memref<8x128x64xf32, #tpu.memory_space<vmem>> -> memref<1x128x64xf32, #tpu.memory_space<vmem>>
    %dma_start3A_2348 = tpu.memref_squeeze %dma_start3A_2347 : memref<1x128x64xf32, #tpu.memory_space<vmem>> -> memref<128x64xf32, #tpu.memory_space<vmem>>
    %dma_start3A_2349 = arith.constant 5632 : i32
    %dma_start3A_2350 = tpu.memref_slice %arg5[%dma_start3A_2349] : memref<6400xi32, #tpu.memory_space<vmem>> -> memref<128xi32, #tpu.memory_space<vmem>>
    %dma_start3A_2351 = arith.constant 0 : i32
    %dma_start3A_2352 = arith.constant 0 : i32
    %dma_start3A_2353 = tpu.memref_slice %arg2[%dma_start3A_2351, %dma_start3A_2352] : memref<1000000x64xf32, #tpu.memory_space<hbm>> -> memref<1000000x64xf32, #tpu.memory_space<hbm>>
    %dma_start3A_2354 = tpu.memref_slice %arg7[%dma_start3A_2344] : memref<8x!tpu.dma_semaphore, #tpu.memory_space<semaphore_mem>> -> memref<1x!tpu.dma_semaphore, #tpu.memory_space<semaphore_mem>>
    %dma_start3A_2355 = tpu.memref_squeeze %dma_start3A_2354 : memref<1x!tpu.dma_semaphore, #tpu.memory_space<semaphore_mem>> -> memref<!tpu.dma_semaphore, #tpu.memory_space<semaphore_mem>>
    tpu.enqueue_indirect_dma source(%dma_start3A_2353 : memref<1000000x64xf32, #tpu.memory_space<hbm>>) target(%dma_start3A_2348 : memref<128x64xf32, #tpu.memory_space<vmem>>) offsets(%dma_start3A_2350 : memref<128xi32, #tpu.memory_space<vmem>>) semaphore(%dma_start3A_2355 : memref<!tpu.dma_semaphore, #tpu.memory_space<semaphore_mem>>)
    %dma_wait3A_2356 = arith.constant 6 : i32
    %dma_wait3A_2357 = arith.constant 6 : i32
    %dma_wait3A_2358 = arith.constant 0 : i32
    %dma_wait3A_2359 = arith.constant 0 : i32
    %dma_wait3A_2360 = tpu.memref_slice %arg6[%dma_wait3A_2356, %dma_wait3A_2358, %dma_wait3A_2359] : memref<8x128x64xf32, #tpu.memory_space<vmem>> -> memref<1x128x64xf32, #tpu.memory_space<vmem>>
    %dma_wait3A_2361 = tpu.memref_squeeze %dma_wait3A_2360 : memref<1x128x64xf32, #tpu.memory_space<vmem>> -> memref<128x64xf32, #tpu.memory_space<vmem>>
    %dma_wait3A_2362 = arith.constant 4864 : i32
    %dma_wait3A_2363 = tpu.memref_slice %arg5[%dma_wait3A_2362] : memref<6400xi32, #tpu.memory_space<vmem>> -> memref<128xi32, #tpu.memory_space<vmem>>
    %dma_wait3A_2364 = arith.constant 0 : i32
    %dma_wait3A_2365 = arith.constant 0 : i32
    %dma_wait3A_2366 = tpu.memref_slice %arg2[%dma_wait3A_2364, %dma_wait3A_2365] : memref<1000000x64xf32, #tpu.memory_space<hbm>> -> memref<1000000x64xf32, #tpu.memory_space<hbm>>
    %dma_wait3A_2367 = tpu.memref_slice %arg7[%dma_wait3A_2357] : memref<8x!tpu.dma_semaphore, #tpu.memory_space<semaphore_mem>> -> memref<1x!tpu.dma_semaphore, #tpu.memory_space<semaphore_mem>>
    %dma_wait3A_2368 = tpu.memref_squeeze %dma_wait3A_2367 : memref<1x!tpu.dma_semaphore, #tpu.memory_space<semaphore_mem>> -> memref<!tpu.dma_semaphore, #tpu.memory_space<semaphore_mem>>
    tpu.wait_indirect_dma semaphore(%dma_wait3A_2368 : memref<!tpu.dma_semaphore, #tpu.memory_space<semaphore_mem>>) src(%dma_wait3A_2366 : memref<1000000x64xf32, #tpu.memory_space<hbm>>) dst(%dma_wait3A_2361 : memref<128x64xf32, #tpu.memory_space<vmem>>)
    %add3A_2369 = arith.constant 4864 : i32
    %add3A_2370 = arith.addi %mul3A_2, %add3A_2369 : i32
    %dma_start3A_2371 = arith.constant 6 : i32
    %dma_start3A_2372 = arith.constant 6 : i32
    %dma_start3A_2373 = arith.constant 0 : i32
    %dma_start3A_2374 = arith.constant 0 : i32
    %dma_start3A_2375 = tpu.memref_slice %arg6[%dma_start3A_2371, %dma_start3A_2373, %dma_start3A_2374] : memref<8x128x64xf32, #tpu.memory_space<vmem>> -> memref<1x128x64xf32, #tpu.memory_space<vmem>>
    %dma_start3A_2376 = tpu.memref_squeeze %dma_start3A_2375 : memref<1x128x64xf32, #tpu.memory_space<vmem>> -> memref<128x64xf32, #tpu.memory_space<vmem>>
    %dma_start3A_2377 = arith.constant 0 : i32
    %dma_start3A_2378 = tpu.memref_slice %arg4[%add3A_2370, %dma_start3A_2377] : memref<204800x64xf32, #tpu.memory_space<hbm>> -> memref<128x64xf32, #tpu.memory_space<hbm>>
    %dma_start3A_2379 = tpu.memref_slice %arg8[%dma_start3A_2372] : memref<8x!tpu.dma_semaphore, #tpu.memory_space<semaphore_mem>> -> memref<1x!tpu.dma_semaphore, #tpu.memory_space<semaphore_mem>>
    %dma_start3A_2380 = tpu.memref_squeeze %dma_start3A_2379 : memref<1x!tpu.dma_semaphore, #tpu.memory_space<semaphore_mem>> -> memref<!tpu.dma_semaphore, #tpu.memory_space<semaphore_mem>>
    %dma_start3A_2381 = arith.constant 0 : i32
    %dma_start3A_2382 = tpu.memref_slice %arg4[%add3A_2370, %dma_start3A_2381] : memref<204800x64xf32, #tpu.memory_space<hbm>> -> memref<128x64xf32, #tpu.memory_space<hbm>>
    %dma_start3A_2383 = arith.constant 0 : i32
    %dma_start3A_2384 = arith.constant 0 : i32
    %dma_start3A_2385 = tpu.memref_slice %arg6[%dma_start3A_2371, %dma_start3A_2383, %dma_start3A_2384] : memref<8x128x64xf32, #tpu.memory_space<vmem>> -> memref<1x128x64xf32, #tpu.memory_space<vmem>>
    %dma_start3A_2386 = tpu.memref_squeeze %dma_start3A_2385 : memref<1x128x64xf32, #tpu.memory_space<vmem>> -> memref<128x64xf32, #tpu.memory_space<vmem>>
    tpu.enqueue_dma source(%dma_start3A_2386 : memref<128x64xf32, #tpu.memory_space<vmem>>) target(%dma_start3A_2382 : memref<128x64xf32, #tpu.memory_space<hbm>>) target_semaphore(%dma_start3A_2380 : memref<!tpu.dma_semaphore, #tpu.memory_space<semaphore_mem>>)
    %dma_wait3A_2387 = arith.constant 5 : i32
    %dma_wait3A_2388 = arith.constant 5 : i32
    %dma_wait3A_2389 = arith.constant 0 : i32
    %dma_wait3A_2390 = arith.constant 0 : i32
    %dma_wait3A_2391 = tpu.memref_slice %arg6[%dma_wait3A_2387, %dma_wait3A_2389, %dma_wait3A_2390] : memref<8x128x64xf32, #tpu.memory_space<vmem>> -> memref<1x128x64xf32, #tpu.memory_space<vmem>>
    %dma_wait3A_2392 = tpu.memref_squeeze %dma_wait3A_2391 : memref<1x128x64xf32, #tpu.memory_space<vmem>> -> memref<128x64xf32, #tpu.memory_space<vmem>>
    %dma_wait3A_2393 = arith.constant 0 : i32
    %dma_wait3A_2394 = tpu.memref_slice %arg4[%add3A_2310, %dma_wait3A_2393] : memref<204800x64xf32, #tpu.memory_space<hbm>> -> memref<128x64xf32, #tpu.memory_space<hbm>>
    %dma_wait3A_2395 = tpu.memref_slice %arg8[%dma_wait3A_2388] : memref<8x!tpu.dma_semaphore, #tpu.memory_space<semaphore_mem>> -> memref<1x!tpu.dma_semaphore, #tpu.memory_space<semaphore_mem>>
    %dma_wait3A_2396 = tpu.memref_squeeze %dma_wait3A_2395 : memref<1x!tpu.dma_semaphore, #tpu.memory_space<semaphore_mem>> -> memref<!tpu.dma_semaphore, #tpu.memory_space<semaphore_mem>>
    %dma_wait3A_2397 = arith.constant 0 : i32
    %dma_wait3A_2398 = tpu.memref_slice %arg4[%add3A_2310, %dma_wait3A_2397] : memref<204800x64xf32, #tpu.memory_space<hbm>> -> memref<128x64xf32, #tpu.memory_space<hbm>>
    %dma_wait3A_2399 = arith.constant 0 : i32
    %dma_wait3A_2400 = arith.constant 0 : i32
    %dma_wait3A_2401 = tpu.memref_slice %arg6[%dma_wait3A_2387, %dma_wait3A_2399, %dma_wait3A_2400] : memref<8x128x64xf32, #tpu.memory_space<vmem>> -> memref<1x128x64xf32, #tpu.memory_space<vmem>>
    %dma_wait3A_2402 = tpu.memref_squeeze %dma_wait3A_2401 : memref<1x128x64xf32, #tpu.memory_space<vmem>> -> memref<128x64xf32, #tpu.memory_space<vmem>>
    tpu.wait_dma2 semaphore(%dma_wait3A_2396 : memref<!tpu.dma_semaphore, #tpu.memory_space<semaphore_mem>>) src(%dma_wait3A_2402 : memref<128x64xf32, #tpu.memory_space<vmem>>) dst(%dma_wait3A_2398 : memref<128x64xf32, #tpu.memory_space<hbm>>)
    %dma_start3A_2403 = arith.constant 5 : i32
    %dma_start3A_2404 = arith.constant 5 : i32
    %dma_start3A_2405 = arith.constant 0 : i32
    %dma_start3A_2406 = arith.constant 0 : i32
    %dma_start3A_2407 = tpu.memref_slice %arg6[%dma_start3A_2403, %dma_start3A_2405, %dma_start3A_2406] : memref<8x128x64xf32, #tpu.memory_space<vmem>> -> memref<1x128x64xf32, #tpu.memory_space<vmem>>
    %dma_start3A_2408 = tpu.memref_squeeze %dma_start3A_2407 : memref<1x128x64xf32, #tpu.memory_space<vmem>> -> memref<128x64xf32, #tpu.memory_space<vmem>>
    %dma_start3A_2409 = arith.constant 5760 : i32
    %dma_start3A_2410 = tpu.memref_slice %arg5[%dma_start3A_2409] : memref<6400xi32, #tpu.memory_space<vmem>> -> memref<128xi32, #tpu.memory_space<vmem>>
    %dma_start3A_2411 = arith.constant 0 : i32
    %dma_start3A_2412 = arith.constant 0 : i32
    %dma_start3A_2413 = tpu.memref_slice %arg2[%dma_start3A_2411, %dma_start3A_2412] : memref<1000000x64xf32, #tpu.memory_space<hbm>> -> memref<1000000x64xf32, #tpu.memory_space<hbm>>
    %dma_start3A_2414 = tpu.memref_slice %arg7[%dma_start3A_2404] : memref<8x!tpu.dma_semaphore, #tpu.memory_space<semaphore_mem>> -> memref<1x!tpu.dma_semaphore, #tpu.memory_space<semaphore_mem>>
    %dma_start3A_2415 = tpu.memref_squeeze %dma_start3A_2414 : memref<1x!tpu.dma_semaphore, #tpu.memory_space<semaphore_mem>> -> memref<!tpu.dma_semaphore, #tpu.memory_space<semaphore_mem>>
    tpu.enqueue_indirect_dma source(%dma_start3A_2413 : memref<1000000x64xf32, #tpu.memory_space<hbm>>) target(%dma_start3A_2408 : memref<128x64xf32, #tpu.memory_space<vmem>>) offsets(%dma_start3A_2410 : memref<128xi32, #tpu.memory_space<vmem>>) semaphore(%dma_start3A_2415 : memref<!tpu.dma_semaphore, #tpu.memory_space<semaphore_mem>>)
    %dma_wait3A_2416 = arith.constant 7 : i32
    %dma_wait3A_2417 = arith.constant 7 : i32
    %dma_wait3A_2418 = arith.constant 0 : i32
    %dma_wait3A_2419 = arith.constant 0 : i32
    %dma_wait3A_2420 = tpu.memref_slice %arg6[%dma_wait3A_2416, %dma_wait3A_2418, %dma_wait3A_2419] : memref<8x128x64xf32, #tpu.memory_space<vmem>> -> memref<1x128x64xf32, #tpu.memory_space<vmem>>
    %dma_wait3A_2421 = tpu.memref_squeeze %dma_wait3A_2420 : memref<1x128x64xf32, #tpu.memory_space<vmem>> -> memref<128x64xf32, #tpu.memory_space<vmem>>
    %dma_wait3A_2422 = arith.constant 4992 : i32
    %dma_wait3A_2423 = tpu.memref_slice %arg5[%dma_wait3A_2422] : memref<6400xi32, #tpu.memory_space<vmem>> -> memref<128xi32, #tpu.memory_space<vmem>>
    %dma_wait3A_2424 = arith.constant 0 : i32
    %dma_wait3A_2425 = arith.constant 0 : i32
    %dma_wait3A_2426 = tpu.memref_slice %arg2[%dma_wait3A_2424, %dma_wait3A_2425] : memref<1000000x64xf32, #tpu.memory_space<hbm>> -> memref<1000000x64xf32, #tpu.memory_space<hbm>>
    %dma_wait3A_2427 = tpu.memref_slice %arg7[%dma_wait3A_2417] : memref<8x!tpu.dma_semaphore, #tpu.memory_space<semaphore_mem>> -> memref<1x!tpu.dma_semaphore, #tpu.memory_space<semaphore_mem>>
    %dma_wait3A_2428 = tpu.memref_squeeze %dma_wait3A_2427 : memref<1x!tpu.dma_semaphore, #tpu.memory_space<semaphore_mem>> -> memref<!tpu.dma_semaphore, #tpu.memory_space<semaphore_mem>>
    tpu.wait_indirect_dma semaphore(%dma_wait3A_2428 : memref<!tpu.dma_semaphore, #tpu.memory_space<semaphore_mem>>) src(%dma_wait3A_2426 : memref<1000000x64xf32, #tpu.memory_space<hbm>>) dst(%dma_wait3A_2421 : memref<128x64xf32, #tpu.memory_space<vmem>>)
    %add3A_2429 = arith.constant 4992 : i32
    %add3A_2430 = arith.addi %mul3A_2, %add3A_2429 : i32
    %dma_start3A_2431 = arith.constant 7 : i32
    %dma_start3A_2432 = arith.constant 7 : i32
    %dma_start3A_2433 = arith.constant 0 : i32
    %dma_start3A_2434 = arith.constant 0 : i32
    %dma_start3A_2435 = tpu.memref_slice %arg6[%dma_start3A_2431, %dma_start3A_2433, %dma_start3A_2434] : memref<8x128x64xf32, #tpu.memory_space<vmem>> -> memref<1x128x64xf32, #tpu.memory_space<vmem>>
    %dma_start3A_2436 = tpu.memref_squeeze %dma_start3A_2435 : memref<1x128x64xf32, #tpu.memory_space<vmem>> -> memref<128x64xf32, #tpu.memory_space<vmem>>
    %dma_start3A_2437 = arith.constant 0 : i32
    %dma_start3A_2438 = tpu.memref_slice %arg4[%add3A_2430, %dma_start3A_2437] : memref<204800x64xf32, #tpu.memory_space<hbm>> -> memref<128x64xf32, #tpu.memory_space<hbm>>
    %dma_start3A_2439 = tpu.memref_slice %arg8[%dma_start3A_2432] : memref<8x!tpu.dma_semaphore, #tpu.memory_space<semaphore_mem>> -> memref<1x!tpu.dma_semaphore, #tpu.memory_space<semaphore_mem>>
    %dma_start3A_2440 = tpu.memref_squeeze %dma_start3A_2439 : memref<1x!tpu.dma_semaphore, #tpu.memory_space<semaphore_mem>> -> memref<!tpu.dma_semaphore, #tpu.memory_space<semaphore_mem>>
    %dma_start3A_2441 = arith.constant 0 : i32
    %dma_start3A_2442 = tpu.memref_slice %arg4[%add3A_2430, %dma_start3A_2441] : memref<204800x64xf32, #tpu.memory_space<hbm>> -> memref<128x64xf32, #tpu.memory_space<hbm>>
    %dma_start3A_2443 = arith.constant 0 : i32
    %dma_start3A_2444 = arith.constant 0 : i32
    %dma_start3A_2445 = tpu.memref_slice %arg6[%dma_start3A_2431, %dma_start3A_2443, %dma_start3A_2444] : memref<8x128x64xf32, #tpu.memory_space<vmem>> -> memref<1x128x64xf32, #tpu.memory_space<vmem>>
    %dma_start3A_2446 = tpu.memref_squeeze %dma_start3A_2445 : memref<1x128x64xf32, #tpu.memory_space<vmem>> -> memref<128x64xf32, #tpu.memory_space<vmem>>
    tpu.enqueue_dma source(%dma_start3A_2446 : memref<128x64xf32, #tpu.memory_space<vmem>>) target(%dma_start3A_2442 : memref<128x64xf32, #tpu.memory_space<hbm>>) target_semaphore(%dma_start3A_2440 : memref<!tpu.dma_semaphore, #tpu.memory_space<semaphore_mem>>)
    %dma_wait3A_2447 = arith.constant 6 : i32
    %dma_wait3A_2448 = arith.constant 6 : i32
    %dma_wait3A_2449 = arith.constant 0 : i32
    %dma_wait3A_2450 = arith.constant 0 : i32
    %dma_wait3A_2451 = tpu.memref_slice %arg6[%dma_wait3A_2447, %dma_wait3A_2449, %dma_wait3A_2450] : memref<8x128x64xf32, #tpu.memory_space<vmem>> -> memref<1x128x64xf32, #tpu.memory_space<vmem>>
    %dma_wait3A_2452 = tpu.memref_squeeze %dma_wait3A_2451 : memref<1x128x64xf32, #tpu.memory_space<vmem>> -> memref<128x64xf32, #tpu.memory_space<vmem>>
    %dma_wait3A_2453 = arith.constant 0 : i32
    %dma_wait3A_2454 = tpu.memref_slice %arg4[%add3A_2370, %dma_wait3A_2453] : memref<204800x64xf32, #tpu.memory_space<hbm>> -> memref<128x64xf32, #tpu.memory_space<hbm>>
    %dma_wait3A_2455 = tpu.memref_slice %arg8[%dma_wait3A_2448] : memref<8x!tpu.dma_semaphore, #tpu.memory_space<semaphore_mem>> -> memref<1x!tpu.dma_semaphore, #tpu.memory_space<semaphore_mem>>
    %dma_wait3A_2456 = tpu.memref_squeeze %dma_wait3A_2455 : memref<1x!tpu.dma_semaphore, #tpu.memory_space<semaphore_mem>> -> memref<!tpu.dma_semaphore, #tpu.memory_space<semaphore_mem>>
    %dma_wait3A_2457 = arith.constant 0 : i32
    %dma_wait3A_2458 = tpu.memref_slice %arg4[%add3A_2370, %dma_wait3A_2457] : memref<204800x64xf32, #tpu.memory_space<hbm>> -> memref<128x64xf32, #tpu.memory_space<hbm>>
    %dma_wait3A_2459 = arith.constant 0 : i32
    %dma_wait3A_2460 = arith.constant 0 : i32
    %dma_wait3A_2461 = tpu.memref_slice %arg6[%dma_wait3A_2447, %dma_wait3A_2459, %dma_wait3A_2460] : memref<8x128x64xf32, #tpu.memory_space<vmem>> -> memref<1x128x64xf32, #tpu.memory_space<vmem>>
    %dma_wait3A_2462 = tpu.memref_squeeze %dma_wait3A_2461 : memref<1x128x64xf32, #tpu.memory_space<vmem>> -> memref<128x64xf32, #tpu.memory_space<vmem>>
    tpu.wait_dma2 semaphore(%dma_wait3A_2456 : memref<!tpu.dma_semaphore, #tpu.memory_space<semaphore_mem>>) src(%dma_wait3A_2462 : memref<128x64xf32, #tpu.memory_space<vmem>>) dst(%dma_wait3A_2458 : memref<128x64xf32, #tpu.memory_space<hbm>>)
    %dma_start3A_2463 = arith.constant 6 : i32
    %dma_start3A_2464 = arith.constant 6 : i32
    %dma_start3A_2465 = arith.constant 0 : i32
    %dma_start3A_2466 = arith.constant 0 : i32
    %dma_start3A_2467 = tpu.memref_slice %arg6[%dma_start3A_2463, %dma_start3A_2465, %dma_start3A_2466] : memref<8x128x64xf32, #tpu.memory_space<vmem>> -> memref<1x128x64xf32, #tpu.memory_space<vmem>>
    %dma_start3A_2468 = tpu.memref_squeeze %dma_start3A_2467 : memref<1x128x64xf32, #tpu.memory_space<vmem>> -> memref<128x64xf32, #tpu.memory_space<vmem>>
    %dma_start3A_2469 = arith.constant 5888 : i32
    %dma_start3A_2470 = tpu.memref_slice %arg5[%dma_start3A_2469] : memref<6400xi32, #tpu.memory_space<vmem>> -> memref<128xi32, #tpu.memory_space<vmem>>
    %dma_start3A_2471 = arith.constant 0 : i32
    %dma_start3A_2472 = arith.constant 0 : i32
    %dma_start3A_2473 = tpu.memref_slice %arg2[%dma_start3A_2471, %dma_start3A_2472] : memref<1000000x64xf32, #tpu.memory_space<hbm>> -> memref<1000000x64xf32, #tpu.memory_space<hbm>>
    %dma_start3A_2474 = tpu.memref_slice %arg7[%dma_start3A_2464] : memref<8x!tpu.dma_semaphore, #tpu.memory_space<semaphore_mem>> -> memref<1x!tpu.dma_semaphore, #tpu.memory_space<semaphore_mem>>
    %dma_start3A_2475 = tpu.memref_squeeze %dma_start3A_2474 : memref<1x!tpu.dma_semaphore, #tpu.memory_space<semaphore_mem>> -> memref<!tpu.dma_semaphore, #tpu.memory_space<semaphore_mem>>
    tpu.enqueue_indirect_dma source(%dma_start3A_2473 : memref<1000000x64xf32, #tpu.memory_space<hbm>>) target(%dma_start3A_2468 : memref<128x64xf32, #tpu.memory_space<vmem>>) offsets(%dma_start3A_2470 : memref<128xi32, #tpu.memory_space<vmem>>) semaphore(%dma_start3A_2475 : memref<!tpu.dma_semaphore, #tpu.memory_space<semaphore_mem>>)
    %dma_wait3A_2476 = arith.constant 0 : i32
    %dma_wait3A_2477 = arith.constant 0 : i32
    %dma_wait3A_2478 = arith.constant 0 : i32
    %dma_wait3A_2479 = arith.constant 0 : i32
    %dma_wait3A_2480 = tpu.memref_slice %arg6[%dma_wait3A_2476, %dma_wait3A_2478, %dma_wait3A_2479] : memref<8x128x64xf32, #tpu.memory_space<vmem>> -> memref<1x128x64xf32, #tpu.memory_space<vmem>>
    %dma_wait3A_2481 = tpu.memref_squeeze %dma_wait3A_2480 : memref<1x128x64xf32, #tpu.memory_space<vmem>> -> memref<128x64xf32, #tpu.memory_space<vmem>>
    %dma_wait3A_2482 = arith.constant 5120 : i32
    %dma_wait3A_2483 = tpu.memref_slice %arg5[%dma_wait3A_2482] : memref<6400xi32, #tpu.memory_space<vmem>> -> memref<128xi32, #tpu.memory_space<vmem>>
    %dma_wait3A_2484 = arith.constant 0 : i32
    %dma_wait3A_2485 = arith.constant 0 : i32
    %dma_wait3A_2486 = tpu.memref_slice %arg2[%dma_wait3A_2484, %dma_wait3A_2485] : memref<1000000x64xf32, #tpu.memory_space<hbm>> -> memref<1000000x64xf32, #tpu.memory_space<hbm>>
    %dma_wait3A_2487 = tpu.memref_slice %arg7[%dma_wait3A_2477] : memref<8x!tpu.dma_semaphore, #tpu.memory_space<semaphore_mem>> -> memref<1x!tpu.dma_semaphore, #tpu.memory_space<semaphore_mem>>
    %dma_wait3A_2488 = tpu.memref_squeeze %dma_wait3A_2487 : memref<1x!tpu.dma_semaphore, #tpu.memory_space<semaphore_mem>> -> memref<!tpu.dma_semaphore, #tpu.memory_space<semaphore_mem>>
    tpu.wait_indirect_dma semaphore(%dma_wait3A_2488 : memref<!tpu.dma_semaphore, #tpu.memory_space<semaphore_mem>>) src(%dma_wait3A_2486 : memref<1000000x64xf32, #tpu.memory_space<hbm>>) dst(%dma_wait3A_2481 : memref<128x64xf32, #tpu.memory_space<vmem>>)
    %add3A_2489 = arith.constant 5120 : i32
    %add3A_2490 = arith.addi %mul3A_2, %add3A_2489 : i32
    %dma_start3A_2491 = arith.constant 0 : i32
    %dma_start3A_2492 = arith.constant 0 : i32
    %dma_start3A_2493 = arith.constant 0 : i32
    %dma_start3A_2494 = arith.constant 0 : i32
    %dma_start3A_2495 = tpu.memref_slice %arg6[%dma_start3A_2491, %dma_start3A_2493, %dma_start3A_2494] : memref<8x128x64xf32, #tpu.memory_space<vmem>> -> memref<1x128x64xf32, #tpu.memory_space<vmem>>
    %dma_start3A_2496 = tpu.memref_squeeze %dma_start3A_2495 : memref<1x128x64xf32, #tpu.memory_space<vmem>> -> memref<128x64xf32, #tpu.memory_space<vmem>>
    %dma_start3A_2497 = arith.constant 0 : i32
    %dma_start3A_2498 = tpu.memref_slice %arg4[%add3A_2490, %dma_start3A_2497] : memref<204800x64xf32, #tpu.memory_space<hbm>> -> memref<128x64xf32, #tpu.memory_space<hbm>>
    %dma_start3A_2499 = tpu.memref_slice %arg8[%dma_start3A_2492] : memref<8x!tpu.dma_semaphore, #tpu.memory_space<semaphore_mem>> -> memref<1x!tpu.dma_semaphore, #tpu.memory_space<semaphore_mem>>
    %dma_start3A_2500 = tpu.memref_squeeze %dma_start3A_2499 : memref<1x!tpu.dma_semaphore, #tpu.memory_space<semaphore_mem>> -> memref<!tpu.dma_semaphore, #tpu.memory_space<semaphore_mem>>
    %dma_start3A_2501 = arith.constant 0 : i32
    %dma_start3A_2502 = tpu.memref_slice %arg4[%add3A_2490, %dma_start3A_2501] : memref<204800x64xf32, #tpu.memory_space<hbm>> -> memref<128x64xf32, #tpu.memory_space<hbm>>
    %dma_start3A_2503 = arith.constant 0 : i32
    %dma_start3A_2504 = arith.constant 0 : i32
    %dma_start3A_2505 = tpu.memref_slice %arg6[%dma_start3A_2491, %dma_start3A_2503, %dma_start3A_2504] : memref<8x128x64xf32, #tpu.memory_space<vmem>> -> memref<1x128x64xf32, #tpu.memory_space<vmem>>
    %dma_start3A_2506 = tpu.memref_squeeze %dma_start3A_2505 : memref<1x128x64xf32, #tpu.memory_space<vmem>> -> memref<128x64xf32, #tpu.memory_space<vmem>>
    tpu.enqueue_dma source(%dma_start3A_2506 : memref<128x64xf32, #tpu.memory_space<vmem>>) target(%dma_start3A_2502 : memref<128x64xf32, #tpu.memory_space<hbm>>) target_semaphore(%dma_start3A_2500 : memref<!tpu.dma_semaphore, #tpu.memory_space<semaphore_mem>>)
    %dma_wait3A_2507 = arith.constant 7 : i32
    %dma_wait3A_2508 = arith.constant 7 : i32
    %dma_wait3A_2509 = arith.constant 0 : i32
    %dma_wait3A_2510 = arith.constant 0 : i32
    %dma_wait3A_2511 = tpu.memref_slice %arg6[%dma_wait3A_2507, %dma_wait3A_2509, %dma_wait3A_2510] : memref<8x128x64xf32, #tpu.memory_space<vmem>> -> memref<1x128x64xf32, #tpu.memory_space<vmem>>
    %dma_wait3A_2512 = tpu.memref_squeeze %dma_wait3A_2511 : memref<1x128x64xf32, #tpu.memory_space<vmem>> -> memref<128x64xf32, #tpu.memory_space<vmem>>
    %dma_wait3A_2513 = arith.constant 0 : i32
    %dma_wait3A_2514 = tpu.memref_slice %arg4[%add3A_2430, %dma_wait3A_2513] : memref<204800x64xf32, #tpu.memory_space<hbm>> -> memref<128x64xf32, #tpu.memory_space<hbm>>
    %dma_wait3A_2515 = tpu.memref_slice %arg8[%dma_wait3A_2508] : memref<8x!tpu.dma_semaphore, #tpu.memory_space<semaphore_mem>> -> memref<1x!tpu.dma_semaphore, #tpu.memory_space<semaphore_mem>>
    %dma_wait3A_2516 = tpu.memref_squeeze %dma_wait3A_2515 : memref<1x!tpu.dma_semaphore, #tpu.memory_space<semaphore_mem>> -> memref<!tpu.dma_semaphore, #tpu.memory_space<semaphore_mem>>
    %dma_wait3A_2517 = arith.constant 0 : i32
    %dma_wait3A_2518 = tpu.memref_slice %arg4[%add3A_2430, %dma_wait3A_2517] : memref<204800x64xf32, #tpu.memory_space<hbm>> -> memref<128x64xf32, #tpu.memory_space<hbm>>
    %dma_wait3A_2519 = arith.constant 0 : i32
    %dma_wait3A_2520 = arith.constant 0 : i32
    %dma_wait3A_2521 = tpu.memref_slice %arg6[%dma_wait3A_2507, %dma_wait3A_2519, %dma_wait3A_2520] : memref<8x128x64xf32, #tpu.memory_space<vmem>> -> memref<1x128x64xf32, #tpu.memory_space<vmem>>
    %dma_wait3A_2522 = tpu.memref_squeeze %dma_wait3A_2521 : memref<1x128x64xf32, #tpu.memory_space<vmem>> -> memref<128x64xf32, #tpu.memory_space<vmem>>
    tpu.wait_dma2 semaphore(%dma_wait3A_2516 : memref<!tpu.dma_semaphore, #tpu.memory_space<semaphore_mem>>) src(%dma_wait3A_2522 : memref<128x64xf32, #tpu.memory_space<vmem>>) dst(%dma_wait3A_2518 : memref<128x64xf32, #tpu.memory_space<hbm>>)
    %dma_start3A_2523 = arith.constant 7 : i32
    %dma_start3A_2524 = arith.constant 7 : i32
    %dma_start3A_2525 = arith.constant 0 : i32
    %dma_start3A_2526 = arith.constant 0 : i32
    %dma_start3A_2527 = tpu.memref_slice %arg6[%dma_start3A_2523, %dma_start3A_2525, %dma_start3A_2526] : memref<8x128x64xf32, #tpu.memory_space<vmem>> -> memref<1x128x64xf32, #tpu.memory_space<vmem>>
    %dma_start3A_2528 = tpu.memref_squeeze %dma_start3A_2527 : memref<1x128x64xf32, #tpu.memory_space<vmem>> -> memref<128x64xf32, #tpu.memory_space<vmem>>
    %dma_start3A_2529 = arith.constant 6016 : i32
    %dma_start3A_2530 = tpu.memref_slice %arg5[%dma_start3A_2529] : memref<6400xi32, #tpu.memory_space<vmem>> -> memref<128xi32, #tpu.memory_space<vmem>>
    %dma_start3A_2531 = arith.constant 0 : i32
    %dma_start3A_2532 = arith.constant 0 : i32
    %dma_start3A_2533 = tpu.memref_slice %arg2[%dma_start3A_2531, %dma_start3A_2532] : memref<1000000x64xf32, #tpu.memory_space<hbm>> -> memref<1000000x64xf32, #tpu.memory_space<hbm>>
    %dma_start3A_2534 = tpu.memref_slice %arg7[%dma_start3A_2524] : memref<8x!tpu.dma_semaphore, #tpu.memory_space<semaphore_mem>> -> memref<1x!tpu.dma_semaphore, #tpu.memory_space<semaphore_mem>>
    %dma_start3A_2535 = tpu.memref_squeeze %dma_start3A_2534 : memref<1x!tpu.dma_semaphore, #tpu.memory_space<semaphore_mem>> -> memref<!tpu.dma_semaphore, #tpu.memory_space<semaphore_mem>>
    tpu.enqueue_indirect_dma source(%dma_start3A_2533 : memref<1000000x64xf32, #tpu.memory_space<hbm>>) target(%dma_start3A_2528 : memref<128x64xf32, #tpu.memory_space<vmem>>) offsets(%dma_start3A_2530 : memref<128xi32, #tpu.memory_space<vmem>>) semaphore(%dma_start3A_2535 : memref<!tpu.dma_semaphore, #tpu.memory_space<semaphore_mem>>)
    %dma_wait3A_2536 = arith.constant 1 : i32
    %dma_wait3A_2537 = arith.constant 1 : i32
    %dma_wait3A_2538 = arith.constant 0 : i32
    %dma_wait3A_2539 = arith.constant 0 : i32
    %dma_wait3A_2540 = tpu.memref_slice %arg6[%dma_wait3A_2536, %dma_wait3A_2538, %dma_wait3A_2539] : memref<8x128x64xf32, #tpu.memory_space<vmem>> -> memref<1x128x64xf32, #tpu.memory_space<vmem>>
    %dma_wait3A_2541 = tpu.memref_squeeze %dma_wait3A_2540 : memref<1x128x64xf32, #tpu.memory_space<vmem>> -> memref<128x64xf32, #tpu.memory_space<vmem>>
    %dma_wait3A_2542 = arith.constant 5248 : i32
    %dma_wait3A_2543 = tpu.memref_slice %arg5[%dma_wait3A_2542] : memref<6400xi32, #tpu.memory_space<vmem>> -> memref<128xi32, #tpu.memory_space<vmem>>
    %dma_wait3A_2544 = arith.constant 0 : i32
    %dma_wait3A_2545 = arith.constant 0 : i32
    %dma_wait3A_2546 = tpu.memref_slice %arg2[%dma_wait3A_2544, %dma_wait3A_2545] : memref<1000000x64xf32, #tpu.memory_space<hbm>> -> memref<1000000x64xf32, #tpu.memory_space<hbm>>
    %dma_wait3A_2547 = tpu.memref_slice %arg7[%dma_wait3A_2537] : memref<8x!tpu.dma_semaphore, #tpu.memory_space<semaphore_mem>> -> memref<1x!tpu.dma_semaphore, #tpu.memory_space<semaphore_mem>>
    %dma_wait3A_2548 = tpu.memref_squeeze %dma_wait3A_2547 : memref<1x!tpu.dma_semaphore, #tpu.memory_space<semaphore_mem>> -> memref<!tpu.dma_semaphore, #tpu.memory_space<semaphore_mem>>
    tpu.wait_indirect_dma semaphore(%dma_wait3A_2548 : memref<!tpu.dma_semaphore, #tpu.memory_space<semaphore_mem>>) src(%dma_wait3A_2546 : memref<1000000x64xf32, #tpu.memory_space<hbm>>) dst(%dma_wait3A_2541 : memref<128x64xf32, #tpu.memory_space<vmem>>)
    %add3A_2549 = arith.constant 5248 : i32
    %add3A_2550 = arith.addi %mul3A_2, %add3A_2549 : i32
    %dma_start3A_2551 = arith.constant 1 : i32
    %dma_start3A_2552 = arith.constant 1 : i32
    %dma_start3A_2553 = arith.constant 0 : i32
    %dma_start3A_2554 = arith.constant 0 : i32
    %dma_start3A_2555 = tpu.memref_slice %arg6[%dma_start3A_2551, %dma_start3A_2553, %dma_start3A_2554] : memref<8x128x64xf32, #tpu.memory_space<vmem>> -> memref<1x128x64xf32, #tpu.memory_space<vmem>>
    %dma_start3A_2556 = tpu.memref_squeeze %dma_start3A_2555 : memref<1x128x64xf32, #tpu.memory_space<vmem>> -> memref<128x64xf32, #tpu.memory_space<vmem>>
    %dma_start3A_2557 = arith.constant 0 : i32
    %dma_start3A_2558 = tpu.memref_slice %arg4[%add3A_2550, %dma_start3A_2557] : memref<204800x64xf32, #tpu.memory_space<hbm>> -> memref<128x64xf32, #tpu.memory_space<hbm>>
    %dma_start3A_2559 = tpu.memref_slice %arg8[%dma_start3A_2552] : memref<8x!tpu.dma_semaphore, #tpu.memory_space<semaphore_mem>> -> memref<1x!tpu.dma_semaphore, #tpu.memory_space<semaphore_mem>>
    %dma_start3A_2560 = tpu.memref_squeeze %dma_start3A_2559 : memref<1x!tpu.dma_semaphore, #tpu.memory_space<semaphore_mem>> -> memref<!tpu.dma_semaphore, #tpu.memory_space<semaphore_mem>>
    %dma_start3A_2561 = arith.constant 0 : i32
    %dma_start3A_2562 = tpu.memref_slice %arg4[%add3A_2550, %dma_start3A_2561] : memref<204800x64xf32, #tpu.memory_space<hbm>> -> memref<128x64xf32, #tpu.memory_space<hbm>>
    %dma_start3A_2563 = arith.constant 0 : i32
    %dma_start3A_2564 = arith.constant 0 : i32
    %dma_start3A_2565 = tpu.memref_slice %arg6[%dma_start3A_2551, %dma_start3A_2563, %dma_start3A_2564] : memref<8x128x64xf32, #tpu.memory_space<vmem>> -> memref<1x128x64xf32, #tpu.memory_space<vmem>>
    %dma_start3A_2566 = tpu.memref_squeeze %dma_start3A_2565 : memref<1x128x64xf32, #tpu.memory_space<vmem>> -> memref<128x64xf32, #tpu.memory_space<vmem>>
    tpu.enqueue_dma source(%dma_start3A_2566 : memref<128x64xf32, #tpu.memory_space<vmem>>) target(%dma_start3A_2562 : memref<128x64xf32, #tpu.memory_space<hbm>>) target_semaphore(%dma_start3A_2560 : memref<!tpu.dma_semaphore, #tpu.memory_space<semaphore_mem>>)
    %dma_wait3A_2567 = arith.constant 0 : i32
    %dma_wait3A_2568 = arith.constant 0 : i32
    %dma_wait3A_2569 = arith.constant 0 : i32
    %dma_wait3A_2570 = arith.constant 0 : i32
    %dma_wait3A_2571 = tpu.memref_slice %arg6[%dma_wait3A_2567, %dma_wait3A_2569, %dma_wait3A_2570] : memref<8x128x64xf32, #tpu.memory_space<vmem>> -> memref<1x128x64xf32, #tpu.memory_space<vmem>>
    %dma_wait3A_2572 = tpu.memref_squeeze %dma_wait3A_2571 : memref<1x128x64xf32, #tpu.memory_space<vmem>> -> memref<128x64xf32, #tpu.memory_space<vmem>>
    %dma_wait3A_2573 = arith.constant 0 : i32
    %dma_wait3A_2574 = tpu.memref_slice %arg4[%add3A_2490, %dma_wait3A_2573] : memref<204800x64xf32, #tpu.memory_space<hbm>> -> memref<128x64xf32, #tpu.memory_space<hbm>>
    %dma_wait3A_2575 = tpu.memref_slice %arg8[%dma_wait3A_2568] : memref<8x!tpu.dma_semaphore, #tpu.memory_space<semaphore_mem>> -> memref<1x!tpu.dma_semaphore, #tpu.memory_space<semaphore_mem>>
    %dma_wait3A_2576 = tpu.memref_squeeze %dma_wait3A_2575 : memref<1x!tpu.dma_semaphore, #tpu.memory_space<semaphore_mem>> -> memref<!tpu.dma_semaphore, #tpu.memory_space<semaphore_mem>>
    %dma_wait3A_2577 = arith.constant 0 : i32
    %dma_wait3A_2578 = tpu.memref_slice %arg4[%add3A_2490, %dma_wait3A_2577] : memref<204800x64xf32, #tpu.memory_space<hbm>> -> memref<128x64xf32, #tpu.memory_space<hbm>>
    %dma_wait3A_2579 = arith.constant 0 : i32
    %dma_wait3A_2580 = arith.constant 0 : i32
    %dma_wait3A_2581 = tpu.memref_slice %arg6[%dma_wait3A_2567, %dma_wait3A_2579, %dma_wait3A_2580] : memref<8x128x64xf32, #tpu.memory_space<vmem>> -> memref<1x128x64xf32, #tpu.memory_space<vmem>>
    %dma_wait3A_2582 = tpu.memref_squeeze %dma_wait3A_2581 : memref<1x128x64xf32, #tpu.memory_space<vmem>> -> memref<128x64xf32, #tpu.memory_space<vmem>>
    tpu.wait_dma2 semaphore(%dma_wait3A_2576 : memref<!tpu.dma_semaphore, #tpu.memory_space<semaphore_mem>>) src(%dma_wait3A_2582 : memref<128x64xf32, #tpu.memory_space<vmem>>) dst(%dma_wait3A_2578 : memref<128x64xf32, #tpu.memory_space<hbm>>)
    %dma_start3A_2583 = arith.constant 0 : i32
    %dma_start3A_2584 = arith.constant 0 : i32
    %dma_start3A_2585 = arith.constant 0 : i32
    %dma_start3A_2586 = arith.constant 0 : i32
    %dma_start3A_2587 = tpu.memref_slice %arg6[%dma_start3A_2583, %dma_start3A_2585, %dma_start3A_2586] : memref<8x128x64xf32, #tpu.memory_space<vmem>> -> memref<1x128x64xf32, #tpu.memory_space<vmem>>
    %dma_start3A_2588 = tpu.memref_squeeze %dma_start3A_2587 : memref<1x128x64xf32, #tpu.memory_space<vmem>> -> memref<128x64xf32, #tpu.memory_space<vmem>>
    %dma_start3A_2589 = arith.constant 6144 : i32
    %dma_start3A_2590 = tpu.memref_slice %arg5[%dma_start3A_2589] : memref<6400xi32, #tpu.memory_space<vmem>> -> memref<128xi32, #tpu.memory_space<vmem>>
    %dma_start3A_2591 = arith.constant 0 : i32
    %dma_start3A_2592 = arith.constant 0 : i32
    %dma_start3A_2593 = tpu.memref_slice %arg2[%dma_start3A_2591, %dma_start3A_2592] : memref<1000000x64xf32, #tpu.memory_space<hbm>> -> memref<1000000x64xf32, #tpu.memory_space<hbm>>
    %dma_start3A_2594 = tpu.memref_slice %arg7[%dma_start3A_2584] : memref<8x!tpu.dma_semaphore, #tpu.memory_space<semaphore_mem>> -> memref<1x!tpu.dma_semaphore, #tpu.memory_space<semaphore_mem>>
    %dma_start3A_2595 = tpu.memref_squeeze %dma_start3A_2594 : memref<1x!tpu.dma_semaphore, #tpu.memory_space<semaphore_mem>> -> memref<!tpu.dma_semaphore, #tpu.memory_space<semaphore_mem>>
    tpu.enqueue_indirect_dma source(%dma_start3A_2593 : memref<1000000x64xf32, #tpu.memory_space<hbm>>) target(%dma_start3A_2588 : memref<128x64xf32, #tpu.memory_space<vmem>>) offsets(%dma_start3A_2590 : memref<128xi32, #tpu.memory_space<vmem>>) semaphore(%dma_start3A_2595 : memref<!tpu.dma_semaphore, #tpu.memory_space<semaphore_mem>>)
    %dma_wait3A_2596 = arith.constant 2 : i32
    %dma_wait3A_2597 = arith.constant 2 : i32
    %dma_wait3A_2598 = arith.constant 0 : i32
    %dma_wait3A_2599 = arith.constant 0 : i32
    %dma_wait3A_2600 = tpu.memref_slice %arg6[%dma_wait3A_2596, %dma_wait3A_2598, %dma_wait3A_2599] : memref<8x128x64xf32, #tpu.memory_space<vmem>> -> memref<1x128x64xf32, #tpu.memory_space<vmem>>
    %dma_wait3A_2601 = tpu.memref_squeeze %dma_wait3A_2600 : memref<1x128x64xf32, #tpu.memory_space<vmem>> -> memref<128x64xf32, #tpu.memory_space<vmem>>
    %dma_wait3A_2602 = arith.constant 5376 : i32
    %dma_wait3A_2603 = tpu.memref_slice %arg5[%dma_wait3A_2602] : memref<6400xi32, #tpu.memory_space<vmem>> -> memref<128xi32, #tpu.memory_space<vmem>>
    %dma_wait3A_2604 = arith.constant 0 : i32
    %dma_wait3A_2605 = arith.constant 0 : i32
    %dma_wait3A_2606 = tpu.memref_slice %arg2[%dma_wait3A_2604, %dma_wait3A_2605] : memref<1000000x64xf32, #tpu.memory_space<hbm>> -> memref<1000000x64xf32, #tpu.memory_space<hbm>>
    %dma_wait3A_2607 = tpu.memref_slice %arg7[%dma_wait3A_2597] : memref<8x!tpu.dma_semaphore, #tpu.memory_space<semaphore_mem>> -> memref<1x!tpu.dma_semaphore, #tpu.memory_space<semaphore_mem>>
    %dma_wait3A_2608 = tpu.memref_squeeze %dma_wait3A_2607 : memref<1x!tpu.dma_semaphore, #tpu.memory_space<semaphore_mem>> -> memref<!tpu.dma_semaphore, #tpu.memory_space<semaphore_mem>>
    tpu.wait_indirect_dma semaphore(%dma_wait3A_2608 : memref<!tpu.dma_semaphore, #tpu.memory_space<semaphore_mem>>) src(%dma_wait3A_2606 : memref<1000000x64xf32, #tpu.memory_space<hbm>>) dst(%dma_wait3A_2601 : memref<128x64xf32, #tpu.memory_space<vmem>>)
    %add3A_2609 = arith.constant 5376 : i32
    %add3A_2610 = arith.addi %mul3A_2, %add3A_2609 : i32
    %dma_start3A_2611 = arith.constant 2 : i32
    %dma_start3A_2612 = arith.constant 2 : i32
    %dma_start3A_2613 = arith.constant 0 : i32
    %dma_start3A_2614 = arith.constant 0 : i32
    %dma_start3A_2615 = tpu.memref_slice %arg6[%dma_start3A_2611, %dma_start3A_2613, %dma_start3A_2614] : memref<8x128x64xf32, #tpu.memory_space<vmem>> -> memref<1x128x64xf32, #tpu.memory_space<vmem>>
    %dma_start3A_2616 = tpu.memref_squeeze %dma_start3A_2615 : memref<1x128x64xf32, #tpu.memory_space<vmem>> -> memref<128x64xf32, #tpu.memory_space<vmem>>
    %dma_start3A_2617 = arith.constant 0 : i32
    %dma_start3A_2618 = tpu.memref_slice %arg4[%add3A_2610, %dma_start3A_2617] : memref<204800x64xf32, #tpu.memory_space<hbm>> -> memref<128x64xf32, #tpu.memory_space<hbm>>
    %dma_start3A_2619 = tpu.memref_slice %arg8[%dma_start3A_2612] : memref<8x!tpu.dma_semaphore, #tpu.memory_space<semaphore_mem>> -> memref<1x!tpu.dma_semaphore, #tpu.memory_space<semaphore_mem>>
    %dma_start3A_2620 = tpu.memref_squeeze %dma_start3A_2619 : memref<1x!tpu.dma_semaphore, #tpu.memory_space<semaphore_mem>> -> memref<!tpu.dma_semaphore, #tpu.memory_space<semaphore_mem>>
    %dma_start3A_2621 = arith.constant 0 : i32
    %dma_start3A_2622 = tpu.memref_slice %arg4[%add3A_2610, %dma_start3A_2621] : memref<204800x64xf32, #tpu.memory_space<hbm>> -> memref<128x64xf32, #tpu.memory_space<hbm>>
    %dma_start3A_2623 = arith.constant 0 : i32
    %dma_start3A_2624 = arith.constant 0 : i32
    %dma_start3A_2625 = tpu.memref_slice %arg6[%dma_start3A_2611, %dma_start3A_2623, %dma_start3A_2624] : memref<8x128x64xf32, #tpu.memory_space<vmem>> -> memref<1x128x64xf32, #tpu.memory_space<vmem>>
    %dma_start3A_2626 = tpu.memref_squeeze %dma_start3A_2625 : memref<1x128x64xf32, #tpu.memory_space<vmem>> -> memref<128x64xf32, #tpu.memory_space<vmem>>
    tpu.enqueue_dma source(%dma_start3A_2626 : memref<128x64xf32, #tpu.memory_space<vmem>>) target(%dma_start3A_2622 : memref<128x64xf32, #tpu.memory_space<hbm>>) target_semaphore(%dma_start3A_2620 : memref<!tpu.dma_semaphore, #tpu.memory_space<semaphore_mem>>)
    %dma_wait3A_2627 = arith.constant 1 : i32
    %dma_wait3A_2628 = arith.constant 1 : i32
    %dma_wait3A_2629 = arith.constant 0 : i32
    %dma_wait3A_2630 = arith.constant 0 : i32
    %dma_wait3A_2631 = tpu.memref_slice %arg6[%dma_wait3A_2627, %dma_wait3A_2629, %dma_wait3A_2630] : memref<8x128x64xf32, #tpu.memory_space<vmem>> -> memref<1x128x64xf32, #tpu.memory_space<vmem>>
    %dma_wait3A_2632 = tpu.memref_squeeze %dma_wait3A_2631 : memref<1x128x64xf32, #tpu.memory_space<vmem>> -> memref<128x64xf32, #tpu.memory_space<vmem>>
    %dma_wait3A_2633 = arith.constant 0 : i32
    %dma_wait3A_2634 = tpu.memref_slice %arg4[%add3A_2550, %dma_wait3A_2633] : memref<204800x64xf32, #tpu.memory_space<hbm>> -> memref<128x64xf32, #tpu.memory_space<hbm>>
    %dma_wait3A_2635 = tpu.memref_slice %arg8[%dma_wait3A_2628] : memref<8x!tpu.dma_semaphore, #tpu.memory_space<semaphore_mem>> -> memref<1x!tpu.dma_semaphore, #tpu.memory_space<semaphore_mem>>
    %dma_wait3A_2636 = tpu.memref_squeeze %dma_wait3A_2635 : memref<1x!tpu.dma_semaphore, #tpu.memory_space<semaphore_mem>> -> memref<!tpu.dma_semaphore, #tpu.memory_space<semaphore_mem>>
    %dma_wait3A_2637 = arith.constant 0 : i32
    %dma_wait3A_2638 = tpu.memref_slice %arg4[%add3A_2550, %dma_wait3A_2637] : memref<204800x64xf32, #tpu.memory_space<hbm>> -> memref<128x64xf32, #tpu.memory_space<hbm>>
    %dma_wait3A_2639 = arith.constant 0 : i32
    %dma_wait3A_2640 = arith.constant 0 : i32
    %dma_wait3A_2641 = tpu.memref_slice %arg6[%dma_wait3A_2627, %dma_wait3A_2639, %dma_wait3A_2640] : memref<8x128x64xf32, #tpu.memory_space<vmem>> -> memref<1x128x64xf32, #tpu.memory_space<vmem>>
    %dma_wait3A_2642 = tpu.memref_squeeze %dma_wait3A_2641 : memref<1x128x64xf32, #tpu.memory_space<vmem>> -> memref<128x64xf32, #tpu.memory_space<vmem>>
    tpu.wait_dma2 semaphore(%dma_wait3A_2636 : memref<!tpu.dma_semaphore, #tpu.memory_space<semaphore_mem>>) src(%dma_wait3A_2642 : memref<128x64xf32, #tpu.memory_space<vmem>>) dst(%dma_wait3A_2638 : memref<128x64xf32, #tpu.memory_space<hbm>>)
    %dma_start3A_2643 = arith.constant 1 : i32
    %dma_start3A_2644 = arith.constant 1 : i32
    %dma_start3A_2645 = arith.constant 0 : i32
    %dma_start3A_2646 = arith.constant 0 : i32
    %dma_start3A_2647 = tpu.memref_slice %arg6[%dma_start3A_2643, %dma_start3A_2645, %dma_start3A_2646] : memref<8x128x64xf32, #tpu.memory_space<vmem>> -> memref<1x128x64xf32, #tpu.memory_space<vmem>>
    %dma_start3A_2648 = tpu.memref_squeeze %dma_start3A_2647 : memref<1x128x64xf32, #tpu.memory_space<vmem>> -> memref<128x64xf32, #tpu.memory_space<vmem>>
    %dma_start3A_2649 = arith.constant 6272 : i32
    %dma_start3A_2650 = tpu.memref_slice %arg5[%dma_start3A_2649] : memref<6400xi32, #tpu.memory_space<vmem>> -> memref<128xi32, #tpu.memory_space<vmem>>
    %dma_start3A_2651 = arith.constant 0 : i32
    %dma_start3A_2652 = arith.constant 0 : i32
    %dma_start3A_2653 = tpu.memref_slice %arg2[%dma_start3A_2651, %dma_start3A_2652] : memref<1000000x64xf32, #tpu.memory_space<hbm>> -> memref<1000000x64xf32, #tpu.memory_space<hbm>>
    %dma_start3A_2654 = tpu.memref_slice %arg7[%dma_start3A_2644] : memref<8x!tpu.dma_semaphore, #tpu.memory_space<semaphore_mem>> -> memref<1x!tpu.dma_semaphore, #tpu.memory_space<semaphore_mem>>
    %dma_start3A_2655 = tpu.memref_squeeze %dma_start3A_2654 : memref<1x!tpu.dma_semaphore, #tpu.memory_space<semaphore_mem>> -> memref<!tpu.dma_semaphore, #tpu.memory_space<semaphore_mem>>
    tpu.enqueue_indirect_dma source(%dma_start3A_2653 : memref<1000000x64xf32, #tpu.memory_space<hbm>>) target(%dma_start3A_2648 : memref<128x64xf32, #tpu.memory_space<vmem>>) offsets(%dma_start3A_2650 : memref<128xi32, #tpu.memory_space<vmem>>) semaphore(%dma_start3A_2655 : memref<!tpu.dma_semaphore, #tpu.memory_space<semaphore_mem>>)
    %dma_wait3A_2656 = arith.constant 3 : i32
    %dma_wait3A_2657 = arith.constant 3 : i32
    %dma_wait3A_2658 = arith.constant 0 : i32
    %dma_wait3A_2659 = arith.constant 0 : i32
    %dma_wait3A_2660 = tpu.memref_slice %arg6[%dma_wait3A_2656, %dma_wait3A_2658, %dma_wait3A_2659] : memref<8x128x64xf32, #tpu.memory_space<vmem>> -> memref<1x128x64xf32, #tpu.memory_space<vmem>>
    %dma_wait3A_2661 = tpu.memref_squeeze %dma_wait3A_2660 : memref<1x128x64xf32, #tpu.memory_space<vmem>> -> memref<128x64xf32, #tpu.memory_space<vmem>>
    %dma_wait3A_2662 = arith.constant 5504 : i32
    %dma_wait3A_2663 = tpu.memref_slice %arg5[%dma_wait3A_2662] : memref<6400xi32, #tpu.memory_space<vmem>> -> memref<128xi32, #tpu.memory_space<vmem>>
    %dma_wait3A_2664 = arith.constant 0 : i32
    %dma_wait3A_2665 = arith.constant 0 : i32
    %dma_wait3A_2666 = tpu.memref_slice %arg2[%dma_wait3A_2664, %dma_wait3A_2665] : memref<1000000x64xf32, #tpu.memory_space<hbm>> -> memref<1000000x64xf32, #tpu.memory_space<hbm>>
    %dma_wait3A_2667 = tpu.memref_slice %arg7[%dma_wait3A_2657] : memref<8x!tpu.dma_semaphore, #tpu.memory_space<semaphore_mem>> -> memref<1x!tpu.dma_semaphore, #tpu.memory_space<semaphore_mem>>
    %dma_wait3A_2668 = tpu.memref_squeeze %dma_wait3A_2667 : memref<1x!tpu.dma_semaphore, #tpu.memory_space<semaphore_mem>> -> memref<!tpu.dma_semaphore, #tpu.memory_space<semaphore_mem>>
    tpu.wait_indirect_dma semaphore(%dma_wait3A_2668 : memref<!tpu.dma_semaphore, #tpu.memory_space<semaphore_mem>>) src(%dma_wait3A_2666 : memref<1000000x64xf32, #tpu.memory_space<hbm>>) dst(%dma_wait3A_2661 : memref<128x64xf32, #tpu.memory_space<vmem>>)
    %add3A_2669 = arith.constant 5504 : i32
    %add3A_2670 = arith.addi %mul3A_2, %add3A_2669 : i32
    %dma_start3A_2671 = arith.constant 3 : i32
    %dma_start3A_2672 = arith.constant 3 : i32
    %dma_start3A_2673 = arith.constant 0 : i32
    %dma_start3A_2674 = arith.constant 0 : i32
    %dma_start3A_2675 = tpu.memref_slice %arg6[%dma_start3A_2671, %dma_start3A_2673, %dma_start3A_2674] : memref<8x128x64xf32, #tpu.memory_space<vmem>> -> memref<1x128x64xf32, #tpu.memory_space<vmem>>
    %dma_start3A_2676 = tpu.memref_squeeze %dma_start3A_2675 : memref<1x128x64xf32, #tpu.memory_space<vmem>> -> memref<128x64xf32, #tpu.memory_space<vmem>>
    %dma_start3A_2677 = arith.constant 0 : i32
    %dma_start3A_2678 = tpu.memref_slice %arg4[%add3A_2670, %dma_start3A_2677] : memref<204800x64xf32, #tpu.memory_space<hbm>> -> memref<128x64xf32, #tpu.memory_space<hbm>>
    %dma_start3A_2679 = tpu.memref_slice %arg8[%dma_start3A_2672] : memref<8x!tpu.dma_semaphore, #tpu.memory_space<semaphore_mem>> -> memref<1x!tpu.dma_semaphore, #tpu.memory_space<semaphore_mem>>
    %dma_start3A_2680 = tpu.memref_squeeze %dma_start3A_2679 : memref<1x!tpu.dma_semaphore, #tpu.memory_space<semaphore_mem>> -> memref<!tpu.dma_semaphore, #tpu.memory_space<semaphore_mem>>
    %dma_start3A_2681 = arith.constant 0 : i32
    %dma_start3A_2682 = tpu.memref_slice %arg4[%add3A_2670, %dma_start3A_2681] : memref<204800x64xf32, #tpu.memory_space<hbm>> -> memref<128x64xf32, #tpu.memory_space<hbm>>
    %dma_start3A_2683 = arith.constant 0 : i32
    %dma_start3A_2684 = arith.constant 0 : i32
    %dma_start3A_2685 = tpu.memref_slice %arg6[%dma_start3A_2671, %dma_start3A_2683, %dma_start3A_2684] : memref<8x128x64xf32, #tpu.memory_space<vmem>> -> memref<1x128x64xf32, #tpu.memory_space<vmem>>
    %dma_start3A_2686 = tpu.memref_squeeze %dma_start3A_2685 : memref<1x128x64xf32, #tpu.memory_space<vmem>> -> memref<128x64xf32, #tpu.memory_space<vmem>>
    tpu.enqueue_dma source(%dma_start3A_2686 : memref<128x64xf32, #tpu.memory_space<vmem>>) target(%dma_start3A_2682 : memref<128x64xf32, #tpu.memory_space<hbm>>) target_semaphore(%dma_start3A_2680 : memref<!tpu.dma_semaphore, #tpu.memory_space<semaphore_mem>>)
    %dma_wait3A_2687 = arith.constant 4 : i32
    %dma_wait3A_2688 = arith.constant 4 : i32
    %dma_wait3A_2689 = arith.constant 0 : i32
    %dma_wait3A_2690 = arith.constant 0 : i32
    %dma_wait3A_2691 = tpu.memref_slice %arg6[%dma_wait3A_2687, %dma_wait3A_2689, %dma_wait3A_2690] : memref<8x128x64xf32, #tpu.memory_space<vmem>> -> memref<1x128x64xf32, #tpu.memory_space<vmem>>
    %dma_wait3A_2692 = tpu.memref_squeeze %dma_wait3A_2691 : memref<1x128x64xf32, #tpu.memory_space<vmem>> -> memref<128x64xf32, #tpu.memory_space<vmem>>
    %dma_wait3A_2693 = arith.constant 5632 : i32
    %dma_wait3A_2694 = tpu.memref_slice %arg5[%dma_wait3A_2693] : memref<6400xi32, #tpu.memory_space<vmem>> -> memref<128xi32, #tpu.memory_space<vmem>>
    %dma_wait3A_2695 = arith.constant 0 : i32
    %dma_wait3A_2696 = arith.constant 0 : i32
    %dma_wait3A_2697 = tpu.memref_slice %arg2[%dma_wait3A_2695, %dma_wait3A_2696] : memref<1000000x64xf32, #tpu.memory_space<hbm>> -> memref<1000000x64xf32, #tpu.memory_space<hbm>>
    %dma_wait3A_2698 = tpu.memref_slice %arg7[%dma_wait3A_2688] : memref<8x!tpu.dma_semaphore, #tpu.memory_space<semaphore_mem>> -> memref<1x!tpu.dma_semaphore, #tpu.memory_space<semaphore_mem>>
    %dma_wait3A_2699 = tpu.memref_squeeze %dma_wait3A_2698 : memref<1x!tpu.dma_semaphore, #tpu.memory_space<semaphore_mem>> -> memref<!tpu.dma_semaphore, #tpu.memory_space<semaphore_mem>>
    tpu.wait_indirect_dma semaphore(%dma_wait3A_2699 : memref<!tpu.dma_semaphore, #tpu.memory_space<semaphore_mem>>) src(%dma_wait3A_2697 : memref<1000000x64xf32, #tpu.memory_space<hbm>>) dst(%dma_wait3A_2692 : memref<128x64xf32, #tpu.memory_space<vmem>>)
    %add3A_2700 = arith.constant 5632 : i32
    %add3A_2701 = arith.addi %mul3A_2, %add3A_2700 : i32
    %dma_start3A_2702 = arith.constant 4 : i32
    %dma_start3A_2703 = arith.constant 4 : i32
    %dma_start3A_2704 = arith.constant 0 : i32
    %dma_start3A_2705 = arith.constant 0 : i32
    %dma_start3A_2706 = tpu.memref_slice %arg6[%dma_start3A_2702, %dma_start3A_2704, %dma_start3A_2705] : memref<8x128x64xf32, #tpu.memory_space<vmem>> -> memref<1x128x64xf32, #tpu.memory_space<vmem>>
    %dma_start3A_2707 = tpu.memref_squeeze %dma_start3A_2706 : memref<1x128x64xf32, #tpu.memory_space<vmem>> -> memref<128x64xf32, #tpu.memory_space<vmem>>
    %dma_start3A_2708 = arith.constant 0 : i32
    %dma_start3A_2709 = tpu.memref_slice %arg4[%add3A_2701, %dma_start3A_2708] : memref<204800x64xf32, #tpu.memory_space<hbm>> -> memref<128x64xf32, #tpu.memory_space<hbm>>
    %dma_start3A_2710 = tpu.memref_slice %arg8[%dma_start3A_2703] : memref<8x!tpu.dma_semaphore, #tpu.memory_space<semaphore_mem>> -> memref<1x!tpu.dma_semaphore, #tpu.memory_space<semaphore_mem>>
    %dma_start3A_2711 = tpu.memref_squeeze %dma_start3A_2710 : memref<1x!tpu.dma_semaphore, #tpu.memory_space<semaphore_mem>> -> memref<!tpu.dma_semaphore, #tpu.memory_space<semaphore_mem>>
    %dma_start3A_2712 = arith.constant 0 : i32
    %dma_start3A_2713 = tpu.memref_slice %arg4[%add3A_2701, %dma_start3A_2712] : memref<204800x64xf32, #tpu.memory_space<hbm>> -> memref<128x64xf32, #tpu.memory_space<hbm>>
    %dma_start3A_2714 = arith.constant 0 : i32
    %dma_start3A_2715 = arith.constant 0 : i32
    %dma_start3A_2716 = tpu.memref_slice %arg6[%dma_start3A_2702, %dma_start3A_2714, %dma_start3A_2715] : memref<8x128x64xf32, #tpu.memory_space<vmem>> -> memref<1x128x64xf32, #tpu.memory_space<vmem>>
    %dma_start3A_2717 = tpu.memref_squeeze %dma_start3A_2716 : memref<1x128x64xf32, #tpu.memory_space<vmem>> -> memref<128x64xf32, #tpu.memory_space<vmem>>
    tpu.enqueue_dma source(%dma_start3A_2717 : memref<128x64xf32, #tpu.memory_space<vmem>>) target(%dma_start3A_2713 : memref<128x64xf32, #tpu.memory_space<hbm>>) target_semaphore(%dma_start3A_2711 : memref<!tpu.dma_semaphore, #tpu.memory_space<semaphore_mem>>)
    %dma_wait3A_2718 = arith.constant 5 : i32
    %dma_wait3A_2719 = arith.constant 5 : i32
    %dma_wait3A_2720 = arith.constant 0 : i32
    %dma_wait3A_2721 = arith.constant 0 : i32
    %dma_wait3A_2722 = tpu.memref_slice %arg6[%dma_wait3A_2718, %dma_wait3A_2720, %dma_wait3A_2721] : memref<8x128x64xf32, #tpu.memory_space<vmem>> -> memref<1x128x64xf32, #tpu.memory_space<vmem>>
    %dma_wait3A_2723 = tpu.memref_squeeze %dma_wait3A_2722 : memref<1x128x64xf32, #tpu.memory_space<vmem>> -> memref<128x64xf32, #tpu.memory_space<vmem>>
    %dma_wait3A_2724 = arith.constant 5760 : i32
    %dma_wait3A_2725 = tpu.memref_slice %arg5[%dma_wait3A_2724] : memref<6400xi32, #tpu.memory_space<vmem>> -> memref<128xi32, #tpu.memory_space<vmem>>
    %dma_wait3A_2726 = arith.constant 0 : i32
    %dma_wait3A_2727 = arith.constant 0 : i32
    %dma_wait3A_2728 = tpu.memref_slice %arg2[%dma_wait3A_2726, %dma_wait3A_2727] : memref<1000000x64xf32, #tpu.memory_space<hbm>> -> memref<1000000x64xf32, #tpu.memory_space<hbm>>
    %dma_wait3A_2729 = tpu.memref_slice %arg7[%dma_wait3A_2719] : memref<8x!tpu.dma_semaphore, #tpu.memory_space<semaphore_mem>> -> memref<1x!tpu.dma_semaphore, #tpu.memory_space<semaphore_mem>>
    %dma_wait3A_2730 = tpu.memref_squeeze %dma_wait3A_2729 : memref<1x!tpu.dma_semaphore, #tpu.memory_space<semaphore_mem>> -> memref<!tpu.dma_semaphore, #tpu.memory_space<semaphore_mem>>
    tpu.wait_indirect_dma semaphore(%dma_wait3A_2730 : memref<!tpu.dma_semaphore, #tpu.memory_space<semaphore_mem>>) src(%dma_wait3A_2728 : memref<1000000x64xf32, #tpu.memory_space<hbm>>) dst(%dma_wait3A_2723 : memref<128x64xf32, #tpu.memory_space<vmem>>)
    %add3A_2731 = arith.constant 5760 : i32
    %add3A_2732 = arith.addi %mul3A_2, %add3A_2731 : i32
    %dma_start3A_2733 = arith.constant 5 : i32
    %dma_start3A_2734 = arith.constant 5 : i32
    %dma_start3A_2735 = arith.constant 0 : i32
    %dma_start3A_2736 = arith.constant 0 : i32
    %dma_start3A_2737 = tpu.memref_slice %arg6[%dma_start3A_2733, %dma_start3A_2735, %dma_start3A_2736] : memref<8x128x64xf32, #tpu.memory_space<vmem>> -> memref<1x128x64xf32, #tpu.memory_space<vmem>>
    %dma_start3A_2738 = tpu.memref_squeeze %dma_start3A_2737 : memref<1x128x64xf32, #tpu.memory_space<vmem>> -> memref<128x64xf32, #tpu.memory_space<vmem>>
    %dma_start3A_2739 = arith.constant 0 : i32
    %dma_start3A_2740 = tpu.memref_slice %arg4[%add3A_2732, %dma_start3A_2739] : memref<204800x64xf32, #tpu.memory_space<hbm>> -> memref<128x64xf32, #tpu.memory_space<hbm>>
    %dma_start3A_2741 = tpu.memref_slice %arg8[%dma_start3A_2734] : memref<8x!tpu.dma_semaphore, #tpu.memory_space<semaphore_mem>> -> memref<1x!tpu.dma_semaphore, #tpu.memory_space<semaphore_mem>>
    %dma_start3A_2742 = tpu.memref_squeeze %dma_start3A_2741 : memref<1x!tpu.dma_semaphore, #tpu.memory_space<semaphore_mem>> -> memref<!tpu.dma_semaphore, #tpu.memory_space<semaphore_mem>>
    %dma_start3A_2743 = arith.constant 0 : i32
    %dma_start3A_2744 = tpu.memref_slice %arg4[%add3A_2732, %dma_start3A_2743] : memref<204800x64xf32, #tpu.memory_space<hbm>> -> memref<128x64xf32, #tpu.memory_space<hbm>>
    %dma_start3A_2745 = arith.constant 0 : i32
    %dma_start3A_2746 = arith.constant 0 : i32
    %dma_start3A_2747 = tpu.memref_slice %arg6[%dma_start3A_2733, %dma_start3A_2745, %dma_start3A_2746] : memref<8x128x64xf32, #tpu.memory_space<vmem>> -> memref<1x128x64xf32, #tpu.memory_space<vmem>>
    %dma_start3A_2748 = tpu.memref_squeeze %dma_start3A_2747 : memref<1x128x64xf32, #tpu.memory_space<vmem>> -> memref<128x64xf32, #tpu.memory_space<vmem>>
    tpu.enqueue_dma source(%dma_start3A_2748 : memref<128x64xf32, #tpu.memory_space<vmem>>) target(%dma_start3A_2744 : memref<128x64xf32, #tpu.memory_space<hbm>>) target_semaphore(%dma_start3A_2742 : memref<!tpu.dma_semaphore, #tpu.memory_space<semaphore_mem>>)
    %dma_wait3A_2749 = arith.constant 6 : i32
    %dma_wait3A_2750 = arith.constant 6 : i32
    %dma_wait3A_2751 = arith.constant 0 : i32
    %dma_wait3A_2752 = arith.constant 0 : i32
    %dma_wait3A_2753 = tpu.memref_slice %arg6[%dma_wait3A_2749, %dma_wait3A_2751, %dma_wait3A_2752] : memref<8x128x64xf32, #tpu.memory_space<vmem>> -> memref<1x128x64xf32, #tpu.memory_space<vmem>>
    %dma_wait3A_2754 = tpu.memref_squeeze %dma_wait3A_2753 : memref<1x128x64xf32, #tpu.memory_space<vmem>> -> memref<128x64xf32, #tpu.memory_space<vmem>>
    %dma_wait3A_2755 = arith.constant 5888 : i32
    %dma_wait3A_2756 = tpu.memref_slice %arg5[%dma_wait3A_2755] : memref<6400xi32, #tpu.memory_space<vmem>> -> memref<128xi32, #tpu.memory_space<vmem>>
    %dma_wait3A_2757 = arith.constant 0 : i32
    %dma_wait3A_2758 = arith.constant 0 : i32
    %dma_wait3A_2759 = tpu.memref_slice %arg2[%dma_wait3A_2757, %dma_wait3A_2758] : memref<1000000x64xf32, #tpu.memory_space<hbm>> -> memref<1000000x64xf32, #tpu.memory_space<hbm>>
    %dma_wait3A_2760 = tpu.memref_slice %arg7[%dma_wait3A_2750] : memref<8x!tpu.dma_semaphore, #tpu.memory_space<semaphore_mem>> -> memref<1x!tpu.dma_semaphore, #tpu.memory_space<semaphore_mem>>
    %dma_wait3A_2761 = tpu.memref_squeeze %dma_wait3A_2760 : memref<1x!tpu.dma_semaphore, #tpu.memory_space<semaphore_mem>> -> memref<!tpu.dma_semaphore, #tpu.memory_space<semaphore_mem>>
    tpu.wait_indirect_dma semaphore(%dma_wait3A_2761 : memref<!tpu.dma_semaphore, #tpu.memory_space<semaphore_mem>>) src(%dma_wait3A_2759 : memref<1000000x64xf32, #tpu.memory_space<hbm>>) dst(%dma_wait3A_2754 : memref<128x64xf32, #tpu.memory_space<vmem>>)
    %add3A_2762 = arith.constant 5888 : i32
    %add3A_2763 = arith.addi %mul3A_2, %add3A_2762 : i32
    %dma_start3A_2764 = arith.constant 6 : i32
    %dma_start3A_2765 = arith.constant 6 : i32
    %dma_start3A_2766 = arith.constant 0 : i32
    %dma_start3A_2767 = arith.constant 0 : i32
    %dma_start3A_2768 = tpu.memref_slice %arg6[%dma_start3A_2764, %dma_start3A_2766, %dma_start3A_2767] : memref<8x128x64xf32, #tpu.memory_space<vmem>> -> memref<1x128x64xf32, #tpu.memory_space<vmem>>
    %dma_start3A_2769 = tpu.memref_squeeze %dma_start3A_2768 : memref<1x128x64xf32, #tpu.memory_space<vmem>> -> memref<128x64xf32, #tpu.memory_space<vmem>>
    %dma_start3A_2770 = arith.constant 0 : i32
    %dma_start3A_2771 = tpu.memref_slice %arg4[%add3A_2763, %dma_start3A_2770] : memref<204800x64xf32, #tpu.memory_space<hbm>> -> memref<128x64xf32, #tpu.memory_space<hbm>>
    %dma_start3A_2772 = tpu.memref_slice %arg8[%dma_start3A_2765] : memref<8x!tpu.dma_semaphore, #tpu.memory_space<semaphore_mem>> -> memref<1x!tpu.dma_semaphore, #tpu.memory_space<semaphore_mem>>
    %dma_start3A_2773 = tpu.memref_squeeze %dma_start3A_2772 : memref<1x!tpu.dma_semaphore, #tpu.memory_space<semaphore_mem>> -> memref<!tpu.dma_semaphore, #tpu.memory_space<semaphore_mem>>
    %dma_start3A_2774 = arith.constant 0 : i32
    %dma_start3A_2775 = tpu.memref_slice %arg4[%add3A_2763, %dma_start3A_2774] : memref<204800x64xf32, #tpu.memory_space<hbm>> -> memref<128x64xf32, #tpu.memory_space<hbm>>
    %dma_start3A_2776 = arith.constant 0 : i32
    %dma_start3A_2777 = arith.constant 0 : i32
    %dma_start3A_2778 = tpu.memref_slice %arg6[%dma_start3A_2764, %dma_start3A_2776, %dma_start3A_2777] : memref<8x128x64xf32, #tpu.memory_space<vmem>> -> memref<1x128x64xf32, #tpu.memory_space<vmem>>
    %dma_start3A_2779 = tpu.memref_squeeze %dma_start3A_2778 : memref<1x128x64xf32, #tpu.memory_space<vmem>> -> memref<128x64xf32, #tpu.memory_space<vmem>>
    tpu.enqueue_dma source(%dma_start3A_2779 : memref<128x64xf32, #tpu.memory_space<vmem>>) target(%dma_start3A_2775 : memref<128x64xf32, #tpu.memory_space<hbm>>) target_semaphore(%dma_start3A_2773 : memref<!tpu.dma_semaphore, #tpu.memory_space<semaphore_mem>>)
    %dma_wait3A_2780 = arith.constant 7 : i32
    %dma_wait3A_2781 = arith.constant 7 : i32
    %dma_wait3A_2782 = arith.constant 0 : i32
    %dma_wait3A_2783 = arith.constant 0 : i32
    %dma_wait3A_2784 = tpu.memref_slice %arg6[%dma_wait3A_2780, %dma_wait3A_2782, %dma_wait3A_2783] : memref<8x128x64xf32, #tpu.memory_space<vmem>> -> memref<1x128x64xf32, #tpu.memory_space<vmem>>
    %dma_wait3A_2785 = tpu.memref_squeeze %dma_wait3A_2784 : memref<1x128x64xf32, #tpu.memory_space<vmem>> -> memref<128x64xf32, #tpu.memory_space<vmem>>
    %dma_wait3A_2786 = arith.constant 6016 : i32
    %dma_wait3A_2787 = tpu.memref_slice %arg5[%dma_wait3A_2786] : memref<6400xi32, #tpu.memory_space<vmem>> -> memref<128xi32, #tpu.memory_space<vmem>>
    %dma_wait3A_2788 = arith.constant 0 : i32
    %dma_wait3A_2789 = arith.constant 0 : i32
    %dma_wait3A_2790 = tpu.memref_slice %arg2[%dma_wait3A_2788, %dma_wait3A_2789] : memref<1000000x64xf32, #tpu.memory_space<hbm>> -> memref<1000000x64xf32, #tpu.memory_space<hbm>>
    %dma_wait3A_2791 = tpu.memref_slice %arg7[%dma_wait3A_2781] : memref<8x!tpu.dma_semaphore, #tpu.memory_space<semaphore_mem>> -> memref<1x!tpu.dma_semaphore, #tpu.memory_space<semaphore_mem>>
    %dma_wait3A_2792 = tpu.memref_squeeze %dma_wait3A_2791 : memref<1x!tpu.dma_semaphore, #tpu.memory_space<semaphore_mem>> -> memref<!tpu.dma_semaphore, #tpu.memory_space<semaphore_mem>>
    tpu.wait_indirect_dma semaphore(%dma_wait3A_2792 : memref<!tpu.dma_semaphore, #tpu.memory_space<semaphore_mem>>) src(%dma_wait3A_2790 : memref<1000000x64xf32, #tpu.memory_space<hbm>>) dst(%dma_wait3A_2785 : memref<128x64xf32, #tpu.memory_space<vmem>>)
    %add3A_2793 = arith.constant 6016 : i32
    %add3A_2794 = arith.addi %mul3A_2, %add3A_2793 : i32
    %dma_start3A_2795 = arith.constant 7 : i32
    %dma_start3A_2796 = arith.constant 7 : i32
    %dma_start3A_2797 = arith.constant 0 : i32
    %dma_start3A_2798 = arith.constant 0 : i32
    %dma_start3A_2799 = tpu.memref_slice %arg6[%dma_start3A_2795, %dma_start3A_2797, %dma_start3A_2798] : memref<8x128x64xf32, #tpu.memory_space<vmem>> -> memref<1x128x64xf32, #tpu.memory_space<vmem>>
    %dma_start3A_2800 = tpu.memref_squeeze %dma_start3A_2799 : memref<1x128x64xf32, #tpu.memory_space<vmem>> -> memref<128x64xf32, #tpu.memory_space<vmem>>
    %dma_start3A_2801 = arith.constant 0 : i32
    %dma_start3A_2802 = tpu.memref_slice %arg4[%add3A_2794, %dma_start3A_2801] : memref<204800x64xf32, #tpu.memory_space<hbm>> -> memref<128x64xf32, #tpu.memory_space<hbm>>
    %dma_start3A_2803 = tpu.memref_slice %arg8[%dma_start3A_2796] : memref<8x!tpu.dma_semaphore, #tpu.memory_space<semaphore_mem>> -> memref<1x!tpu.dma_semaphore, #tpu.memory_space<semaphore_mem>>
    %dma_start3A_2804 = tpu.memref_squeeze %dma_start3A_2803 : memref<1x!tpu.dma_semaphore, #tpu.memory_space<semaphore_mem>> -> memref<!tpu.dma_semaphore, #tpu.memory_space<semaphore_mem>>
    %dma_start3A_2805 = arith.constant 0 : i32
    %dma_start3A_2806 = tpu.memref_slice %arg4[%add3A_2794, %dma_start3A_2805] : memref<204800x64xf32, #tpu.memory_space<hbm>> -> memref<128x64xf32, #tpu.memory_space<hbm>>
    %dma_start3A_2807 = arith.constant 0 : i32
    %dma_start3A_2808 = arith.constant 0 : i32
    %dma_start3A_2809 = tpu.memref_slice %arg6[%dma_start3A_2795, %dma_start3A_2807, %dma_start3A_2808] : memref<8x128x64xf32, #tpu.memory_space<vmem>> -> memref<1x128x64xf32, #tpu.memory_space<vmem>>
    %dma_start3A_2810 = tpu.memref_squeeze %dma_start3A_2809 : memref<1x128x64xf32, #tpu.memory_space<vmem>> -> memref<128x64xf32, #tpu.memory_space<vmem>>
    tpu.enqueue_dma source(%dma_start3A_2810 : memref<128x64xf32, #tpu.memory_space<vmem>>) target(%dma_start3A_2806 : memref<128x64xf32, #tpu.memory_space<hbm>>) target_semaphore(%dma_start3A_2804 : memref<!tpu.dma_semaphore, #tpu.memory_space<semaphore_mem>>)
    %dma_wait3A_2811 = arith.constant 0 : i32
    %dma_wait3A_2812 = arith.constant 0 : i32
    %dma_wait3A_2813 = arith.constant 0 : i32
    %dma_wait3A_2814 = arith.constant 0 : i32
    %dma_wait3A_2815 = tpu.memref_slice %arg6[%dma_wait3A_2811, %dma_wait3A_2813, %dma_wait3A_2814] : memref<8x128x64xf32, #tpu.memory_space<vmem>> -> memref<1x128x64xf32, #tpu.memory_space<vmem>>
    %dma_wait3A_2816 = tpu.memref_squeeze %dma_wait3A_2815 : memref<1x128x64xf32, #tpu.memory_space<vmem>> -> memref<128x64xf32, #tpu.memory_space<vmem>>
    %dma_wait3A_2817 = arith.constant 6144 : i32
    %dma_wait3A_2818 = tpu.memref_slice %arg5[%dma_wait3A_2817] : memref<6400xi32, #tpu.memory_space<vmem>> -> memref<128xi32, #tpu.memory_space<vmem>>
    %dma_wait3A_2819 = arith.constant 0 : i32
    %dma_wait3A_2820 = arith.constant 0 : i32
    %dma_wait3A_2821 = tpu.memref_slice %arg2[%dma_wait3A_2819, %dma_wait3A_2820] : memref<1000000x64xf32, #tpu.memory_space<hbm>> -> memref<1000000x64xf32, #tpu.memory_space<hbm>>
    %dma_wait3A_2822 = tpu.memref_slice %arg7[%dma_wait3A_2812] : memref<8x!tpu.dma_semaphore, #tpu.memory_space<semaphore_mem>> -> memref<1x!tpu.dma_semaphore, #tpu.memory_space<semaphore_mem>>
    %dma_wait3A_2823 = tpu.memref_squeeze %dma_wait3A_2822 : memref<1x!tpu.dma_semaphore, #tpu.memory_space<semaphore_mem>> -> memref<!tpu.dma_semaphore, #tpu.memory_space<semaphore_mem>>
    tpu.wait_indirect_dma semaphore(%dma_wait3A_2823 : memref<!tpu.dma_semaphore, #tpu.memory_space<semaphore_mem>>) src(%dma_wait3A_2821 : memref<1000000x64xf32, #tpu.memory_space<hbm>>) dst(%dma_wait3A_2816 : memref<128x64xf32, #tpu.memory_space<vmem>>)
    %add3A_2824 = arith.constant 6144 : i32
    %add3A_2825 = arith.addi %mul3A_2, %add3A_2824 : i32
    %dma_start3A_2826 = arith.constant 0 : i32
    %dma_start3A_2827 = arith.constant 0 : i32
    %dma_start3A_2828 = arith.constant 0 : i32
    %dma_start3A_2829 = arith.constant 0 : i32
    %dma_start3A_2830 = tpu.memref_slice %arg6[%dma_start3A_2826, %dma_start3A_2828, %dma_start3A_2829] : memref<8x128x64xf32, #tpu.memory_space<vmem>> -> memref<1x128x64xf32, #tpu.memory_space<vmem>>
    %dma_start3A_2831 = tpu.memref_squeeze %dma_start3A_2830 : memref<1x128x64xf32, #tpu.memory_space<vmem>> -> memref<128x64xf32, #tpu.memory_space<vmem>>
    %dma_start3A_2832 = arith.constant 0 : i32
    %dma_start3A_2833 = tpu.memref_slice %arg4[%add3A_2825, %dma_start3A_2832] : memref<204800x64xf32, #tpu.memory_space<hbm>> -> memref<128x64xf32, #tpu.memory_space<hbm>>
    %dma_start3A_2834 = tpu.memref_slice %arg8[%dma_start3A_2827] : memref<8x!tpu.dma_semaphore, #tpu.memory_space<semaphore_mem>> -> memref<1x!tpu.dma_semaphore, #tpu.memory_space<semaphore_mem>>
    %dma_start3A_2835 = tpu.memref_squeeze %dma_start3A_2834 : memref<1x!tpu.dma_semaphore, #tpu.memory_space<semaphore_mem>> -> memref<!tpu.dma_semaphore, #tpu.memory_space<semaphore_mem>>
    %dma_start3A_2836 = arith.constant 0 : i32
    %dma_start3A_2837 = tpu.memref_slice %arg4[%add3A_2825, %dma_start3A_2836] : memref<204800x64xf32, #tpu.memory_space<hbm>> -> memref<128x64xf32, #tpu.memory_space<hbm>>
    %dma_start3A_2838 = arith.constant 0 : i32
    %dma_start3A_2839 = arith.constant 0 : i32
    %dma_start3A_2840 = tpu.memref_slice %arg6[%dma_start3A_2826, %dma_start3A_2838, %dma_start3A_2839] : memref<8x128x64xf32, #tpu.memory_space<vmem>> -> memref<1x128x64xf32, #tpu.memory_space<vmem>>
    %dma_start3A_2841 = tpu.memref_squeeze %dma_start3A_2840 : memref<1x128x64xf32, #tpu.memory_space<vmem>> -> memref<128x64xf32, #tpu.memory_space<vmem>>
    tpu.enqueue_dma source(%dma_start3A_2841 : memref<128x64xf32, #tpu.memory_space<vmem>>) target(%dma_start3A_2837 : memref<128x64xf32, #tpu.memory_space<hbm>>) target_semaphore(%dma_start3A_2835 : memref<!tpu.dma_semaphore, #tpu.memory_space<semaphore_mem>>)
    %dma_wait3A_2842 = arith.constant 1 : i32
    %dma_wait3A_2843 = arith.constant 1 : i32
    %dma_wait3A_2844 = arith.constant 0 : i32
    %dma_wait3A_2845 = arith.constant 0 : i32
    %dma_wait3A_2846 = tpu.memref_slice %arg6[%dma_wait3A_2842, %dma_wait3A_2844, %dma_wait3A_2845] : memref<8x128x64xf32, #tpu.memory_space<vmem>> -> memref<1x128x64xf32, #tpu.memory_space<vmem>>
    %dma_wait3A_2847 = tpu.memref_squeeze %dma_wait3A_2846 : memref<1x128x64xf32, #tpu.memory_space<vmem>> -> memref<128x64xf32, #tpu.memory_space<vmem>>
    %dma_wait3A_2848 = arith.constant 6272 : i32
    %dma_wait3A_2849 = tpu.memref_slice %arg5[%dma_wait3A_2848] : memref<6400xi32, #tpu.memory_space<vmem>> -> memref<128xi32, #tpu.memory_space<vmem>>
    %dma_wait3A_2850 = arith.constant 0 : i32
    %dma_wait3A_2851 = arith.constant 0 : i32
    %dma_wait3A_2852 = tpu.memref_slice %arg2[%dma_wait3A_2850, %dma_wait3A_2851] : memref<1000000x64xf32, #tpu.memory_space<hbm>> -> memref<1000000x64xf32, #tpu.memory_space<hbm>>
    %dma_wait3A_2853 = tpu.memref_slice %arg7[%dma_wait3A_2843] : memref<8x!tpu.dma_semaphore, #tpu.memory_space<semaphore_mem>> -> memref<1x!tpu.dma_semaphore, #tpu.memory_space<semaphore_mem>>
    %dma_wait3A_2854 = tpu.memref_squeeze %dma_wait3A_2853 : memref<1x!tpu.dma_semaphore, #tpu.memory_space<semaphore_mem>> -> memref<!tpu.dma_semaphore, #tpu.memory_space<semaphore_mem>>
    tpu.wait_indirect_dma semaphore(%dma_wait3A_2854 : memref<!tpu.dma_semaphore, #tpu.memory_space<semaphore_mem>>) src(%dma_wait3A_2852 : memref<1000000x64xf32, #tpu.memory_space<hbm>>) dst(%dma_wait3A_2847 : memref<128x64xf32, #tpu.memory_space<vmem>>)
    %add3A_2855 = arith.constant 6272 : i32
    %add3A_2856 = arith.addi %mul3A_2, %add3A_2855 : i32
    %dma_start3A_2857 = arith.constant 1 : i32
    %dma_start3A_2858 = arith.constant 1 : i32
    %dma_start3A_2859 = arith.constant 0 : i32
    %dma_start3A_2860 = arith.constant 0 : i32
    %dma_start3A_2861 = tpu.memref_slice %arg6[%dma_start3A_2857, %dma_start3A_2859, %dma_start3A_2860] : memref<8x128x64xf32, #tpu.memory_space<vmem>> -> memref<1x128x64xf32, #tpu.memory_space<vmem>>
    %dma_start3A_2862 = tpu.memref_squeeze %dma_start3A_2861 : memref<1x128x64xf32, #tpu.memory_space<vmem>> -> memref<128x64xf32, #tpu.memory_space<vmem>>
    %dma_start3A_2863 = arith.constant 0 : i32
    %dma_start3A_2864 = tpu.memref_slice %arg4[%add3A_2856, %dma_start3A_2863] : memref<204800x64xf32, #tpu.memory_space<hbm>> -> memref<128x64xf32, #tpu.memory_space<hbm>>
    %dma_start3A_2865 = tpu.memref_slice %arg8[%dma_start3A_2858] : memref<8x!tpu.dma_semaphore, #tpu.memory_space<semaphore_mem>> -> memref<1x!tpu.dma_semaphore, #tpu.memory_space<semaphore_mem>>
    %dma_start3A_2866 = tpu.memref_squeeze %dma_start3A_2865 : memref<1x!tpu.dma_semaphore, #tpu.memory_space<semaphore_mem>> -> memref<!tpu.dma_semaphore, #tpu.memory_space<semaphore_mem>>
    %dma_start3A_2867 = arith.constant 0 : i32
    %dma_start3A_2868 = tpu.memref_slice %arg4[%add3A_2856, %dma_start3A_2867] : memref<204800x64xf32, #tpu.memory_space<hbm>> -> memref<128x64xf32, #tpu.memory_space<hbm>>
    %dma_start3A_2869 = arith.constant 0 : i32
    %dma_start3A_2870 = arith.constant 0 : i32
    %dma_start3A_2871 = tpu.memref_slice %arg6[%dma_start3A_2857, %dma_start3A_2869, %dma_start3A_2870] : memref<8x128x64xf32, #tpu.memory_space<vmem>> -> memref<1x128x64xf32, #tpu.memory_space<vmem>>
    %dma_start3A_2872 = tpu.memref_squeeze %dma_start3A_2871 : memref<1x128x64xf32, #tpu.memory_space<vmem>> -> memref<128x64xf32, #tpu.memory_space<vmem>>
    tpu.enqueue_dma source(%dma_start3A_2872 : memref<128x64xf32, #tpu.memory_space<vmem>>) target(%dma_start3A_2868 : memref<128x64xf32, #tpu.memory_space<hbm>>) target_semaphore(%dma_start3A_2866 : memref<!tpu.dma_semaphore, #tpu.memory_space<semaphore_mem>>)
    %dma_wait3A_2873 = arith.constant 2 : i32
    %dma_wait3A_2874 = arith.constant 2 : i32
    %dma_wait3A_2875 = arith.constant 0 : i32
    %dma_wait3A_2876 = arith.constant 0 : i32
    %dma_wait3A_2877 = tpu.memref_slice %arg6[%dma_wait3A_2873, %dma_wait3A_2875, %dma_wait3A_2876] : memref<8x128x64xf32, #tpu.memory_space<vmem>> -> memref<1x128x64xf32, #tpu.memory_space<vmem>>
    %dma_wait3A_2878 = tpu.memref_squeeze %dma_wait3A_2877 : memref<1x128x64xf32, #tpu.memory_space<vmem>> -> memref<128x64xf32, #tpu.memory_space<vmem>>
    %dma_wait3A_2879 = arith.constant 0 : i32
    %dma_wait3A_2880 = tpu.memref_slice %arg4[%add3A_2610, %dma_wait3A_2879] : memref<204800x64xf32, #tpu.memory_space<hbm>> -> memref<128x64xf32, #tpu.memory_space<hbm>>
    %dma_wait3A_2881 = tpu.memref_slice %arg8[%dma_wait3A_2874] : memref<8x!tpu.dma_semaphore, #tpu.memory_space<semaphore_mem>> -> memref<1x!tpu.dma_semaphore, #tpu.memory_space<semaphore_mem>>
    %dma_wait3A_2882 = tpu.memref_squeeze %dma_wait3A_2881 : memref<1x!tpu.dma_semaphore, #tpu.memory_space<semaphore_mem>> -> memref<!tpu.dma_semaphore, #tpu.memory_space<semaphore_mem>>
    %dma_wait3A_2883 = arith.constant 0 : i32
    %dma_wait3A_2884 = tpu.memref_slice %arg4[%add3A_2610, %dma_wait3A_2883] : memref<204800x64xf32, #tpu.memory_space<hbm>> -> memref<128x64xf32, #tpu.memory_space<hbm>>
    %dma_wait3A_2885 = arith.constant 0 : i32
    %dma_wait3A_2886 = arith.constant 0 : i32
    %dma_wait3A_2887 = tpu.memref_slice %arg6[%dma_wait3A_2873, %dma_wait3A_2885, %dma_wait3A_2886] : memref<8x128x64xf32, #tpu.memory_space<vmem>> -> memref<1x128x64xf32, #tpu.memory_space<vmem>>
    %dma_wait3A_2888 = tpu.memref_squeeze %dma_wait3A_2887 : memref<1x128x64xf32, #tpu.memory_space<vmem>> -> memref<128x64xf32, #tpu.memory_space<vmem>>
    tpu.wait_dma2 semaphore(%dma_wait3A_2882 : memref<!tpu.dma_semaphore, #tpu.memory_space<semaphore_mem>>) src(%dma_wait3A_2888 : memref<128x64xf32, #tpu.memory_space<vmem>>) dst(%dma_wait3A_2884 : memref<128x64xf32, #tpu.memory_space<hbm>>)
    %dma_wait3A_2889 = arith.constant 3 : i32
    %dma_wait3A_2890 = arith.constant 3 : i32
    %dma_wait3A_2891 = arith.constant 0 : i32
    %dma_wait3A_2892 = arith.constant 0 : i32
    %dma_wait3A_2893 = tpu.memref_slice %arg6[%dma_wait3A_2889, %dma_wait3A_2891, %dma_wait3A_2892] : memref<8x128x64xf32, #tpu.memory_space<vmem>> -> memref<1x128x64xf32, #tpu.memory_space<vmem>>
    %dma_wait3A_2894 = tpu.memref_squeeze %dma_wait3A_2893 : memref<1x128x64xf32, #tpu.memory_space<vmem>> -> memref<128x64xf32, #tpu.memory_space<vmem>>
    %dma_wait3A_2895 = arith.constant 0 : i32
    %dma_wait3A_2896 = tpu.memref_slice %arg4[%add3A_2670, %dma_wait3A_2895] : memref<204800x64xf32, #tpu.memory_space<hbm>> -> memref<128x64xf32, #tpu.memory_space<hbm>>
    %dma_wait3A_2897 = tpu.memref_slice %arg8[%dma_wait3A_2890] : memref<8x!tpu.dma_semaphore, #tpu.memory_space<semaphore_mem>> -> memref<1x!tpu.dma_semaphore, #tpu.memory_space<semaphore_mem>>
    %dma_wait3A_2898 = tpu.memref_squeeze %dma_wait3A_2897 : memref<1x!tpu.dma_semaphore, #tpu.memory_space<semaphore_mem>> -> memref<!tpu.dma_semaphore, #tpu.memory_space<semaphore_mem>>
    %dma_wait3A_2899 = arith.constant 0 : i32
    %dma_wait3A_2900 = tpu.memref_slice %arg4[%add3A_2670, %dma_wait3A_2899] : memref<204800x64xf32, #tpu.memory_space<hbm>> -> memref<128x64xf32, #tpu.memory_space<hbm>>
    %dma_wait3A_2901 = arith.constant 0 : i32
    %dma_wait3A_2902 = arith.constant 0 : i32
    %dma_wait3A_2903 = tpu.memref_slice %arg6[%dma_wait3A_2889, %dma_wait3A_2901, %dma_wait3A_2902] : memref<8x128x64xf32, #tpu.memory_space<vmem>> -> memref<1x128x64xf32, #tpu.memory_space<vmem>>
    %dma_wait3A_2904 = tpu.memref_squeeze %dma_wait3A_2903 : memref<1x128x64xf32, #tpu.memory_space<vmem>> -> memref<128x64xf32, #tpu.memory_space<vmem>>
    tpu.wait_dma2 semaphore(%dma_wait3A_2898 : memref<!tpu.dma_semaphore, #tpu.memory_space<semaphore_mem>>) src(%dma_wait3A_2904 : memref<128x64xf32, #tpu.memory_space<vmem>>) dst(%dma_wait3A_2900 : memref<128x64xf32, #tpu.memory_space<hbm>>)
    %dma_wait3A_2905 = arith.constant 4 : i32
    %dma_wait3A_2906 = arith.constant 4 : i32
    %dma_wait3A_2907 = arith.constant 0 : i32
    %dma_wait3A_2908 = arith.constant 0 : i32
    %dma_wait3A_2909 = tpu.memref_slice %arg6[%dma_wait3A_2905, %dma_wait3A_2907, %dma_wait3A_2908] : memref<8x128x64xf32, #tpu.memory_space<vmem>> -> memref<1x128x64xf32, #tpu.memory_space<vmem>>
    %dma_wait3A_2910 = tpu.memref_squeeze %dma_wait3A_2909 : memref<1x128x64xf32, #tpu.memory_space<vmem>> -> memref<128x64xf32, #tpu.memory_space<vmem>>
    %dma_wait3A_2911 = arith.constant 0 : i32
    %dma_wait3A_2912 = tpu.memref_slice %arg4[%add3A_2701, %dma_wait3A_2911] : memref<204800x64xf32, #tpu.memory_space<hbm>> -> memref<128x64xf32, #tpu.memory_space<hbm>>
    %dma_wait3A_2913 = tpu.memref_slice %arg8[%dma_wait3A_2906] : memref<8x!tpu.dma_semaphore, #tpu.memory_space<semaphore_mem>> -> memref<1x!tpu.dma_semaphore, #tpu.memory_space<semaphore_mem>>
    %dma_wait3A_2914 = tpu.memref_squeeze %dma_wait3A_2913 : memref<1x!tpu.dma_semaphore, #tpu.memory_space<semaphore_mem>> -> memref<!tpu.dma_semaphore, #tpu.memory_space<semaphore_mem>>
    %dma_wait3A_2915 = arith.constant 0 : i32
    %dma_wait3A_2916 = tpu.memref_slice %arg4[%add3A_2701, %dma_wait3A_2915] : memref<204800x64xf32, #tpu.memory_space<hbm>> -> memref<128x64xf32, #tpu.memory_space<hbm>>
    %dma_wait3A_2917 = arith.constant 0 : i32
    %dma_wait3A_2918 = arith.constant 0 : i32
    %dma_wait3A_2919 = tpu.memref_slice %arg6[%dma_wait3A_2905, %dma_wait3A_2917, %dma_wait3A_2918] : memref<8x128x64xf32, #tpu.memory_space<vmem>> -> memref<1x128x64xf32, #tpu.memory_space<vmem>>
    %dma_wait3A_2920 = tpu.memref_squeeze %dma_wait3A_2919 : memref<1x128x64xf32, #tpu.memory_space<vmem>> -> memref<128x64xf32, #tpu.memory_space<vmem>>
    tpu.wait_dma2 semaphore(%dma_wait3A_2914 : memref<!tpu.dma_semaphore, #tpu.memory_space<semaphore_mem>>) src(%dma_wait3A_2920 : memref<128x64xf32, #tpu.memory_space<vmem>>) dst(%dma_wait3A_2916 : memref<128x64xf32, #tpu.memory_space<hbm>>)
    %dma_wait3A_2921 = arith.constant 5 : i32
    %dma_wait3A_2922 = arith.constant 5 : i32
    %dma_wait3A_2923 = arith.constant 0 : i32
    %dma_wait3A_2924 = arith.constant 0 : i32
    %dma_wait3A_2925 = tpu.memref_slice %arg6[%dma_wait3A_2921, %dma_wait3A_2923, %dma_wait3A_2924] : memref<8x128x64xf32, #tpu.memory_space<vmem>> -> memref<1x128x64xf32, #tpu.memory_space<vmem>>
    %dma_wait3A_2926 = tpu.memref_squeeze %dma_wait3A_2925 : memref<1x128x64xf32, #tpu.memory_space<vmem>> -> memref<128x64xf32, #tpu.memory_space<vmem>>
    %dma_wait3A_2927 = arith.constant 0 : i32
    %dma_wait3A_2928 = tpu.memref_slice %arg4[%add3A_2732, %dma_wait3A_2927] : memref<204800x64xf32, #tpu.memory_space<hbm>> -> memref<128x64xf32, #tpu.memory_space<hbm>>
    %dma_wait3A_2929 = tpu.memref_slice %arg8[%dma_wait3A_2922] : memref<8x!tpu.dma_semaphore, #tpu.memory_space<semaphore_mem>> -> memref<1x!tpu.dma_semaphore, #tpu.memory_space<semaphore_mem>>
    %dma_wait3A_2930 = tpu.memref_squeeze %dma_wait3A_2929 : memref<1x!tpu.dma_semaphore, #tpu.memory_space<semaphore_mem>> -> memref<!tpu.dma_semaphore, #tpu.memory_space<semaphore_mem>>
    %dma_wait3A_2931 = arith.constant 0 : i32
    %dma_wait3A_2932 = tpu.memref_slice %arg4[%add3A_2732, %dma_wait3A_2931] : memref<204800x64xf32, #tpu.memory_space<hbm>> -> memref<128x64xf32, #tpu.memory_space<hbm>>
    %dma_wait3A_2933 = arith.constant 0 : i32
    %dma_wait3A_2934 = arith.constant 0 : i32
    %dma_wait3A_2935 = tpu.memref_slice %arg6[%dma_wait3A_2921, %dma_wait3A_2933, %dma_wait3A_2934] : memref<8x128x64xf32, #tpu.memory_space<vmem>> -> memref<1x128x64xf32, #tpu.memory_space<vmem>>
    %dma_wait3A_2936 = tpu.memref_squeeze %dma_wait3A_2935 : memref<1x128x64xf32, #tpu.memory_space<vmem>> -> memref<128x64xf32, #tpu.memory_space<vmem>>
    tpu.wait_dma2 semaphore(%dma_wait3A_2930 : memref<!tpu.dma_semaphore, #tpu.memory_space<semaphore_mem>>) src(%dma_wait3A_2936 : memref<128x64xf32, #tpu.memory_space<vmem>>) dst(%dma_wait3A_2932 : memref<128x64xf32, #tpu.memory_space<hbm>>)
    %dma_wait3A_2937 = arith.constant 6 : i32
    %dma_wait3A_2938 = arith.constant 6 : i32
    %dma_wait3A_2939 = arith.constant 0 : i32
    %dma_wait3A_2940 = arith.constant 0 : i32
    %dma_wait3A_2941 = tpu.memref_slice %arg6[%dma_wait3A_2937, %dma_wait3A_2939, %dma_wait3A_2940] : memref<8x128x64xf32, #tpu.memory_space<vmem>> -> memref<1x128x64xf32, #tpu.memory_space<vmem>>
    %dma_wait3A_2942 = tpu.memref_squeeze %dma_wait3A_2941 : memref<1x128x64xf32, #tpu.memory_space<vmem>> -> memref<128x64xf32, #tpu.memory_space<vmem>>
    %dma_wait3A_2943 = arith.constant 0 : i32
    %dma_wait3A_2944 = tpu.memref_slice %arg4[%add3A_2763, %dma_wait3A_2943] : memref<204800x64xf32, #tpu.memory_space<hbm>> -> memref<128x64xf32, #tpu.memory_space<hbm>>
    %dma_wait3A_2945 = tpu.memref_slice %arg8[%dma_wait3A_2938] : memref<8x!tpu.dma_semaphore, #tpu.memory_space<semaphore_mem>> -> memref<1x!tpu.dma_semaphore, #tpu.memory_space<semaphore_mem>>
    %dma_wait3A_2946 = tpu.memref_squeeze %dma_wait3A_2945 : memref<1x!tpu.dma_semaphore, #tpu.memory_space<semaphore_mem>> -> memref<!tpu.dma_semaphore, #tpu.memory_space<semaphore_mem>>
    %dma_wait3A_2947 = arith.constant 0 : i32
    %dma_wait3A_2948 = tpu.memref_slice %arg4[%add3A_2763, %dma_wait3A_2947] : memref<204800x64xf32, #tpu.memory_space<hbm>> -> memref<128x64xf32, #tpu.memory_space<hbm>>
    %dma_wait3A_2949 = arith.constant 0 : i32
    %dma_wait3A_2950 = arith.constant 0 : i32
    %dma_wait3A_2951 = tpu.memref_slice %arg6[%dma_wait3A_2937, %dma_wait3A_2949, %dma_wait3A_2950] : memref<8x128x64xf32, #tpu.memory_space<vmem>> -> memref<1x128x64xf32, #tpu.memory_space<vmem>>
    %dma_wait3A_2952 = tpu.memref_squeeze %dma_wait3A_2951 : memref<1x128x64xf32, #tpu.memory_space<vmem>> -> memref<128x64xf32, #tpu.memory_space<vmem>>
    tpu.wait_dma2 semaphore(%dma_wait3A_2946 : memref<!tpu.dma_semaphore, #tpu.memory_space<semaphore_mem>>) src(%dma_wait3A_2952 : memref<128x64xf32, #tpu.memory_space<vmem>>) dst(%dma_wait3A_2948 : memref<128x64xf32, #tpu.memory_space<hbm>>)
    %dma_wait3A_2953 = arith.constant 7 : i32
    %dma_wait3A_2954 = arith.constant 7 : i32
    %dma_wait3A_2955 = arith.constant 0 : i32
    %dma_wait3A_2956 = arith.constant 0 : i32
    %dma_wait3A_2957 = tpu.memref_slice %arg6[%dma_wait3A_2953, %dma_wait3A_2955, %dma_wait3A_2956] : memref<8x128x64xf32, #tpu.memory_space<vmem>> -> memref<1x128x64xf32, #tpu.memory_space<vmem>>
    %dma_wait3A_2958 = tpu.memref_squeeze %dma_wait3A_2957 : memref<1x128x64xf32, #tpu.memory_space<vmem>> -> memref<128x64xf32, #tpu.memory_space<vmem>>
    %dma_wait3A_2959 = arith.constant 0 : i32
    %dma_wait3A_2960 = tpu.memref_slice %arg4[%add3A_2794, %dma_wait3A_2959] : memref<204800x64xf32, #tpu.memory_space<hbm>> -> memref<128x64xf32, #tpu.memory_space<hbm>>
    %dma_wait3A_2961 = tpu.memref_slice %arg8[%dma_wait3A_2954] : memref<8x!tpu.dma_semaphore, #tpu.memory_space<semaphore_mem>> -> memref<1x!tpu.dma_semaphore, #tpu.memory_space<semaphore_mem>>
    %dma_wait3A_2962 = tpu.memref_squeeze %dma_wait3A_2961 : memref<1x!tpu.dma_semaphore, #tpu.memory_space<semaphore_mem>> -> memref<!tpu.dma_semaphore, #tpu.memory_space<semaphore_mem>>
    %dma_wait3A_2963 = arith.constant 0 : i32
    %dma_wait3A_2964 = tpu.memref_slice %arg4[%add3A_2794, %dma_wait3A_2963] : memref<204800x64xf32, #tpu.memory_space<hbm>> -> memref<128x64xf32, #tpu.memory_space<hbm>>
    %dma_wait3A_2965 = arith.constant 0 : i32
    %dma_wait3A_2966 = arith.constant 0 : i32
    %dma_wait3A_2967 = tpu.memref_slice %arg6[%dma_wait3A_2953, %dma_wait3A_2965, %dma_wait3A_2966] : memref<8x128x64xf32, #tpu.memory_space<vmem>> -> memref<1x128x64xf32, #tpu.memory_space<vmem>>
    %dma_wait3A_2968 = tpu.memref_squeeze %dma_wait3A_2967 : memref<1x128x64xf32, #tpu.memory_space<vmem>> -> memref<128x64xf32, #tpu.memory_space<vmem>>
    tpu.wait_dma2 semaphore(%dma_wait3A_2962 : memref<!tpu.dma_semaphore, #tpu.memory_space<semaphore_mem>>) src(%dma_wait3A_2968 : memref<128x64xf32, #tpu.memory_space<vmem>>) dst(%dma_wait3A_2964 : memref<128x64xf32, #tpu.memory_space<hbm>>)
    %dma_wait3A_2969 = arith.constant 0 : i32
    %dma_wait3A_2970 = arith.constant 0 : i32
    %dma_wait3A_2971 = arith.constant 0 : i32
    %dma_wait3A_2972 = arith.constant 0 : i32
    %dma_wait3A_2973 = tpu.memref_slice %arg6[%dma_wait3A_2969, %dma_wait3A_2971, %dma_wait3A_2972] : memref<8x128x64xf32, #tpu.memory_space<vmem>> -> memref<1x128x64xf32, #tpu.memory_space<vmem>>
    %dma_wait3A_2974 = tpu.memref_squeeze %dma_wait3A_2973 : memref<1x128x64xf32, #tpu.memory_space<vmem>> -> memref<128x64xf32, #tpu.memory_space<vmem>>
    %dma_wait3A_2975 = arith.constant 0 : i32
    %dma_wait3A_2976 = tpu.memref_slice %arg4[%add3A_2825, %dma_wait3A_2975] : memref<204800x64xf32, #tpu.memory_space<hbm>> -> memref<128x64xf32, #tpu.memory_space<hbm>>
    %dma_wait3A_2977 = tpu.memref_slice %arg8[%dma_wait3A_2970] : memref<8x!tpu.dma_semaphore, #tpu.memory_space<semaphore_mem>> -> memref<1x!tpu.dma_semaphore, #tpu.memory_space<semaphore_mem>>
    %dma_wait3A_2978 = tpu.memref_squeeze %dma_wait3A_2977 : memref<1x!tpu.dma_semaphore, #tpu.memory_space<semaphore_mem>> -> memref<!tpu.dma_semaphore, #tpu.memory_space<semaphore_mem>>
    %dma_wait3A_2979 = arith.constant 0 : i32
    %dma_wait3A_2980 = tpu.memref_slice %arg4[%add3A_2825, %dma_wait3A_2979] : memref<204800x64xf32, #tpu.memory_space<hbm>> -> memref<128x64xf32, #tpu.memory_space<hbm>>
    %dma_wait3A_2981 = arith.constant 0 : i32
    %dma_wait3A_2982 = arith.constant 0 : i32
    %dma_wait3A_2983 = tpu.memref_slice %arg6[%dma_wait3A_2969, %dma_wait3A_2981, %dma_wait3A_2982] : memref<8x128x64xf32, #tpu.memory_space<vmem>> -> memref<1x128x64xf32, #tpu.memory_space<vmem>>
    %dma_wait3A_2984 = tpu.memref_squeeze %dma_wait3A_2983 : memref<1x128x64xf32, #tpu.memory_space<vmem>> -> memref<128x64xf32, #tpu.memory_space<vmem>>
    tpu.wait_dma2 semaphore(%dma_wait3A_2978 : memref<!tpu.dma_semaphore, #tpu.memory_space<semaphore_mem>>) src(%dma_wait3A_2984 : memref<128x64xf32, #tpu.memory_space<vmem>>) dst(%dma_wait3A_2980 : memref<128x64xf32, #tpu.memory_space<hbm>>)
    %dma_wait3A_2985 = arith.constant 1 : i32
    %dma_wait3A_2986 = arith.constant 1 : i32
    %dma_wait3A_2987 = arith.constant 0 : i32
    %dma_wait3A_2988 = arith.constant 0 : i32
    %dma_wait3A_2989 = tpu.memref_slice %arg6[%dma_wait3A_2985, %dma_wait3A_2987, %dma_wait3A_2988] : memref<8x128x64xf32, #tpu.memory_space<vmem>> -> memref<1x128x64xf32, #tpu.memory_space<vmem>>
    %dma_wait3A_2990 = tpu.memref_squeeze %dma_wait3A_2989 : memref<1x128x64xf32, #tpu.memory_space<vmem>> -> memref<128x64xf32, #tpu.memory_space<vmem>>
    %dma_wait3A_2991 = arith.constant 0 : i32
    %dma_wait3A_2992 = tpu.memref_slice %arg4[%add3A_2856, %dma_wait3A_2991] : memref<204800x64xf32, #tpu.memory_space<hbm>> -> memref<128x64xf32, #tpu.memory_space<hbm>>
    %dma_wait3A_2993 = tpu.memref_slice %arg8[%dma_wait3A_2986] : memref<8x!tpu.dma_semaphore, #tpu.memory_space<semaphore_mem>> -> memref<1x!tpu.dma_semaphore, #tpu.memory_space<semaphore_mem>>
    %dma_wait3A_2994 = tpu.memref_squeeze %dma_wait3A_2993 : memref<1x!tpu.dma_semaphore, #tpu.memory_space<semaphore_mem>> -> memref<!tpu.dma_semaphore, #tpu.memory_space<semaphore_mem>>
    %dma_wait3A_2995 = arith.constant 0 : i32
    %dma_wait3A_2996 = tpu.memref_slice %arg4[%add3A_2856, %dma_wait3A_2995] : memref<204800x64xf32, #tpu.memory_space<hbm>> -> memref<128x64xf32, #tpu.memory_space<hbm>>
    %dma_wait3A_2997 = arith.constant 0 : i32
    %dma_wait3A_2998 = arith.constant 0 : i32
    %dma_wait3A_2999 = tpu.memref_slice %arg6[%dma_wait3A_2985, %dma_wait3A_2997, %dma_wait3A_2998] : memref<8x128x64xf32, #tpu.memory_space<vmem>> -> memref<1x128x64xf32, #tpu.memory_space<vmem>>
    %dma_wait3A_3000 = tpu.memref_squeeze %dma_wait3A_2999 : memref<1x128x64xf32, #tpu.memory_space<vmem>> -> memref<128x64xf32, #tpu.memory_space<vmem>>
    tpu.wait_dma2 semaphore(%dma_wait3A_2994 : memref<!tpu.dma_semaphore, #tpu.memory_space<semaphore_mem>>) src(%dma_wait3A_3000 : memref<128x64xf32, #tpu.memory_space<vmem>>) dst(%dma_wait3A_2996 : memref<128x64xf32, #tpu.memory_space<hbm>>)
    return
  }
}

</mosaic_0001>

<sc_bundles>
// kernel: kernel.3.cloned.1.call-start
scs
__scs_entry_jumppad:
0x0: {  	(pc) =	sbr.rel $0x88, $3  }
0x1: {  	(tag) =	ssettag $0x0;
	lr =	simm.s32 $0x1  }
0x2: {  	[smem:$0x3F9F] =	sst lr;
	_ =	strace $0xD0000000  }
0x3: {  	_ = 	snop  }
0x4: {  	_ = 	snop  }
0x5: {  	_ = 	snop  }
0x6: {  	_ = 	snop  }
0x7: {  	_ = 	snop  }
__scs_overlays_trampoline_lowered:
0x8: {  	[smem:$0x3FAE] =	sst s0  }
0x9: {  	[smem:$0x3FAF] =	sst s1  }
0xa: {  	[smem:$0x3FB0] =	sst s2  }
0xb: {  	[smem:$0x3FB1] =	sst s3  }
0xc: {  	[smem:$0x3FB2] =	sst s4  }
0xd: {  	[smem:$0x3FB3] =	sst s5  }
0xe: {  	[smem:$0x3FB4] =	sst s6  }
0xf: {  	[smem:$0x3FB5] =	sst s7  }
0x10: {  	[smem:$0x3FB6] =	sst s8  }
0x11: {  	[smem:$0x3FB7] =	sst s9;
	s0 =	simm.s32 @!p0 $0x0  }
0x12: {  	s1 =	sld [smem:$0x3F9D];
	s0 =	simm.s32 @p0 $0x1  }
0x13: {  	[smem:$0x3FB8] =	sst s0;
	s0 =	simm.s32 @!p1 $0x0  }
0x14: {  	s2 =	sld [smem:$0x3F9C];
	s0 =	simm.s32 @p1 $0x1  }
0x15: {  	[smem:$0x3FB9] =	sst s0;
	s0 =	simm.s32 @!p2 $0x0  }
0x16: {  	s3 =	sld [smem:$0x3FDB];
	s0 =	simm.s32 @p2 $0x1  }
0x17: {  	s4 =	simm.s32 $0x1BF5;
	[smem:$0x3FBB] =	sst s0  }
0x18: {  	s0 =	sld [smem:$0x3F9E];
	_ =	swait.ge [sflag:s4], $0x0  }
0x19: {  	s7 =	sld [smem:$0x3F9F]  }
0x1a: {  	s8 =	sadd.s32 $0xFFFFE003, lr  }
0x1b: {  	s9 =	sadd.s32 $0xFFFFFEF7, lr;
	s5 =	simm.s32 $0xFFFFFFFF;
	p2 =	slt.u32 s8, $0xFFFFF086  }
0x1c: {  	p1 =	slt.u32 s9, $0xF7A;
	s5 =	simm.s32 @!p2 $0x0  }
0x1d: {  	s5 =	simm.s32 @p1 $0x1;
	p0 =	seq.s32 s7, s2  }
0x1e: {  	s7 =	smul.u32 @!p0 $0xF7A, s2;
	p2 =	seq.s32 @!p0 s5, $0x0  }
0x1f: {  	s9 =	smul.u32 $0xF7A, s1;
	s8 =	simm.s32 @!p0 $0x1BF5;
	p2 =	por !p2, p0  }
0x20: {  	[sflag:s8] =	ssyncset.s32 @!p0 $0xFFFFF086;
	s6 =	sadd.s32 @!p0 s3, s7;
	s7 =	simm.s32 @!p0 $0x108  }
0x21: {  	s3 =	sadd.s32 s3, s9;
	s6 =	sadd.s32 @!p0 $0x88, s6;
	s7 =	simm.s32 @p2 $0x1082  }
0x22: {  	[simem:s7], [sflag:s8] =	dma.local @!p0 [hbm:s6], $0xF7A  }
0x23: {  	s9 =	sor.u32 $0xD0000000, s2;
	s6 =	simm.s32 $0x108;
	_ =	swait.ge @!p0 [sflag:s8], $0x0  }
0x24: {  	s3 =	sadd.s32 $0x88, s3;
	s6 =	simm.s32 @!p1 $0x1082;
	[sflag:s4] =	ssyncset.s32 $0xFFFFF086  }
0x25: {  	[simem:s6], [sflag:s4] =	dma.local [hbm:s3], $0xF7A  }
0x26: {  	[smem:$0x3F9F] =	sst s1;
	(tag) =	ssettag s2;
	_ =	strace s9  }
0x27: {  	s1 =	sld [smem:$0x3FAF]  }
0x28: {  	s2 =	sld [smem:$0x3FB0]  }
0x29: {  	s4 =	sld [smem:$0x3FB2]  }
0x2a: {  	p0 =	seq.s32 s5, $0x0;
	s5 =	sld [smem:$0x3FB3]  }
0x2b: {  	s6 =	sld [smem:$0x3FB4]  }
0x2c: {  	s7 =	sld [smem:$0x3FB5]  }
0x2d: {  	s3 =	simm.s32 $0x108;
	s8 =	sld [smem:$0x3FB6]  }
0x2e: {  	s3 =	simm.s32 @!p0 $0x1082;
	s9 =	sld [smem:$0x3FB7]  }
0x2f: {  	lr =	sadd.s32 s0, s3;
	s0 =	sld [smem:$0x3FAE]  }
0x30: {  	s3 =	sld [smem:$0x3FB1]  }
0x31: {  	[smem:$0x3FBA] =	sst s10  }
0x32: {  	s10 =	sld [smem:$0x3FB8];
	_ =	sdelay $0x3  }
0x33: {  	p0 =	seq.s32 s10, $0x1;
	s10 =	sld [smem:$0x3FBA];
	_ =	sdelay $0x3  }
0x34: {  	[smem:$0x3FBA] =	sst s10  }
0x35: {  	s10 =	sld [smem:$0x3FB9];
	_ =	sdelay $0x3  }
0x36: {  	p1 =	seq.s32 s10, $0x1;
	s10 =	sld [smem:$0x3FBA];
	_ =	sdelay $0x3  }
0x37: {  	[smem:$0x3FBA] =	sst s10  }
0x38: {  	s10 =	sld [smem:$0x3FBB]  }
0x39: {  	_ = 	snop;
	(pc) =	sbr.ind lr, $3  }
0x3a: {  	_ = 	snop  }
0x3b: {  	_ = 	snop  }
0x3c: {  	p2 =	seq.s32 s10, $0x1;
	s10 =	sld [smem:$0x3FBA]  }
0x3d: {  	_ =	shalt  }
0x3e: {  	_ =	shalt  }
0x3f: {  	_ =	shalt  }
0x40: {  	_ =	shalt  }
0x41: {  	_ =	shalt  }
0x42: {  	_ =	shalt  }
0x43: {  	_ =	shalt  }
0x44: {  	_ =	shalt  }
0x45: {  	_ =	shalt  }
0x46: {  	_ =	shalt  }
0x47: {  	_ =	shalt  }
0x48: {  	_ =	shalt  }
0x49: {  	_ =	shalt  }
0x4a: {  	_ =	shalt  }
0x4b: {  	_ =	shalt  }
0x4c: {  	_ =	shalt  }
0x4d: {  	_ =	shalt  }
0x4e: {  	_ =	shalt  }
0x4f: {  	_ =	shalt  }
0x50: {  	_ =	shalt  }
0x51: {  	_ =	shalt  }
0x52: {  	_ =	shalt  }
0x53: {  	_ =	shalt  }
0x54: {  	_ =	shalt  }
0x55: {  	_ =	shalt  }
0x56: {  	_ =	shalt  }
0x57: {  	_ =	shalt  }
0x58: {  	_ =	shalt  }
0x59: {  	_ =	shalt  }
0x5a: {  	_ =	shalt  }
0x5b: {  	_ =	shalt  }
0x5c: {  	_ =	shalt  }
0x5d: {  	_ =	shalt  }
0x5e: {  	_ =	shalt  }
0x5f: {  	_ =	shalt  }
0x60: {  	_ =	shalt  }
0x61: {  	_ =	shalt  }
0x62: {  	_ =	shalt  }
0x63: {  	_ =	shalt  }
0x64: {  	_ =	shalt  }
0x65: {  	_ =	shalt  }
0x66: {  	_ =	shalt  }
0x67: {  	_ =	shalt  }
0x68: {  	_ =	shalt  }
0x69: {  	_ =	shalt  }
0x6a: {  	_ =	shalt  }
0x6b: {  	_ =	shalt  }
0x6c: {  	_ =	shalt  }
0x6d: {  	_ =	shalt  }
0x6e: {  	_ =	shalt  }
0x6f: {  	_ =	shalt  }
0x70: {  	_ =	shalt  }
0x71: {  	_ =	shalt  }
0x72: {  	_ =	shalt  }
0x73: {  	_ =	shalt  }
0x74: {  	_ =	shalt  }
0x75: {  	_ =	shalt  }
0x76: {  	_ =	shalt  }
0x77: {  	_ =	shalt  }
0x78: {  	_ =	shalt  }
0x79: {  	_ =	shalt  }
0x7a: {  	_ =	shalt  }
0x7b: {  	_ =	shalt  }
0x7c: {  	_ =	shalt  }
0x7d: {  	_ =	shalt  }
0x7e: {  	_ =	shalt  }
0x7f: {  	_ =	shalt  }
0x80: {  	_ =	shalt  }
0x81: {  	_ =	shalt  }
0x82: {  	_ =	shalt  }
0x83: {  	_ =	shalt  }
0x84: {  	_ =	shalt  }
0x85: {  	_ =	shalt  }
0x86: {  	_ =	shalt  }
0x87: {  	_ =	shalt  }
.Lfunc_end0:
.L_simem_size_0:
called_computation.1_lowered:
.L_overlay_start_0:
0x88: {  	s2 =	sld [smem:$0x3FD9]  }
0x89: {  	s3 =	sld [smem:$0x3FFE];
	_ =	sdelay $0x1  }
0x8a: {  	s1 =	srdreg.scid  }
0x8b: {  	s0 =	sand.u32 $0x1, s1  }
0x8c: {  	s17 =	sshll.u32 s0, $0xA;
	s2 =	sadd.s32 s3, s2  }
0x8d: {  	s2 =	sadd.s32 s2, s17  }
0x8e: {  	[smem:$0x3FC6] =	sst s2  }
0x8f: {  	_ = 	snop  }
0x90: {  	s2 =	sld [smem:$0x3FD0];
	(tm) =	ssettm $0x1  }
0x91: {  	s18 =	sld [smem:$0x3FFB];
	_ =	sdelay $0x3  }
0x92: {  	_ =	strace s18  }
0x93: {  	s3 =	sld [smem:$0x3FFC];
	_ =	sdelay $0x3  }
0x94: {  	_ =	strace s3  }
0x95: {  	s3 =	sld [smem:$0x3FFD];
	_ =	sdelay $0x3  }
0x96: {  	_ =	strace s3  }
0x97: {  	_ =	strace $0x8FFFFFFF  }
0x98: {  	s19 =	sld [smem:$0x3FDB];
	_ =	sdelay $0x1  }
0x99: {  	s4 =	simm.s32 $_scs_section_size  }
0x9a: {  	s5 =	simm.s32 $_size__tile_overlayer_lowered;
	s6 =	simm.s32 $_tile_overlayer_lowered  }
0x9b: {  	s22 =	simm.s32 $0x1BFF;
	s21 =	sshll.u32 s6, $0x1;
	s3 =	sadd.s32 s4, s19  }
0x9c: {  	s7 =	simm.s32 $0x0;
	s20 =	sshll.u32 s5, $0x1;
	s5 =	sadd.s32 s21, s3  }
0x9d: {  	[timem:s7], [sflag:s22] =	dma.local [hbm:s5], s20  }
0x9e: {  	_ =	swait.ge [sflag:s22], s20  }
0x9f: {  	s4 =	ssub.s32 $0x0, s20;
	[sflag:s22] =	ssyncset.done $0x0  }
0xa0: {  	[sflag:s22] =	ssyncadd.s32 s4;
	_ =	sdelay $0x1  }
0xa1: {  	s23 =	simm.s32 $0x1B8B  }
0xa2: {  	_ =	swait.ge [sflag:s23], $0x1  }
0xa3: {  	[sflag:s23] =	ssyncset.done $0x0  }
0xa4: {  	s25 =	simm.s32 $0x1B8E;
	s24 =	sld [smem:$0x3FFE];
	[sflag:s23] =	ssyncadd.s32 $0xFFFFFFFF  }
0xa5: {  	s26 =	simm.s32 $execute0_lowered;
	[smem:$0x3FD2] =	sst s25  }
0xa6: {  	s5 =	sshll.u32 s26, $0x1;
	_ =	strace $0x80000046;
	[dreg:$0x1] =	wrdreg $0xFFFFFFFF  }
0xa7: {  	s28 =	simm.s32 $_size_execute0_lowered;
	s3 =	sadd.s32 s3, s5;
	[dreg:$0x0] =	wrdreg $0x0  }
0xa8: {  	s5 =	sshll.u32 s28, $0x1;
	[dreg:$0x2] =	wrdreg s3  }
0xa9: {  	[dreg:$0x3] =	wrdreg s5  }
0xaa: {  	[dreg:$0x4] =	wrdreg $0xC0  }
0xab: {  	_ =	task [dreg:s7], $0x5FFFF  }
0xac: {  	[dreg:$0x1] =	wrdreg $0xFFFFFFFF  }
0xad: {  	[dreg:$0x0] =	wrdreg $0x60  }
0xae: {  	[dreg:$0x2] =	wrdreg s24  }
0xaf: {  	[dreg:$0x3] =	wrdreg s2  }
0xb0: {  	[dreg:$0x4] =	wrdreg $0x9  }
0xb1: {  	_ =	task.clear_ibuf [dreg:s7], $0x5FFFF;
	_ =	strace $0x90000046  }
0xb2: {  	s29 =	simm.s32 $0x9;
	_ =	strace $0x80000048  }
0xb3: {  	_ =	swait.ge [sflag:s29], $0x1  }
0xb4: {  	[sflag:s29] =	ssyncadd.s32 $0xFFFFFFFF  }
0xb5: {  	_ =	strace $0x90000048  }
0xb6: {  	_ =	sfence  }
0xb7: {  	s30 =	sld [smem:$0x0];
	_ =	sdelay $0x2  }
0xb8: {  	s31 =	sshll.u32 s1, $0xD;
	s1 =	sshrl.u32 s1, $0x2  }
0xb9: {  	s3 =	sand.u32 $0x4000, s31;
	s1 =	sadd.s32 s1, s30  }
0xba: {  	s0 =	sor.u32 s3, s0;
	s1 =	sshll.u32 s1, $0x11  }
0xbb: {  	s0 =	sor.u32 s1, s0  }
0xbc: {  	s0 =	sadd.s32 $0x8F2B, s0  }
0xbd: {  	[sflag:s0] =	ssyncadd.remote.s32 $0x1  }
0xbe: {  	_ =	sfence.sel $0xFFFF  }
0xbf: {  	[dreg:$0x0] =	wrdreg $0xFFFFFFFF;
	(pc) =	sbr.abs _section_cstart, $3  }
0xc0: {  	[dreg:$0x1] =	wrdreg $0xFFFFFFFF  }
0xc1: {  	_ =	task.clear_ibuf [dreg:s7], $0x2FFFF;
	_ =	strace $0x9FFFFFFF  }
0xc2: {  	(tm) =	ssettm $0x7FFFFFFF  }
0xc3: {  	_ =	shalt  }
tec
execute0_lowered:
.L_overlay_start_1:
0x0: {  	(tag) =	ssettag $0x1  }
0x1: {  	s0 =	srdreg.scid;
	s2 =	stileid.u32  }
0x2: {  	s1 =	sand.u32 $0x1, s0;
	s6 =	sshll.u32 s2, $0x1  }
0x3: {  	s0 =	sor.u32 s1, s6  }
0x4: {  	s3 =	rddreg [dreg:$0x0];
	s5 =	smul.u32 $0x320, s0  }
0x5: {  	s4 =	rddreg [dreg:$0x1];
	s2 =	simm.s32 $0x0;
	s6 =	smul.u32 $0xC800, s0  }
0x6: {  	[smem:$0x7FF] =	sst s2;
	s0 =	smul.u32 $0x64000, s0  }
0x7: {  	_ =	strace $0x80000047;
	s5 =	sadd.s32 s5, s3;
	s6 =	sadd.s32 s4, s6  }
0x8: {  	s0 =	sshrl.u32 s0, $0x3;
	s5 =	sadd.s32 $0xA00, s5;
	[smem:$0x7B8] =	sst s6  }
0x9: {  	s7 =	sadd.s32 $0x400, s6;
	s4 =	sadd.s32 s4, s0;
	[dreg:$0x3] =	wrdreg s5  }
0xa: {  	[dreg:$0x4] =	wrdreg s7;
	s0 =	sadd.s32 $0x800, s4  }
0xb: {  	s8 =	sadd.s32 $0xC00, s4;
	[dreg:$0x5] =	wrdreg s0  }
0xc: {  	s9 =	sadd.s32 $0x1000, s4;
	[dreg:$0x6] =	wrdreg s8  }
0xd: {  	s10 =	sadd.s32 $0x1400, s4;
	[dreg:$0x7] =	wrdreg s9  }
0xe: {  	s11 =	sadd.s32 $0x1800, s4;
	[dreg:$0x8] =	wrdreg s10  }
0xf: {  	s12 =	sadd.s32 $0x1C00, s4;
	[dreg:$0x9] =	wrdreg s11  }
0x10: {  	s13 =	sadd.s32 $0x2000, s4;
	[dreg:$0xa] =	wrdreg s12  }
0x11: {  	s14 =	sadd.s32 $0x2400, s4;
	[dreg:$0xb] =	wrdreg s13  }
0x12: {  	s15 =	sadd.s32 $0x2800, s4;
	[dreg:$0xc] =	wrdreg s14  }
0x13: {  	s16 =	sadd.s32 $0x2C00, s4;
	[dreg:$0xd] =	wrdreg s15  }
0x14: {  	s17 =	sadd.s32 $0x3000, s4;
	[dreg:$0xe] =	wrdreg s16  }
0x15: {  	s18 =	sadd.s32 $0x3400, s4;
	[dreg:$0xf] =	wrdreg s17  }
0x16: {  	s19 =	sadd.s32 $0x3800, s4;
	[dreg:$0x10] =	wrdreg s18  }
0x17: {  	s20 =	sadd.s32 $0x3C00, s4;
	[dreg:$0x11] =	wrdreg s19  }
0x18: {  	s21 =	sadd.s32 $0x4000, s4;
	[dreg:$0x12] =	wrdreg s20  }
0x19: {  	s22 =	sadd.s32 $0x4400, s4;
	[dreg:$0x13] =	wrdreg s21  }
0x1a: {  	s23 =	sadd.s32 $0x4800, s4;
	[dreg:$0x14] =	wrdreg s22  }
0x1b: {  	s24 =	sadd.s32 $0x4C00, s4;
	[dreg:$0x15] =	wrdreg s23  }
0x1c: {  	s25 =	sadd.s32 $0x5000, s4;
	[dreg:$0x16] =	wrdreg s24  }
0x1d: {  	s26 =	sadd.s32 $0x5400, s4;
	[dreg:$0x17] =	wrdreg s25  }
0x1e: {  	s5 =	sadd.s32 $0x5800, s4;
	[dreg:$0x18] =	wrdreg s26  }
0x1f: {  	s6 =	sadd.s32 $0x5C00, s4;
	[dreg:$0x19] =	wrdreg s5  }
0x20: {  	s7 =	sadd.s32 $0x6000, s4;
	[dreg:$0x1a] =	wrdreg s6  }
0x21: {  	[dreg:$0x1b] =	wrdreg s7  }
0x22: {  	s8 =	sadd.s32 $0x6400, s4;
	s0 =	rddreg [dreg:$0x3]  }
0x23: {  	s9 =	sadd.s32 $0x6800, s4;
	[dreg:$0x1c] =	wrdreg s8  }
0x24: {  	s10 =	sadd.s32 $0x6C00, s4;
	[dreg:$0x1d] =	wrdreg s9  }
0x25: {  	s11 =	sadd.s32 $0x7000, s4;
	[dreg:$0x1e] =	wrdreg s10  }
0x26: {  	s12 =	sadd.s32 $0x7400, s4;
	[dreg:$0x1f] =	wrdreg s11  }
0x27: {  	s13 =	sadd.s32 $0x7800, s4;
	[smem:$0x7B9] =	sst s12  }
0x28: {  	s14 =	sadd.s32 $0x7C00, s4;
	[smem:$0x7BA] =	sst s13  }
0x29: {  	s15 =	sadd.s32 $0x8000, s4;
	[smem:$0x7BB] =	sst s14  }
0x2a: {  	s16 =	sadd.s32 $0x8400, s4;
	[smem:$0x7BC] =	sst s15  }
0x2b: {  	s17 =	sadd.s32 $0x8800, s4;
	[smem:$0x7BD] =	sst s16  }
0x2c: {  	s18 =	sadd.s32 $0x8C00, s4;
	[smem:$0x7BE] =	sst s17  }
0x2d: {  	s19 =	sadd.s32 $0x9000, s4;
	[smem:$0x7BF] =	sst s18  }
0x2e: {  	s20 =	sadd.s32 $0x9400, s4;
	[smem:$0x7C0] =	sst s19  }
0x2f: {  	s21 =	sadd.s32 $0x9800, s4;
	[smem:$0x7C1] =	sst s20  }
0x30: {  	s22 =	sadd.s32 $0x9C00, s4;
	[smem:$0x7C2] =	sst s21  }
0x31: {  	s23 =	sadd.s32 $0xA000, s4;
	[smem:$0x7C3] =	sst s22  }
0x32: {  	s24 =	sadd.s32 $0xA400, s4;
	[smem:$0x7C4] =	sst s23  }
0x33: {  	s25 =	sadd.s32 $0xA800, s4;
	[smem:$0x7C5] =	sst s24  }
0x34: {  	s26 =	sadd.s32 $0xAC00, s4;
	[smem:$0x7C6] =	sst s25  }
0x35: {  	s5 =	sadd.s32 $0xB000, s4;
	[smem:$0x7C7] =	sst s26  }
0x36: {  	s6 =	sadd.s32 $0xB400, s4;
	[smem:$0x7C8] =	sst s5  }
0x37: {  	s7 =	sadd.s32 $0xB800, s4;
	[smem:$0x7C9] =	sst s6  }
0x38: {  	[smem:$0x7CA] =	sst s7;
	s8 =	sadd.s32 $0xBC00, s4  }
0x39: {  	s9 =	sadd.s32 $0xC000, s4;
	[smem:$0x7CB] =	sst s8  }
0x3a: {  	s10 =	sadd.s32 $0xC400, s4;
	[smem:$0x7CC] =	sst s9  }
0x3b: {  	s11 =	simm.s32 $0x100;
	[smem:$0x7CD] =	sst s10  }
0x3c: {  	s12 =	simm.s32 $0x180;
	[smem:$0x7CE] =	sst s11  }
0x3d: {  	s13 =	simm.s32 $0x200;
	[smem:$0x7CF] =	sst s12  }
0x3e: {  	s14 =	simm.s32 $0x280;
	[smem:$0x7D0] =	sst s13  }
0x3f: {  	s15 =	simm.s32 $0x300;
	[smem:$0x7D1] =	sst s14  }
0x40: {  	s16 =	simm.s32 $0x380;
	[smem:$0x7D2] =	sst s15  }
0x41: {  	s17 =	simm.s32 $0x400;
	[smem:$0x7D3] =	sst s16  }
0x42: {  	s18 =	simm.s32 $0x480;
	[smem:$0x7D4] =	sst s17  }
0x43: {  	s19 =	simm.s32 $0x500;
	[smem:$0x7D5] =	sst s18  }
0x44: {  	s20 =	simm.s32 $0x580;
	[smem:$0x7D6] =	sst s19  }
0x45: {  	s21 =	simm.s32 $0x600;
	[smem:$0x7D7] =	sst s20  }
0x46: {  	s22 =	simm.s32 $0x680;
	[smem:$0x7D8] =	sst s21  }
0x47: {  	s23 =	simm.s32 $0x700;
	[smem:$0x7D9] =	sst s22  }
0x48: {  	s24 =	simm.s32 $0x780;
	[smem:$0x7DA] =	sst s23  }
0x49: {  	s25 =	simm.s32 $0x800;
	[smem:$0x7DB] =	sst s24  }
0x4a: {  	s26 =	simm.s32 $0x880;
	[smem:$0x7DC] =	sst s25  }
0x4b: {  	s4 =	simm.s32 $0x900;
	[smem:$0x7DD] =	sst s26  }
0x4c: {  	s5 =	simm.s32 $0x980;
	[smem:$0x7DE] =	sst s4  }
0x4d: {  	s6 =	simm.s32 $0xA00;
	[smem:$0x7DF] =	sst s5  }
0x4e: {  	s7 =	simm.s32 $0xA80;
	[smem:$0x7E0] =	sst s6  }
0x4f: {  	[smem:$0x7E1] =	sst s7;
	s8 =	simm.s32 $0xB00  }
0x50: {  	s31 =	simm.s32 $0x11;
	s9 =	simm.s32 $0xB80;
	[smem:$0x7E2] =	sst s8  }
0x51: {  	s29 =	simm.s32 $0x3;
	s10 =	simm.s32 $0xC00;
	[smem:$0x7E3] =	sst s9  }
0x52: {  	p0 =	por $0x0, $0x0;
	s11 =	simm.s32 $0xC80;
	[smem:$0x7E4] =	sst s10  }
0x53: {  	s28 =	simm.s32 $0x7;
	s12 =	simm.s32 $0xD00;
	[smem:$0x7E5] =	sst s11  }
0x54: {  	s1 =	ssub.s32 $0x2, s1;
	s13 =	simm.s32 $0xD80;
	[smem:$0x7E6] =	sst s12  }
0x55: {  	s7 =	sadd.s32 $0xF42E00, s3;
	s15 =	simm.s32 $0xE00;
	[smem:$0x7E7] =	sst s13  }
0x56: {  	s14 =	sshrl.u32 s1, $0x1;
	s16 =	simm.s32 $0xE80;
	[smem:$0x7E8] =	sst s15  }
0x57: {  	s17 =	simm.s32 $0xF00;
	s18 =	simm.s32 $0xF80;
	[smem:$0x7E9] =	sst s16  }
0x58: {  	s19 =	simm.s32 $0x1000;
	s4 =	simm.s32 $0x1900;
	[smem:$0x7EA] =	sst s17  }
0x59: {  	s20 =	simm.s32 $0x1080;
	s3 =	simm.s32 $0x3900;
	[smem:$0x7EB] =	sst s18  }
0x5a: {  	s21 =	simm.s32 $0x1100;
	s22 =	simm.s32 $0x1180;
	[smem:$0x7EC] =	sst s19  }
0x5b: {  	s23 =	simm.s32 $0x1200;
	s24 =	simm.s32 $0x1280;
	[smem:$0x7ED] =	sst s20  }
0x5c: {  	s25 =	simm.s32 $0x1300;
	s26 =	simm.s32 $0x1380;
	[smem:$0x7EE] =	sst s21  }
0x5d: {  	s5 =	simm.s32 $0x1400;
	s6 =	simm.s32 $0x1480;
	[smem:$0x7EF] =	sst s22  }
0x5e: {  	s1 =	ssub.s32 s1, s14;
	s10 =	simm.s32 $0x80;
	[smem:$0x7F0] =	sst s23  }
0x5f: {  	s20 =	simm.s32 $0x5900;
	s15 =	simm.s32 $0x7900;
	[smem:$0x7F1] =	sst s24  }
0x60: {  	s14 =	simm.s32 $0x9900;
	s13 =	simm.s32 $0xB900;
	[smem:$0x7F2] =	sst s25  }
0x61: {  	s11 =	simm.s32 $0xD900;
	s8 =	simm.s32 $0x1;
	[smem:$0x7F3] =	sst s26  }
0x62: {  	s12 =	simm.s32 $0xF900;
	[smem:$0x7F4] =	sst s5;
	s9 =	simm.s32 $0x2  }
0x63: {  	[smem:$0x7F5] =	sst s6;
	s16 =	simm.s32 $0x1500;
	s5 =	simm.s32 $0x9  }
0x64: {  	s17 =	simm.s32 $0x1580;
	s18 =	simm.s32 $0x1600;
	[smem:$0x7F6] =	sst s16  }
0x65: {  	s6 =	simm.s32 $0xA;
	s19 =	simm.s32 $0x1680;
	[smem:$0x7F7] =	sst s17  }
0x66: {  	s23 =	simm.s32 $0x4;
	s21 =	simm.s32 $0x1700;
	[smem:$0x7F8] =	sst s18  }
0x67: {  	s22 =	simm.s32 $0x1780;
	s1 =	smax.u32 s1, $0x1;
	[smem:$0x7F9] =	sst s19  }
0x68: {  	s25 =	simm.s32 $0x5;
	[smem:$0x7FA] =	sst s21;
	p1 =	sne.s32 s1, $0x1  }
.Ltmp0:
0x69: {  	s24 =	simm.s32 $0x1800;
	[smem:$0x7FB] =	sst s22;
	(pc) =	sbr.rel @!p1 .LBB2_1-.Ltmp0, $4  }
0x6a: {  	s26 =	simm.s32 $0x1880;
	s16 =	simm.s32 $0xB;
	[smem:$0x7FC] =	sst s24  }
0x6b: {  	s17 =	simm.s32 $0xC;
	[smem:$0x7FD] =	sst s26;
	s26 =	simm.s32 $0x6  }
0x6c: {  	s22 =	simm.s32 $0xD;
	s21 =	simm.s32 $0xE;
	s24 =	simm.s32 $0x8  }
0x6d: {  	s19 =	simm.s32 $0xF;
	s18 =	simm.s32 $0x10;
	s30 =	sadd.s32 $0xFFFFFFFF, s1  }
0x6e: {  	[tilespmem:s2], [sflag:$0x11] =	stream.linear.gather [hbm4b:s0+s2], $0x1900, $0x38;
	[tilespmem:$0x11900] =	vst v63  }
0x6f: {  	_ =	swait.ge [sflag:s31], $0x1900  }
0x70: {  	[sflag:s31] =	ssyncset.done $0x0  }
0x71: {  	[sflag:s31] =	ssyncadd.s32 $0xFFFFE700  }
0x72: {  	[tilespmem:s4], [sflag:$0x1] =	stream.indirect.gather [hbm4b:s7+s10], $0x40, s2, s10, $0xb8;
	[tilespmem:$0x11900] =	vst v63  }
0x73: {  	s0 =	sld [smem:$0x7CE]  }
0x74: {  	[tilespmem:s3], [sflag:$0x2] =	stream.indirect.gather [hbm4b:s7+s10], $0x40, s10, s10, $0xb8;
	[tilespmem:$0x11900] =	vst v63  }
0x75: {  	s1 =	sld [smem:$0x7CF]  }
0x76: {  	[tilespmem:s20], [sflag:$0x3] =	stream.indirect.gather [hbm4b:s7+s10], $0x40, s0, s10, $0xb8;
	[tilespmem:$0x11900] =	vst v63  }
0x77: {  	s0 =	sld [smem:$0x7D0]  }
0x78: {  	[tilespmem:s15], [sflag:$0x4] =	stream.indirect.gather [hbm4b:s7+s10], $0x40, s1, s10, $0xb8;
	[tilespmem:$0x11900] =	vst v63  }
0x79: {  	s1 =	sld [smem:$0x7D1]  }
0x7a: {  	[tilespmem:s14], [sflag:$0x5] =	stream.indirect.gather [hbm4b:s7+s10], $0x40, s0, s10, $0xb8;
	[tilespmem:$0x11900] =	vst v63  }
0x7b: {  	s0 =	sld [smem:$0x7D2]  }
0x7c: {  	[tilespmem:s13], [sflag:$0x6] =	stream.indirect.gather [hbm4b:s7+s10], $0x40, s1, s10, $0xb8;
	[tilespmem:$0x11900] =	vst v63  }
0x7d: {  	_ = 	snop  }
0x7e: {  	[tilespmem:s11], [sflag:$0x7] =	stream.indirect.gather [hbm4b:s7+s10], $0x40, s0, s10, $0xb8;
	[tilespmem:$0x11900] =	vst v63  }
0x7f: {  	_ =	swait.ge [sflag:s8], $0x2000  }
0x80: {  	s1 =	sld [smem:$0x7B8]  }
0x81: {  	[sflag:s8] =	ssyncset.done $0x0  }
0x82: {  	s0 =	sld [smem:$0x7D3];
	[sflag:s8] =	ssyncadd.s32 $0xFFFFE000  }
0x83: {  	[hbm4b:s1+s2] =	stream.linear.scatter [tilespmem:s4], [sflag:$0x9], $0x2000, $0x38;
	[tilespmem:$0x11900] =	vst v63  }
0x84: {  	_ = 	snop  }
0x85: {  	[tilespmem:s12], [sflag:$0x8] =	stream.indirect.gather [hbm4b:s7+s10], $0x40, s0, s10, $0xb8;
	[tilespmem:$0x11900] =	vst v63  }
0x86: {  	_ =	swait.ge [sflag:s9], $0x2000  }
0x87: {  	[sflag:s9] =	ssyncset.done $0x0  }
0x88: {  	s1 =	rddreg [dreg:$0x4];
	[sflag:s9] =	ssyncadd.s32 $0xFFFFE000  }
0x89: {  	[hbm4b:s1+s2] =	stream.linear.scatter [tilespmem:s3], [sflag:$0xA], $0x2000, $0x38;
	[tilespmem:$0x11900] =	vst v63  }
0x8a: {  	_ =	swait.ge [sflag:s5], $0x2000  }
0x8b: {  	s1 =	sld [smem:$0x7D4]  }
0x8c: {  	[sflag:s5] =	ssyncset.done $0x0  }
0x8d: {  	[sflag:s5] =	ssyncadd.s32 $0xFFFFE000  }
0x8e: {  	[tilespmem:s4], [sflag:$0x1] =	stream.indirect.gather [hbm4b:s7+s10], $0x40, s1, s10, $0xb8;
	[tilespmem:$0x11900] =	vst v63  }
0x8f: {  	_ =	swait.ge [sflag:s29], $0x2000  }
0x90: {  	[sflag:s29] =	ssyncset.done $0x0  }
0x91: {  	s1 =	rddreg [dreg:$0x5];
	[sflag:s29] =	ssyncadd.s32 $0xFFFFE000  }
0x92: {  	[hbm4b:s1+s2] =	stream.linear.scatter [tilespmem:s20], [sflag:$0xB], $0x2000, $0x38;
	[tilespmem:$0x11900] =	vst v63  }
0x93: {  	_ =	swait.ge [sflag:s6], $0x2000  }
0x94: {  	s1 =	sld [smem:$0x7D5]  }
0x95: {  	[sflag:s6] =	ssyncset.done $0x0  }
0x96: {  	[sflag:s6] =	ssyncadd.s32 $0xFFFFE000  }
0x97: {  	[tilespmem:s3], [sflag:$0x2] =	stream.indirect.gather [hbm4b:s7+s10], $0x40, s1, s10, $0xb8;
	[tilespmem:$0x11900] =	vst v63  }
0x98: {  	_ =	swait.ge [sflag:s23], $0x2000  }
0x99: {  	[sflag:s23] =	ssyncset.done $0x0  }
0x9a: {  	s1 =	rddreg [dreg:$0x6];
	[sflag:s23] =	ssyncadd.s32 $0xFFFFE000  }
0x9b: {  	[hbm4b:s1+s2] =	stream.linear.scatter [tilespmem:s15], [sflag:$0xC], $0x2000, $0x38;
	[tilespmem:$0x11900] =	vst v63  }
0x9c: {  	_ =	swait.ge [sflag:s16], $0x2000  }
0x9d: {  	s1 =	sld [smem:$0x7D6]  }
0x9e: {  	[sflag:s16] =	ssyncset.done $0x0  }
0x9f: {  	[sflag:s16] =	ssyncadd.s32 $0xFFFFE000  }
0xa0: {  	[tilespmem:s20], [sflag:$0x3] =	stream.indirect.gather [hbm4b:s7+s10], $0x40, s1, s10, $0xb8;
	[tilespmem:$0x11900] =	vst v63  }
0xa1: {  	_ =	swait.ge [sflag:s25], $0x2000  }
0xa2: {  	[sflag:s25] =	ssyncset.done $0x0  }
0xa3: {  	s1 =	rddreg [dreg:$0x7];
	[sflag:s25] =	ssyncadd.s32 $0xFFFFE000  }
0xa4: {  	[hbm4b:s1+s2] =	stream.linear.scatter [tilespmem:s14], [sflag:$0xD], $0x2000, $0x38;
	[tilespmem:$0x11900] =	vst v63  }
0xa5: {  	_ =	swait.ge [sflag:s17], $0x2000  }
0xa6: {  	s1 =	sld [smem:$0x7D7]  }
0xa7: {  	[sflag:s17] =	ssyncset.done $0x0  }
0xa8: {  	[sflag:s17] =	ssyncadd.s32 $0xFFFFE000  }
0xa9: {  	[tilespmem:s15], [sflag:$0x4] =	stream.indirect.gather [hbm4b:s7+s10], $0x40, s1, s10, $0xb8;
	[tilespmem:$0x11900] =	vst v63  }
0xaa: {  	_ =	swait.ge [sflag:s26], $0x2000  }
0xab: {  	[sflag:s26] =	ssyncset.done $0x0  }
0xac: {  	s1 =	rddreg [dreg:$0x8];
	[sflag:s26] =	ssyncadd.s32 $0xFFFFE000  }
0xad: {  	[hbm4b:s1+s2] =	stream.linear.scatter [tilespmem:s13], [sflag:$0xE], $0x2000, $0x38;
	[tilespmem:$0x11900] =	vst v63  }
0xae: {  	_ =	swait.ge [sflag:s22], $0x2000  }
0xaf: {  	s1 =	sld [smem:$0x7D8]  }
0xb0: {  	[sflag:s22] =	ssyncset.done $0x0  }
0xb1: {  	[sflag:s22] =	ssyncadd.s32 $0xFFFFE000  }
0xb2: {  	[tilespmem:s14], [sflag:$0x5] =	stream.indirect.gather [hbm4b:s7+s10], $0x40, s1, s10, $0xb8;
	[tilespmem:$0x11900] =	vst v63  }
0xb3: {  	_ =	swait.ge [sflag:s28], $0x2000  }
0xb4: {  	[sflag:s28] =	ssyncset.done $0x0  }
0xb5: {  	s1 =	rddreg [dreg:$0x9];
	[sflag:s28] =	ssyncadd.s32 $0xFFFFE000  }
0xb6: {  	[hbm4b:s1+s2] =	stream.linear.scatter [tilespmem:s11], [sflag:$0xF], $0x2000, $0x38;
	[tilespmem:$0x11900] =	vst v63  }
0xb7: {  	_ =	swait.ge [sflag:s21], $0x2000  }
0xb8: {  	s1 =	sld [smem:$0x7D9]  }
0xb9: {  	[sflag:s21] =	ssyncset.done $0x0  }
0xba: {  	[sflag:s21] =	ssyncadd.s32 $0xFFFFE000  }
0xbb: {  	[tilespmem:s13], [sflag:$0x6] =	stream.indirect.gather [hbm4b:s7+s10], $0x40, s1, s10, $0xb8;
	[tilespmem:$0x11900] =	vst v63  }
0xbc: {  	_ =	swait.ge [sflag:s24], $0x2000  }
0xbd: {  	[sflag:s24] =	ssyncset.done $0x0  }
0xbe: {  	s1 =	rddreg [dreg:$0xa];
	[sflag:s24] =	ssyncadd.s32 $0xFFFFE000  }
0xbf: {  	[hbm4b:s1+s2] =	stream.linear.scatter [tilespmem:s12], [sflag:$0x10], $0x2000, $0x38;
	[tilespmem:$0x11900] =	vst v63  }
0xc0: {  	_ =	swait.ge [sflag:s19], $0x2000  }
0xc1: {  	s1 =	sld [smem:$0x7DA]  }
0xc2: {  	[sflag:s19] =	ssyncset.done $0x0  }
0xc3: {  	[sflag:s19] =	ssyncadd.s32 $0xFFFFE000  }
0xc4: {  	[tilespmem:s11], [sflag:$0x7] =	stream.indirect.gather [hbm4b:s7+s10], $0x40, s1, s10, $0xb8;
	[tilespmem:$0x11900] =	vst v63  }
0xc5: {  	_ =	swait.ge [sflag:s8], $0x2000  }
0xc6: {  	[sflag:s8] =	ssyncset.done $0x0  }
0xc7: {  	s1 =	rddreg [dreg:$0xb];
	[sflag:s8] =	ssyncadd.s32 $0xFFFFE000  }
0xc8: {  	[hbm4b:s1+s2] =	stream.linear.scatter [tilespmem:s4], [sflag:$0x9], $0x2000, $0x38;
	[tilespmem:$0x11900] =	vst v63  }
0xc9: {  	_ =	swait.ge [sflag:s18], $0x2000  }
0xca: {  	s1 =	sld [smem:$0x7DB]  }
0xcb: {  	[sflag:s18] =	ssyncset.done $0x0  }
0xcc: {  	[sflag:s18] =	ssyncadd.s32 $0xFFFFE000  }
0xcd: {  	[tilespmem:s12], [sflag:$0x8] =	stream.indirect.gather [hbm4b:s7+s10], $0x40, s1, s10, $0xb8;
	[tilespmem:$0x11900] =	vst v63  }
0xce: {  	_ =	swait.ge [sflag:s9], $0x2000  }
0xcf: {  	[sflag:s9] =	ssyncset.done $0x0  }
0xd0: {  	s1 =	rddreg [dreg:$0xc];
	[sflag:s9] =	ssyncadd.s32 $0xFFFFE000  }
0xd1: {  	[hbm4b:s1+s2] =	stream.linear.scatter [tilespmem:s3], [sflag:$0xA], $0x2000, $0x38;
	[tilespmem:$0x11900] =	vst v63  }
0xd2: {  	_ =	swait.ge [sflag:s5], $0x2000  }
0xd3: {  	s1 =	sld [smem:$0x7DC]  }
0xd4: {  	[sflag:s5] =	ssyncset.done $0x0  }
0xd5: {  	[sflag:s5] =	ssyncadd.s32 $0xFFFFE000  }
0xd6: {  	[tilespmem:s4], [sflag:$0x1] =	stream.indirect.gather [hbm4b:s7+s10], $0x40, s1, s10, $0xb8;
	[tilespmem:$0x11900] =	vst v63  }
0xd7: {  	_ =	swait.ge [sflag:s29], $0x2000  }
0xd8: {  	[sflag:s29] =	ssyncset.done $0x0  }
0xd9: {  	s1 =	rddreg [dreg:$0xd];
	[sflag:s29] =	ssyncadd.s32 $0xFFFFE000  }
0xda: {  	[hbm4b:s1+s2] =	stream.linear.scatter [tilespmem:s20], [sflag:$0xB], $0x2000, $0x38;
	[tilespmem:$0x11900] =	vst v63  }
0xdb: {  	_ =	swait.ge [sflag:s6], $0x2000  }
0xdc: {  	s1 =	sld [smem:$0x7DD]  }
0xdd: {  	[sflag:s6] =	ssyncset.done $0x0  }
0xde: {  	[sflag:s6] =	ssyncadd.s32 $0xFFFFE000  }
0xdf: {  	[tilespmem:s3], [sflag:$0x2] =	stream.indirect.gather [hbm4b:s7+s10], $0x40, s1, s10, $0xb8;
	[tilespmem:$0x11900] =	vst v63  }
0xe0: {  	_ =	swait.ge [sflag:s23], $0x2000  }
0xe1: {  	[sflag:s23] =	ssyncset.done $0x0  }
0xe2: {  	s1 =	rddreg [dreg:$0xe];
	[sflag:s23] =	ssyncadd.s32 $0xFFFFE000  }
0xe3: {  	[hbm4b:s1+s2] =	stream.linear.scatter [tilespmem:s15], [sflag:$0xC], $0x2000, $0x38;
	[tilespmem:$0x11900] =	vst v63  }
0xe4: {  	_ =	swait.ge [sflag:s16], $0x2000  }
0xe5: {  	s1 =	sld [smem:$0x7DE]  }
0xe6: {  	[sflag:s16] =	ssyncset.done $0x0  }
0xe7: {  	[sflag:s16] =	ssyncadd.s32 $0xFFFFE000  }
0xe8: {  	[tilespmem:s20], [sflag:$0x3] =	stream.indirect.gather [hbm4b:s7+s10], $0x40, s1, s10, $0xb8;
	[tilespmem:$0x11900] =	vst v63  }
0xe9: {  	_ =	swait.ge [sflag:s25], $0x2000  }
0xea: {  	[sflag:s25] =	ssyncset.done $0x0  }
0xeb: {  	s1 =	rddreg [dreg:$0xf];
	[sflag:s25] =	ssyncadd.s32 $0xFFFFE000  }
0xec: {  	[hbm4b:s1+s2] =	stream.linear.scatter [tilespmem:s14], [sflag:$0xD], $0x2000, $0x38;
	[tilespmem:$0x11900] =	vst v63  }
0xed: {  	_ =	swait.ge [sflag:s17], $0x2000  }
0xee: {  	s1 =	sld [smem:$0x7DF]  }
0xef: {  	[sflag:s17] =	ssyncset.done $0x0  }
0xf0: {  	[sflag:s17] =	ssyncadd.s32 $0xFFFFE000  }
0xf1: {  	[tilespmem:s15], [sflag:$0x4] =	stream.indirect.gather [hbm4b:s7+s10], $0x40, s1, s10, $0xb8;
	[tilespmem:$0x11900] =	vst v63  }
0xf2: {  	_ =	swait.ge [sflag:s26], $0x2000  }
0xf3: {  	[sflag:s26] =	ssyncset.done $0x0  }
0xf4: {  	s1 =	rddreg [dreg:$0x10];
	[sflag:s26] =	ssyncadd.s32 $0xFFFFE000  }
0xf5: {  	[hbm4b:s1+s2] =	stream.linear.scatter [tilespmem:s13], [sflag:$0xE], $0x2000, $0x38;
	[tilespmem:$0x11900] =	vst v63  }
0xf6: {  	_ =	swait.ge [sflag:s22], $0x2000  }
0xf7: {  	s1 =	sld [smem:$0x7E0]  }
0xf8: {  	[sflag:s22] =	ssyncset.done $0x0  }
0xf9: {  	[sflag:s22] =	ssyncadd.s32 $0xFFFFE000  }
0xfa: {  	[tilespmem:s14], [sflag:$0x5] =	stream.indirect.gather [hbm4b:s7+s10], $0x40, s1, s10, $0xb8;
	[tilespmem:$0x11900] =	vst v63  }
0xfb: {  	_ =	swait.ge [sflag:s28], $0x2000  }
0xfc: {  	[sflag:s28] =	ssyncset.done $0x0  }
0xfd: {  	s1 =	rddreg [dreg:$0x11];
	[sflag:s28] =	ssyncadd.s32 $0xFFFFE000  }
0xfe: {  	[hbm4b:s1+s2] =	stream.linear.scatter [tilespmem:s11], [sflag:$0xF], $0x2000, $0x38;
	[tilespmem:$0x11900] =	vst v63  }
0xff: {  	_ =	swait.ge [sflag:s21], $0x2000  }
0x100: {  	s1 =	sld [smem:$0x7E1]  }
0x101: {  	[sflag:s21] =	ssyncset.done $0x0  }
0x102: {  	[sflag:s21] =	ssyncadd.s32 $0xFFFFE000  }
0x103: {  	[tilespmem:s13], [sflag:$0x6] =	stream.indirect.gather [hbm4b:s7+s10], $0x40, s1, s10, $0xb8;
	[tilespmem:$0x11900] =	vst v63  }
0x104: {  	_ =	swait.ge [sflag:s24], $0x2000  }
0x105: {  	[sflag:s24] =	ssyncset.done $0x0  }
0x106: {  	s1 =	rddreg [dreg:$0x12];
	[sflag:s24] =	ssyncadd.s32 $0xFFFFE000  }
0x107: {  	[hbm4b:s1+s2] =	stream.linear.scatter [tilespmem:s12], [sflag:$0x10], $0x2000, $0x38;
	[tilespmem:$0x11900] =	vst v63  }
0x108: {  	_ =	swait.ge [sflag:s19], $0x2000  }
0x109: {  	s1 =	sld [smem:$0x7E2]  }
0x10a: {  	[sflag:s19] =	ssyncset.done $0x0  }
0x10b: {  	[sflag:s19] =	ssyncadd.s32 $0xFFFFE000  }
0x10c: {  	[tilespmem:s11], [sflag:$0x7] =	stream.indirect.gather [hbm4b:s7+s10], $0x40, s1, s10, $0xb8;
	[tilespmem:$0x11900] =	vst v63  }
0x10d: {  	_ =	swait.ge [sflag:s8], $0x2000  }
0x10e: {  	[sflag:s8] =	ssyncset.done $0x0  }
0x10f: {  	s1 =	rddreg [dreg:$0x13];
	[sflag:s8] =	ssyncadd.s32 $0xFFFFE000  }
0x110: {  	[hbm4b:s1+s2] =	stream.linear.scatter [tilespmem:s4], [sflag:$0x9], $0x2000, $0x38;
	[tilespmem:$0x11900] =	vst v63  }
0x111: {  	_ =	swait.ge [sflag:s18], $0x2000  }
0x112: {  	s1 =	sld [smem:$0x7E3]  }
0x113: {  	[sflag:s18] =	ssyncset.done $0x0  }
0x114: {  	[sflag:s18] =	ssyncadd.s32 $0xFFFFE000  }
0x115: {  	[tilespmem:s12], [sflag:$0x8] =	stream.indirect.gather [hbm4b:s7+s10], $0x40, s1, s10, $0xb8;
	[tilespmem:$0x11900] =	vst v63  }
0x116: {  	_ =	swait.ge [sflag:s9], $0x2000  }
0x117: {  	[sflag:s9] =	ssyncset.done $0x0  }
0x118: {  	s1 =	rddreg [dreg:$0x14];
	[sflag:s9] =	ssyncadd.s32 $0xFFFFE000  }
0x119: {  	[hbm4b:s1+s2] =	stream.linear.scatter [tilespmem:s3], [sflag:$0xA], $0x2000, $0x38;
	[tilespmem:$0x11900] =	vst v63  }
0x11a: {  	_ =	swait.ge [sflag:s5], $0x2000  }
0x11b: {  	s1 =	sld [smem:$0x7E4]  }
0x11c: {  	[sflag:s5] =	ssyncset.done $0x0  }
0x11d: {  	[sflag:s5] =	ssyncadd.s32 $0xFFFFE000  }
0x11e: {  	[tilespmem:s4], [sflag:$0x1] =	stream.indirect.gather [hbm4b:s7+s10], $0x40, s1, s10, $0xb8;
	[tilespmem:$0x11900] =	vst v63  }
0x11f: {  	_ =	swait.ge [sflag:s29], $0x2000  }
0x120: {  	[sflag:s29] =	ssyncset.done $0x0  }
0x121: {  	s1 =	rddreg [dreg:$0x15];
	[sflag:s29] =	ssyncadd.s32 $0xFFFFE000  }
0x122: {  	[hbm4b:s1+s2] =	stream.linear.scatter [tilespmem:s20], [sflag:$0xB], $0x2000, $0x38;
	[tilespmem:$0x11900] =	vst v63  }
0x123: {  	_ =	swait.ge [sflag:s6], $0x2000  }
0x124: {  	s1 =	sld [smem:$0x7E5]  }
0x125: {  	[sflag:s6] =	ssyncset.done $0x0  }
0x126: {  	[sflag:s6] =	ssyncadd.s32 $0xFFFFE000  }
0x127: {  	[tilespmem:s3], [sflag:$0x2] =	stream.indirect.gather [hbm4b:s7+s10], $0x40, s1, s10, $0xb8;
	[tilespmem:$0x11900] =	vst v63  }
0x128: {  	_ =	swait.ge [sflag:s23], $0x2000  }
0x129: {  	[sflag:s23] =	ssyncset.done $0x0  }
0x12a: {  	s1 =	rddreg [dreg:$0x16];
	[sflag:s23] =	ssyncadd.s32 $0xFFFFE000  }
0x12b: {  	[hbm4b:s1+s2] =	stream.linear.scatter [tilespmem:s15], [sflag:$0xC], $0x2000, $0x38;
	[tilespmem:$0x11900] =	vst v63  }
0x12c: {  	_ =	swait.ge [sflag:s16], $0x2000  }
0x12d: {  	s1 =	sld [smem:$0x7E6]  }
0x12e: {  	[sflag:s16] =	ssyncset.done $0x0  }
0x12f: {  	[sflag:s16] =	ssyncadd.s32 $0xFFFFE000  }
0x130: {  	[tilespmem:s20], [sflag:$0x3] =	stream.indirect.gather [hbm4b:s7+s10], $0x40, s1, s10, $0xb8;
	[tilespmem:$0x11900] =	vst v63  }
0x131: {  	_ =	swait.ge [sflag:s25], $0x2000  }
0x132: {  	[sflag:s25] =	ssyncset.done $0x0  }
0x133: {  	s1 =	rddreg [dreg:$0x17];
	[sflag:s25] =	ssyncadd.s32 $0xFFFFE000  }
0x134: {  	[hbm4b:s1+s2] =	stream.linear.scatter [tilespmem:s14], [sflag:$0xD], $0x2000, $0x38;
	[tilespmem:$0x11900] =	vst v63  }
0x135: {  	_ =	swait.ge [sflag:s17], $0x2000  }
0x136: {  	s1 =	sld [smem:$0x7E7]  }
0x137: {  	[sflag:s17] =	ssyncset.done $0x0  }
0x138: {  	[sflag:s17] =	ssyncadd.s32 $0xFFFFE000  }
0x139: {  	[tilespmem:s15], [sflag:$0x4] =	stream.indirect.gather [hbm4b:s7+s10], $0x40, s1, s10, $0xb8;
	[tilespmem:$0x11900] =	vst v63  }
0x13a: {  	_ =	swait.ge [sflag:s26], $0x2000  }
0x13b: {  	[sflag:s26] =	ssyncset.done $0x0  }
0x13c: {  	s1 =	rddreg [dreg:$0x18];
	[sflag:s26] =	ssyncadd.s32 $0xFFFFE000  }
0x13d: {  	[hbm4b:s1+s2] =	stream.linear.scatter [tilespmem:s13], [sflag:$0xE], $0x2000, $0x38;
	[tilespmem:$0x11900] =	vst v63  }
0x13e: {  	_ =	swait.ge [sflag:s22], $0x2000  }
0x13f: {  	s1 =	sld [smem:$0x7E8]  }
0x140: {  	[sflag:s22] =	ssyncset.done $0x0  }
0x141: {  	[sflag:s22] =	ssyncadd.s32 $0xFFFFE000  }
0x142: {  	[tilespmem:s14], [sflag:$0x5] =	stream.indirect.gather [hbm4b:s7+s10], $0x40, s1, s10, $0xb8;
	[tilespmem:$0x11900] =	vst v63  }
0x143: {  	_ =	swait.ge [sflag:s28], $0x2000  }
0x144: {  	[sflag:s28] =	ssyncset.done $0x0  }
0x145: {  	s1 =	rddreg [dreg:$0x19];
	[sflag:s28] =	ssyncadd.s32 $0xFFFFE000  }
0x146: {  	[hbm4b:s1+s2] =	stream.linear.scatter [tilespmem:s11], [sflag:$0xF], $0x2000, $0x38;
	[tilespmem:$0x11900] =	vst v63  }
0x147: {  	_ =	swait.ge [sflag:s21], $0x2000  }
0x148: {  	s1 =	sld [smem:$0x7E9]  }
0x149: {  	[sflag:s21] =	ssyncset.done $0x0  }
0x14a: {  	[sflag:s21] =	ssyncadd.s32 $0xFFFFE000  }
0x14b: {  	[tilespmem:s13], [sflag:$0x6] =	stream.indirect.gather [hbm4b:s7+s10], $0x40, s1, s10, $0xb8;
	[tilespmem:$0x11900] =	vst v63  }
0x14c: {  	_ =	swait.ge [sflag:s24], $0x2000  }
0x14d: {  	[sflag:s24] =	ssyncset.done $0x0  }
0x14e: {  	s1 =	rddreg [dreg:$0x1a];
	[sflag:s24] =	ssyncadd.s32 $0xFFFFE000  }
0x14f: {  	[hbm4b:s1+s2] =	stream.linear.scatter [tilespmem:s12], [sflag:$0x10], $0x2000, $0x38;
	[tilespmem:$0x11900] =	vst v63  }
0x150: {  	_ =	swait.ge [sflag:s19], $0x2000  }
0x151: {  	s1 =	sld [smem:$0x7EA]  }
0x152: {  	[sflag:s19] =	ssyncset.done $0x0  }
0x153: {  	[sflag:s19] =	ssyncadd.s32 $0xFFFFE000  }
0x154: {  	[tilespmem:s11], [sflag:$0x7] =	stream.indirect.gather [hbm4b:s7+s10], $0x40, s1, s10, $0xb8;
	[tilespmem:$0x11900] =	vst v63  }
0x155: {  	_ =	swait.ge [sflag:s8], $0x2000  }
0x156: {  	[sflag:s8] =	ssyncset.done $0x0  }
0x157: {  	s1 =	rddreg [dreg:$0x1b];
	[sflag:s8] =	ssyncadd.s32 $0xFFFFE000  }
0x158: {  	[hbm4b:s1+s2] =	stream.linear.scatter [tilespmem:s4], [sflag:$0x9], $0x2000, $0x38;
	[tilespmem:$0x11900] =	vst v63  }
0x159: {  	_ =	swait.ge [sflag:s18], $0x2000  }
0x15a: {  	s1 =	sld [smem:$0x7EB]  }
0x15b: {  	[sflag:s18] =	ssyncset.done $0x0  }
0x15c: {  	[sflag:s18] =	ssyncadd.s32 $0xFFFFE000  }
0x15d: {  	[tilespmem:s12], [sflag:$0x8] =	stream.indirect.gather [hbm4b:s7+s10], $0x40, s1, s10, $0xb8;
	[tilespmem:$0x11900] =	vst v63  }
0x15e: {  	_ =	swait.ge [sflag:s9], $0x2000  }
0x15f: {  	[sflag:s9] =	ssyncset.done $0x0  }
0x160: {  	s1 =	rddreg [dreg:$0x1c];
	[sflag:s9] =	ssyncadd.s32 $0xFFFFE000  }
0x161: {  	[hbm4b:s1+s2] =	stream.linear.scatter [tilespmem:s3], [sflag:$0xA], $0x2000, $0x38;
	[tilespmem:$0x11900] =	vst v63  }
0x162: {  	_ =	swait.ge [sflag:s5], $0x2000  }
0x163: {  	s1 =	sld [smem:$0x7EC]  }
0x164: {  	[sflag:s5] =	ssyncset.done $0x0  }
0x165: {  	[sflag:s5] =	ssyncadd.s32 $0xFFFFE000  }
0x166: {  	[tilespmem:s4], [sflag:$0x1] =	stream.indirect.gather [hbm4b:s7+s10], $0x40, s1, s10, $0xb8;
	[tilespmem:$0x11900] =	vst v63  }
0x167: {  	_ =	swait.ge [sflag:s29], $0x2000  }
0x168: {  	[sflag:s29] =	ssyncset.done $0x0  }
0x169: {  	s1 =	rddreg [dreg:$0x1d];
	[sflag:s29] =	ssyncadd.s32 $0xFFFFE000  }
0x16a: {  	[hbm4b:s1+s2] =	stream.linear.scatter [tilespmem:s20], [sflag:$0xB], $0x2000, $0x38;
	[tilespmem:$0x11900] =	vst v63  }
0x16b: {  	_ =	swait.ge [sflag:s6], $0x2000  }
0x16c: {  	s1 =	sld [smem:$0x7ED]  }
0x16d: {  	[sflag:s6] =	ssyncset.done $0x0  }
0x16e: {  	[sflag:s6] =	ssyncadd.s32 $0xFFFFE000  }
0x16f: {  	[tilespmem:s3], [sflag:$0x2] =	stream.indirect.gather [hbm4b:s7+s10], $0x40, s1, s10, $0xb8;
	[tilespmem:$0x11900] =	vst v63  }
0x170: {  	_ =	swait.ge [sflag:s23], $0x2000  }
0x171: {  	[sflag:s23] =	ssyncset.done $0x0  }
0x172: {  	s1 =	rddreg [dreg:$0x1e];
	[sflag:s23] =	ssyncadd.s32 $0xFFFFE000  }
0x173: {  	[hbm4b:s1+s2] =	stream.linear.scatter [tilespmem:s15], [sflag:$0xC], $0x2000, $0x38;
	[tilespmem:$0x11900] =	vst v63  }
0x174: {  	_ =	swait.ge [sflag:s16], $0x2000  }
0x175: {  	s1 =	sld [smem:$0x7EE]  }
0x176: {  	[sflag:s16] =	ssyncset.done $0x0  }
0x177: {  	[sflag:s16] =	ssyncadd.s32 $0xFFFFE000  }
0x178: {  	[tilespmem:s20], [sflag:$0x3] =	stream.indirect.gather [hbm4b:s7+s10], $0x40, s1, s10, $0xb8;
	[tilespmem:$0x11900] =	vst v63  }
0x179: {  	_ =	swait.ge [sflag:s25], $0x2000  }
0x17a: {  	[sflag:s25] =	ssyncset.done $0x0  }
0x17b: {  	s1 =	rddreg [dreg:$0x1f];
	[sflag:s25] =	ssyncadd.s32 $0xFFFFE000  }
0x17c: {  	[hbm4b:s1+s2] =	stream.linear.scatter [tilespmem:s14], [sflag:$0xD], $0x2000, $0x38;
	[tilespmem:$0x11900] =	vst v63  }
0x17d: {  	_ =	swait.ge [sflag:s17], $0x2000  }
0x17e: {  	s1 =	sld [smem:$0x7EF]  }
0x17f: {  	[sflag:s17] =	ssyncset.done $0x0  }
0x180: {  	[sflag:s17] =	ssyncadd.s32 $0xFFFFE000  }
0x181: {  	[tilespmem:s15], [sflag:$0x4] =	stream.indirect.gather [hbm4b:s7+s10], $0x40, s1, s10, $0xb8;
	[tilespmem:$0x11900] =	vst v63  }
0x182: {  	_ =	swait.ge [sflag:s26], $0x2000  }
0x183: {  	s1 =	sld [smem:$0x7B9]  }
0x184: {  	[sflag:s26] =	ssyncset.done $0x0  }
0x185: {  	[sflag:s26] =	ssyncadd.s32 $0xFFFFE000  }
0x186: {  	[hbm4b:s1+s2] =	stream.linear.scatter [tilespmem:s13], [sflag:$0xE], $0x2000, $0x38;
	[tilespmem:$0x11900] =	vst v63  }
0x187: {  	_ =	swait.ge [sflag:s22], $0x2000  }
0x188: {  	s1 =	sld [smem:$0x7F0]  }
0x189: {  	[sflag:s22] =	ssyncset.done $0x0  }
0x18a: {  	[sflag:s22] =	ssyncadd.s32 $0xFFFFE000  }
0x18b: {  	[tilespmem:s14], [sflag:$0x5] =	stream.indirect.gather [hbm4b:s7+s10], $0x40, s1, s10, $0xb8;
	[tilespmem:$0x11900] =	vst v63  }
0x18c: {  	_ =	swait.ge [sflag:s28], $0x2000  }
0x18d: {  	s1 =	sld [smem:$0x7BA]  }
0x18e: {  	[sflag:s28] =	ssyncset.done $0x0  }
0x18f: {  	[sflag:s28] =	ssyncadd.s32 $0xFFFFE000  }
0x190: {  	[hbm4b:s1+s2] =	stream.linear.scatter [tilespmem:s11], [sflag:$0xF], $0x2000, $0x38;
	[tilespmem:$0x11900] =	vst v63  }
0x191: {  	_ =	swait.ge [sflag:s21], $0x2000  }
0x192: {  	s1 =	sld [smem:$0x7F1]  }
0x193: {  	[sflag:s21] =	ssyncset.done $0x0  }
0x194: {  	[sflag:s21] =	ssyncadd.s32 $0xFFFFE000  }
0x195: {  	[tilespmem:s13], [sflag:$0x6] =	stream.indirect.gather [hbm4b:s7+s10], $0x40, s1, s10, $0xb8;
	[tilespmem:$0x11900] =	vst v63  }
0x196: {  	_ =	swait.ge [sflag:s24], $0x2000  }
0x197: {  	s1 =	sld [smem:$0x7BB]  }
0x198: {  	[sflag:s24] =	ssyncset.done $0x0  }
0x199: {  	[sflag:s24] =	ssyncadd.s32 $0xFFFFE000  }
0x19a: {  	[hbm4b:s1+s2] =	stream.linear.scatter [tilespmem:s12], [sflag:$0x10], $0x2000, $0x38;
	[tilespmem:$0x11900] =	vst v63  }
0x19b: {  	_ =	swait.ge [sflag:s19], $0x2000  }
0x19c: {  	s1 =	sld [smem:$0x7F2]  }
0x19d: {  	[sflag:s19] =	ssyncset.done $0x0  }
0x19e: {  	[sflag:s19] =	ssyncadd.s32 $0xFFFFE000  }
0x19f: {  	[tilespmem:s11], [sflag:$0x7] =	stream.indirect.gather [hbm4b:s7+s10], $0x40, s1, s10, $0xb8;
	[tilespmem:$0x11900] =	vst v63  }
0x1a0: {  	_ =	swait.ge [sflag:s8], $0x2000  }
0x1a1: {  	s1 =	sld [smem:$0x7BC]  }
0x1a2: {  	[sflag:s8] =	ssyncset.done $0x0  }
0x1a3: {  	[sflag:s8] =	ssyncadd.s32 $0xFFFFE000  }
0x1a4: {  	[hbm4b:s1+s2] =	stream.linear.scatter [tilespmem:s4], [sflag:$0x9], $0x2000, $0x38;
	[tilespmem:$0x11900] =	vst v63  }
0x1a5: {  	_ =	swait.ge [sflag:s18], $0x2000  }
0x1a6: {  	s1 =	sld [smem:$0x7F3]  }
0x1a7: {  	[sflag:s18] =	ssyncset.done $0x0  }
0x1a8: {  	[sflag:s18] =	ssyncadd.s32 $0xFFFFE000  }
0x1a9: {  	[tilespmem:s12], [sflag:$0x8] =	stream.indirect.gather [hbm4b:s7+s10], $0x40, s1, s10, $0xb8;
	[tilespmem:$0x11900] =	vst v63  }
0x1aa: {  	_ =	swait.ge [sflag:s9], $0x2000  }
0x1ab: {  	s1 =	sld [smem:$0x7BD]  }
0x1ac: {  	[sflag:s9] =	ssyncset.done $0x0  }
0x1ad: {  	[sflag:s9] =	ssyncadd.s32 $0xFFFFE000  }
0x1ae: {  	[hbm4b:s1+s2] =	stream.linear.scatter [tilespmem:s3], [sflag:$0xA], $0x2000, $0x38;
	[tilespmem:$0x11900] =	vst v63  }
0x1af: {  	_ =	swait.ge [sflag:s5], $0x2000  }
0x1b0: {  	s1 =	sld [smem:$0x7F4]  }
0x1b1: {  	[sflag:s5] =	ssyncset.done $0x0  }
0x1b2: {  	[sflag:s5] =	ssyncadd.s32 $0xFFFFE000  }
0x1b3: {  	[tilespmem:s4], [sflag:$0x1] =	stream.indirect.gather [hbm4b:s7+s10], $0x40, s1, s10, $0xb8;
	[tilespmem:$0x11900] =	vst v63  }
0x1b4: {  	_ =	swait.ge [sflag:s29], $0x2000  }
0x1b5: {  	s1 =	sld [smem:$0x7BE]  }
0x1b6: {  	[sflag:s29] =	ssyncset.done $0x0  }
0x1b7: {  	[sflag:s29] =	ssyncadd.s32 $0xFFFFE000  }
0x1b8: {  	[hbm4b:s1+s2] =	stream.linear.scatter [tilespmem:s20], [sflag:$0xB], $0x2000, $0x38;
	[tilespmem:$0x11900] =	vst v63  }
0x1b9: {  	_ =	swait.ge [sflag:s6], $0x2000  }
0x1ba: {  	s1 =	sld [smem:$0x7F5]  }
0x1bb: {  	[sflag:s6] =	ssyncset.done $0x0  }
0x1bc: {  	[sflag:s6] =	ssyncadd.s32 $0xFFFFE000  }
0x1bd: {  	[tilespmem:s3], [sflag:$0x2] =	stream.indirect.gather [hbm4b:s7+s10], $0x40, s1, s10, $0xb8;
	[tilespmem:$0x11900] =	vst v63  }
0x1be: {  	_ =	swait.ge [sflag:s23], $0x2000  }
0x1bf: {  	s1 =	sld [smem:$0x7BF]  }
0x1c0: {  	[sflag:s23] =	ssyncset.done $0x0  }
0x1c1: {  	[sflag:s23] =	ssyncadd.s32 $0xFFFFE000  }
0x1c2: {  	[hbm4b:s1+s2] =	stream.linear.scatter [tilespmem:s15], [sflag:$0xC], $0x2000, $0x38;
	[tilespmem:$0x11900] =	vst v63  }
0x1c3: {  	_ =	swait.ge [sflag:s16], $0x2000  }
0x1c4: {  	s1 =	sld [smem:$0x7F6]  }
0x1c5: {  	[sflag:s16] =	ssyncset.done $0x0  }
0x1c6: {  	[sflag:s16] =	ssyncadd.s32 $0xFFFFE000  }
0x1c7: {  	[tilespmem:s20], [sflag:$0x3] =	stream.indirect.gather [hbm4b:s7+s10], $0x40, s1, s10, $0xb8;
	[tilespmem:$0x11900] =	vst v63  }
0x1c8: {  	_ =	swait.ge [sflag:s25], $0x2000  }
0x1c9: {  	s1 =	sld [smem:$0x7C0]  }
0x1ca: {  	[sflag:s25] =	ssyncset.done $0x0  }
0x1cb: {  	[sflag:s25] =	ssyncadd.s32 $0xFFFFE000  }
0x1cc: {  	[hbm4b:s1+s2] =	stream.linear.scatter [tilespmem:s14], [sflag:$0xD], $0x2000, $0x38;
	[tilespmem:$0x11900] =	vst v63  }
0x1cd: {  	_ =	swait.ge [sflag:s17], $0x2000  }
0x1ce: {  	s1 =	sld [smem:$0x7F7]  }
0x1cf: {  	[sflag:s17] =	ssyncset.done $0x0  }
0x1d0: {  	[sflag:s17] =	ssyncadd.s32 $0xFFFFE000  }
0x1d1: {  	[tilespmem:s15], [sflag:$0x4] =	stream.indirect.gather [hbm4b:s7+s10], $0x40, s1, s10, $0xb8;
	[tilespmem:$0x11900] =	vst v63  }
0x1d2: {  	_ =	swait.ge [sflag:s26], $0x2000  }
0x1d3: {  	s1 =	sld [smem:$0x7C1]  }
0x1d4: {  	[sflag:s26] =	ssyncset.done $0x0  }
0x1d5: {  	[sflag:s26] =	ssyncadd.s32 $0xFFFFE000  }
0x1d6: {  	[hbm4b:s1+s2] =	stream.linear.scatter [tilespmem:s13], [sflag:$0xE], $0x2000, $0x38;
	[tilespmem:$0x11900] =	vst v63  }
0x1d7: {  	_ =	swait.ge [sflag:s22], $0x2000  }
0x1d8: {  	s1 =	sld [smem:$0x7F8]  }
0x1d9: {  	[sflag:s22] =	ssyncset.done $0x0  }
0x1da: {  	[sflag:s22] =	ssyncadd.s32 $0xFFFFE000  }
0x1db: {  	[tilespmem:s14], [sflag:$0x5] =	stream.indirect.gather [hbm4b:s7+s10], $0x40, s1, s10, $0xb8;
	[tilespmem:$0x11900] =	vst v63  }
0x1dc: {  	_ =	swait.ge [sflag:s28], $0x2000  }
0x1dd: {  	s1 =	sld [smem:$0x7C2]  }
0x1de: {  	[sflag:s28] =	ssyncset.done $0x0  }
0x1df: {  	[sflag:s28] =	ssyncadd.s32 $0xFFFFE000  }
0x1e0: {  	[hbm4b:s1+s2] =	stream.linear.scatter [tilespmem:s11], [sflag:$0xF], $0x2000, $0x38;
	[tilespmem:$0x11900] =	vst v63  }
0x1e1: {  	_ =	swait.ge [sflag:s21], $0x2000  }
0x1e2: {  	s1 =	sld [smem:$0x7F9]  }
0x1e3: {  	[sflag:s21] =	ssyncset.done $0x0  }
0x1e4: {  	[sflag:s21] =	ssyncadd.s32 $0xFFFFE000  }
0x1e5: {  	[tilespmem:s13], [sflag:$0x6] =	stream.indirect.gather [hbm4b:s7+s10], $0x40, s1, s10, $0xb8;
	[tilespmem:$0x11900] =	vst v63  }
0x1e6: {  	_ =	swait.ge [sflag:s24], $0x2000  }
0x1e7: {  	s1 =	sld [smem:$0x7C3]  }
0x1e8: {  	[sflag:s24] =	ssyncset.done $0x0  }
0x1e9: {  	[sflag:s24] =	ssyncadd.s32 $0xFFFFE000  }
0x1ea: {  	[hbm4b:s1+s2] =	stream.linear.scatter [tilespmem:s12], [sflag:$0x10], $0x2000, $0x38;
	[tilespmem:$0x11900] =	vst v63  }
0x1eb: {  	_ =	swait.ge [sflag:s19], $0x2000  }
0x1ec: {  	s1 =	sld [smem:$0x7FA]  }
0x1ed: {  	[sflag:s19] =	ssyncset.done $0x0  }
0x1ee: {  	[sflag:s19] =	ssyncadd.s32 $0xFFFFE000  }
0x1ef: {  	[tilespmem:s11], [sflag:$0x7] =	stream.indirect.gather [hbm4b:s7+s10], $0x40, s1, s10, $0xb8;
	[tilespmem:$0x11900] =	vst v63  }
0x1f0: {  	_ =	swait.ge [sflag:s8], $0x2000  }
0x1f1: {  	s1 =	sld [smem:$0x7C4]  }
0x1f2: {  	[sflag:s8] =	ssyncset.done $0x0  }
0x1f3: {  	[sflag:s8] =	ssyncadd.s32 $0xFFFFE000  }
0x1f4: {  	[hbm4b:s1+s2] =	stream.linear.scatter [tilespmem:s4], [sflag:$0x9], $0x2000, $0x38;
	[tilespmem:$0x11900] =	vst v63  }
0x1f5: {  	_ =	swait.ge [sflag:s18], $0x2000  }
0x1f6: {  	s1 =	sld [smem:$0x7FB]  }
0x1f7: {  	[sflag:s18] =	ssyncset.done $0x0  }
0x1f8: {  	[sflag:s18] =	ssyncadd.s32 $0xFFFFE000  }
0x1f9: {  	[tilespmem:s12], [sflag:$0x8] =	stream.indirect.gather [hbm4b:s7+s10], $0x40, s1, s10, $0xb8;
	[tilespmem:$0x11900] =	vst v63  }
0x1fa: {  	_ =	swait.ge [sflag:s9], $0x2000  }
0x1fb: {  	s1 =	sld [smem:$0x7C5]  }
0x1fc: {  	[sflag:s9] =	ssyncset.done $0x0  }
0x1fd: {  	[sflag:s9] =	ssyncadd.s32 $0xFFFFE000  }
0x1fe: {  	[hbm4b:s1+s2] =	stream.linear.scatter [tilespmem:s3], [sflag:$0xA], $0x2000, $0x38;
	[tilespmem:$0x11900] =	vst v63  }
0x1ff: {  	_ =	swait.ge [sflag:s5], $0x2000  }
0x200: {  	s1 =	sld [smem:$0x7FC]  }
0x201: {  	[sflag:s5] =	ssyncset.done $0x0  }
0x202: {  	[sflag:s5] =	ssyncadd.s32 $0xFFFFE000  }
0x203: {  	[tilespmem:s4], [sflag:$0x1] =	stream.indirect.gather [hbm4b:s7+s10], $0x40, s1, s10, $0xb8;
	[tilespmem:$0x11900] =	vst v63  }
0x204: {  	_ =	swait.ge [sflag:s29], $0x2000  }
0x205: {  	s1 =	sld [smem:$0x7C6]  }
0x206: {  	[sflag:s29] =	ssyncset.done $0x0  }
0x207: {  	[sflag:s29] =	ssyncadd.s32 $0xFFFFE000  }
0x208: {  	[hbm4b:s1+s2] =	stream.linear.scatter [tilespmem:s20], [sflag:$0xB], $0x2000, $0x38;
	[tilespmem:$0x11900] =	vst v63  }
0x209: {  	_ =	swait.ge [sflag:s6], $0x2000  }
0x20a: {  	s1 =	sld [smem:$0x7FD]  }
0x20b: {  	[sflag:s6] =	ssyncset.done $0x0  }
0x20c: {  	[sflag:s6] =	ssyncadd.s32 $0xFFFFE000  }
0x20d: {  	[tilespmem:s3], [sflag:$0x2] =	stream.indirect.gather [hbm4b:s7+s10], $0x40, s1, s10, $0xb8;
	[tilespmem:$0x11900] =	vst v63  }
0x20e: {  	_ =	swait.ge [sflag:s23], $0x2000  }
0x20f: {  	s1 =	sld [smem:$0x7C7]  }
0x210: {  	[sflag:s23] =	ssyncset.done $0x0  }
0x211: {  	[sflag:s23] =	ssyncadd.s32 $0xFFFFE000  }
0x212: {  	[hbm4b:s1+s2] =	stream.linear.scatter [tilespmem:s15], [sflag:$0xC], $0x2000, $0x38;
	[tilespmem:$0x11900] =	vst v63  }
0x213: {  	_ =	swait.ge [sflag:s25], $0x2000  }
0x214: {  	s1 =	sld [smem:$0x7C8]  }
0x215: {  	[sflag:s25] =	ssyncset.done $0x0  }
0x216: {  	[sflag:s25] =	ssyncadd.s32 $0xFFFFE000  }
0x217: {  	[hbm4b:s1+s2] =	stream.linear.scatter [tilespmem:s14], [sflag:$0xD], $0x2000, $0x38;
	[tilespmem:$0x11900] =	vst v63  }
0x218: {  	_ =	swait.ge [sflag:s26], $0x2000  }
0x219: {  	s1 =	sld [smem:$0x7C9]  }
0x21a: {  	[sflag:s26] =	ssyncset.done $0x0  }
0x21b: {  	[sflag:s26] =	ssyncadd.s32 $0xFFFFE000  }
0x21c: {  	[hbm4b:s1+s2] =	stream.linear.scatter [tilespmem:s13], [sflag:$0xE], $0x2000, $0x38;
	[tilespmem:$0x11900] =	vst v63  }
0x21d: {  	_ =	swait.ge [sflag:s28], $0x2000  }
0x21e: {  	s1 =	sld [smem:$0x7CA]  }
0x21f: {  	[sflag:s28] =	ssyncset.done $0x0  }
0x220: {  	[sflag:s28] =	ssyncadd.s32 $0xFFFFE000  }
0x221: {  	[hbm4b:s1+s2] =	stream.linear.scatter [tilespmem:s11], [sflag:$0xF], $0x2000, $0x38;
	[tilespmem:$0x11900] =	vst v63  }
0x222: {  	_ =	swait.ge [sflag:s24], $0x2000  }
0x223: {  	s1 =	sld [smem:$0x7CB]  }
0x224: {  	[sflag:s24] =	ssyncset.done $0x0  }
0x225: {  	[sflag:s24] =	ssyncadd.s32 $0xFFFFE000  }
0x226: {  	[hbm4b:s1+s2] =	stream.linear.scatter [tilespmem:s12], [sflag:$0x10], $0x2000, $0x38;
	[tilespmem:$0x11900] =	vst v63  }
0x227: {  	_ =	swait.ge [sflag:s8], $0x2000  }
0x228: {  	s1 =	sld [smem:$0x7CC]  }
0x229: {  	[sflag:s8] =	ssyncset.done $0x0  }
0x22a: {  	[sflag:s8] =	ssyncadd.s32 $0xFFFFE000  }
0x22b: {  	[hbm4b:s1+s2] =	stream.linear.scatter [tilespmem:s4], [sflag:$0x9], $0x2000, $0x38;
	[tilespmem:$0x11900] =	vst v63  }
0x22c: {  	_ =	swait.ge [sflag:s9], $0x2000  }
0x22d: {  	s1 =	sld [smem:$0x7CD]  }
0x22e: {  	[sflag:s9] =	ssyncset.done $0x0  }
0x22f: {  	[sflag:s9] =	ssyncadd.s32 $0xFFFFE000  }
0x230: {  	[hbm4b:s1+s2] =	stream.linear.scatter [tilespmem:s3], [sflag:$0xA], $0x2000, $0x38;
	[tilespmem:$0x11900] =	vst v63  }
0x231: {  	_ =	swait.ge [sflag:s16], $0x2000  }
0x232: {  	[sflag:s16] =	ssyncset.done $0x0  }
0x233: {  	[sflag:s16] =	ssyncadd.s32 $0xFFFFE000  }
0x234: {  	_ =	swait.ge [sflag:s17], $0x2000  }
0x235: {  	[sflag:s17] =	ssyncset.done $0x0  }
0x236: {  	[sflag:s17] =	ssyncadd.s32 $0xFFFFE000  }
0x237: {  	_ =	swait.ge [sflag:s22], $0x2000  }
0x238: {  	[sflag:s22] =	ssyncset.done $0x0  }
0x239: {  	[sflag:s22] =	ssyncadd.s32 $0xFFFFE000  }
0x23a: {  	_ =	swait.ge [sflag:s21], $0x2000  }
0x23b: {  	[sflag:s21] =	ssyncset.done $0x0  }
0x23c: {  	[sflag:s21] =	ssyncadd.s32 $0xFFFFE000  }
0x23d: {  	_ =	swait.ge [sflag:s19], $0x2000  }
0x23e: {  	[sflag:s19] =	ssyncset.done $0x0  }
0x23f: {  	[sflag:s19] =	ssyncadd.s32 $0xFFFFE000  }
0x240: {  	_ =	swait.ge [sflag:s18], $0x2000  }
0x241: {  	[sflag:s18] =	ssyncset.done $0x0  }
0x242: {  	p1 =	sne.s32 s30, $0x1;
	[sflag:s18] =	ssyncadd.s32 $0xFFFFE000  }
.Ltmp1:
0x243: {  	_ =	swait.ge [sflag:s5], $0x2000;
	(pc) =	sbr.rel @!p1 .LBB2_3-.Ltmp1, $4  }
0x244: {  	[sflag:s5] =	ssyncset.done $0x0  }
0x245: {  	[sflag:s5] =	ssyncadd.s32 $0xFFFFE000  }
0x246: {  	p0 =	por $0x1, $0x1;
	_ =	swait.ge [sflag:s6], $0x2000  }
0x247: {  	s1 =	sadd.s32 $0xFFFFFFFF, s30;
	s0 =	rddreg [dreg:$0x3];
	[sflag:s6] =	ssyncset.done $0x0  }
.LBB2_4:
0x248: {  	[sflag:s6] =	ssyncadd.s32 $0xFFFFE000  }
0x249: {  	[tilespmem:s2], [sflag:$0x11] =	stream.linear.gather [hbm4b:s0+s2], $0x1900, $0x38;
	[tilespmem:$0x11900] =	vst v63  }
0x24a: {  	_ =	swait.ge [sflag:s31], $0x1900  }
0x24b: {  	[sflag:s31] =	ssyncset.done $0x0  }
0x24c: {  	[sflag:s31] =	ssyncadd.s32 $0xFFFFE700  }
0x24d: {  	[tilespmem:s4], [sflag:$0x1] =	stream.indirect.gather [hbm4b:s7+s10], $0x40, s2, s10, $0xb8;
	[tilespmem:$0x11900] =	vst v63  }
0x24e: {  	s0 =	sld [smem:$0x7CE]  }
0x24f: {  	[tilespmem:s3], [sflag:$0x2] =	stream.indirect.gather [hbm4b:s7+s10], $0x40, s10, s10, $0xb8;
	[tilespmem:$0x11900] =	vst v63  }
0x250: {  	s30 =	sld [smem:$0x7CF]  }
0x251: {  	[tilespmem:s20], [sflag:$0x3] =	stream.indirect.gather [hbm4b:s7+s10], $0x40, s0, s10, $0xb8;
	[tilespmem:$0x11900] =	vst v63  }
0x252: {  	s0 =	sld [smem:$0x7D0]  }
0x253: {  	[tilespmem:s15], [sflag:$0x4] =	stream.indirect.gather [hbm4b:s7+s10], $0x40, s30, s10, $0xb8;
	[tilespmem:$0x11900] =	vst v63  }
0x254: {  	s30 =	sld [smem:$0x7D1]  }
0x255: {  	[tilespmem:s14], [sflag:$0x5] =	stream.indirect.gather [hbm4b:s7+s10], $0x40, s0, s10, $0xb8;
	[tilespmem:$0x11900] =	vst v63  }
0x256: {  	s0 =	sld [smem:$0x7D2]  }
0x257: {  	[tilespmem:s13], [sflag:$0x6] =	stream.indirect.gather [hbm4b:s7+s10], $0x40, s30, s10, $0xb8;
	[tilespmem:$0x11900] =	vst v63  }
0x258: {  	_ = 	snop  }
0x259: {  	[tilespmem:s11], [sflag:$0x7] =	stream.indirect.gather [hbm4b:s7+s10], $0x40, s0, s10, $0xb8;
	[tilespmem:$0x11900] =	vst v63  }
0x25a: {  	_ =	swait.ge [sflag:s8], $0x2000  }
0x25b: {  	s30 =	sld [smem:$0x7B8]  }
0x25c: {  	[sflag:s8] =	ssyncset.done $0x0  }
0x25d: {  	s0 =	sld [smem:$0x7D3];
	[sflag:s8] =	ssyncadd.s32 $0xFFFFE000  }
0x25e: {  	[hbm4b:s30+s2] =	stream.linear.scatter [tilespmem:s4], [sflag:$0x9], $0x2000, $0x38;
	[tilespmem:$0x11900] =	vst v63  }
0x25f: {  	_ = 	snop  }
0x260: {  	[tilespmem:s12], [sflag:$0x8] =	stream.indirect.gather [hbm4b:s7+s10], $0x40, s0, s10, $0xb8;
	[tilespmem:$0x11900] =	vst v63  }
0x261: {  	_ =	swait.ge [sflag:s9], $0x2000  }
0x262: {  	[sflag:s9] =	ssyncset.done $0x0  }
0x263: {  	s30 =	rddreg [dreg:$0x4];
	[sflag:s9] =	ssyncadd.s32 $0xFFFFE000  }
0x264: {  	[hbm4b:s30+s2] =	stream.linear.scatter [tilespmem:s3], [sflag:$0xA], $0x2000, $0x38;
	[tilespmem:$0x11900] =	vst v63  }
0x265: {  	_ =	swait.ge [sflag:s5], $0x2000  }
0x266: {  	s30 =	sld [smem:$0x7D4]  }
0x267: {  	[sflag:s5] =	ssyncset.done $0x0  }
0x268: {  	[sflag:s5] =	ssyncadd.s32 $0xFFFFE000  }
0x269: {  	[tilespmem:s4], [sflag:$0x1] =	stream.indirect.gather [hbm4b:s7+s10], $0x40, s30, s10, $0xb8;
	[tilespmem:$0x11900] =	vst v63  }
0x26a: {  	_ =	swait.ge [sflag:s29], $0x2000  }
0x26b: {  	[sflag:s29] =	ssyncset.done $0x0  }
0x26c: {  	s30 =	rddreg [dreg:$0x5];
	[sflag:s29] =	ssyncadd.s32 $0xFFFFE000  }
0x26d: {  	[hbm4b:s30+s2] =	stream.linear.scatter [tilespmem:s20], [sflag:$0xB], $0x2000, $0x38;
	[tilespmem:$0x11900] =	vst v63  }
0x26e: {  	_ =	swait.ge [sflag:s6], $0x2000  }
0x26f: {  	s30 =	sld [smem:$0x7D5]  }
0x270: {  	[sflag:s6] =	ssyncset.done $0x0  }
0x271: {  	[sflag:s6] =	ssyncadd.s32 $0xFFFFE000  }
0x272: {  	[tilespmem:s3], [sflag:$0x2] =	stream.indirect.gather [hbm4b:s7+s10], $0x40, s30, s10, $0xb8;
	[tilespmem:$0x11900] =	vst v63  }
0x273: {  	_ =	swait.ge [sflag:s23], $0x2000  }
0x274: {  	[sflag:s23] =	ssyncset.done $0x0  }
0x275: {  	s30 =	rddreg [dreg:$0x6];
	[sflag:s23] =	ssyncadd.s32 $0xFFFFE000  }
0x276: {  	[hbm4b:s30+s2] =	stream.linear.scatter [tilespmem:s15], [sflag:$0xC], $0x2000, $0x38;
	[tilespmem:$0x11900] =	vst v63  }
0x277: {  	_ =	swait.ge [sflag:s16], $0x2000  }
0x278: {  	s30 =	sld [smem:$0x7D6]  }
0x279: {  	[sflag:s16] =	ssyncset.done $0x0  }
0x27a: {  	[sflag:s16] =	ssyncadd.s32 $0xFFFFE000  }
0x27b: {  	[tilespmem:s20], [sflag:$0x3] =	stream.indirect.gather [hbm4b:s7+s10], $0x40, s30, s10, $0xb8;
	[tilespmem:$0x11900] =	vst v63  }
0x27c: {  	_ =	swait.ge [sflag:s25], $0x2000  }
0x27d: {  	[sflag:s25] =	ssyncset.done $0x0  }
0x27e: {  	s30 =	rddreg [dreg:$0x7];
	[sflag:s25] =	ssyncadd.s32 $0xFFFFE000  }
0x27f: {  	[hbm4b:s30+s2] =	stream.linear.scatter [tilespmem:s14], [sflag:$0xD], $0x2000, $0x38;
	[tilespmem:$0x11900] =	vst v63  }
0x280: {  	_ =	swait.ge [sflag:s17], $0x2000  }
0x281: {  	s30 =	sld [smem:$0x7D7]  }
0x282: {  	[sflag:s17] =	ssyncset.done $0x0  }
0x283: {  	[sflag:s17] =	ssyncadd.s32 $0xFFFFE000  }
0x284: {  	[tilespmem:s15], [sflag:$0x4] =	stream.indirect.gather [hbm4b:s7+s10], $0x40, s30, s10, $0xb8;
	[tilespmem:$0x11900] =	vst v63  }
0x285: {  	_ =	swait.ge [sflag:s26], $0x2000  }
0x286: {  	[sflag:s26] =	ssyncset.done $0x0  }
0x287: {  	s30 =	rddreg [dreg:$0x8];
	[sflag:s26] =	ssyncadd.s32 $0xFFFFE000  }
0x288: {  	[hbm4b:s30+s2] =	stream.linear.scatter [tilespmem:s13], [sflag:$0xE], $0x2000, $0x38;
	[tilespmem:$0x11900] =	vst v63  }
0x289: {  	_ =	swait.ge [sflag:s22], $0x2000  }
0x28a: {  	s30 =	sld [smem:$0x7D8]  }
0x28b: {  	[sflag:s22] =	ssyncset.done $0x0  }
0x28c: {  	[sflag:s22] =	ssyncadd.s32 $0xFFFFE000  }
0x28d: {  	[tilespmem:s14], [sflag:$0x5] =	stream.indirect.gather [hbm4b:s7+s10], $0x40, s30, s10, $0xb8;
	[tilespmem:$0x11900] =	vst v63  }
0x28e: {  	_ =	swait.ge [sflag:s28], $0x2000  }
0x28f: {  	[sflag:s28] =	ssyncset.done $0x0  }
0x290: {  	s30 =	rddreg [dreg:$0x9];
	[sflag:s28] =	ssyncadd.s32 $0xFFFFE000  }
0x291: {  	[hbm4b:s30+s2] =	stream.linear.scatter [tilespmem:s11], [sflag:$0xF], $0x2000, $0x38;
	[tilespmem:$0x11900] =	vst v63  }
0x292: {  	_ =	swait.ge [sflag:s21], $0x2000  }
0x293: {  	s30 =	sld [smem:$0x7D9]  }
0x294: {  	[sflag:s21] =	ssyncset.done $0x0  }
0x295: {  	[sflag:s21] =	ssyncadd.s32 $0xFFFFE000  }
0x296: {  	[tilespmem:s13], [sflag:$0x6] =	stream.indirect.gather [hbm4b:s7+s10], $0x40, s30, s10, $0xb8;
	[tilespmem:$0x11900] =	vst v63  }
0x297: {  	_ =	swait.ge [sflag:s24], $0x2000  }
0x298: {  	[sflag:s24] =	ssyncset.done $0x0  }
0x299: {  	s30 =	rddreg [dreg:$0xa];
	[sflag:s24] =	ssyncadd.s32 $0xFFFFE000  }
0x29a: {  	[hbm4b:s30+s2] =	stream.linear.scatter [tilespmem:s12], [sflag:$0x10], $0x2000, $0x38;
	[tilespmem:$0x11900] =	vst v63  }
0x29b: {  	_ =	swait.ge [sflag:s19], $0x2000  }
0x29c: {  	s30 =	sld [smem:$0x7DA]  }
0x29d: {  	[sflag:s19] =	ssyncset.done $0x0  }
0x29e: {  	[sflag:s19] =	ssyncadd.s32 $0xFFFFE000  }
0x29f: {  	[tilespmem:s11], [sflag:$0x7] =	stream.indirect.gather [hbm4b:s7+s10], $0x40, s30, s10, $0xb8;
	[tilespmem:$0x11900] =	vst v63  }
0x2a0: {  	_ =	swait.ge [sflag:s8], $0x2000  }
0x2a1: {  	[sflag:s8] =	ssyncset.done $0x0  }
0x2a2: {  	s30 =	rddreg [dreg:$0xb];
	[sflag:s8] =	ssyncadd.s32 $0xFFFFE000  }
0x2a3: {  	[hbm4b:s30+s2] =	stream.linear.scatter [tilespmem:s4], [sflag:$0x9], $0x2000, $0x38;
	[tilespmem:$0x11900] =	vst v63  }
0x2a4: {  	_ =	swait.ge [sflag:s18], $0x2000  }
0x2a5: {  	s30 =	sld [smem:$0x7DB]  }
0x2a6: {  	[sflag:s18] =	ssyncset.done $0x0  }
0x2a7: {  	[sflag:s18] =	ssyncadd.s32 $0xFFFFE000  }
0x2a8: {  	[tilespmem:s12], [sflag:$0x8] =	stream.indirect.gather [hbm4b:s7+s10], $0x40, s30, s10, $0xb8;
	[tilespmem:$0x11900] =	vst v63  }
0x2a9: {  	_ =	swait.ge [sflag:s9], $0x2000  }
0x2aa: {  	[sflag:s9] =	ssyncset.done $0x0  }
0x2ab: {  	s30 =	rddreg [dreg:$0xc];
	[sflag:s9] =	ssyncadd.s32 $0xFFFFE000  }
0x2ac: {  	[hbm4b:s30+s2] =	stream.linear.scatter [tilespmem:s3], [sflag:$0xA], $0x2000, $0x38;
	[tilespmem:$0x11900] =	vst v63  }
0x2ad: {  	_ =	swait.ge [sflag:s5], $0x2000  }
0x2ae: {  	s30 =	sld [smem:$0x7DC]  }
0x2af: {  	[sflag:s5] =	ssyncset.done $0x0  }
0x2b0: {  	[sflag:s5] =	ssyncadd.s32 $0xFFFFE000  }
0x2b1: {  	[tilespmem:s4], [sflag:$0x1] =	stream.indirect.gather [hbm4b:s7+s10], $0x40, s30, s10, $0xb8;
	[tilespmem:$0x11900] =	vst v63  }
0x2b2: {  	_ =	swait.ge [sflag:s29], $0x2000  }
0x2b3: {  	[sflag:s29] =	ssyncset.done $0x0  }
0x2b4: {  	s30 =	rddreg [dreg:$0xd];
	[sflag:s29] =	ssyncadd.s32 $0xFFFFE000  }
0x2b5: {  	[hbm4b:s30+s2] =	stream.linear.scatter [tilespmem:s20], [sflag:$0xB], $0x2000, $0x38;
	[tilespmem:$0x11900] =	vst v63  }
0x2b6: {  	_ =	swait.ge [sflag:s6], $0x2000  }
0x2b7: {  	s30 =	sld [smem:$0x7DD]  }
0x2b8: {  	[sflag:s6] =	ssyncset.done $0x0  }
0x2b9: {  	[sflag:s6] =	ssyncadd.s32 $0xFFFFE000  }
0x2ba: {  	[tilespmem:s3], [sflag:$0x2] =	stream.indirect.gather [hbm4b:s7+s10], $0x40, s30, s10, $0xb8;
	[tilespmem:$0x11900] =	vst v63  }
0x2bb: {  	_ =	swait.ge [sflag:s23], $0x2000  }
0x2bc: {  	[sflag:s23] =	ssyncset.done $0x0  }
0x2bd: {  	s30 =	rddreg [dreg:$0xe];
	[sflag:s23] =	ssyncadd.s32 $0xFFFFE000  }
0x2be: {  	[hbm4b:s30+s2] =	stream.linear.scatter [tilespmem:s15], [sflag:$0xC], $0x2000, $0x38;
	[tilespmem:$0x11900] =	vst v63  }
0x2bf: {  	_ =	swait.ge [sflag:s16], $0x2000  }
0x2c0: {  	s30 =	sld [smem:$0x7DE]  }
0x2c1: {  	[sflag:s16] =	ssyncset.done $0x0  }
0x2c2: {  	[sflag:s16] =	ssyncadd.s32 $0xFFFFE000  }
0x2c3: {  	[tilespmem:s20], [sflag:$0x3] =	stream.indirect.gather [hbm4b:s7+s10], $0x40, s30, s10, $0xb8;
	[tilespmem:$0x11900] =	vst v63  }
0x2c4: {  	_ =	swait.ge [sflag:s25], $0x2000  }
0x2c5: {  	[sflag:s25] =	ssyncset.done $0x0  }
0x2c6: {  	s30 =	rddreg [dreg:$0xf];
	[sflag:s25] =	ssyncadd.s32 $0xFFFFE000  }
0x2c7: {  	[hbm4b:s30+s2] =	stream.linear.scatter [tilespmem:s14], [sflag:$0xD], $0x2000, $0x38;
	[tilespmem:$0x11900] =	vst v63  }
0x2c8: {  	_ =	swait.ge [sflag:s17], $0x2000  }
0x2c9: {  	s30 =	sld [smem:$0x7DF]  }
0x2ca: {  	[sflag:s17] =	ssyncset.done $0x0  }
0x2cb: {  	[sflag:s17] =	ssyncadd.s32 $0xFFFFE000  }
0x2cc: {  	[tilespmem:s15], [sflag:$0x4] =	stream.indirect.gather [hbm4b:s7+s10], $0x40, s30, s10, $0xb8;
	[tilespmem:$0x11900] =	vst v63  }
0x2cd: {  	_ =	swait.ge [sflag:s26], $0x2000  }
0x2ce: {  	[sflag:s26] =	ssyncset.done $0x0  }
0x2cf: {  	s30 =	rddreg [dreg:$0x10];
	[sflag:s26] =	ssyncadd.s32 $0xFFFFE000  }
0x2d0: {  	[hbm4b:s30+s2] =	stream.linear.scatter [tilespmem:s13], [sflag:$0xE], $0x2000, $0x38;
	[tilespmem:$0x11900] =	vst v63  }
0x2d1: {  	_ =	swait.ge [sflag:s22], $0x2000  }
0x2d2: {  	s30 =	sld [smem:$0x7E0]  }
0x2d3: {  	[sflag:s22] =	ssyncset.done $0x0  }
0x2d4: {  	[sflag:s22] =	ssyncadd.s32 $0xFFFFE000  }
0x2d5: {  	[tilespmem:s14], [sflag:$0x5] =	stream.indirect.gather [hbm4b:s7+s10], $0x40, s30, s10, $0xb8;
	[tilespmem:$0x11900] =	vst v63  }
0x2d6: {  	_ =	swait.ge [sflag:s28], $0x2000  }
0x2d7: {  	[sflag:s28] =	ssyncset.done $0x0  }
0x2d8: {  	s30 =	rddreg [dreg:$0x11];
	[sflag:s28] =	ssyncadd.s32 $0xFFFFE000  }
0x2d9: {  	[hbm4b:s30+s2] =	stream.linear.scatter [tilespmem:s11], [sflag:$0xF], $0x2000, $0x38;
	[tilespmem:$0x11900] =	vst v63  }
0x2da: {  	_ =	swait.ge [sflag:s21], $0x2000  }
0x2db: {  	s30 =	sld [smem:$0x7E1]  }
0x2dc: {  	[sflag:s21] =	ssyncset.done $0x0  }
0x2dd: {  	[sflag:s21] =	ssyncadd.s32 $0xFFFFE000  }
0x2de: {  	[tilespmem:s13], [sflag:$0x6] =	stream.indirect.gather [hbm4b:s7+s10], $0x40, s30, s10, $0xb8;
	[tilespmem:$0x11900] =	vst v63  }
0x2df: {  	_ =	swait.ge [sflag:s24], $0x2000  }
0x2e0: {  	[sflag:s24] =	ssyncset.done $0x0  }
0x2e1: {  	s30 =	rddreg [dreg:$0x12];
	[sflag:s24] =	ssyncadd.s32 $0xFFFFE000  }
0x2e2: {  	[hbm4b:s30+s2] =	stream.linear.scatter [tilespmem:s12], [sflag:$0x10], $0x2000, $0x38;
	[tilespmem:$0x11900] =	vst v63  }
0x2e3: {  	_ =	swait.ge [sflag:s19], $0x2000  }
0x2e4: {  	s30 =	sld [smem:$0x7E2]  }
0x2e5: {  	[sflag:s19] =	ssyncset.done $0x0  }
0x2e6: {  	[sflag:s19] =	ssyncadd.s32 $0xFFFFE000  }
0x2e7: {  	[tilespmem:s11], [sflag:$0x7] =	stream.indirect.gather [hbm4b:s7+s10], $0x40, s30, s10, $0xb8;
	[tilespmem:$0x11900] =	vst v63  }
0x2e8: {  	_ =	swait.ge [sflag:s8], $0x2000  }
0x2e9: {  	[sflag:s8] =	ssyncset.done $0x0  }
0x2ea: {  	s30 =	rddreg [dreg:$0x13];
	[sflag:s8] =	ssyncadd.s32 $0xFFFFE000  }
0x2eb: {  	[hbm4b:s30+s2] =	stream.linear.scatter [tilespmem:s4], [sflag:$0x9], $0x2000, $0x38;
	[tilespmem:$0x11900] =	vst v63  }
0x2ec: {  	_ =	swait.ge [sflag:s18], $0x2000  }
0x2ed: {  	s30 =	sld [smem:$0x7E3]  }
0x2ee: {  	[sflag:s18] =	ssyncset.done $0x0  }
0x2ef: {  	[sflag:s18] =	ssyncadd.s32 $0xFFFFE000  }
0x2f0: {  	[tilespmem:s12], [sflag:$0x8] =	stream.indirect.gather [hbm4b:s7+s10], $0x40, s30, s10, $0xb8;
	[tilespmem:$0x11900] =	vst v63  }
0x2f1: {  	_ =	swait.ge [sflag:s9], $0x2000  }
0x2f2: {  	[sflag:s9] =	ssyncset.done $0x0  }
0x2f3: {  	s30 =	rddreg [dreg:$0x14];
	[sflag:s9] =	ssyncadd.s32 $0xFFFFE000  }
0x2f4: {  	[hbm4b:s30+s2] =	stream.linear.scatter [tilespmem:s3], [sflag:$0xA], $0x2000, $0x38;
	[tilespmem:$0x11900] =	vst v63  }
0x2f5: {  	_ =	swait.ge [sflag:s5], $0x2000  }
0x2f6: {  	s30 =	sld [smem:$0x7E4]  }
0x2f7: {  	[sflag:s5] =	ssyncset.done $0x0  }
0x2f8: {  	[sflag:s5] =	ssyncadd.s32 $0xFFFFE000  }
0x2f9: {  	[tilespmem:s4], [sflag:$0x1] =	stream.indirect.gather [hbm4b:s7+s10], $0x40, s30, s10, $0xb8;
	[tilespmem:$0x11900] =	vst v63  }
0x2fa: {  	_ =	swait.ge [sflag:s29], $0x2000  }
0x2fb: {  	[sflag:s29] =	ssyncset.done $0x0  }
0x2fc: {  	s30 =	rddreg [dreg:$0x15];
	[sflag:s29] =	ssyncadd.s32 $0xFFFFE000  }
0x2fd: {  	[hbm4b:s30+s2] =	stream.linear.scatter [tilespmem:s20], [sflag:$0xB], $0x2000, $0x38;
	[tilespmem:$0x11900] =	vst v63  }
0x2fe: {  	_ =	swait.ge [sflag:s6], $0x2000  }
0x2ff: {  	s30 =	sld [smem:$0x7E5]  }
0x300: {  	[sflag:s6] =	ssyncset.done $0x0  }
0x301: {  	[sflag:s6] =	ssyncadd.s32 $0xFFFFE000  }
0x302: {  	[tilespmem:s3], [sflag:$0x2] =	stream.indirect.gather [hbm4b:s7+s10], $0x40, s30, s10, $0xb8;
	[tilespmem:$0x11900] =	vst v63  }
0x303: {  	_ =	swait.ge [sflag:s23], $0x2000  }
0x304: {  	[sflag:s23] =	ssyncset.done $0x0  }
0x305: {  	s30 =	rddreg [dreg:$0x16];
	[sflag:s23] =	ssyncadd.s32 $0xFFFFE000  }
0x306: {  	[hbm4b:s30+s2] =	stream.linear.scatter [tilespmem:s15], [sflag:$0xC], $0x2000, $0x38;
	[tilespmem:$0x11900] =	vst v63  }
0x307: {  	_ =	swait.ge [sflag:s16], $0x2000  }
0x308: {  	s30 =	sld [smem:$0x7E6]  }
0x309: {  	[sflag:s16] =	ssyncset.done $0x0  }
0x30a: {  	[sflag:s16] =	ssyncadd.s32 $0xFFFFE000  }
0x30b: {  	[tilespmem:s20], [sflag:$0x3] =	stream.indirect.gather [hbm4b:s7+s10], $0x40, s30, s10, $0xb8;
	[tilespmem:$0x11900] =	vst v63  }
0x30c: {  	_ =	swait.ge [sflag:s25], $0x2000  }
0x30d: {  	[sflag:s25] =	ssyncset.done $0x0  }
0x30e: {  	s30 =	rddreg [dreg:$0x17];
	[sflag:s25] =	ssyncadd.s32 $0xFFFFE000  }
0x30f: {  	[hbm4b:s30+s2] =	stream.linear.scatter [tilespmem:s14], [sflag:$0xD], $0x2000, $0x38;
	[tilespmem:$0x11900] =	vst v63  }
0x310: {  	_ =	swait.ge [sflag:s17], $0x2000  }
0x311: {  	s30 =	sld [smem:$0x7E7]  }
0x312: {  	[sflag:s17] =	ssyncset.done $0x0  }
0x313: {  	[sflag:s17] =	ssyncadd.s32 $0xFFFFE000  }
0x314: {  	[tilespmem:s15], [sflag:$0x4] =	stream.indirect.gather [hbm4b:s7+s10], $0x40, s30, s10, $0xb8;
	[tilespmem:$0x11900] =	vst v63  }
0x315: {  	_ =	swait.ge [sflag:s26], $0x2000  }
0x316: {  	[sflag:s26] =	ssyncset.done $0x0  }
0x317: {  	s30 =	rddreg [dreg:$0x18];
	[sflag:s26] =	ssyncadd.s32 $0xFFFFE000  }
0x318: {  	[hbm4b:s30+s2] =	stream.linear.scatter [tilespmem:s13], [sflag:$0xE], $0x2000, $0x38;
	[tilespmem:$0x11900] =	vst v63  }
0x319: {  	_ =	swait.ge [sflag:s22], $0x2000  }
0x31a: {  	s30 =	sld [smem:$0x7E8]  }
0x31b: {  	[sflag:s22] =	ssyncset.done $0x0  }
0x31c: {  	[sflag:s22] =	ssyncadd.s32 $0xFFFFE000  }
0x31d: {  	[tilespmem:s14], [sflag:$0x5] =	stream.indirect.gather [hbm4b:s7+s10], $0x40, s30, s10, $0xb8;
	[tilespmem:$0x11900] =	vst v63  }
0x31e: {  	_ =	swait.ge [sflag:s28], $0x2000  }
0x31f: {  	[sflag:s28] =	ssyncset.done $0x0  }
0x320: {  	s30 =	rddreg [dreg:$0x19];
	[sflag:s28] =	ssyncadd.s32 $0xFFFFE000  }
0x321: {  	[hbm4b:s30+s2] =	stream.linear.scatter [tilespmem:s11], [sflag:$0xF], $0x2000, $0x38;
	[tilespmem:$0x11900] =	vst v63  }
0x322: {  	_ =	swait.ge [sflag:s21], $0x2000  }
0x323: {  	s30 =	sld [smem:$0x7E9]  }
0x324: {  	[sflag:s21] =	ssyncset.done $0x0  }
0x325: {  	[sflag:s21] =	ssyncadd.s32 $0xFFFFE000  }
0x326: {  	[tilespmem:s13], [sflag:$0x6] =	stream.indirect.gather [hbm4b:s7+s10], $0x40, s30, s10, $0xb8;
	[tilespmem:$0x11900] =	vst v63  }
0x327: {  	_ =	swait.ge [sflag:s24], $0x2000  }
0x328: {  	[sflag:s24] =	ssyncset.done $0x0  }
0x329: {  	s30 =	rddreg [dreg:$0x1a];
	[sflag:s24] =	ssyncadd.s32 $0xFFFFE000  }
0x32a: {  	[hbm4b:s30+s2] =	stream.linear.scatter [tilespmem:s12], [sflag:$0x10], $0x2000, $0x38;
	[tilespmem:$0x11900] =	vst v63  }
0x32b: {  	_ =	swait.ge [sflag:s19], $0x2000  }
0x32c: {  	s30 =	sld [smem:$0x7EA]  }
0x32d: {  	[sflag:s19] =	ssyncset.done $0x0  }
0x32e: {  	[sflag:s19] =	ssyncadd.s32 $0xFFFFE000  }
0x32f: {  	[tilespmem:s11], [sflag:$0x7] =	stream.indirect.gather [hbm4b:s7+s10], $0x40, s30, s10, $0xb8;
	[tilespmem:$0x11900] =	vst v63  }
0x330: {  	_ =	swait.ge [sflag:s8], $0x2000  }
0x331: {  	[sflag:s8] =	ssyncset.done $0x0  }
0x332: {  	s30 =	rddreg [dreg:$0x1b];
	[sflag:s8] =	ssyncadd.s32 $0xFFFFE000  }
0x333: {  	[hbm4b:s30+s2] =	stream.linear.scatter [tilespmem:s4], [sflag:$0x9], $0x2000, $0x38;
	[tilespmem:$0x11900] =	vst v63  }
0x334: {  	_ =	swait.ge [sflag:s18], $0x2000  }
0x335: {  	s30 =	sld [smem:$0x7EB]  }
0x336: {  	[sflag:s18] =	ssyncset.done $0x0  }
0x337: {  	[sflag:s18] =	ssyncadd.s32 $0xFFFFE000  }
0x338: {  	[tilespmem:s12], [sflag:$0x8] =	stream.indirect.gather [hbm4b:s7+s10], $0x40, s30, s10, $0xb8;
	[tilespmem:$0x11900] =	vst v63  }
0x339: {  	_ =	swait.ge [sflag:s9], $0x2000  }
0x33a: {  	[sflag:s9] =	ssyncset.done $0x0  }
0x33b: {  	s30 =	rddreg [dreg:$0x1c];
	[sflag:s9] =	ssyncadd.s32 $0xFFFFE000  }
0x33c: {  	[hbm4b:s30+s2] =	stream.linear.scatter [tilespmem:s3], [sflag:$0xA], $0x2000, $0x38;
	[tilespmem:$0x11900] =	vst v63  }
0x33d: {  	_ =	swait.ge [sflag:s5], $0x2000  }
0x33e: {  	s30 =	sld [smem:$0x7EC]  }
0x33f: {  	[sflag:s5] =	ssyncset.done $0x0  }
0x340: {  	[sflag:s5] =	ssyncadd.s32 $0xFFFFE000  }
0x341: {  	[tilespmem:s4], [sflag:$0x1] =	stream.indirect.gather [hbm4b:s7+s10], $0x40, s30, s10, $0xb8;
	[tilespmem:$0x11900] =	vst v63  }
0x342: {  	_ =	swait.ge [sflag:s29], $0x2000  }
0x343: {  	[sflag:s29] =	ssyncset.done $0x0  }
0x344: {  	s30 =	rddreg [dreg:$0x1d];
	[sflag:s29] =	ssyncadd.s32 $0xFFFFE000  }
0x345: {  	[hbm4b:s30+s2] =	stream.linear.scatter [tilespmem:s20], [sflag:$0xB], $0x2000, $0x38;
	[tilespmem:$0x11900] =	vst v63  }
0x346: {  	_ =	swait.ge [sflag:s6], $0x2000  }
0x347: {  	s30 =	sld [smem:$0x7ED]  }
0x348: {  	[sflag:s6] =	ssyncset.done $0x0  }
0x349: {  	[sflag:s6] =	ssyncadd.s32 $0xFFFFE000  }
0x34a: {  	[tilespmem:s3], [sflag:$0x2] =	stream.indirect.gather [hbm4b:s7+s10], $0x40, s30, s10, $0xb8;
	[tilespmem:$0x11900] =	vst v63  }
0x34b: {  	_ =	swait.ge [sflag:s23], $0x2000  }
0x34c: {  	[sflag:s23] =	ssyncset.done $0x0  }
0x34d: {  	s30 =	rddreg [dreg:$0x1e];
	[sflag:s23] =	ssyncadd.s32 $0xFFFFE000  }
0x34e: {  	[hbm4b:s30+s2] =	stream.linear.scatter [tilespmem:s15], [sflag:$0xC], $0x2000, $0x38;
	[tilespmem:$0x11900] =	vst v63  }
0x34f: {  	_ =	swait.ge [sflag:s16], $0x2000  }
0x350: {  	s30 =	sld [smem:$0x7EE]  }
0x351: {  	[sflag:s16] =	ssyncset.done $0x0  }
0x352: {  	[sflag:s16] =	ssyncadd.s32 $0xFFFFE000  }
0x353: {  	[tilespmem:s20], [sflag:$0x3] =	stream.indirect.gather [hbm4b:s7+s10], $0x40, s30, s10, $0xb8;
	[tilespmem:$0x11900] =	vst v63  }
0x354: {  	_ =	swait.ge [sflag:s25], $0x2000  }
0x355: {  	[sflag:s25] =	ssyncset.done $0x0  }
0x356: {  	s30 =	rddreg [dreg:$0x1f];
	[sflag:s25] =	ssyncadd.s32 $0xFFFFE000  }
0x357: {  	[hbm4b:s30+s2] =	stream.linear.scatter [tilespmem:s14], [sflag:$0xD], $0x2000, $0x38;
	[tilespmem:$0x11900] =	vst v63  }
0x358: {  	_ =	swait.ge [sflag:s17], $0x2000  }
0x359: {  	s30 =	sld [smem:$0x7EF]  }
0x35a: {  	[sflag:s17] =	ssyncset.done $0x0  }
0x35b: {  	[sflag:s17] =	ssyncadd.s32 $0xFFFFE000  }
0x35c: {  	[tilespmem:s15], [sflag:$0x4] =	stream.indirect.gather [hbm4b:s7+s10], $0x40, s30, s10, $0xb8;
	[tilespmem:$0x11900] =	vst v63  }
0x35d: {  	_ =	swait.ge [sflag:s26], $0x2000  }
0x35e: {  	s30 =	sld [smem:$0x7B9]  }
0x35f: {  	[sflag:s26] =	ssyncset.done $0x0  }
0x360: {  	[sflag:s26] =	ssyncadd.s32 $0xFFFFE000  }
0x361: {  	[hbm4b:s30+s2] =	stream.linear.scatter [tilespmem:s13], [sflag:$0xE], $0x2000, $0x38;
	[tilespmem:$0x11900] =	vst v63  }
0x362: {  	_ =	swait.ge [sflag:s22], $0x2000  }
0x363: {  	s30 =	sld [smem:$0x7F0]  }
0x364: {  	[sflag:s22] =	ssyncset.done $0x0  }
0x365: {  	[sflag:s22] =	ssyncadd.s32 $0xFFFFE000  }
0x366: {  	[tilespmem:s14], [sflag:$0x5] =	stream.indirect.gather [hbm4b:s7+s10], $0x40, s30, s10, $0xb8;
	[tilespmem:$0x11900] =	vst v63  }
0x367: {  	_ =	swait.ge [sflag:s28], $0x2000  }
0x368: {  	s30 =	sld [smem:$0x7BA]  }
0x369: {  	[sflag:s28] =	ssyncset.done $0x0  }
0x36a: {  	[sflag:s28] =	ssyncadd.s32 $0xFFFFE000  }
0x36b: {  	[hbm4b:s30+s2] =	stream.linear.scatter [tilespmem:s11], [sflag:$0xF], $0x2000, $0x38;
	[tilespmem:$0x11900] =	vst v63  }
0x36c: {  	_ =	swait.ge [sflag:s21], $0x2000  }
0x36d: {  	s30 =	sld [smem:$0x7F1]  }
0x36e: {  	[sflag:s21] =	ssyncset.done $0x0  }
0x36f: {  	[sflag:s21] =	ssyncadd.s32 $0xFFFFE000  }
0x370: {  	[tilespmem:s13], [sflag:$0x6] =	stream.indirect.gather [hbm4b:s7+s10], $0x40, s30, s10, $0xb8;
	[tilespmem:$0x11900] =	vst v63  }
0x371: {  	_ =	swait.ge [sflag:s24], $0x2000  }
0x372: {  	s30 =	sld [smem:$0x7BB]  }
0x373: {  	[sflag:s24] =	ssyncset.done $0x0  }
0x374: {  	[sflag:s24] =	ssyncadd.s32 $0xFFFFE000  }
0x375: {  	[hbm4b:s30+s2] =	stream.linear.scatter [tilespmem:s12], [sflag:$0x10], $0x2000, $0x38;
	[tilespmem:$0x11900] =	vst v63  }
0x376: {  	_ =	swait.ge [sflag:s19], $0x2000  }
0x377: {  	s30 =	sld [smem:$0x7F2]  }
0x378: {  	[sflag:s19] =	ssyncset.done $0x0  }
0x379: {  	[sflag:s19] =	ssyncadd.s32 $0xFFFFE000  }
0x37a: {  	[tilespmem:s11], [sflag:$0x7] =	stream.indirect.gather [hbm4b:s7+s10], $0x40, s30, s10, $0xb8;
	[tilespmem:$0x11900] =	vst v63  }
0x37b: {  	_ =	swait.ge [sflag:s8], $0x2000  }
0x37c: {  	s30 =	sld [smem:$0x7BC]  }
0x37d: {  	[sflag:s8] =	ssyncset.done $0x0  }
0x37e: {  	[sflag:s8] =	ssyncadd.s32 $0xFFFFE000  }
0x37f: {  	[hbm4b:s30+s2] =	stream.linear.scatter [tilespmem:s4], [sflag:$0x9], $0x2000, $0x38;
	[tilespmem:$0x11900] =	vst v63  }
0x380: {  	_ =	swait.ge [sflag:s18], $0x2000  }
0x381: {  	s30 =	sld [smem:$0x7F3]  }
0x382: {  	[sflag:s18] =	ssyncset.done $0x0  }
0x383: {  	[sflag:s18] =	ssyncadd.s32 $0xFFFFE000  }
0x384: {  	[tilespmem:s12], [sflag:$0x8] =	stream.indirect.gather [hbm4b:s7+s10], $0x40, s30, s10, $0xb8;
	[tilespmem:$0x11900] =	vst v63  }
0x385: {  	_ =	swait.ge [sflag:s9], $0x2000  }
0x386: {  	s30 =	sld [smem:$0x7BD]  }
0x387: {  	[sflag:s9] =	ssyncset.done $0x0  }
0x388: {  	[sflag:s9] =	ssyncadd.s32 $0xFFFFE000  }
0x389: {  	[hbm4b:s30+s2] =	stream.linear.scatter [tilespmem:s3], [sflag:$0xA], $0x2000, $0x38;
	[tilespmem:$0x11900] =	vst v63  }
0x38a: {  	_ =	swait.ge [sflag:s5], $0x2000  }
0x38b: {  	s30 =	sld [smem:$0x7F4]  }
0x38c: {  	[sflag:s5] =	ssyncset.done $0x0  }
0x38d: {  	[sflag:s5] =	ssyncadd.s32 $0xFFFFE000  }
0x38e: {  	[tilespmem:s4], [sflag:$0x1] =	stream.indirect.gather [hbm4b:s7+s10], $0x40, s30, s10, $0xb8;
	[tilespmem:$0x11900] =	vst v63  }
0x38f: {  	_ =	swait.ge [sflag:s29], $0x2000  }
0x390: {  	s30 =	sld [smem:$0x7BE]  }
0x391: {  	[sflag:s29] =	ssyncset.done $0x0  }
0x392: {  	[sflag:s29] =	ssyncadd.s32 $0xFFFFE000  }
0x393: {  	[hbm4b:s30+s2] =	stream.linear.scatter [tilespmem:s20], [sflag:$0xB], $0x2000, $0x38;
	[tilespmem:$0x11900] =	vst v63  }
0x394: {  	_ =	swait.ge [sflag:s6], $0x2000  }
0x395: {  	s30 =	sld [smem:$0x7F5]  }
0x396: {  	[sflag:s6] =	ssyncset.done $0x0  }
0x397: {  	[sflag:s6] =	ssyncadd.s32 $0xFFFFE000  }
0x398: {  	[tilespmem:s3], [sflag:$0x2] =	stream.indirect.gather [hbm4b:s7+s10], $0x40, s30, s10, $0xb8;
	[tilespmem:$0x11900] =	vst v63  }
0x399: {  	_ =	swait.ge [sflag:s23], $0x2000  }
0x39a: {  	s30 =	sld [smem:$0x7BF]  }
0x39b: {  	[sflag:s23] =	ssyncset.done $0x0  }
0x39c: {  	[sflag:s23] =	ssyncadd.s32 $0xFFFFE000  }
0x39d: {  	[hbm4b:s30+s2] =	stream.linear.scatter [tilespmem:s15], [sflag:$0xC], $0x2000, $0x38;
	[tilespmem:$0x11900] =	vst v63  }
0x39e: {  	_ =	swait.ge [sflag:s16], $0x2000  }
0x39f: {  	s30 =	sld [smem:$0x7F6]  }
0x3a0: {  	[sflag:s16] =	ssyncset.done $0x0  }
0x3a1: {  	[sflag:s16] =	ssyncadd.s32 $0xFFFFE000  }
0x3a2: {  	[tilespmem:s20], [sflag:$0x3] =	stream.indirect.gather [hbm4b:s7+s10], $0x40, s30, s10, $0xb8;
	[tilespmem:$0x11900] =	vst v63  }
0x3a3: {  	_ =	swait.ge [sflag:s25], $0x2000  }
0x3a4: {  	s30 =	sld [smem:$0x7C0]  }
0x3a5: {  	[sflag:s25] =	ssyncset.done $0x0  }
0x3a6: {  	[sflag:s25] =	ssyncadd.s32 $0xFFFFE000  }
0x3a7: {  	[hbm4b:s30+s2] =	stream.linear.scatter [tilespmem:s14], [sflag:$0xD], $0x2000, $0x38;
	[tilespmem:$0x11900] =	vst v63  }
0x3a8: {  	_ =	swait.ge [sflag:s17], $0x2000  }
0x3a9: {  	s30 =	sld [smem:$0x7F7]  }
0x3aa: {  	[sflag:s17] =	ssyncset.done $0x0  }
0x3ab: {  	[sflag:s17] =	ssyncadd.s32 $0xFFFFE000  }
0x3ac: {  	[tilespmem:s15], [sflag:$0x4] =	stream.indirect.gather [hbm4b:s7+s10], $0x40, s30, s10, $0xb8;
	[tilespmem:$0x11900] =	vst v63  }
0x3ad: {  	_ =	swait.ge [sflag:s26], $0x2000  }
0x3ae: {  	s30 =	sld [smem:$0x7C1]  }
0x3af: {  	[sflag:s26] =	ssyncset.done $0x0  }
0x3b0: {  	[sflag:s26] =	ssyncadd.s32 $0xFFFFE000  }
0x3b1: {  	[hbm4b:s30+s2] =	stream.linear.scatter [tilespmem:s13], [sflag:$0xE], $0x2000, $0x38;
	[tilespmem:$0x11900] =	vst v63  }
0x3b2: {  	_ =	swait.ge [sflag:s22], $0x2000  }
0x3b3: {  	s30 =	sld [smem:$0x7F8]  }
0x3b4: {  	[sflag:s22] =	ssyncset.done $0x0  }
0x3b5: {  	[sflag:s22] =	ssyncadd.s32 $0xFFFFE000  }
0x3b6: {  	[tilespmem:s14], [sflag:$0x5] =	stream.indirect.gather [hbm4b:s7+s10], $0x40, s30, s10, $0xb8;
	[tilespmem:$0x11900] =	vst v63  }
0x3b7: {  	_ =	swait.ge [sflag:s28], $0x2000  }
0x3b8: {  	s30 =	sld [smem:$0x7C2]  }
0x3b9: {  	[sflag:s28] =	ssyncset.done $0x0  }
0x3ba: {  	[sflag:s28] =	ssyncadd.s32 $0xFFFFE000  }
0x3bb: {  	[hbm4b:s30+s2] =	stream.linear.scatter [tilespmem:s11], [sflag:$0xF], $0x2000, $0x38;
	[tilespmem:$0x11900] =	vst v63  }
0x3bc: {  	_ =	swait.ge [sflag:s21], $0x2000  }
0x3bd: {  	s30 =	sld [smem:$0x7F9]  }
0x3be: {  	[sflag:s21] =	ssyncset.done $0x0  }
0x3bf: {  	[sflag:s21] =	ssyncadd.s32 $0xFFFFE000  }
0x3c0: {  	[tilespmem:s13], [sflag:$0x6] =	stream.indirect.gather [hbm4b:s7+s10], $0x40, s30, s10, $0xb8;
	[tilespmem:$0x11900] =	vst v63  }
0x3c1: {  	_ =	swait.ge [sflag:s24], $0x2000  }
0x3c2: {  	s30 =	sld [smem:$0x7C3]  }
0x3c3: {  	[sflag:s24] =	ssyncset.done $0x0  }
0x3c4: {  	[sflag:s24] =	ssyncadd.s32 $0xFFFFE000  }
0x3c5: {  	[hbm4b:s30+s2] =	stream.linear.scatter [tilespmem:s12], [sflag:$0x10], $0x2000, $0x38;
	[tilespmem:$0x11900] =	vst v63  }
0x3c6: {  	_ =	swait.ge [sflag:s19], $0x2000  }
0x3c7: {  	s30 =	sld [smem:$0x7FA]  }
0x3c8: {  	[sflag:s19] =	ssyncset.done $0x0  }
0x3c9: {  	[sflag:s19] =	ssyncadd.s32 $0xFFFFE000  }
0x3ca: {  	[tilespmem:s11], [sflag:$0x7] =	stream.indirect.gather [hbm4b:s7+s10], $0x40, s30, s10, $0xb8;
	[tilespmem:$0x11900] =	vst v63  }
0x3cb: {  	_ =	swait.ge [sflag:s8], $0x2000  }
0x3cc: {  	s30 =	sld [smem:$0x7C4]  }
0x3cd: {  	[sflag:s8] =	ssyncset.done $0x0  }
0x3ce: {  	[sflag:s8] =	ssyncadd.s32 $0xFFFFE000  }
0x3cf: {  	[hbm4b:s30+s2] =	stream.linear.scatter [tilespmem:s4], [sflag:$0x9], $0x2000, $0x38;
	[tilespmem:$0x11900] =	vst v63  }
0x3d0: {  	_ =	swait.ge [sflag:s18], $0x2000  }
0x3d1: {  	s30 =	sld [smem:$0x7FB]  }
0x3d2: {  	[sflag:s18] =	ssyncset.done $0x0  }
0x3d3: {  	[sflag:s18] =	ssyncadd.s32 $0xFFFFE000  }
0x3d4: {  	[tilespmem:s12], [sflag:$0x8] =	stream.indirect.gather [hbm4b:s7+s10], $0x40, s30, s10, $0xb8;
	[tilespmem:$0x11900] =	vst v63  }
0x3d5: {  	_ =	swait.ge [sflag:s9], $0x2000  }
0x3d6: {  	s30 =	sld [smem:$0x7C5]  }
0x3d7: {  	[sflag:s9] =	ssyncset.done $0x0  }
0x3d8: {  	[sflag:s9] =	ssyncadd.s32 $0xFFFFE000  }
0x3d9: {  	[hbm4b:s30+s2] =	stream.linear.scatter [tilespmem:s3], [sflag:$0xA], $0x2000, $0x38;
	[tilespmem:$0x11900] =	vst v63  }
0x3da: {  	_ =	swait.ge [sflag:s5], $0x2000  }
0x3db: {  	s30 =	sld [smem:$0x7FC]  }
0x3dc: {  	[sflag:s5] =	ssyncset.done $0x0  }
0x3dd: {  	[sflag:s5] =	ssyncadd.s32 $0xFFFFE000  }
0x3de: {  	[tilespmem:s4], [sflag:$0x1] =	stream.indirect.gather [hbm4b:s7+s10], $0x40, s30, s10, $0xb8;
	[tilespmem:$0x11900] =	vst v63  }
0x3df: {  	_ =	swait.ge [sflag:s29], $0x2000  }
0x3e0: {  	s30 =	sld [smem:$0x7C6]  }
0x3e1: {  	[sflag:s29] =	ssyncset.done $0x0  }
0x3e2: {  	[sflag:s29] =	ssyncadd.s32 $0xFFFFE000  }
0x3e3: {  	[hbm4b:s30+s2] =	stream.linear.scatter [tilespmem:s20], [sflag:$0xB], $0x2000, $0x38;
	[tilespmem:$0x11900] =	vst v63  }
0x3e4: {  	_ =	swait.ge [sflag:s6], $0x2000  }
0x3e5: {  	s30 =	sld [smem:$0x7FD]  }
0x3e6: {  	[sflag:s6] =	ssyncset.done $0x0  }
0x3e7: {  	[sflag:s6] =	ssyncadd.s32 $0xFFFFE000  }
0x3e8: {  	[tilespmem:s3], [sflag:$0x2] =	stream.indirect.gather [hbm4b:s7+s10], $0x40, s30, s10, $0xb8;
	[tilespmem:$0x11900] =	vst v63  }
0x3e9: {  	_ =	swait.ge [sflag:s23], $0x2000  }
0x3ea: {  	s30 =	sld [smem:$0x7C7]  }
0x3eb: {  	[sflag:s23] =	ssyncset.done $0x0  }
0x3ec: {  	[sflag:s23] =	ssyncadd.s32 $0xFFFFE000  }
0x3ed: {  	[hbm4b:s30+s2] =	stream.linear.scatter [tilespmem:s15], [sflag:$0xC], $0x2000, $0x38;
	[tilespmem:$0x11900] =	vst v63  }
0x3ee: {  	_ =	swait.ge [sflag:s25], $0x2000  }
0x3ef: {  	s30 =	sld [smem:$0x7C8]  }
0x3f0: {  	[sflag:s25] =	ssyncset.done $0x0  }
0x3f1: {  	[sflag:s25] =	ssyncadd.s32 $0xFFFFE000  }
0x3f2: {  	[hbm4b:s30+s2] =	stream.linear.scatter [tilespmem:s14], [sflag:$0xD], $0x2000, $0x38;
	[tilespmem:$0x11900] =	vst v63  }
0x3f3: {  	_ =	swait.ge [sflag:s26], $0x2000  }
0x3f4: {  	s30 =	sld [smem:$0x7C9]  }
0x3f5: {  	[sflag:s26] =	ssyncset.done $0x0  }
0x3f6: {  	[sflag:s26] =	ssyncadd.s32 $0xFFFFE000  }
0x3f7: {  	[hbm4b:s30+s2] =	stream.linear.scatter [tilespmem:s13], [sflag:$0xE], $0x2000, $0x38;
	[tilespmem:$0x11900] =	vst v63  }
0x3f8: {  	_ =	swait.ge [sflag:s28], $0x2000  }
0x3f9: {  	s30 =	sld [smem:$0x7CA]  }
0x3fa: {  	[sflag:s28] =	ssyncset.done $0x0  }
0x3fb: {  	[sflag:s28] =	ssyncadd.s32 $0xFFFFE000  }
0x3fc: {  	[hbm4b:s30+s2] =	stream.linear.scatter [tilespmem:s11], [sflag:$0xF], $0x2000, $0x38;
	[tilespmem:$0x11900] =	vst v63  }
0x3fd: {  	_ =	swait.ge [sflag:s24], $0x2000  }
0x3fe: {  	s30 =	sld [smem:$0x7CB]  }
0x3ff: {  	[sflag:s24] =	ssyncset.done $0x0  }
0x400: {  	[sflag:s24] =	ssyncadd.s32 $0xFFFFE000  }
0x401: {  	[hbm4b:s30+s2] =	stream.linear.scatter [tilespmem:s12], [sflag:$0x10], $0x2000, $0x38;
	[tilespmem:$0x11900] =	vst v63  }
0x402: {  	_ =	swait.ge [sflag:s8], $0x2000  }
0x403: {  	s30 =	sld [smem:$0x7CC]  }
0x404: {  	[sflag:s8] =	ssyncset.done $0x0  }
0x405: {  	[sflag:s8] =	ssyncadd.s32 $0xFFFFE000  }
0x406: {  	[hbm4b:s30+s2] =	stream.linear.scatter [tilespmem:s4], [sflag:$0x9], $0x2000, $0x38;
	[tilespmem:$0x11900] =	vst v63  }
0x407: {  	_ =	swait.ge [sflag:s9], $0x2000  }
0x408: {  	s30 =	sld [smem:$0x7CD]  }
0x409: {  	[sflag:s9] =	ssyncset.done $0x0  }
0x40a: {  	[sflag:s9] =	ssyncadd.s32 $0xFFFFE000  }
0x40b: {  	[hbm4b:s30+s2] =	stream.linear.scatter [tilespmem:s3], [sflag:$0xA], $0x2000, $0x38;
	[tilespmem:$0x11900] =	vst v63  }
0x40c: {  	_ =	swait.ge [sflag:s16], $0x2000  }
0x40d: {  	[sflag:s16] =	ssyncset.done $0x0  }
0x40e: {  	[sflag:s16] =	ssyncadd.s32 $0xFFFFE000  }
0x40f: {  	_ =	swait.ge [sflag:s17], $0x2000  }
0x410: {  	[sflag:s17] =	ssyncset.done $0x0  }
0x411: {  	[sflag:s17] =	ssyncadd.s32 $0xFFFFE000  }
0x412: {  	_ =	swait.ge [sflag:s22], $0x2000  }
0x413: {  	[sflag:s22] =	ssyncset.done $0x0  }
0x414: {  	[sflag:s22] =	ssyncadd.s32 $0xFFFFE000  }
0x415: {  	_ =	swait.ge [sflag:s21], $0x2000  }
0x416: {  	[sflag:s21] =	ssyncset.done $0x0  }
0x417: {  	[sflag:s21] =	ssyncadd.s32 $0xFFFFE000  }
0x418: {  	_ =	swait.ge [sflag:s19], $0x2000  }
0x419: {  	[sflag:s19] =	ssyncset.done $0x0  }
0x41a: {  	[sflag:s19] =	ssyncadd.s32 $0xFFFFE000  }
0x41b: {  	_ =	swait.ge [sflag:s18], $0x2000  }
0x41c: {  	[sflag:s18] =	ssyncset.done $0x0  }
0x41d: {  	p1 =	sne.s32 s1, $0x1;
	[sflag:s18] =	ssyncadd.s32 $0xFFFFE000  }
.Ltmp2:
0x41e: {  	_ =	swait.ge [sflag:s5], $0x2000;
	(pc) =	sbr.rel @p1 .LBB2_4-.Ltmp2, $4  }
0x41f: {  	[sflag:s5] =	ssyncset.done $0x0  }
0x420: {  	[sflag:s5] =	ssyncadd.s32 $0xFFFFE000  }
0x421: {  	_ =	swait.ge [sflag:s6], $0x2000  }
0x422: {  	s1 =	sadd.s32 $0xFFFFFFFF, s1;
	s0 =	rddreg [dreg:$0x3];
	[sflag:s6] =	ssyncset.done $0x0  }
0x423: {  	s30 =	sld [smem:$0x7B8]  }
.LBB2_6:
0x424: {  	[sflag:s6] =	ssyncadd.s32 @p0 $0xFFFFE000  }
0x425: {  	[tilespmem:s2], [sflag:$0x11] =	stream.linear.gather [hbm4b:s0+s2], $0x1900, $0x38;
	[tilespmem:$0x11900] =	vst v63  }
0x426: {  	_ =	swait.ge [sflag:s31], $0x1900  }
0x427: {  	[sflag:s31] =	ssyncset.done $0x0  }
0x428: {  	[sflag:s31] =	ssyncadd.s32 $0xFFFFE700  }
0x429: {  	[tilespmem:s4], [sflag:$0x1] =	stream.indirect.gather [hbm4b:s7+s10], $0x40, s2, s10, $0xb8;
	[tilespmem:$0x11900] =	vst v63  }
0x42a: {  	s31 =	sld [smem:$0x7CE]  }
0x42b: {  	[tilespmem:s3], [sflag:$0x2] =	stream.indirect.gather [hbm4b:s7+s10], $0x40, s10, s10, $0xb8;
	[tilespmem:$0x11900] =	vst v63  }
0x42c: {  	s1 =	sld [smem:$0x7CF]  }
0x42d: {  	[tilespmem:s20], [sflag:$0x3] =	stream.indirect.gather [hbm4b:s7+s10], $0x40, s31, s10, $0xb8;
	[tilespmem:$0x11900] =	vst v63  }
0x42e: {  	s31 =	sld [smem:$0x7D0]  }
0x42f: {  	[tilespmem:s15], [sflag:$0x4] =	stream.indirect.gather [hbm4b:s7+s10], $0x40, s1, s10, $0xb8;
	[tilespmem:$0x11900] =	vst v63  }
0x430: {  	s1 =	sld [smem:$0x7D1]  }
0x431: {  	[tilespmem:s14], [sflag:$0x5] =	stream.indirect.gather [hbm4b:s7+s10], $0x40, s31, s10, $0xb8;
	[tilespmem:$0x11900] =	vst v63  }
0x432: {  	s31 =	sld [smem:$0x7D2]  }
0x433: {  	[tilespmem:s13], [sflag:$0x6] =	stream.indirect.gather [hbm4b:s7+s10], $0x40, s1, s10, $0xb8;
	[tilespmem:$0x11900] =	vst v63  }
0x434: {  	_ = 	snop  }
0x435: {  	[tilespmem:s11], [sflag:$0x7] =	stream.indirect.gather [hbm4b:s7+s10], $0x40, s31, s10, $0xb8;
	[tilespmem:$0x11900] =	vst v63  }
0x436: {  	_ =	swait.ge [sflag:s8], $0x2000  }
0x437: {  	[sflag:s8] =	ssyncset.done $0x0  }
0x438: {  	s1 =	sld [smem:$0x7D3];
	[sflag:s8] =	ssyncadd.s32 $0xFFFFE000  }
0x439: {  	[hbm4b:s30+s2] =	stream.linear.scatter [tilespmem:s4], [sflag:$0x9], $0x2000, $0x38;
	[tilespmem:$0x11900] =	vst v63  }
0x43a: {  	_ = 	snop  }
0x43b: {  	[tilespmem:s12], [sflag:$0x8] =	stream.indirect.gather [hbm4b:s7+s10], $0x40, s1, s10, $0xb8;
	[tilespmem:$0x11900] =	vst v63  }
0x43c: {  	_ =	swait.ge [sflag:s9], $0x2000  }
0x43d: {  	[sflag:s9] =	ssyncset.done $0x0  }
0x43e: {  	s30 =	rddreg [dreg:$0x4];
	[sflag:s9] =	ssyncadd.s32 $0xFFFFE000  }
0x43f: {  	[hbm4b:s30+s2] =	stream.linear.scatter [tilespmem:s3], [sflag:$0xA], $0x2000, $0x38;
	[tilespmem:$0x11900] =	vst v63  }
0x440: {  	_ =	swait.ge [sflag:s5], $0x2000  }
0x441: {  	s31 =	sld [smem:$0x7D4]  }
0x442: {  	[sflag:s5] =	ssyncset.done $0x0  }
0x443: {  	[sflag:s5] =	ssyncadd.s32 $0xFFFFE000  }
0x444: {  	[tilespmem:s4], [sflag:$0x1] =	stream.indirect.gather [hbm4b:s7+s10], $0x40, s31, s10, $0xb8;
	[tilespmem:$0x11900] =	vst v63  }
0x445: {  	_ =	swait.ge [sflag:s29], $0x2000  }
0x446: {  	[sflag:s29] =	ssyncset.done $0x0  }
0x447: {  	s1 =	rddreg [dreg:$0x5];
	[sflag:s29] =	ssyncadd.s32 $0xFFFFE000  }
0x448: {  	[hbm4b:s1+s2] =	stream.linear.scatter [tilespmem:s20], [sflag:$0xB], $0x2000, $0x38;
	[tilespmem:$0x11900] =	vst v63  }
0x449: {  	_ =	swait.ge [sflag:s6], $0x2000  }
0x44a: {  	s30 =	sld [smem:$0x7D5]  }
0x44b: {  	[sflag:s6] =	ssyncset.done $0x0  }
0x44c: {  	[sflag:s6] =	ssyncadd.s32 $0xFFFFE000  }
0x44d: {  	[tilespmem:s3], [sflag:$0x2] =	stream.indirect.gather [hbm4b:s7+s10], $0x40, s30, s10, $0xb8;
	[tilespmem:$0x11900] =	vst v63  }
0x44e: {  	_ =	swait.ge [sflag:s23], $0x2000  }
0x44f: {  	[sflag:s23] =	ssyncset.done $0x0  }
0x450: {  	s31 =	rddreg [dreg:$0x6];
	[sflag:s23] =	ssyncadd.s32 $0xFFFFE000  }
0x451: {  	[hbm4b:s31+s2] =	stream.linear.scatter [tilespmem:s15], [sflag:$0xC], $0x2000, $0x38;
	[tilespmem:$0x11900] =	vst v63  }
0x452: {  	_ =	swait.ge [sflag:s16], $0x2000  }
0x453: {  	s1 =	sld [smem:$0x7D6]  }
0x454: {  	[sflag:s16] =	ssyncset.done $0x0  }
0x455: {  	[sflag:s16] =	ssyncadd.s32 $0xFFFFE000  }
0x456: {  	[tilespmem:s20], [sflag:$0x3] =	stream.indirect.gather [hbm4b:s7+s10], $0x40, s1, s10, $0xb8;
	[tilespmem:$0x11900] =	vst v63  }
0x457: {  	_ =	swait.ge [sflag:s25], $0x2000  }
0x458: {  	[sflag:s25] =	ssyncset.done $0x0  }
0x459: {  	s30 =	rddreg [dreg:$0x7];
	[sflag:s25] =	ssyncadd.s32 $0xFFFFE000  }
0x45a: {  	[hbm4b:s30+s2] =	stream.linear.scatter [tilespmem:s14], [sflag:$0xD], $0x2000, $0x38;
	[tilespmem:$0x11900] =	vst v63  }
0x45b: {  	_ =	swait.ge [sflag:s17], $0x2000  }
0x45c: {  	s31 =	sld [smem:$0x7D7]  }
0x45d: {  	[sflag:s17] =	ssyncset.done $0x0  }
0x45e: {  	[sflag:s17] =	ssyncadd.s32 $0xFFFFE000  }
0x45f: {  	[tilespmem:s15], [sflag:$0x4] =	stream.indirect.gather [hbm4b:s7+s10], $0x40, s31, s10, $0xb8;
	[tilespmem:$0x11900] =	vst v63  }
0x460: {  	_ =	swait.ge [sflag:s26], $0x2000  }
0x461: {  	[sflag:s26] =	ssyncset.done $0x0  }
0x462: {  	s1 =	rddreg [dreg:$0x8];
	[sflag:s26] =	ssyncadd.s32 $0xFFFFE000  }
0x463: {  	[hbm4b:s1+s2] =	stream.linear.scatter [tilespmem:s13], [sflag:$0xE], $0x2000, $0x38;
	[tilespmem:$0x11900] =	vst v63  }
0x464: {  	_ =	swait.ge [sflag:s22], $0x2000  }
0x465: {  	s30 =	sld [smem:$0x7D8]  }
0x466: {  	[sflag:s22] =	ssyncset.done $0x0  }
0x467: {  	[sflag:s22] =	ssyncadd.s32 $0xFFFFE000  }
0x468: {  	[tilespmem:s14], [sflag:$0x5] =	stream.indirect.gather [hbm4b:s7+s10], $0x40, s30, s10, $0xb8;
	[tilespmem:$0x11900] =	vst v63  }
0x469: {  	_ =	swait.ge [sflag:s28], $0x2000  }
0x46a: {  	[sflag:s28] =	ssyncset.done $0x0  }
0x46b: {  	s31 =	rddreg [dreg:$0x9];
	[sflag:s28] =	ssyncadd.s32 $0xFFFFE000  }
0x46c: {  	[hbm4b:s31+s2] =	stream.linear.scatter [tilespmem:s11], [sflag:$0xF], $0x2000, $0x38;
	[tilespmem:$0x11900] =	vst v63  }
0x46d: {  	_ =	swait.ge [sflag:s21], $0x2000  }
0x46e: {  	s1 =	sld [smem:$0x7D9]  }
0x46f: {  	[sflag:s21] =	ssyncset.done $0x0  }
0x470: {  	[sflag:s21] =	ssyncadd.s32 $0xFFFFE000  }
0x471: {  	[tilespmem:s13], [sflag:$0x6] =	stream.indirect.gather [hbm4b:s7+s10], $0x40, s1, s10, $0xb8;
	[tilespmem:$0x11900] =	vst v63  }
0x472: {  	_ =	swait.ge [sflag:s24], $0x2000  }
0x473: {  	[sflag:s24] =	ssyncset.done $0x0  }
0x474: {  	s30 =	rddreg [dreg:$0xa];
	[sflag:s24] =	ssyncadd.s32 $0xFFFFE000  }
0x475: {  	[hbm4b:s30+s2] =	stream.linear.scatter [tilespmem:s12], [sflag:$0x10], $0x2000, $0x38;
	[tilespmem:$0x11900] =	vst v63  }
0x476: {  	_ =	swait.ge [sflag:s19], $0x2000  }
0x477: {  	s31 =	sld [smem:$0x7DA]  }
0x478: {  	[sflag:s19] =	ssyncset.done $0x0  }
0x479: {  	[sflag:s19] =	ssyncadd.s32 $0xFFFFE000  }
0x47a: {  	[tilespmem:s11], [sflag:$0x7] =	stream.indirect.gather [hbm4b:s7+s10], $0x40, s31, s10, $0xb8;
	[tilespmem:$0x11900] =	vst v63  }
0x47b: {  	_ =	swait.ge [sflag:s8], $0x2000  }
0x47c: {  	[sflag:s8] =	ssyncset.done $0x0  }
0x47d: {  	s1 =	rddreg [dreg:$0xb];
	[sflag:s8] =	ssyncadd.s32 $0xFFFFE000  }
0x47e: {  	[hbm4b:s1+s2] =	stream.linear.scatter [tilespmem:s4], [sflag:$0x9], $0x2000, $0x38;
	[tilespmem:$0x11900] =	vst v63  }
0x47f: {  	_ =	swait.ge [sflag:s18], $0x2000  }
0x480: {  	s30 =	sld [smem:$0x7DB]  }
0x481: {  	[sflag:s18] =	ssyncset.done $0x0  }
0x482: {  	[sflag:s18] =	ssyncadd.s32 $0xFFFFE000  }
0x483: {  	[tilespmem:s12], [sflag:$0x8] =	stream.indirect.gather [hbm4b:s7+s10], $0x40, s30, s10, $0xb8;
	[tilespmem:$0x11900] =	vst v63  }
0x484: {  	_ =	swait.ge [sflag:s9], $0x2000  }
0x485: {  	[sflag:s9] =	ssyncset.done $0x0  }
0x486: {  	s31 =	rddreg [dreg:$0xc];
	[sflag:s9] =	ssyncadd.s32 $0xFFFFE000  }
0x487: {  	[hbm4b:s31+s2] =	stream.linear.scatter [tilespmem:s3], [sflag:$0xA], $0x2000, $0x38;
	[tilespmem:$0x11900] =	vst v63  }
0x488: {  	_ =	swait.ge [sflag:s5], $0x2000  }
0x489: {  	s1 =	sld [smem:$0x7DC]  }
0x48a: {  	[sflag:s5] =	ssyncset.done $0x0  }
0x48b: {  	[sflag:s5] =	ssyncadd.s32 $0xFFFFE000  }
0x48c: {  	[tilespmem:s4], [sflag:$0x1] =	stream.indirect.gather [hbm4b:s7+s10], $0x40, s1, s10, $0xb8;
	[tilespmem:$0x11900] =	vst v63  }
0x48d: {  	_ =	swait.ge [sflag:s29], $0x2000  }
0x48e: {  	[sflag:s29] =	ssyncset.done $0x0  }
0x48f: {  	s30 =	rddreg [dreg:$0xd];
	[sflag:s29] =	ssyncadd.s32 $0xFFFFE000  }
0x490: {  	[hbm4b:s30+s2] =	stream.linear.scatter [tilespmem:s20], [sflag:$0xB], $0x2000, $0x38;
	[tilespmem:$0x11900] =	vst v63  }
0x491: {  	_ =	swait.ge [sflag:s6], $0x2000  }
0x492: {  	s31 =	sld [smem:$0x7DD]  }
0x493: {  	[sflag:s6] =	ssyncset.done $0x0  }
0x494: {  	[sflag:s6] =	ssyncadd.s32 $0xFFFFE000  }
0x495: {  	[tilespmem:s3], [sflag:$0x2] =	stream.indirect.gather [hbm4b:s7+s10], $0x40, s31, s10, $0xb8;
	[tilespmem:$0x11900] =	vst v63  }
0x496: {  	_ =	swait.ge [sflag:s23], $0x2000  }
0x497: {  	[sflag:s23] =	ssyncset.done $0x0  }
0x498: {  	s1 =	rddreg [dreg:$0xe];
	[sflag:s23] =	ssyncadd.s32 $0xFFFFE000  }
0x499: {  	[hbm4b:s1+s2] =	stream.linear.scatter [tilespmem:s15], [sflag:$0xC], $0x2000, $0x38;
	[tilespmem:$0x11900] =	vst v63  }
0x49a: {  	_ =	swait.ge [sflag:s16], $0x2000  }
0x49b: {  	s30 =	sld [smem:$0x7DE]  }
0x49c: {  	[sflag:s16] =	ssyncset.done $0x0  }
0x49d: {  	[sflag:s16] =	ssyncadd.s32 $0xFFFFE000  }
0x49e: {  	[tilespmem:s20], [sflag:$0x3] =	stream.indirect.gather [hbm4b:s7+s10], $0x40, s30, s10, $0xb8;
	[tilespmem:$0x11900] =	vst v63  }
0x49f: {  	_ =	swait.ge [sflag:s25], $0x2000  }
0x4a0: {  	[sflag:s25] =	ssyncset.done $0x0  }
0x4a1: {  	s31 =	rddreg [dreg:$0xf];
	[sflag:s25] =	ssyncadd.s32 $0xFFFFE000  }
0x4a2: {  	[hbm4b:s31+s2] =	stream.linear.scatter [tilespmem:s14], [sflag:$0xD], $0x2000, $0x38;
	[tilespmem:$0x11900] =	vst v63  }
0x4a3: {  	_ =	swait.ge [sflag:s17], $0x2000  }
0x4a4: {  	s1 =	sld [smem:$0x7DF]  }
0x4a5: {  	[sflag:s17] =	ssyncset.done $0x0  }
0x4a6: {  	[sflag:s17] =	ssyncadd.s32 $0xFFFFE000  }
0x4a7: {  	[tilespmem:s15], [sflag:$0x4] =	stream.indirect.gather [hbm4b:s7+s10], $0x40, s1, s10, $0xb8;
	[tilespmem:$0x11900] =	vst v63  }
0x4a8: {  	_ =	swait.ge [sflag:s26], $0x2000  }
0x4a9: {  	[sflag:s26] =	ssyncset.done $0x0  }
0x4aa: {  	s30 =	rddreg [dreg:$0x10];
	[sflag:s26] =	ssyncadd.s32 $0xFFFFE000  }
0x4ab: {  	[hbm4b:s30+s2] =	stream.linear.scatter [tilespmem:s13], [sflag:$0xE], $0x2000, $0x38;
	[tilespmem:$0x11900] =	vst v63  }
0x4ac: {  	_ =	swait.ge [sflag:s22], $0x2000  }
0x4ad: {  	s31 =	sld [smem:$0x7E0]  }
0x4ae: {  	[sflag:s22] =	ssyncset.done $0x0  }
0x4af: {  	[sflag:s22] =	ssyncadd.s32 $0xFFFFE000  }
0x4b0: {  	[tilespmem:s14], [sflag:$0x5] =	stream.indirect.gather [hbm4b:s7+s10], $0x40, s31, s10, $0xb8;
	[tilespmem:$0x11900] =	vst v63  }
0x4b1: {  	_ =	swait.ge [sflag:s28], $0x2000  }
0x4b2: {  	[sflag:s28] =	ssyncset.done $0x0  }
0x4b3: {  	s1 =	rddreg [dreg:$0x11];
	[sflag:s28] =	ssyncadd.s32 $0xFFFFE000  }
0x4b4: {  	[hbm4b:s1+s2] =	stream.linear.scatter [tilespmem:s11], [sflag:$0xF], $0x2000, $0x38;
	[tilespmem:$0x11900] =	vst v63  }
0x4b5: {  	_ =	swait.ge [sflag:s21], $0x2000  }
0x4b6: {  	s30 =	sld [smem:$0x7E1]  }
0x4b7: {  	[sflag:s21] =	ssyncset.done $0x0  }
0x4b8: {  	[sflag:s21] =	ssyncadd.s32 $0xFFFFE000  }
0x4b9: {  	[tilespmem:s13], [sflag:$0x6] =	stream.indirect.gather [hbm4b:s7+s10], $0x40, s30, s10, $0xb8;
	[tilespmem:$0x11900] =	vst v63  }
0x4ba: {  	_ =	swait.ge [sflag:s24], $0x2000  }
0x4bb: {  	[sflag:s24] =	ssyncset.done $0x0  }
0x4bc: {  	s31 =	rddreg [dreg:$0x12];
	[sflag:s24] =	ssyncadd.s32 $0xFFFFE000  }
0x4bd: {  	[hbm4b:s31+s2] =	stream.linear.scatter [tilespmem:s12], [sflag:$0x10], $0x2000, $0x38;
	[tilespmem:$0x11900] =	vst v63  }
0x4be: {  	_ =	swait.ge [sflag:s19], $0x2000  }
0x4bf: {  	s1 =	sld [smem:$0x7E2]  }
0x4c0: {  	[sflag:s19] =	ssyncset.done $0x0  }
0x4c1: {  	[sflag:s19] =	ssyncadd.s32 $0xFFFFE000  }
0x4c2: {  	[tilespmem:s11], [sflag:$0x7] =	stream.indirect.gather [hbm4b:s7+s10], $0x40, s1, s10, $0xb8;
	[tilespmem:$0x11900] =	vst v63  }
0x4c3: {  	_ =	swait.ge [sflag:s8], $0x2000  }
0x4c4: {  	[sflag:s8] =	ssyncset.done $0x0  }
0x4c5: {  	s30 =	rddreg [dreg:$0x13];
	[sflag:s8] =	ssyncadd.s32 $0xFFFFE000  }
0x4c6: {  	[hbm4b:s30+s2] =	stream.linear.scatter [tilespmem:s4], [sflag:$0x9], $0x2000, $0x38;
	[tilespmem:$0x11900] =	vst v63  }
0x4c7: {  	_ =	swait.ge [sflag:s18], $0x2000  }
0x4c8: {  	s31 =	sld [smem:$0x7E3]  }
0x4c9: {  	[sflag:s18] =	ssyncset.done $0x0  }
0x4ca: {  	[sflag:s18] =	ssyncadd.s32 $0xFFFFE000  }
0x4cb: {  	[tilespmem:s12], [sflag:$0x8] =	stream.indirect.gather [hbm4b:s7+s10], $0x40, s31, s10, $0xb8;
	[tilespmem:$0x11900] =	vst v63  }
0x4cc: {  	_ =	swait.ge [sflag:s9], $0x2000  }
0x4cd: {  	[sflag:s9] =	ssyncset.done $0x0  }
0x4ce: {  	s1 =	rddreg [dreg:$0x14];
	[sflag:s9] =	ssyncadd.s32 $0xFFFFE000  }
0x4cf: {  	[hbm4b:s1+s2] =	stream.linear.scatter [tilespmem:s3], [sflag:$0xA], $0x2000, $0x38;
	[tilespmem:$0x11900] =	vst v63  }
0x4d0: {  	_ =	swait.ge [sflag:s5], $0x2000  }
0x4d1: {  	s30 =	sld [smem:$0x7E4]  }
0x4d2: {  	[sflag:s5] =	ssyncset.done $0x0  }
0x4d3: {  	[sflag:s5] =	ssyncadd.s32 $0xFFFFE000  }
0x4d4: {  	[tilespmem:s4], [sflag:$0x1] =	stream.indirect.gather [hbm4b:s7+s10], $0x40, s30, s10, $0xb8;
	[tilespmem:$0x11900] =	vst v63  }
0x4d5: {  	_ =	swait.ge [sflag:s29], $0x2000  }
0x4d6: {  	[sflag:s29] =	ssyncset.done $0x0  }
0x4d7: {  	s31 =	rddreg [dreg:$0x15];
	[sflag:s29] =	ssyncadd.s32 $0xFFFFE000  }
0x4d8: {  	[hbm4b:s31+s2] =	stream.linear.scatter [tilespmem:s20], [sflag:$0xB], $0x2000, $0x38;
	[tilespmem:$0x11900] =	vst v63  }
0x4d9: {  	_ =	swait.ge [sflag:s6], $0x2000  }
0x4da: {  	s1 =	sld [smem:$0x7E5]  }
0x4db: {  	[sflag:s6] =	ssyncset.done $0x0  }
0x4dc: {  	[sflag:s6] =	ssyncadd.s32 $0xFFFFE000  }
0x4dd: {  	[tilespmem:s3], [sflag:$0x2] =	stream.indirect.gather [hbm4b:s7+s10], $0x40, s1, s10, $0xb8;
	[tilespmem:$0x11900] =	vst v63  }
0x4de: {  	_ =	swait.ge [sflag:s23], $0x2000  }
0x4df: {  	[sflag:s23] =	ssyncset.done $0x0  }
0x4e0: {  	s30 =	rddreg [dreg:$0x16];
	[sflag:s23] =	ssyncadd.s32 $0xFFFFE000  }
0x4e1: {  	[hbm4b:s30+s2] =	stream.linear.scatter [tilespmem:s15], [sflag:$0xC], $0x2000, $0x38;
	[tilespmem:$0x11900] =	vst v63  }
0x4e2: {  	_ =	swait.ge [sflag:s16], $0x2000  }
0x4e3: {  	s31 =	sld [smem:$0x7E6]  }
0x4e4: {  	[sflag:s16] =	ssyncset.done $0x0  }
0x4e5: {  	[sflag:s16] =	ssyncadd.s32 $0xFFFFE000  }
0x4e6: {  	[tilespmem:s20], [sflag:$0x3] =	stream.indirect.gather [hbm4b:s7+s10], $0x40, s31, s10, $0xb8;
	[tilespmem:$0x11900] =	vst v63  }
0x4e7: {  	_ =	swait.ge [sflag:s25], $0x2000  }
0x4e8: {  	[sflag:s25] =	ssyncset.done $0x0  }
0x4e9: {  	s1 =	rddreg [dreg:$0x17];
	[sflag:s25] =	ssyncadd.s32 $0xFFFFE000  }
0x4ea: {  	[hbm4b:s1+s2] =	stream.linear.scatter [tilespmem:s14], [sflag:$0xD], $0x2000, $0x38;
	[tilespmem:$0x11900] =	vst v63  }
0x4eb: {  	_ =	swait.ge [sflag:s17], $0x2000  }
0x4ec: {  	s30 =	sld [smem:$0x7E7]  }
0x4ed: {  	[sflag:s17] =	ssyncset.done $0x0  }
0x4ee: {  	[sflag:s17] =	ssyncadd.s32 $0xFFFFE000  }
0x4ef: {  	[tilespmem:s15], [sflag:$0x4] =	stream.indirect.gather [hbm4b:s7+s10], $0x40, s30, s10, $0xb8;
	[tilespmem:$0x11900] =	vst v63  }
0x4f0: {  	_ =	swait.ge [sflag:s26], $0x2000  }
0x4f1: {  	[sflag:s26] =	ssyncset.done $0x0  }
0x4f2: {  	s31 =	rddreg [dreg:$0x18];
	[sflag:s26] =	ssyncadd.s32 $0xFFFFE000  }
0x4f3: {  	[hbm4b:s31+s2] =	stream.linear.scatter [tilespmem:s13], [sflag:$0xE], $0x2000, $0x38;
	[tilespmem:$0x11900] =	vst v63  }
0x4f4: {  	_ =	swait.ge [sflag:s22], $0x2000  }
0x4f5: {  	s1 =	sld [smem:$0x7E8]  }
0x4f6: {  	[sflag:s22] =	ssyncset.done $0x0  }
0x4f7: {  	[sflag:s22] =	ssyncadd.s32 $0xFFFFE000  }
0x4f8: {  	[tilespmem:s14], [sflag:$0x5] =	stream.indirect.gather [hbm4b:s7+s10], $0x40, s1, s10, $0xb8;
	[tilespmem:$0x11900] =	vst v63  }
0x4f9: {  	_ =	swait.ge [sflag:s28], $0x2000  }
0x4fa: {  	[sflag:s28] =	ssyncset.done $0x0  }
0x4fb: {  	s30 =	rddreg [dreg:$0x19];
	[sflag:s28] =	ssyncadd.s32 $0xFFFFE000  }
0x4fc: {  	[hbm4b:s30+s2] =	stream.linear.scatter [tilespmem:s11], [sflag:$0xF], $0x2000, $0x38;
	[tilespmem:$0x11900] =	vst v63  }
0x4fd: {  	_ =	swait.ge [sflag:s21], $0x2000  }
0x4fe: {  	s31 =	sld [smem:$0x7E9]  }
0x4ff: {  	[sflag:s21] =	ssyncset.done $0x0  }
0x500: {  	[sflag:s21] =	ssyncadd.s32 $0xFFFFE000  }
0x501: {  	[tilespmem:s13], [sflag:$0x6] =	stream.indirect.gather [hbm4b:s7+s10], $0x40, s31, s10, $0xb8;
	[tilespmem:$0x11900] =	vst v63  }
0x502: {  	_ =	swait.ge [sflag:s24], $0x2000  }
0x503: {  	[sflag:s24] =	ssyncset.done $0x0  }
0x504: {  	s1 =	rddreg [dreg:$0x1a];
	[sflag:s24] =	ssyncadd.s32 $0xFFFFE000  }
0x505: {  	[hbm4b:s1+s2] =	stream.linear.scatter [tilespmem:s12], [sflag:$0x10], $0x2000, $0x38;
	[tilespmem:$0x11900] =	vst v63  }
0x506: {  	_ =	swait.ge [sflag:s19], $0x2000  }
0x507: {  	s30 =	sld [smem:$0x7EA]  }
0x508: {  	[sflag:s19] =	ssyncset.done $0x0  }
0x509: {  	[sflag:s19] =	ssyncadd.s32 $0xFFFFE000  }
0x50a: {  	[tilespmem:s11], [sflag:$0x7] =	stream.indirect.gather [hbm4b:s7+s10], $0x40, s30, s10, $0xb8;
	[tilespmem:$0x11900] =	vst v63  }
0x50b: {  	_ =	swait.ge [sflag:s8], $0x2000  }
0x50c: {  	[sflag:s8] =	ssyncset.done $0x0  }
0x50d: {  	s31 =	rddreg [dreg:$0x1b];
	[sflag:s8] =	ssyncadd.s32 $0xFFFFE000  }
0x50e: {  	[hbm4b:s31+s2] =	stream.linear.scatter [tilespmem:s4], [sflag:$0x9], $0x2000, $0x38;
	[tilespmem:$0x11900] =	vst v63  }
0x50f: {  	_ =	swait.ge [sflag:s18], $0x2000  }
0x510: {  	s1 =	sld [smem:$0x7EB]  }
0x511: {  	[sflag:s18] =	ssyncset.done $0x0  }
0x512: {  	[sflag:s18] =	ssyncadd.s32 $0xFFFFE000  }
0x513: {  	[tilespmem:s12], [sflag:$0x8] =	stream.indirect.gather [hbm4b:s7+s10], $0x40, s1, s10, $0xb8;
	[tilespmem:$0x11900] =	vst v63  }
0x514: {  	_ =	swait.ge [sflag:s9], $0x2000  }
0x515: {  	[sflag:s9] =	ssyncset.done $0x0  }
0x516: {  	s30 =	rddreg [dreg:$0x1c];
	[sflag:s9] =	ssyncadd.s32 $0xFFFFE000  }
0x517: {  	[hbm4b:s30+s2] =	stream.linear.scatter [tilespmem:s3], [sflag:$0xA], $0x2000, $0x38;
	[tilespmem:$0x11900] =	vst v63  }
0x518: {  	_ =	swait.ge [sflag:s5], $0x2000  }
0x519: {  	s31 =	sld [smem:$0x7EC]  }
0x51a: {  	[sflag:s5] =	ssyncset.done $0x0  }
0x51b: {  	[sflag:s5] =	ssyncadd.s32 $0xFFFFE000  }
0x51c: {  	[tilespmem:s4], [sflag:$0x1] =	stream.indirect.gather [hbm4b:s7+s10], $0x40, s31, s10, $0xb8;
	[tilespmem:$0x11900] =	vst v63  }
0x51d: {  	_ =	swait.ge [sflag:s29], $0x2000  }
0x51e: {  	[sflag:s29] =	ssyncset.done $0x0  }
0x51f: {  	s1 =	rddreg [dreg:$0x1d];
	[sflag:s29] =	ssyncadd.s32 $0xFFFFE000  }
0x520: {  	[hbm4b:s1+s2] =	stream.linear.scatter [tilespmem:s20], [sflag:$0xB], $0x2000, $0x38;
	[tilespmem:$0x11900] =	vst v63  }
0x521: {  	_ =	swait.ge [sflag:s6], $0x2000  }
0x522: {  	s30 =	sld [smem:$0x7ED]  }
0x523: {  	[sflag:s6] =	ssyncset.done $0x0  }
0x524: {  	[sflag:s6] =	ssyncadd.s32 $0xFFFFE000  }
0x525: {  	[tilespmem:s3], [sflag:$0x2] =	stream.indirect.gather [hbm4b:s7+s10], $0x40, s30, s10, $0xb8;
	[tilespmem:$0x11900] =	vst v63  }
0x526: {  	_ =	swait.ge [sflag:s23], $0x2000  }
0x527: {  	[sflag:s23] =	ssyncset.done $0x0  }
0x528: {  	s31 =	rddreg [dreg:$0x1e];
	[sflag:s23] =	ssyncadd.s32 $0xFFFFE000  }
0x529: {  	[hbm4b:s31+s2] =	stream.linear.scatter [tilespmem:s15], [sflag:$0xC], $0x2000, $0x38;
	[tilespmem:$0x11900] =	vst v63  }
0x52a: {  	_ =	swait.ge [sflag:s16], $0x2000  }
0x52b: {  	s1 =	sld [smem:$0x7EE]  }
0x52c: {  	[sflag:s16] =	ssyncset.done $0x0  }
0x52d: {  	[sflag:s16] =	ssyncadd.s32 $0xFFFFE000  }
0x52e: {  	[tilespmem:s20], [sflag:$0x3] =	stream.indirect.gather [hbm4b:s7+s10], $0x40, s1, s10, $0xb8;
	[tilespmem:$0x11900] =	vst v63  }
0x52f: {  	_ =	swait.ge [sflag:s25], $0x2000  }
0x530: {  	[sflag:s25] =	ssyncset.done $0x0  }
0x531: {  	s30 =	rddreg [dreg:$0x1f];
	[sflag:s25] =	ssyncadd.s32 $0xFFFFE000  }
0x532: {  	[hbm4b:s30+s2] =	stream.linear.scatter [tilespmem:s14], [sflag:$0xD], $0x2000, $0x38;
	[tilespmem:$0x11900] =	vst v63  }
0x533: {  	_ =	swait.ge [sflag:s17], $0x2000  }
0x534: {  	s31 =	sld [smem:$0x7EF]  }
0x535: {  	[sflag:s17] =	ssyncset.done $0x0  }
0x536: {  	[sflag:s17] =	ssyncadd.s32 $0xFFFFE000  }
0x537: {  	[tilespmem:s15], [sflag:$0x4] =	stream.indirect.gather [hbm4b:s7+s10], $0x40, s31, s10, $0xb8;
	[tilespmem:$0x11900] =	vst v63  }
0x538: {  	_ =	swait.ge [sflag:s26], $0x2000  }
0x539: {  	s1 =	sld [smem:$0x7B9]  }
0x53a: {  	[sflag:s26] =	ssyncset.done $0x0  }
0x53b: {  	[sflag:s26] =	ssyncadd.s32 $0xFFFFE000  }
0x53c: {  	[hbm4b:s1+s2] =	stream.linear.scatter [tilespmem:s13], [sflag:$0xE], $0x2000, $0x38;
	[tilespmem:$0x11900] =	vst v63  }
0x53d: {  	_ =	swait.ge [sflag:s22], $0x2000  }
0x53e: {  	s30 =	sld [smem:$0x7F0]  }
0x53f: {  	[sflag:s22] =	ssyncset.done $0x0  }
0x540: {  	[sflag:s22] =	ssyncadd.s32 $0xFFFFE000  }
0x541: {  	[tilespmem:s14], [sflag:$0x5] =	stream.indirect.gather [hbm4b:s7+s10], $0x40, s30, s10, $0xb8;
	[tilespmem:$0x11900] =	vst v63  }
0x542: {  	_ =	swait.ge [sflag:s28], $0x2000  }
0x543: {  	s31 =	sld [smem:$0x7BA]  }
0x544: {  	[sflag:s28] =	ssyncset.done $0x0  }
0x545: {  	[sflag:s28] =	ssyncadd.s32 $0xFFFFE000  }
0x546: {  	[hbm4b:s31+s2] =	stream.linear.scatter [tilespmem:s11], [sflag:$0xF], $0x2000, $0x38;
	[tilespmem:$0x11900] =	vst v63  }
0x547: {  	_ =	swait.ge [sflag:s21], $0x2000  }
0x548: {  	s1 =	sld [smem:$0x7F1]  }
0x549: {  	[sflag:s21] =	ssyncset.done $0x0  }
0x54a: {  	[sflag:s21] =	ssyncadd.s32 $0xFFFFE000  }
0x54b: {  	[tilespmem:s13], [sflag:$0x6] =	stream.indirect.gather [hbm4b:s7+s10], $0x40, s1, s10, $0xb8;
	[tilespmem:$0x11900] =	vst v63  }
0x54c: {  	_ =	swait.ge [sflag:s24], $0x2000  }
0x54d: {  	s30 =	sld [smem:$0x7BB]  }
0x54e: {  	[sflag:s24] =	ssyncset.done $0x0  }
0x54f: {  	[sflag:s24] =	ssyncadd.s32 $0xFFFFE000  }
0x550: {  	[hbm4b:s30+s2] =	stream.linear.scatter [tilespmem:s12], [sflag:$0x10], $0x2000, $0x38;
	[tilespmem:$0x11900] =	vst v63  }
0x551: {  	_ =	swait.ge [sflag:s19], $0x2000  }
0x552: {  	s31 =	sld [smem:$0x7F2]  }
0x553: {  	[sflag:s19] =	ssyncset.done $0x0  }
0x554: {  	[sflag:s19] =	ssyncadd.s32 $0xFFFFE000  }
0x555: {  	[tilespmem:s11], [sflag:$0x7] =	stream.indirect.gather [hbm4b:s7+s10], $0x40, s31, s10, $0xb8;
	[tilespmem:$0x11900] =	vst v63  }
0x556: {  	_ =	swait.ge [sflag:s8], $0x2000  }
0x557: {  	s1 =	sld [smem:$0x7BC]  }
0x558: {  	[sflag:s8] =	ssyncset.done $0x0  }
0x559: {  	[sflag:s8] =	ssyncadd.s32 $0xFFFFE000  }
0x55a: {  	[hbm4b:s1+s2] =	stream.linear.scatter [tilespmem:s4], [sflag:$0x9], $0x2000, $0x38;
	[tilespmem:$0x11900] =	vst v63  }
0x55b: {  	_ =	swait.ge [sflag:s18], $0x2000  }
0x55c: {  	s30 =	sld [smem:$0x7F3]  }
0x55d: {  	[sflag:s18] =	ssyncset.done $0x0  }
0x55e: {  	[sflag:s18] =	ssyncadd.s32 $0xFFFFE000  }
0x55f: {  	[tilespmem:s12], [sflag:$0x8] =	stream.indirect.gather [hbm4b:s7+s10], $0x40, s30, s10, $0xb8;
	[tilespmem:$0x11900] =	vst v63  }
0x560: {  	_ =	swait.ge [sflag:s9], $0x2000  }
0x561: {  	s31 =	sld [smem:$0x7BD]  }
0x562: {  	[sflag:s9] =	ssyncset.done $0x0  }
0x563: {  	[sflag:s9] =	ssyncadd.s32 $0xFFFFE000  }
0x564: {  	[hbm4b:s31+s2] =	stream.linear.scatter [tilespmem:s3], [sflag:$0xA], $0x2000, $0x38;
	[tilespmem:$0x11900] =	vst v63  }
0x565: {  	_ =	swait.ge [sflag:s5], $0x2000  }
0x566: {  	s1 =	sld [smem:$0x7F4]  }
0x567: {  	[sflag:s5] =	ssyncset.done $0x0  }
0x568: {  	[sflag:s5] =	ssyncadd.s32 $0xFFFFE000  }
0x569: {  	[tilespmem:s4], [sflag:$0x1] =	stream.indirect.gather [hbm4b:s7+s10], $0x40, s1, s10, $0xb8;
	[tilespmem:$0x11900] =	vst v63  }
0x56a: {  	_ =	swait.ge [sflag:s29], $0x2000  }
0x56b: {  	s30 =	sld [smem:$0x7BE]  }
0x56c: {  	[sflag:s29] =	ssyncset.done $0x0  }
0x56d: {  	[sflag:s29] =	ssyncadd.s32 $0xFFFFE000  }
0x56e: {  	[hbm4b:s30+s2] =	stream.linear.scatter [tilespmem:s20], [sflag:$0xB], $0x2000, $0x38;
	[tilespmem:$0x11900] =	vst v63  }
0x56f: {  	_ =	swait.ge [sflag:s6], $0x2000  }
0x570: {  	s31 =	sld [smem:$0x7F5]  }
0x571: {  	[sflag:s6] =	ssyncset.done $0x0  }
0x572: {  	[sflag:s6] =	ssyncadd.s32 $0xFFFFE000  }
0x573: {  	[tilespmem:s3], [sflag:$0x2] =	stream.indirect.gather [hbm4b:s7+s10], $0x40, s31, s10, $0xb8;
	[tilespmem:$0x11900] =	vst v63  }
0x574: {  	_ =	swait.ge [sflag:s23], $0x2000  }
0x575: {  	s1 =	sld [smem:$0x7BF]  }
0x576: {  	[sflag:s23] =	ssyncset.done $0x0  }
0x577: {  	[sflag:s23] =	ssyncadd.s32 $0xFFFFE000  }
0x578: {  	[hbm4b:s1+s2] =	stream.linear.scatter [tilespmem:s15], [sflag:$0xC], $0x2000, $0x38;
	[tilespmem:$0x11900] =	vst v63  }
0x579: {  	_ =	swait.ge [sflag:s16], $0x2000  }
0x57a: {  	s30 =	sld [smem:$0x7F6]  }
0x57b: {  	[sflag:s16] =	ssyncset.done $0x0  }
0x57c: {  	[sflag:s16] =	ssyncadd.s32 $0xFFFFE000  }
0x57d: {  	[tilespmem:s20], [sflag:$0x3] =	stream.indirect.gather [hbm4b:s7+s10], $0x40, s30, s10, $0xb8;
	[tilespmem:$0x11900] =	vst v63  }
0x57e: {  	_ =	swait.ge [sflag:s25], $0x2000  }
0x57f: {  	s31 =	sld [smem:$0x7C0]  }
0x580: {  	[sflag:s25] =	ssyncset.done $0x0  }
0x581: {  	[sflag:s25] =	ssyncadd.s32 $0xFFFFE000  }
0x582: {  	[hbm4b:s31+s2] =	stream.linear.scatter [tilespmem:s14], [sflag:$0xD], $0x2000, $0x38;
	[tilespmem:$0x11900] =	vst v63  }
0x583: {  	_ =	swait.ge [sflag:s17], $0x2000  }
0x584: {  	s1 =	sld [smem:$0x7F7]  }
0x585: {  	[sflag:s17] =	ssyncset.done $0x0  }
0x586: {  	[sflag:s17] =	ssyncadd.s32 $0xFFFFE000  }
0x587: {  	[tilespmem:s15], [sflag:$0x4] =	stream.indirect.gather [hbm4b:s7+s10], $0x40, s1, s10, $0xb8;
	[tilespmem:$0x11900] =	vst v63  }
0x588: {  	_ =	swait.ge [sflag:s26], $0x2000  }
0x589: {  	s30 =	sld [smem:$0x7C1]  }
0x58a: {  	[sflag:s26] =	ssyncset.done $0x0  }
0x58b: {  	[sflag:s26] =	ssyncadd.s32 $0xFFFFE000  }
0x58c: {  	[hbm4b:s30+s2] =	stream.linear.scatter [tilespmem:s13], [sflag:$0xE], $0x2000, $0x38;
	[tilespmem:$0x11900] =	vst v63  }
0x58d: {  	_ =	swait.ge [sflag:s22], $0x2000  }
0x58e: {  	s31 =	sld [smem:$0x7F8]  }
0x58f: {  	[sflag:s22] =	ssyncset.done $0x0  }
0x590: {  	[sflag:s22] =	ssyncadd.s32 $0xFFFFE000  }
0x591: {  	[tilespmem:s14], [sflag:$0x5] =	stream.indirect.gather [hbm4b:s7+s10], $0x40, s31, s10, $0xb8;
	[tilespmem:$0x11900] =	vst v63  }
0x592: {  	_ =	swait.ge [sflag:s28], $0x2000  }
0x593: {  	s1 =	sld [smem:$0x7C2]  }
0x594: {  	[sflag:s28] =	ssyncset.done $0x0  }
0x595: {  	[sflag:s28] =	ssyncadd.s32 $0xFFFFE000  }
0x596: {  	[hbm4b:s1+s2] =	stream.linear.scatter [tilespmem:s11], [sflag:$0xF], $0x2000, $0x38;
	[tilespmem:$0x11900] =	vst v63  }
0x597: {  	_ =	swait.ge [sflag:s21], $0x2000  }
0x598: {  	s30 =	sld [smem:$0x7F9]  }
0x599: {  	[sflag:s21] =	ssyncset.done $0x0  }
0x59a: {  	[sflag:s21] =	ssyncadd.s32 $0xFFFFE000  }
0x59b: {  	[tilespmem:s13], [sflag:$0x6] =	stream.indirect.gather [hbm4b:s7+s10], $0x40, s30, s10, $0xb8;
	[tilespmem:$0x11900] =	vst v63  }
0x59c: {  	_ =	swait.ge [sflag:s24], $0x2000  }
0x59d: {  	s31 =	sld [smem:$0x7C3]  }
0x59e: {  	[sflag:s24] =	ssyncset.done $0x0  }
0x59f: {  	[sflag:s24] =	ssyncadd.s32 $0xFFFFE000  }
0x5a0: {  	[hbm4b:s31+s2] =	stream.linear.scatter [tilespmem:s12], [sflag:$0x10], $0x2000, $0x38;
	[tilespmem:$0x11900] =	vst v63  }
0x5a1: {  	_ =	swait.ge [sflag:s19], $0x2000  }
0x5a2: {  	s1 =	sld [smem:$0x7FA]  }
0x5a3: {  	[sflag:s19] =	ssyncset.done $0x0  }
0x5a4: {  	[sflag:s19] =	ssyncadd.s32 $0xFFFFE000  }
0x5a5: {  	[tilespmem:s11], [sflag:$0x7] =	stream.indirect.gather [hbm4b:s7+s10], $0x40, s1, s10, $0xb8;
	[tilespmem:$0x11900] =	vst v63  }
0x5a6: {  	_ =	swait.ge [sflag:s8], $0x2000  }
0x5a7: {  	s30 =	sld [smem:$0x7C4]  }
0x5a8: {  	[sflag:s8] =	ssyncset.done $0x0  }
0x5a9: {  	[sflag:s8] =	ssyncadd.s32 $0xFFFFE000  }
0x5aa: {  	[hbm4b:s30+s2] =	stream.linear.scatter [tilespmem:s4], [sflag:$0x9], $0x2000, $0x38;
	[tilespmem:$0x11900] =	vst v63  }
0x5ab: {  	_ =	swait.ge [sflag:s18], $0x2000  }
0x5ac: {  	s31 =	sld [smem:$0x7FB]  }
0x5ad: {  	[sflag:s18] =	ssyncset.done $0x0  }
0x5ae: {  	[sflag:s18] =	ssyncadd.s32 $0xFFFFE000  }
0x5af: {  	[tilespmem:s12], [sflag:$0x8] =	stream.indirect.gather [hbm4b:s7+s10], $0x40, s31, s10, $0xb8;
	[tilespmem:$0x11900] =	vst v63  }
0x5b0: {  	_ =	swait.ge [sflag:s9], $0x2000  }
0x5b1: {  	s1 =	sld [smem:$0x7C5]  }
0x5b2: {  	[sflag:s9] =	ssyncset.done $0x0  }
0x5b3: {  	[sflag:s9] =	ssyncadd.s32 $0xFFFFE000  }
0x5b4: {  	[hbm4b:s1+s2] =	stream.linear.scatter [tilespmem:s3], [sflag:$0xA], $0x2000, $0x38;
	[tilespmem:$0x11900] =	vst v63  }
0x5b5: {  	_ =	swait.ge [sflag:s5], $0x2000  }
0x5b6: {  	s30 =	sld [smem:$0x7FC]  }
0x5b7: {  	[sflag:s5] =	ssyncset.done $0x0  }
0x5b8: {  	[sflag:s5] =	ssyncadd.s32 $0xFFFFE000  }
0x5b9: {  	[tilespmem:s4], [sflag:$0x1] =	stream.indirect.gather [hbm4b:s7+s10], $0x40, s30, s10, $0xb8;
	[tilespmem:$0x11900] =	vst v63  }
0x5ba: {  	_ =	swait.ge [sflag:s29], $0x2000  }
0x5bb: {  	s31 =	sld [smem:$0x7C6]  }
0x5bc: {  	[sflag:s29] =	ssyncset.done $0x0  }
0x5bd: {  	[sflag:s29] =	ssyncadd.s32 $0xFFFFE000  }
0x5be: {  	[hbm4b:s31+s2] =	stream.linear.scatter [tilespmem:s20], [sflag:$0xB], $0x2000, $0x38;
	[tilespmem:$0x11900] =	vst v63  }
0x5bf: {  	_ =	swait.ge [sflag:s6], $0x2000  }
0x5c0: {  	s1 =	sld [smem:$0x7FD]  }
0x5c1: {  	[sflag:s6] =	ssyncset.done $0x0  }
0x5c2: {  	[sflag:s6] =	ssyncadd.s32 $0xFFFFE000  }
0x5c3: {  	[tilespmem:s3], [sflag:$0x2] =	stream.indirect.gather [hbm4b:s7+s10], $0x40, s1, s10, $0xb8;
	[tilespmem:$0x11900] =	vst v63  }
0x5c4: {  	_ =	swait.ge [sflag:s23], $0x2000  }
0x5c5: {  	s20 =	sld [smem:$0x7C7]  }
0x5c6: {  	[sflag:s23] =	ssyncset.done $0x0  }
0x5c7: {  	[sflag:s23] =	ssyncadd.s32 $0xFFFFE000  }
0x5c8: {  	[hbm4b:s20+s2] =	stream.linear.scatter [tilespmem:s15], [sflag:$0xC], $0x2000, $0x38;
	[tilespmem:$0x11900] =	vst v63  }
0x5c9: {  	_ =	swait.ge [sflag:s25], $0x2000  }
0x5ca: {  	s23 =	sld [smem:$0x7C8]  }
0x5cb: {  	[sflag:s25] =	ssyncset.done $0x0  }
0x5cc: {  	[sflag:s25] =	ssyncadd.s32 $0xFFFFE000  }
0x5cd: {  	[hbm4b:s23+s2] =	stream.linear.scatter [tilespmem:s14], [sflag:$0xD], $0x2000, $0x38;
	[tilespmem:$0x11900] =	vst v63  }
0x5ce: {  	_ =	swait.ge [sflag:s26], $0x2000  }
0x5cf: {  	s25 =	sld [smem:$0x7C9]  }
0x5d0: {  	[sflag:s26] =	ssyncset.done $0x0  }
0x5d1: {  	[sflag:s26] =	ssyncadd.s32 $0xFFFFE000  }
0x5d2: {  	[hbm4b:s25+s2] =	stream.linear.scatter [tilespmem:s13], [sflag:$0xE], $0x2000, $0x38;
	[tilespmem:$0x11900] =	vst v63  }
0x5d3: {  	_ =	swait.ge [sflag:s28], $0x2000  }
0x5d4: {  	s26 =	sld [smem:$0x7CA]  }
0x5d5: {  	[sflag:s28] =	ssyncset.done $0x0  }
0x5d6: {  	[sflag:s28] =	ssyncadd.s32 $0xFFFFE000  }
0x5d7: {  	[hbm4b:s26+s2] =	stream.linear.scatter [tilespmem:s11], [sflag:$0xF], $0x2000, $0x38;
	[tilespmem:$0x11900] =	vst v63  }
0x5d8: {  	_ =	swait.ge [sflag:s24], $0x2000  }
0x5d9: {  	s28 =	sld [smem:$0x7CB]  }
0x5da: {  	[sflag:s24] =	ssyncset.done $0x0  }
0x5db: {  	[sflag:s24] =	ssyncadd.s32 $0xFFFFE000  }
0x5dc: {  	[hbm4b:s28+s2] =	stream.linear.scatter [tilespmem:s12], [sflag:$0x10], $0x2000, $0x38;
	[tilespmem:$0x11900] =	vst v63  }
0x5dd: {  	_ =	swait.ge [sflag:s8], $0x2000  }
0x5de: {  	s29 =	sld [smem:$0x7CC]  }
0x5df: {  	[sflag:s8] =	ssyncset.done $0x0  }
0x5e0: {  	[sflag:s8] =	ssyncadd.s32 $0xFFFFE000  }
0x5e1: {  	[hbm4b:s29+s2] =	stream.linear.scatter [tilespmem:s4], [sflag:$0x9], $0x2000, $0x38;
	[tilespmem:$0x11900] =	vst v63  }
0x5e2: {  	_ =	swait.ge [sflag:s9], $0x2000  }
0x5e3: {  	s30 =	sld [smem:$0x7CD]  }
0x5e4: {  	[sflag:s9] =	ssyncset.done $0x0  }
0x5e5: {  	[sflag:s9] =	ssyncadd.s32 $0xFFFFE000  }
0x5e6: {  	[hbm4b:s30+s2] =	stream.linear.scatter [tilespmem:s3], [sflag:$0xA], $0x2000, $0x38;
	[tilespmem:$0x11900] =	vst v63  }
0x5e7: {  	_ =	swait.ge [sflag:s16], $0x2000  }
0x5e8: {  	[sflag:s16] =	ssyncset.done $0x0  }
0x5e9: {  	[sflag:s16] =	ssyncadd.s32 $0xFFFFE000  }
0x5ea: {  	_ =	swait.ge [sflag:s17], $0x2000  }
0x5eb: {  	[sflag:s17] =	ssyncset.done $0x0  }
0x5ec: {  	[sflag:s17] =	ssyncadd.s32 $0xFFFFE000  }
0x5ed: {  	_ =	swait.ge [sflag:s22], $0x2000  }
0x5ee: {  	[sflag:s22] =	ssyncset.done $0x0  }
0x5ef: {  	[sflag:s22] =	ssyncadd.s32 $0xFFFFE000  }
0x5f0: {  	_ =	swait.ge [sflag:s21], $0x2000  }
0x5f1: {  	[sflag:s21] =	ssyncset.done $0x0  }
0x5f2: {  	[sflag:s21] =	ssyncadd.s32 $0xFFFFE000  }
0x5f3: {  	_ =	swait.ge [sflag:s19], $0x2000  }
0x5f4: {  	[sflag:s19] =	ssyncset.done $0x0  }
0x5f5: {  	[sflag:s19] =	ssyncadd.s32 $0xFFFFE000  }
0x5f6: {  	_ =	swait.ge [sflag:s18], $0x2000  }
0x5f7: {  	[sflag:s18] =	ssyncset.done $0x0  }
0x5f8: {  	[sflag:s18] =	ssyncadd.s32 $0xFFFFE000  }
0x5f9: {  	_ =	swait.ge [sflag:s5], $0x2000  }
0x5fa: {  	[sflag:s5] =	ssyncset.done $0x0  }
0x5fb: {  	[sflag:s5] =	ssyncadd.s32 $0xFFFFE000  }
0x5fc: {  	_ =	swait.ge [sflag:s6], $0x2000  }
0x5fd: {  	[sflag:s6] =	ssyncset.done $0x0  }
0x5fe: {  	[sflag:s6] =	ssyncadd.s32 $0xFFFFE000  }
0x5ff: {  	_ =	sfence.sel $0x180000  }
0x600: {  	[bflag:$0x0] =	sbarrier.arrive $0xFFFF  }
0x601: {  	_ =	strace $0x90000047  }
0x602: {  	s31 =	stileid.u32;
	[bflag:$0x2] =	sbarrier.arrive $0xFFFF  }
0x603: {  	p0 =	sne.s32 s31, $0x0;
	s0 =	rddreg [dreg:$0x2]  }
0x604: {  	s0 =	sadd.s32 @!p0 $0x100000, s0  }
0x605: {  	[sflag:s0] =	ssyncadd.tile.s32 @!p0 $0x1;
	_ =	shalt  }
.LBB2_1:
.Ltmp3:
0x606: {  	(pc) =	sbr.rel .LBB2_6-.Ltmp3, $2  }
0x607: {  	_ =	sdelay $0x2  }
0x608: {  	s30 =	sld [smem:$0x7B8]  }
.LBB2_3:
.Ltmp4:
0x609: {  	(pc) =	sbr.rel .LBB2_6-.Ltmp4, $2  }
0x60a: {  	_ =	sdelay $0x2  }
0x60b: {  	s30 =	sld [smem:$0x7B8]  }
.Lfunc_end2:
_tile_overlayer_lowered:
.L_overlay_start_2:
0x60c: {  	(tag) =	ssettag $0x2  }
0x60d: {  	s0 =	rddreg [dreg:$0x0];
	s2 =	stileid.u32  }
0x60e: {  	s1 =	rddreg [dreg:$0x1];
	p0 =	sne.s32 s2, $0x0  }
0x60f: {  	s3 =	rddreg [dreg:$0x2];
	[bflag:$0x3] =	sbarrier.arrive $0xFFFF;
	s2 =	simm.s32 @!p0 $0x1C11  }
0x610: {  	[timem:s3], [sflag:s2] =	dma.local @!p0 [hbm:s0], s1  }
0x611: {  	s0 =	simm.s32 @!p0 $0x11  }
0x612: {  	_ =	swait.ge @!p0 [sflag:s0], s1  }
0x613: {  	s1 =	ssub.s32 @!p0 $0x0, s1;
	[sflag:s0] =	ssyncset.done @!p0 $0x0  }
0x614: {  	[sflag:s0] =	ssyncadd.s32 @!p0 s1  }
0x615: {  	[bflag:$0x3] =	sbarrier.arrive $0xFFFF  }
0x616: {  	_ =	shalt  }

// kernel: sparse-core-data-format-call.cloned.1.call-start
scs
called_computation_lowered:
.L_overlay_start_0:
0x0: {  	s2 =	sld [smem:$0x3FD9]  }
0x1: {  	s3 =	sld [smem:$0x3FFE];
	_ =	sdelay $0x1  }
0x2: {  	s1 =	srdreg.scid  }
0x3: {  	s0 =	sand.u32 $0x1, s1  }
0x4: {  	s18 =	sshll.u32 s0, $0xA;
	s2 =	sadd.s32 s3, s2  }
0x5: {  	s2 =	sadd.s32 s2, s18  }
0x6: {  	[smem:$0x3FC6] =	sst s2  }
0x7: {  	_ = 	snop  }
0x8: {  	s2 =	sld [smem:$0x3FD0];
	(tm) =	ssettm $0x1  }
0x9: {  	s19 =	sld [smem:$0x3FFB];
	_ =	sdelay $0x3  }
0xa: {  	_ =	strace s19  }
0xb: {  	s3 =	sld [smem:$0x3FFC];
	_ =	sdelay $0x3  }
0xc: {  	_ =	strace s3  }
0xd: {  	s3 =	sld [smem:$0x3FFD];
	_ =	sdelay $0x3  }
0xe: {  	_ =	strace s3  }
0xf: {  	_ =	strace $0x8FFFFFFF  }
0x10: {  	s20 =	sld [smem:$0x3FDB];
	_ =	sdelay $0x1  }
0x11: {  	s4 =	simm.s32 $_scs_section_size  }
0x12: {  	s5 =	simm.s32 $_size__tile_overlayer_lowered;
	s6 =	simm.s32 $_tile_overlayer_lowered  }
0x13: {  	s23 =	simm.s32 $0x1BFF;
	s22 =	sshll.u32 s6, $0x1;
	s3 =	sadd.s32 s4, s20  }
0x14: {  	s7 =	simm.s32 $0x0;
	s21 =	sshll.u32 s5, $0x1;
	s5 =	sadd.s32 s22, s3  }
0x15: {  	[timem:s7], [sflag:s23] =	dma.local [hbm:s5], s21  }
0x16: {  	_ =	swait.ge [sflag:s23], s21  }
0x17: {  	s4 =	ssub.s32 $0x0, s21;
	[sflag:s23] =	ssyncset.done $0x0  }
0x18: {  	[sflag:s23] =	ssyncadd.s32 s4;
	_ =	sdelay $0x1  }
0x19: {  	s24 =	simm.s32 $0x1B8B  }
0x1a: {  	_ =	swait.ge [sflag:s24], $0x1  }
0x1b: {  	[sflag:s24] =	ssyncset.done $0x0  }
0x1c: {  	s26 =	simm.s32 $0x1B8E;
	s25 =	sld [smem:$0x3FFE];
	[sflag:s24] =	ssyncadd.s32 $0xFFFFFFFF  }
0x1d: {  	s27 =	simm.s32 $execute0_lowered;
	[smem:$0x3FD2] =	sst s26  }
0x1e: {  	s5 =	sshll.u32 s27, $0x1;
	_ =	strace $0x80000049;
	[dreg:$0x1] =	wrdreg $0xFFFFFFFF  }
0x1f: {  	s28 =	simm.s32 $_size_execute0_lowered;
	s3 =	sadd.s32 s3, s5;
	[dreg:$0x0] =	wrdreg $0x0  }
0x20: {  	s5 =	sshll.u32 s28, $0x1;
	[dreg:$0x2] =	wrdreg s3  }
0x21: {  	[dreg:$0x3] =	wrdreg s5  }
0x22: {  	[dreg:$0x4] =	wrdreg $0xC0  }
0x23: {  	_ =	task [dreg:s7], $0x5FFFF  }
0x24: {  	[dreg:$0x1] =	wrdreg $0xFFFFFFFF  }
0x25: {  	[dreg:$0x0] =	wrdreg $0x60  }
0x26: {  	[dreg:$0x2] =	wrdreg s25  }
0x27: {  	[dreg:$0x3] =	wrdreg s2  }
0x28: {  	[dreg:$0x4] =	wrdreg $0x9  }
0x29: {  	_ =	task.clear_ibuf [dreg:s7], $0x5FFFF;
	_ =	strace $0x90000049  }
0x2a: {  	s29 =	simm.s32 $0x9;
	_ =	strace $0x8000004B  }
0x2b: {  	_ =	swait.ge [sflag:s29], $0x1  }
0x2c: {  	[sflag:s29] =	ssyncadd.s32 $0xFFFFFFFF  }
0x2d: {  	_ =	strace $0x9000004B  }
0x2e: {  	_ =	sfence  }
0x2f: {  	s30 =	sld [smem:$0x0];
	_ =	sdelay $0x2  }
0x30: {  	s31 =	sshll.u32 s1, $0xD;
	s1 =	sshrl.u32 s1, $0x2  }
0x31: {  	s3 =	sand.u32 $0x4000, s31;
	s1 =	sadd.s32 s1, s30  }
0x32: {  	s0 =	sor.u32 s3, s0;
	s1 =	sshll.u32 s1, $0x11  }
0x33: {  	s0 =	sor.u32 s1, s0  }
0x34: {  	s0 =	sadd.s32 $0x8F2B, s0  }
0x35: {  	[sflag:s0] =	ssyncadd.remote.s32 $0x1  }
0x36: {  	_ =	sfence.sel $0xFFFF  }
0x37: {  	[dreg:$0x0] =	wrdreg $0xFFFFFFFF;
	(pc) =	sbr.abs _section_cstart, $3  }
0x38: {  	[dreg:$0x1] =	wrdreg $0xFFFFFFFF  }
0x39: {  	_ =	task.clear_ibuf [dreg:s7], $0x2FFFF;
	_ =	strace $0x9FFFFFFF  }
0x3a: {  	(tm) =	ssettm $0x7FFFFFFF  }
0x3b: {  	_ =	shalt  }
tec
execute0_lowered:
.L_overlay_start_1:
0x0: {  	(tag) =	ssettag $0x1  }
0x1: {  	s0 =	srdreg.scid  }
0x2: {  	s1 =	sshll.u32 s0, $0x4  }
0x3: {  	s0 =	stileid.u32;
	s1 =	sand.u32 $0x10, s1  }
0x4: {  	s1 =	sor.u32 s0, s1  }
0x5: {  	s6 =	rddreg [dreg:$0x0];
	s4 =	simm.s32 $0x1;
	s2 =	sshll.u32 s1, $0x7  }
0x6: {  	s7 =	simm.s32 $0x2;
	s12 =	simm.s32 $0x0;
	s1 =	ssub.s32 $0x1000, s2  }
0x7: {  	s8 =	simm.s32 $0x8000;
	s13 =	simm.s32 $0x0;
	s3 =	sand.u32 $0xF80, s1  }
0x8: {  	s9 =	simm.s32 $0x0;
	s5 =	sshrl.u32 s1, $0xC;
	p0 =	sne.s32 s3, $0x0  }
.Ltmp0:
0x9: {  	s1 =	rddreg [dreg:$0x2];
	s4 =	simm.s32 @!p0 $0x0;
	(pc) =	sbr.rel .LBB1_1-.Ltmp0, $4  }
0xa: {  	s11 =	simm.s32 $0x0;
	s3 =	rddreg [dreg:$0x1];
	s5 =	sadd.s32 s4, s5  }
0xb: {  	_ =	strace $0x8000004A;
	s4 =	simm.s32 $0x1;
	s5 =	smul.u32 $0x32, s5  }
0xc: {  	s6 =	sadd.s32 $0xA00, s6;
	s10 =	smov.u32 s2;
	[sflag:s4] =	ssyncpa.u1 $0x0  }
0xd: {  	p0 =	por $0x0, $0x0;
	[sflag:s7] =	ssyncpa.u1 $0x0;
	s7 =	sor.u32 $0x1, s5  }
.LBB1_4:
0xe: {  	s16 =	sshll.u32 s13, $0x3;
	s17 =	sand.u32 $0x78, s13  }
0xf: {  	s30 =	sand.u32 $0x7E00, s13;
	s12 =	sshll.u32 s12, $0xF;
	s16 =	sand.u32 $0xC00, s16  }
0x10: {  	[tilespmem:s15+$0x810 ss:$0x81] =	vst.msk $0xffff, v2;
	s31 =	sand.u32 $0x7, s13;
	s16 =	sor.u32 s17, s16;
	s17 =	sadd.s32 s3, s30  }
0x11: {  	[tilespmem:s15+$0x1020 ss:$0x81] =	vst.msk $0xffff, v0;
	s13 =	sshll.u32 s31, $0x12;
	s12 =	sadd.s32 s12, s17;
	s16 =	sshrl.u32 s16, $0x3  }
0x12: {  	[tilespmem:s15+$0x0 ss:$0x81] =	vst.msk $0xffff, v1;
	s13 =	sor.u32 $0x400, s13;
	s12 =	sadd.s32 s16, s12  }
0x13: {  	[hbm4b:s12+s13] =	stream.strided.scatter [tilespmem:s14], [sflag:$0x2], $0x2000, s8, s13, $0x20;
	[tilespmem:$0x8080] =	vst v63  }
.LBB1_5:
0x14: {  	s14 =	sadd.s32 $0x1, s9  }
0x15: {  	s12 =	sadd.s32 $0x1000, s10;
	s16 =	smov.u32 s10;
	p2 =	sgt.s32 s14, $0x31  }
0x16: {  	s16 =	smov.u32 @p2 s12  }
0x17: {  	s14 =	simm.s32 @p2 $0x0;
	p2 =	sgt.s32 s16, $0xFFF  }
0x18: {  	s16 =	smov.u32 @p2 s2;
	p2 =	sne.s32 s11, s7  }
.Ltmp1:
0x19: {  	p1 =	slt.u32 s11, $0x2;
	(pc) =	sbr.rel @!p2 .LBB1_6-.Ltmp1, $4  }
0x1a: {  	s15 =	simm.s32 @!p1 $0x2  }
0x1b: {  	s13 =	smov.u32 s10;
	p0 =	por !p0, !p0;
	_ =	swait.ge @!p1 [sflag:s15], $0x2000  }
0x1c: {  	s12 =	smov.u32 s9;
	[sflag:s15] =	ssyncset.done @!p1 $0x0;
	s9 =	smov.u32 s14  }
0x1d: {  	s11 =	sadd.s32 $0x1, s11;
	[sflag:s15] =	ssyncadd.s32 @!p1 $0xFFFFE000;
	s10 =	smov.u32 s16  }
.LBB1_1:
0x1e: {  	p1 =	sge.u32 s11, s5  }
0x1f: {  	s14 =	sand.u32 @!p1 $0x1FFFFFF, s9  }
0x20: {  	s15 =	smulhi.u32 @!p1 $0x4924925, s14;
	_ =	sdelay $0x1  }
0x21: {  	s15 =	smul.u32 @!p1 $0x38, s15  }
0x22: {  	s16 =	sxor.u32 @!p1 $0xFFFFFFFF, s11;
	s17 =	smul.u32 @!p1 $0x380, s10  }
0x23: {  	s31 =	sadd.s32 $0xFFFFFFFF, s11;
	s16 =	sshll.u32 @!p1 s16, $0xD;
	s14 =	ssub.s32 @!p1 s14, s15  }
0x24: {  	s15 =	sand.u32 @!p1 $0x2000, s16;
	s16 =	sadd.s32 @!p1 s6, s17;
	s14 =	sshll.u32 @!p1 s14, $0x4  }
0x25: {  	s17 =	simm.s32 @!p1 $0x1C00;
	s14 =	sadd.s32 @!p1 s14, s16;
	s16 =	simm.s32 @!p1 $0x40  }
0x26: {  	[tilespmem:s15], [sflag:$0x1] =	stream.strided.gather @!p1 [hbm4b:s14+s16], $0x2000, s17, s16, $0x38;
	[tilespmem:$0x8080] =	vst v63  }
0x27: {  	p1 =	sge.u32 s31, s5  }
.Ltmp2:
0x28: {  	_ = 	snop;
	(pc) =	sbr.rel @p1 .LBB1_5-.Ltmp2, $1  }
0x29: {  	_ =	sdelay $0x3  }
0x2a: {  	s14 =	simm.s32 $0x1  }
0x2b: {  	_ =	swait.ge [sflag:s4], $0x2000;
	s14 =	simm.s32 @!p0 $0x0  }
0x2c: {  	[sflag:s4] =	ssyncset.done $0x0;
	s15 =	sshll.u32 s14, $0xD  }
0x2d: {  	[sflag:s4] =	ssyncadd.s32 $0xFFFFE000;
	s18 =	sor.u32 $0x20, s15  }
0x2e: {  	s14 =	smul.u32 $0x8100, s14;
	v3 =	vld [tilespmem:s18+$0x10]  }
0x2f: {  	s30 =	sand.u32 $0x1, s11;
	v2 =	vld [tilespmem:s18+$0xFFFFFFF0]  }
0x30: {  	s15 =	smul.u32 $0x8100, s30;
	s14 =	sshrl.u32 s14, $0x2;
	v0 =	vld [tilespmem:s18+$0x0]  }
0x31: {  	v1 =	vld [tilespmem:s18+$0xFFFFFFE0];
	s16 =	sor.u32 $0x4000, s14  }
0x32: {  	s31 =	sshrl.u32 s15, $0x2;
	s15 =	sadd.s32 $0x0, s16  }
0x33: {  	s17 =	simm.s32 $0x4;
	s18 =	sadd.s32 $0x40, s18;
	s14 =	sor.u32 $0x4000, s31;
	[tilespmem:s15+$0x1830 ss:$0x81] =	vst.msk $0xffff, v3  }
.LBB1_3:
0x34: {  	v3 =	vld [tilespmem:s18+$0x10];
	p1 =	sne.s32 s17, $0x1FC;
	[tilespmem:s15+$0x810 ss:$0x81] =	vst.msk $0xffff, v2;
	s19 =	smov.u32 s17;
	s17 =	sadd.s32 $0x4, s17  }
.Ltmp3:
0x35: {  	v2 =	vld [tilespmem:s18+$0xFFFFFFF0];
	[tilespmem:s15+$0x1020 ss:$0x81] =	vst.msk $0xffff, v0;
	(pc) =	sbr.rel @p1 .LBB1_3-.Ltmp3, $4  }
0x36: {  	v0 =	vld [tilespmem:s18+$0x0];
	[tilespmem:s15+$0x0 ss:$0x81] =	vst.msk $0xffff, v1  }
0x37: {  	s15 =	sshra.s32 s19, $0x2;
	v1 =	vld [tilespmem:s18+$0xFFFFFFE0]  }
0x38: {  	s15 =	sadd.s32 s15, s16  }
0x39: {  	s18 =	sadd.s32 $0x40, s18;
	[tilespmem:s15+$0x1830 ss:$0x81] =	vst.msk $0xffff, v3  }
.Ltmp4:
0x3a: {  	_ = 	snop;
	(pc) =	sbr.rel .LBB1_4-.Ltmp4, $1  }
0x3b: {  	_ =	sdelay $0x3  }
.LBB1_6:
0x3c: {  	_ =	sfence.sel $0x180000  }
0x3d: {  	s2 =	simm.s32 $0x1;
	[bflag:$0x0] =	sbarrier.arrive $0xFFFF  }
0x3e: {  	s31 =	simm.s32 $0x2;
	[sflag:s2] =	ssyncpa.u1 $0x1  }
0x3f: {  	[sflag:s31] =	ssyncpa.u1 $0x1  }
0x40: {  	p0 =	sne.s32 s0, $0x0;
	_ =	strace $0x9000004A  }
0x41: {  	s0 =	sadd.s32 @!p0 $0x100000, s1;
	[bflag:$0x2] =	sbarrier.arrive $0xFFFF  }
0x42: {  	[sflag:s0] =	ssyncadd.tile.s32 @!p0 $0x1;
	_ =	shalt  }
.Lfunc_end1:
_tile_overlayer_lowered:
.L_overlay_start_2:
0x43: {  	(tag) =	ssettag $0x2  }
0x44: {  	s0 =	rddreg [dreg:$0x0];
	s2 =	stileid.u32  }
0x45: {  	s1 =	rddreg [dreg:$0x1];
	p0 =	sne.s32 s2, $0x0  }
0x46: {  	s3 =	rddreg [dreg:$0x2];
	[bflag:$0x3] =	sbarrier.arrive $0xFFFF;
	s2 =	simm.s32 @!p0 $0x1C01  }
0x47: {  	[timem:s3], [sflag:s2] =	dma.local @!p0 [hbm:s0], s1  }
0x48: {  	s0 =	simm.s32 @!p0 $0x1  }
0x49: {  	_ =	swait.ge @!p0 [sflag:s0], s1  }
0x4a: {  	s1 =	ssub.s32 @!p0 $0x0, s1;
	[sflag:s0] =	ssyncset.done @!p0 $0x0  }
0x4b: {  	[sflag:s0] =	ssyncadd.s32 @!p0 s1  }
0x4c: {  	[bflag:$0x3] =	sbarrier.arrive $0xFFFF  }
0x4d: {  	_ =	shalt  }

</sc_bundles>
